<compile_context>
chip_gen: v7x
topology: tpu7x:2x2x1
jax: 0.10.2.dev20260603
libtpu: 0.0.44.dev20260713+nightly
codegen_flags: <defaults>
</compile_context>

<pallas_src>
import functools

import jax
import jax.numpy as jnp
from jax import lax
from jax.experimental import pallas as pl
from jax.experimental.pallas import tpu as pltpu
from jax.experimental.pallas import tpu_sc as plsc

_INFO = plsc.get_sparse_core_info()
_NC, _NS = _INFO.num_cores, _INFO.num_subcores
_NW = _NC * _NS
_L = 16

_NBUF = 4
_P = 4


@functools.partial(jax.jit, static_argnames=("n", "d", "ofs", "chunk"))
def _emb_lookup(tp, idx1d, dummy, *, n, d, ofs, chunk):
    per_w = n // _NW
    n_chunks = per_w // chunk
    pairs = chunk // 2
    assert pairs % _L == 0 and pairs <= 128
    assert (n_chunks - 2 * _NBUF) % _NBUF == 0 and n_chunks > 3 * _NBUF
    mesh = plsc.VectorSubcoreMesh(core_axis_name="c", subcore_axis_name="s")

    @functools.partial(
        pl.kernel,
        mesh=mesh,
        out_type=jax.ShapeDtypeStruct((n // 2, 2 * d), jnp.float32),
        scratch_types=[
            pltpu.VMEM((per_w,), jnp.int32),
            pltpu.VMEM((_NBUF, pairs), jnp.int32),
            pltpu.VMEM((_NBUF, pairs, 2 * d), jnp.float32),
            pltpu.VMEM_SHARED((_NS, 64, 2 * d), jnp.float32),
            pltpu.SemaphoreType.DMA,
            pltpu.SemaphoreType.DMA,
            pltpu.SemaphoreType.DMA,
            pltpu.SemaphoreType.DMA,
            pltpu.SemaphoreType.DMA,
            pltpu.SemaphoreType.DMA,
            pltpu.SemaphoreType.DMA,
            pltpu.SemaphoreType.DMA,
        ],
    )
    def k(tp_hbm, idx_hbm, dummy_hbm, out_hbm, idx_all, pid_v, pairs_f,
          tab_sp, *sems):
        sem_g = sems[:_NBUF]
        sem_w = sems[_NBUF:]
        sid = lax.axis_index("s")
        wid = lax.axis_index("s") * _NC + lax.axis_index("c")
        idx0 = ofs + wid * per_w
        pair0 = wid * (per_w // 2)
        lane = lax.iota(jnp.int32, _L)
        low_half = lane < 8
        ev_sel = jnp.arange(0, 2 * _L, 2, dtype=jnp.int32) % _L
        od_sel = ev_sel + 1

        def deinterleave(vv, sel):
            return vv.at[sel].get(mode="promise_in_bounds")

        def fire_gather(j, b):
            base = j * chunk
            for g in range(pairs // _L):
                v0 = idx_all[pl.ds(base + 2 * _L * g, _L)]
                v1 = idx_all[pl.ds(base + 2 * _L * g + _L, _L)]
                ev = jnp.where(low_half, deinterleave(v0, ev_sel),
                               deinterleave(v1, ev_sel))
                od = jnp.where(low_half, deinterleave(v0, od_sel),
                               deinterleave(v1, od_sel))
                pid_v[b, pl.ds(g * _L, _L)] = ev * 8 + od
            pltpu.make_async_copy(
                tab_sp.at[sid].at[pid_v.at[b]], pairs_f.at[b],
                sem_g[b]).start()

        def wait_gather(b):
            pltpu.make_async_copy(dummy_hbm, pairs_f.at[b], sem_g[b]).wait()

        def fire_write(j, b):
            pb = pl.multiple_of(pair0 + j * pairs, pairs)
            pltpu.make_async_copy(
                pairs_f.at[b], out_hbm.at[pl.ds(pb, pairs)],
                sem_w[b]).start()

        def drain_write(b):
            pltpu.make_async_copy(
                pairs_f.at[b], out_hbm.at[pl.ds(0, pairs)], sem_w[b]).wait()

        @pl.when(sid == 0)
        def _stage_table():
            for r in range(_NS):
                pltpu.sync_copy(tp_hbm.at[wid], tab_sp.at[r])

        plsc.subcore_barrier()

        ib = pl.multiple_of(idx0, chunk)
        pltpu.sync_copy(idx_hbm.at[pl.ds(ib, per_w)], idx_all)

        def step(j, b, drain, fire):
            nxt = (b + 2) % _NBUF
            if drain:
                drain_write(nxt)
            if fire:
                fire_gather(j + 2, nxt)
            wait_gather(b)
            fire_write(j, b)

        fire_gather(0, 0)
        fire_gather(1, 1)
        for j in range(_NBUF):
            step(j, j, drain=(j >= 2), fire=True)

        def body(k_, carry):
            for b in range(_NBUF):
                step(k_ * _NBUF + b, b, drain=True, fire=True)
            return carry

        lax.fori_loop(1, n_chunks // _NBUF - 1, body, 0)

        for j in range(n_chunks - _NBUF, n_chunks):
            fire = j + 2 < n_chunks
            step(j, j % _NBUF, drain=fire, fire=fire)
        for b in range(_NBUF):
            drain_write(b)

    return k(tp, idx1d, dummy)


def _to_tminor_piece(y2d, z_prev, *, p, shape5):
    B, T, Hp, Wp, d = shape5
    bp = B // _P
    y5 = y2d.reshape(bp, T, Hp, Wp * d // 128, 128)

    def tbody(x_ref, *rest):
        z_ref = rest[-1]
        x2 = x_ref[0, :, 0].reshape(T, Wp * d)
        z_ref[0, 0] = jnp.transpose(x2).reshape(Wp, d, T)

    in_specs = [pl.BlockSpec((1, T, 1, Wp * d // 128, 128),
                             lambda b, h: (b, 0, h, 0, 0))]
    args = [y5]
    kwargs = {}
    if z_prev is not None:
        in_specs.append(pl.BlockSpec(memory_space=pl.ANY))
        args.append(z_prev)
        kwargs["input_output_aliases"] = {1: 0}

    return pl.pallas_call(
        tbody,
        grid=(bp, Hp),
        in_specs=in_specs,
        out_specs=pl.BlockSpec((1, 1, Wp, d, T),
                               lambda b, h: (p * bp + b, h, 0, 0, 0)),
        out_shape=jax.ShapeDtypeStruct((B, Hp, Wp, d, T), jnp.float32),
        **kwargs,
    )(*args)


def kernel(actions, table):
    B, T, Hp, Wp = actions.shape
    n = B * T * Hp * Wp
    v, d = table.shape
    idx1d = actions.reshape(n).astype(jnp.int32)
    tp = jnp.concatenate(
        [jnp.repeat(table, v, axis=0), jnp.tile(table, (v, 1))], axis=1)
    tp = jnp.broadcast_to(tp, (_NW,) + tp.shape)
    n_p = n // _P
    chunk = 160
    dummy = jnp.zeros((chunk // 2, 2 * d), jnp.float32)
    ys = [_emb_lookup(tp, idx1d, dummy, n=n_p, d=d, ofs=p * n_p, chunk=chunk)
          for p in range(_P)]
    z = None
    for p in range(_P):
        z = _to_tminor_piece(ys[p], z, p=p, shape5=(B, T, Hp, Wp, d))
    return jnp.transpose(z, (0, 4, 1, 2, 3))

# --- scband reference (transcript-rebuilt; emitter-appended) ---
"""Pipeline reference for scband-action-embedding-20083267076907 (READ-ONLY COPY).

The authoritative reference and input builder live on the scoring server;
editing this copy changes nothing except your own understanding.
"""

import jax, jax.numpy as jnp
import numpy as np


def setup_inputs(seed: int = 0) -> dict:
    key = jax.random.key(seed)
    k1, k2 = jax.random.split(key)
    actions = jax.random.randint(k1, (16, 200, 16, 16), 0, 8, dtype=jnp.int64)
    # nn.Embedding default init: N(0, 1)
    table = jax.random.normal(k2, (8, 64), dtype=jnp.float32)
    return {"actions": actions, "table": table}


def reference(actions, table):
    # Faithful translation of ActionEmbedding.forward for 4D input:
    # flatten (B, T, Hp, Wp) -> gather -> reshape back with embedding dim.
    B, T, Hp, Wp = actions.shape
    actions_flat = actions.reshape(B * T * Hp * Wp)
    emb_flat = jnp.take(table, actions_flat, axis=0)
    return emb_flat.reshape(B, T, Hp, Wp, -1)

if __name__ == "__main__":
    import jax
    _d = setup_inputs()
    print(jax.jit(kernel)(*tuple(_d.values())))

</pallas_src>

<mosaic_0001>
#map = affine_map<(d0, d1) -> (0, 0, 0)>
#map1 = affine_map<(d0, d1) -> (0)>
#map2 = affine_map<(d0, d1) -> (0, 0)>
module attributes {stable_mosaic.version = 14 : i64} {
  func.func @k(%arg0: i32, %arg1: i32, %arg2: memref<32x64x128xf32, #tpu.memory_space<hbm>>, %arg3: memref<819200xi32, #tpu.memory_space<hbm>>, %arg4: memref<80x128xf32, #tpu.memory_space<hbm>>, %arg5: memref<102400x128xf32, #tpu.memory_space<hbm>>, %arg6: memref<6400xi32, #tpu.memory_space<vmem>>, %arg7: memref<4x80xi32, #tpu.memory_space<vmem>>, %arg8: memref<4x80x128xf32, #tpu.memory_space<vmem>>, %arg9: memref<16x64x128xf32, #tpu.memory_space<vmem_shared>>, %arg10: memref<!tpu.dma_semaphore, #tpu.memory_space<semaphore_mem>>, %arg11: memref<!tpu.dma_semaphore, #tpu.memory_space<semaphore_mem>>, %arg12: memref<!tpu.dma_semaphore, #tpu.memory_space<semaphore_mem>>, %arg13: memref<!tpu.dma_semaphore, #tpu.memory_space<semaphore_mem>>, %arg14: memref<!tpu.dma_semaphore, #tpu.memory_space<semaphore_mem>>, %arg15: memref<!tpu.dma_semaphore, #tpu.memory_space<semaphore_mem>>, %arg16: memref<!tpu.dma_semaphore, #tpu.memory_space<semaphore_mem>>, %arg17: memref<!tpu.dma_semaphore, #tpu.memory_space<semaphore_mem>>) attributes {dimension_semantics = [#tpu.dimension_semantics<core_parallel>, #tpu.dimension_semantics<subcore_parallel>], iteration_bounds = array<i64: 2, 16>, scalar_prefetch = 0 : i64, scratch_operands = 12 : i64, tpu.core_type = #tpu.core_type<sc_vector_subcore>, window_params = [{transform_indices = #map}, {transform_indices = #map1}, {transform_indices = #map2}, {transform_indices = #map2}]} {
    %mul3A = arith.constant 2 : i32
    %mul3A_0 = arith.muli %arg1, %mul3A : i32
    %add3A = arith.addi %mul3A_0, %arg0 : i32
    %mul3A_1 = arith.constant 6400 : i32
    %mul3A_2 = arith.muli %add3A, %mul3A_1 : i32
    %add3A_3 = arith.constant 0 : i32
    %add3A_4 = arith.addi %add3A_3, %mul3A_2 : i32
    %mul3A_5 = arith.constant 3200 : i32
    %mul3A_6 = arith.muli %add3A, %mul3A_5 : i32
    %iota3A = tpu.iota {dimensions = array<i32: 0>} : vector<16xi32>
    %lt3A = arith.constant 8 : i32
    %lt3A_7 = vector.broadcast %lt3A : i32 to vector<16xi32>
    %lt3A_8 = arith.cmpi slt, %iota3A, %lt3A_7 : vector<16xi32>
    %iota3A_9 = tpu.iota {dimensions = array<i32: 0>} : vector<16xi32>
    %mul3A_10 = arith.constant 2 : i32
    %mul3A_11 = vector.broadcast %mul3A_10 : i32 to vector<16xi32>
    %mul3A_12 = arith.muli %mul3A_11, %iota3A_9 : vector<16xi32>
    %add3A_13 = arith.constant 0 : i32
    %add3A_14 = vector.broadcast %add3A_13 : i32 to vector<16xi32>
    %add3A_15 = arith.addi %add3A_14, %mul3A_12 : vector<16xi32>
    %jit3A = arith.constant 16 : i32
    %eq3A = arith.constant 0 : i32
    %eq3A_16 = arith.cmpi eq, %jit3A, %eq3A : i32
    %jit3A_17 = arith.constant 1 : i32
    %select_n3A = arith.select %eq3A_16, %jit3A_17, %jit3A : i32
    %rem3A = vector.broadcast %select_n3A : i32 to vector<16xi32>
    %rem3A_18 = arith.remsi %add3A_15, %rem3A : vector<16xi32>
    %ne3A = arith.constant 0 : i32
    %ne3A_19 = vector.broadcast %ne3A : i32 to vector<16xi32>
    %ne3A_20 = arith.cmpi ne, %rem3A_18, %ne3A_19 : vector<16xi32>
    %lt3A_21 = arith.constant 0 : i32
    %lt3A_22 = vector.broadcast %lt3A_21 : i32 to vector<16xi32>
    %lt3A_23 = arith.cmpi slt, %rem3A_18, %lt3A_22 : vector<16xi32>
    %lt3A_24 = arith.constant 0 : i32
    %lt3A_25 = arith.cmpi slt, %select_n3A, %lt3A_24 : i32
    %ne3A_26 = vector.broadcast %lt3A_25 : i1 to vector<16xi1>
    %ne3A_27 = vector.broadcast %ne3A_26 : vector<16xi1> to vector<16xi1>
    %ne3A_28 = arith.xori %lt3A_23, %ne3A_27 : vector<16xi1>
    %and3A = arith.andi %ne3A_28, %ne3A_20 : vector<16xi1>
    %add3A_29 = vector.broadcast %select_n3A : i32 to vector<16xi32>
    %add3A_30 = arith.addi %rem3A_18, %add3A_29 : vector<16xi32>
    %select_n3A_31 = arith.select %and3A, %add3A_30, %rem3A_18 : vector<16xi1>, vector<16xi32>
    %add3A_32 = arith.constant 1 : i32
    %add3A_33 = vector.broadcast %add3A_32 : i32 to vector<16xi32>
    %add3A_34 = arith.addi %select_n3A_31, %add3A_33 : vector<16xi32>
    %eq3A_35 = arith.constant 0 : i32
    %eq3A_36 = arith.cmpi eq, %arg1, %eq3A_35 : i32
    %convert_element_type3A = arith.extui %eq3A_36 : i1 to i32
    %cond3A = arith.constant 0 : i32
    %cond3A_37 = arith.cmpi ne, %convert_element_type3A, %cond3A : i32
    scf.if %cond3A_37 {
      %run_scoped3A = arith.constant 0 : i32
      "tpu.region"() ({
        %run_scoped3A_2820 = tpu.sem_alloc : memref<!tpu.dma_semaphore, #tpu.memory_space<semaphore_mem>>
        %dma_start3A_2821 = arith.constant 0 : i32
        %dma_start3A_2822 = arith.constant 0 : i32
        %dma_start3A_2823 = tpu.memref_slice %arg9[%run_scoped3A, %dma_start3A_2821, %dma_start3A_2822] : memref<16x64x128xf32, #tpu.memory_space<vmem_shared>> -> memref<1x64x128xf32, #tpu.memory_space<vmem_shared>>
        %dma_start3A_2824 = tpu.memref_squeeze %dma_start3A_2823 : memref<1x64x128xf32, #tpu.memory_space<vmem_shared>> -> memref<64x128xf32, #tpu.memory_space<vmem_shared>>
        %dma_start3A_2825 = arith.constant 0 : i32
        %dma_start3A_2826 = arith.constant 0 : i32
        %dma_start3A_2827 = tpu.memref_slice %arg2[%add3A, %dma_start3A_2825, %dma_start3A_2826] : memref<32x64x128xf32, #tpu.memory_space<hbm>> -> memref<1x64x128xf32, #tpu.memory_space<hbm>>
        %dma_start3A_2828 = tpu.memref_squeeze %dma_start3A_2827 : memref<1x64x128xf32, #tpu.memory_space<hbm>> -> memref<64x128xf32, #tpu.memory_space<hbm>>
        tpu.enqueue_dma source(%dma_start3A_2828 : memref<64x128xf32, #tpu.memory_space<hbm>>) target(%dma_start3A_2824 : memref<64x128xf32, #tpu.memory_space<vmem_shared>>) target_semaphore(%run_scoped3A_2820 : memref<!tpu.dma_semaphore, #tpu.memory_space<semaphore_mem>>)
        %dma_wait3A_2829 = arith.constant 0 : i32
        %dma_wait3A_2830 = arith.constant 0 : i32
        %dma_wait3A_2831 = tpu.memref_slice %arg9[%run_scoped3A, %dma_wait3A_2829, %dma_wait3A_2830] : memref<16x64x128xf32, #tpu.memory_space<vmem_shared>> -> memref<1x64x128xf32, #tpu.memory_space<vmem_shared>>
        %dma_wait3A_2832 = tpu.memref_squeeze %dma_wait3A_2831 : memref<1x64x128xf32, #tpu.memory_space<vmem_shared>> -> memref<64x128xf32, #tpu.memory_space<vmem_shared>>
        %dma_wait3A_2833 = arith.constant 0 : i32
        %dma_wait3A_2834 = arith.constant 0 : i32
        %dma_wait3A_2835 = tpu.memref_slice %arg2[%add3A, %dma_wait3A_2833, %dma_wait3A_2834] : memref<32x64x128xf32, #tpu.memory_space<hbm>> -> memref<1x64x128xf32, #tpu.memory_space<hbm>>
        %dma_wait3A_2836 = tpu.memref_squeeze %dma_wait3A_2835 : memref<1x64x128xf32, #tpu.memory_space<hbm>> -> memref<64x128xf32, #tpu.memory_space<hbm>>
        tpu.wait_dma2 semaphore(%run_scoped3A_2820 : memref<!tpu.dma_semaphore, #tpu.memory_space<semaphore_mem>>) src(%dma_wait3A_2836 : memref<64x128xf32, #tpu.memory_space<hbm>>) dst(%dma_wait3A_2832 : memref<64x128xf32, #tpu.memory_space<vmem_shared>>)
        tpu.yield
      }) : () -> ()
      %run_scoped3A_2805 = arith.constant 1 : i32
      "tpu.region"() ({
        %run_scoped3A_2820 = tpu.sem_alloc : memref<!tpu.dma_semaphore, #tpu.memory_space<semaphore_mem>>
        %dma_start3A_2821 = arith.constant 0 : i32
        %dma_start3A_2822 = arith.constant 0 : i32
        %dma_start3A_2823 = tpu.memref_slice %arg9[%run_scoped3A_2805, %dma_start3A_2821, %dma_start3A_2822] : memref<16x64x128xf32, #tpu.memory_space<vmem_shared>> -> memref<1x64x128xf32, #tpu.memory_space<vmem_shared>>
        %dma_start3A_2824 = tpu.memref_squeeze %dma_start3A_2823 : memref<1x64x128xf32, #tpu.memory_space<vmem_shared>> -> memref<64x128xf32, #tpu.memory_space<vmem_shared>>
        %dma_start3A_2825 = arith.constant 0 : i32
        %dma_start3A_2826 = arith.constant 0 : i32
        %dma_start3A_2827 = tpu.memref_slice %arg2[%add3A, %dma_start3A_2825, %dma_start3A_2826] : memref<32x64x128xf32, #tpu.memory_space<hbm>> -> memref<1x64x128xf32, #tpu.memory_space<hbm>>
        %dma_start3A_2828 = tpu.memref_squeeze %dma_start3A_2827 : memref<1x64x128xf32, #tpu.memory_space<hbm>> -> memref<64x128xf32, #tpu.memory_space<hbm>>
        tpu.enqueue_dma source(%dma_start3A_2828 : memref<64x128xf32, #tpu.memory_space<hbm>>) target(%dma_start3A_2824 : memref<64x128xf32, #tpu.memory_space<vmem_shared>>) target_semaphore(%run_scoped3A_2820 : memref<!tpu.dma_semaphore, #tpu.memory_space<semaphore_mem>>)
        %dma_wait3A_2829 = arith.constant 0 : i32
        %dma_wait3A_2830 = arith.constant 0 : i32
        %dma_wait3A_2831 = tpu.memref_slice %arg9[%run_scoped3A_2805, %dma_wait3A_2829, %dma_wait3A_2830] : memref<16x64x128xf32, #tpu.memory_space<vmem_shared>> -> memref<1x64x128xf32, #tpu.memory_space<vmem_shared>>
        %dma_wait3A_2832 = tpu.memref_squeeze %dma_wait3A_2831 : memref<1x64x128xf32, #tpu.memory_space<vmem_shared>> -> memref<64x128xf32, #tpu.memory_space<vmem_shared>>
        %dma_wait3A_2833 = arith.constant 0 : i32
        %dma_wait3A_2834 = arith.constant 0 : i32
        %dma_wait3A_2835 = tpu.memref_slice %arg2[%add3A, %dma_wait3A_2833, %dma_wait3A_2834] : memref<32x64x128xf32, #tpu.memory_space<hbm>> -> memref<1x64x128xf32, #tpu.memory_space<hbm>>
        %dma_wait3A_2836 = tpu.memref_squeeze %dma_wait3A_2835 : memref<1x64x128xf32, #tpu.memory_space<hbm>> -> memref<64x128xf32, #tpu.memory_space<hbm>>
        tpu.wait_dma2 semaphore(%run_scoped3A_2820 : memref<!tpu.dma_semaphore, #tpu.memory_space<semaphore_mem>>) src(%dma_wait3A_2836 : memref<64x128xf32, #tpu.memory_space<hbm>>) dst(%dma_wait3A_2832 : memref<64x128xf32, #tpu.memory_space<vmem_shared>>)
        tpu.yield
      }) : () -> ()
      %run_scoped3A_2806 = arith.constant 2 : i32
      "tpu.region"() ({
        %run_scoped3A_2820 = tpu.sem_alloc : memref<!tpu.dma_semaphore, #tpu.memory_space<semaphore_mem>>
        %dma_start3A_2821 = arith.constant 0 : i32
        %dma_start3A_2822 = arith.constant 0 : i32
        %dma_start3A_2823 = tpu.memref_slice %arg9[%run_scoped3A_2806, %dma_start3A_2821, %dma_start3A_2822] : memref<16x64x128xf32, #tpu.memory_space<vmem_shared>> -> memref<1x64x128xf32, #tpu.memory_space<vmem_shared>>
        %dma_start3A_2824 = tpu.memref_squeeze %dma_start3A_2823 : memref<1x64x128xf32, #tpu.memory_space<vmem_shared>> -> memref<64x128xf32, #tpu.memory_space<vmem_shared>>
        %dma_start3A_2825 = arith.constant 0 : i32
        %dma_start3A_2826 = arith.constant 0 : i32
        %dma_start3A_2827 = tpu.memref_slice %arg2[%add3A, %dma_start3A_2825, %dma_start3A_2826] : memref<32x64x128xf32, #tpu.memory_space<hbm>> -> memref<1x64x128xf32, #tpu.memory_space<hbm>>
        %dma_start3A_2828 = tpu.memref_squeeze %dma_start3A_2827 : memref<1x64x128xf32, #tpu.memory_space<hbm>> -> memref<64x128xf32, #tpu.memory_space<hbm>>
        tpu.enqueue_dma source(%dma_start3A_2828 : memref<64x128xf32, #tpu.memory_space<hbm>>) target(%dma_start3A_2824 : memref<64x128xf32, #tpu.memory_space<vmem_shared>>) target_semaphore(%run_scoped3A_2820 : memref<!tpu.dma_semaphore, #tpu.memory_space<semaphore_mem>>)
        %dma_wait3A_2829 = arith.constant 0 : i32
        %dma_wait3A_2830 = arith.constant 0 : i32
        %dma_wait3A_2831 = tpu.memref_slice %arg9[%run_scoped3A_2806, %dma_wait3A_2829, %dma_wait3A_2830] : memref<16x64x128xf32, #tpu.memory_space<vmem_shared>> -> memref<1x64x128xf32, #tpu.memory_space<vmem_shared>>
        %dma_wait3A_2832 = tpu.memref_squeeze %dma_wait3A_2831 : memref<1x64x128xf32, #tpu.memory_space<vmem_shared>> -> memref<64x128xf32, #tpu.memory_space<vmem_shared>>
        %dma_wait3A_2833 = arith.constant 0 : i32
        %dma_wait3A_2834 = arith.constant 0 : i32
        %dma_wait3A_2835 = tpu.memref_slice %arg2[%add3A, %dma_wait3A_2833, %dma_wait3A_2834] : memref<32x64x128xf32, #tpu.memory_space<hbm>> -> memref<1x64x128xf32, #tpu.memory_space<hbm>>
        %dma_wait3A_2836 = tpu.memref_squeeze %dma_wait3A_2835 : memref<1x64x128xf32, #tpu.memory_space<hbm>> -> memref<64x128xf32, #tpu.memory_space<hbm>>
        tpu.wait_dma2 semaphore(%run_scoped3A_2820 : memref<!tpu.dma_semaphore, #tpu.memory_space<semaphore_mem>>) src(%dma_wait3A_2836 : memref<64x128xf32, #tpu.memory_space<hbm>>) dst(%dma_wait3A_2832 : memref<64x128xf32, #tpu.memory_space<vmem_shared>>)
        tpu.yield
      }) : () -> ()
      %run_scoped3A_2807 = arith.constant 3 : i32
      "tpu.region"() ({
        %run_scoped3A_2820 = tpu.sem_alloc : memref<!tpu.dma_semaphore, #tpu.memory_space<semaphore_mem>>
        %dma_start3A_2821 = arith.constant 0 : i32
        %dma_start3A_2822 = arith.constant 0 : i32
        %dma_start3A_2823 = tpu.memref_slice %arg9[%run_scoped3A_2807, %dma_start3A_2821, %dma_start3A_2822] : memref<16x64x128xf32, #tpu.memory_space<vmem_shared>> -> memref<1x64x128xf32, #tpu.memory_space<vmem_shared>>
        %dma_start3A_2824 = tpu.memref_squeeze %dma_start3A_2823 : memref<1x64x128xf32, #tpu.memory_space<vmem_shared>> -> memref<64x128xf32, #tpu.memory_space<vmem_shared>>
        %dma_start3A_2825 = arith.constant 0 : i32
        %dma_start3A_2826 = arith.constant 0 : i32
        %dma_start3A_2827 = tpu.memref_slice %arg2[%add3A, %dma_start3A_2825, %dma_start3A_2826] : memref<32x64x128xf32, #tpu.memory_space<hbm>> -> memref<1x64x128xf32, #tpu.memory_space<hbm>>
        %dma_start3A_2828 = tpu.memref_squeeze %dma_start3A_2827 : memref<1x64x128xf32, #tpu.memory_space<hbm>> -> memref<64x128xf32, #tpu.memory_space<hbm>>
        tpu.enqueue_dma source(%dma_start3A_2828 : memref<64x128xf32, #tpu.memory_space<hbm>>) target(%dma_start3A_2824 : memref<64x128xf32, #tpu.memory_space<vmem_shared>>) target_semaphore(%run_scoped3A_2820 : memref<!tpu.dma_semaphore, #tpu.memory_space<semaphore_mem>>)
        %dma_wait3A_2829 = arith.constant 0 : i32
        %dma_wait3A_2830 = arith.constant 0 : i32
        %dma_wait3A_2831 = tpu.memref_slice %arg9[%run_scoped3A_2807, %dma_wait3A_2829, %dma_wait3A_2830] : memref<16x64x128xf32, #tpu.memory_space<vmem_shared>> -> memref<1x64x128xf32, #tpu.memory_space<vmem_shared>>
        %dma_wait3A_2832 = tpu.memref_squeeze %dma_wait3A_2831 : memref<1x64x128xf32, #tpu.memory_space<vmem_shared>> -> memref<64x128xf32, #tpu.memory_space<vmem_shared>>
        %dma_wait3A_2833 = arith.constant 0 : i32
        %dma_wait3A_2834 = arith.constant 0 : i32
        %dma_wait3A_2835 = tpu.memref_slice %arg2[%add3A, %dma_wait3A_2833, %dma_wait3A_2834] : memref<32x64x128xf32, #tpu.memory_space<hbm>> -> memref<1x64x128xf32, #tpu.memory_space<hbm>>
        %dma_wait3A_2836 = tpu.memref_squeeze %dma_wait3A_2835 : memref<1x64x128xf32, #tpu.memory_space<hbm>> -> memref<64x128xf32, #tpu.memory_space<hbm>>
        tpu.wait_dma2 semaphore(%run_scoped3A_2820 : memref<!tpu.dma_semaphore, #tpu.memory_space<semaphore_mem>>) src(%dma_wait3A_2836 : memref<64x128xf32, #tpu.memory_space<hbm>>) dst(%dma_wait3A_2832 : memref<64x128xf32, #tpu.memory_space<vmem_shared>>)
        tpu.yield
      }) : () -> ()
      %run_scoped3A_2808 = arith.constant 4 : i32
      "tpu.region"() ({
        %run_scoped3A_2820 = tpu.sem_alloc : memref<!tpu.dma_semaphore, #tpu.memory_space<semaphore_mem>>
        %dma_start3A_2821 = arith.constant 0 : i32
        %dma_start3A_2822 = arith.constant 0 : i32
        %dma_start3A_2823 = tpu.memref_slice %arg9[%run_scoped3A_2808, %dma_start3A_2821, %dma_start3A_2822] : memref<16x64x128xf32, #tpu.memory_space<vmem_shared>> -> memref<1x64x128xf32, #tpu.memory_space<vmem_shared>>
        %dma_start3A_2824 = tpu.memref_squeeze %dma_start3A_2823 : memref<1x64x128xf32, #tpu.memory_space<vmem_shared>> -> memref<64x128xf32, #tpu.memory_space<vmem_shared>>
        %dma_start3A_2825 = arith.constant 0 : i32
        %dma_start3A_2826 = arith.constant 0 : i32
        %dma_start3A_2827 = tpu.memref_slice %arg2[%add3A, %dma_start3A_2825, %dma_start3A_2826] : memref<32x64x128xf32, #tpu.memory_space<hbm>> -> memref<1x64x128xf32, #tpu.memory_space<hbm>>
        %dma_start3A_2828 = tpu.memref_squeeze %dma_start3A_2827 : memref<1x64x128xf32, #tpu.memory_space<hbm>> -> memref<64x128xf32, #tpu.memory_space<hbm>>
        tpu.enqueue_dma source(%dma_start3A_2828 : memref<64x128xf32, #tpu.memory_space<hbm>>) target(%dma_start3A_2824 : memref<64x128xf32, #tpu.memory_space<vmem_shared>>) target_semaphore(%run_scoped3A_2820 : memref<!tpu.dma_semaphore, #tpu.memory_space<semaphore_mem>>)
        %dma_wait3A_2829 = arith.constant 0 : i32
        %dma_wait3A_2830 = arith.constant 0 : i32
        %dma_wait3A_2831 = tpu.memref_slice %arg9[%run_scoped3A_2808, %dma_wait3A_2829, %dma_wait3A_2830] : memref<16x64x128xf32, #tpu.memory_space<vmem_shared>> -> memref<1x64x128xf32, #tpu.memory_space<vmem_shared>>
        %dma_wait3A_2832 = tpu.memref_squeeze %dma_wait3A_2831 : memref<1x64x128xf32, #tpu.memory_space<vmem_shared>> -> memref<64x128xf32, #tpu.memory_space<vmem_shared>>
        %dma_wait3A_2833 = arith.constant 0 : i32
        %dma_wait3A_2834 = arith.constant 0 : i32
        %dma_wait3A_2835 = tpu.memref_slice %arg2[%add3A, %dma_wait3A_2833, %dma_wait3A_2834] : memref<32x64x128xf32, #tpu.memory_space<hbm>> -> memref<1x64x128xf32, #tpu.memory_space<hbm>>
        %dma_wait3A_2836 = tpu.memref_squeeze %dma_wait3A_2835 : memref<1x64x128xf32, #tpu.memory_space<hbm>> -> memref<64x128xf32, #tpu.memory_space<hbm>>
        tpu.wait_dma2 semaphore(%run_scoped3A_2820 : memref<!tpu.dma_semaphore, #tpu.memory_space<semaphore_mem>>) src(%dma_wait3A_2836 : memref<64x128xf32, #tpu.memory_space<hbm>>) dst(%dma_wait3A_2832 : memref<64x128xf32, #tpu.memory_space<vmem_shared>>)
        tpu.yield
      }) : () -> ()
      %run_scoped3A_2809 = arith.constant 5 : i32
      "tpu.region"() ({
        %run_scoped3A_2820 = tpu.sem_alloc : memref<!tpu.dma_semaphore, #tpu.memory_space<semaphore_mem>>
        %dma_start3A_2821 = arith.constant 0 : i32
        %dma_start3A_2822 = arith.constant 0 : i32
        %dma_start3A_2823 = tpu.memref_slice %arg9[%run_scoped3A_2809, %dma_start3A_2821, %dma_start3A_2822] : memref<16x64x128xf32, #tpu.memory_space<vmem_shared>> -> memref<1x64x128xf32, #tpu.memory_space<vmem_shared>>
        %dma_start3A_2824 = tpu.memref_squeeze %dma_start3A_2823 : memref<1x64x128xf32, #tpu.memory_space<vmem_shared>> -> memref<64x128xf32, #tpu.memory_space<vmem_shared>>
        %dma_start3A_2825 = arith.constant 0 : i32
        %dma_start3A_2826 = arith.constant 0 : i32
        %dma_start3A_2827 = tpu.memref_slice %arg2[%add3A, %dma_start3A_2825, %dma_start3A_2826] : memref<32x64x128xf32, #tpu.memory_space<hbm>> -> memref<1x64x128xf32, #tpu.memory_space<hbm>>
        %dma_start3A_2828 = tpu.memref_squeeze %dma_start3A_2827 : memref<1x64x128xf32, #tpu.memory_space<hbm>> -> memref<64x128xf32, #tpu.memory_space<hbm>>
        tpu.enqueue_dma source(%dma_start3A_2828 : memref<64x128xf32, #tpu.memory_space<hbm>>) target(%dma_start3A_2824 : memref<64x128xf32, #tpu.memory_space<vmem_shared>>) target_semaphore(%run_scoped3A_2820 : memref<!tpu.dma_semaphore, #tpu.memory_space<semaphore_mem>>)
        %dma_wait3A_2829 = arith.constant 0 : i32
        %dma_wait3A_2830 = arith.constant 0 : i32
        %dma_wait3A_2831 = tpu.memref_slice %arg9[%run_scoped3A_2809, %dma_wait3A_2829, %dma_wait3A_2830] : memref<16x64x128xf32, #tpu.memory_space<vmem_shared>> -> memref<1x64x128xf32, #tpu.memory_space<vmem_shared>>
        %dma_wait3A_2832 = tpu.memref_squeeze %dma_wait3A_2831 : memref<1x64x128xf32, #tpu.memory_space<vmem_shared>> -> memref<64x128xf32, #tpu.memory_space<vmem_shared>>
        %dma_wait3A_2833 = arith.constant 0 : i32
        %dma_wait3A_2834 = arith.constant 0 : i32
        %dma_wait3A_2835 = tpu.memref_slice %arg2[%add3A, %dma_wait3A_2833, %dma_wait3A_2834] : memref<32x64x128xf32, #tpu.memory_space<hbm>> -> memref<1x64x128xf32, #tpu.memory_space<hbm>>
        %dma_wait3A_2836 = tpu.memref_squeeze %dma_wait3A_2835 : memref<1x64x128xf32, #tpu.memory_space<hbm>> -> memref<64x128xf32, #tpu.memory_space<hbm>>
        tpu.wait_dma2 semaphore(%run_scoped3A_2820 : memref<!tpu.dma_semaphore, #tpu.memory_space<semaphore_mem>>) src(%dma_wait3A_2836 : memref<64x128xf32, #tpu.memory_space<hbm>>) dst(%dma_wait3A_2832 : memref<64x128xf32, #tpu.memory_space<vmem_shared>>)
        tpu.yield
      }) : () -> ()
      %run_scoped3A_2810 = arith.constant 6 : i32
      "tpu.region"() ({
        %run_scoped3A_2820 = tpu.sem_alloc : memref<!tpu.dma_semaphore, #tpu.memory_space<semaphore_mem>>
        %dma_start3A_2821 = arith.constant 0 : i32
        %dma_start3A_2822 = arith.constant 0 : i32
        %dma_start3A_2823 = tpu.memref_slice %arg9[%run_scoped3A_2810, %dma_start3A_2821, %dma_start3A_2822] : memref<16x64x128xf32, #tpu.memory_space<vmem_shared>> -> memref<1x64x128xf32, #tpu.memory_space<vmem_shared>>
        %dma_start3A_2824 = tpu.memref_squeeze %dma_start3A_2823 : memref<1x64x128xf32, #tpu.memory_space<vmem_shared>> -> memref<64x128xf32, #tpu.memory_space<vmem_shared>>
        %dma_start3A_2825 = arith.constant 0 : i32
        %dma_start3A_2826 = arith.constant 0 : i32
        %dma_start3A_2827 = tpu.memref_slice %arg2[%add3A, %dma_start3A_2825, %dma_start3A_2826] : memref<32x64x128xf32, #tpu.memory_space<hbm>> -> memref<1x64x128xf32, #tpu.memory_space<hbm>>
        %dma_start3A_2828 = tpu.memref_squeeze %dma_start3A_2827 : memref<1x64x128xf32, #tpu.memory_space<hbm>> -> memref<64x128xf32, #tpu.memory_space<hbm>>
        tpu.enqueue_dma source(%dma_start3A_2828 : memref<64x128xf32, #tpu.memory_space<hbm>>) target(%dma_start3A_2824 : memref<64x128xf32, #tpu.memory_space<vmem_shared>>) target_semaphore(%run_scoped3A_2820 : memref<!tpu.dma_semaphore, #tpu.memory_space<semaphore_mem>>)
        %dma_wait3A_2829 = arith.constant 0 : i32
        %dma_wait3A_2830 = arith.constant 0 : i32
        %dma_wait3A_2831 = tpu.memref_slice %arg9[%run_scoped3A_2810, %dma_wait3A_2829, %dma_wait3A_2830] : memref<16x64x128xf32, #tpu.memory_space<vmem_shared>> -> memref<1x64x128xf32, #tpu.memory_space<vmem_shared>>
        %dma_wait3A_2832 = tpu.memref_squeeze %dma_wait3A_2831 : memref<1x64x128xf32, #tpu.memory_space<vmem_shared>> -> memref<64x128xf32, #tpu.memory_space<vmem_shared>>
        %dma_wait3A_2833 = arith.constant 0 : i32
        %dma_wait3A_2834 = arith.constant 0 : i32
        %dma_wait3A_2835 = tpu.memref_slice %arg2[%add3A, %dma_wait3A_2833, %dma_wait3A_2834] : memref<32x64x128xf32, #tpu.memory_space<hbm>> -> memref<1x64x128xf32, #tpu.memory_space<hbm>>
        %dma_wait3A_2836 = tpu.memref_squeeze %dma_wait3A_2835 : memref<1x64x128xf32, #tpu.memory_space<hbm>> -> memref<64x128xf32, #tpu.memory_space<hbm>>
        tpu.wait_dma2 semaphore(%run_scoped3A_2820 : memref<!tpu.dma_semaphore, #tpu.memory_space<semaphore_mem>>) src(%dma_wait3A_2836 : memref<64x128xf32, #tpu.memory_space<hbm>>) dst(%dma_wait3A_2832 : memref<64x128xf32, #tpu.memory_space<vmem_shared>>)
        tpu.yield
      }) : () -> ()
      %run_scoped3A_2811 = arith.constant 7 : i32
      "tpu.region"() ({
        %run_scoped3A_2820 = tpu.sem_alloc : memref<!tpu.dma_semaphore, #tpu.memory_space<semaphore_mem>>
        %dma_start3A_2821 = arith.constant 0 : i32
        %dma_start3A_2822 = arith.constant 0 : i32
        %dma_start3A_2823 = tpu.memref_slice %arg9[%run_scoped3A_2811, %dma_start3A_2821, %dma_start3A_2822] : memref<16x64x128xf32, #tpu.memory_space<vmem_shared>> -> memref<1x64x128xf32, #tpu.memory_space<vmem_shared>>
        %dma_start3A_2824 = tpu.memref_squeeze %dma_start3A_2823 : memref<1x64x128xf32, #tpu.memory_space<vmem_shared>> -> memref<64x128xf32, #tpu.memory_space<vmem_shared>>
        %dma_start3A_2825 = arith.constant 0 : i32
        %dma_start3A_2826 = arith.constant 0 : i32
        %dma_start3A_2827 = tpu.memref_slice %arg2[%add3A, %dma_start3A_2825, %dma_start3A_2826] : memref<32x64x128xf32, #tpu.memory_space<hbm>> -> memref<1x64x128xf32, #tpu.memory_space<hbm>>
        %dma_start3A_2828 = tpu.memref_squeeze %dma_start3A_2827 : memref<1x64x128xf32, #tpu.memory_space<hbm>> -> memref<64x128xf32, #tpu.memory_space<hbm>>
        tpu.enqueue_dma source(%dma_start3A_2828 : memref<64x128xf32, #tpu.memory_space<hbm>>) target(%dma_start3A_2824 : memref<64x128xf32, #tpu.memory_space<vmem_shared>>) target_semaphore(%run_scoped3A_2820 : memref<!tpu.dma_semaphore, #tpu.memory_space<semaphore_mem>>)
        %dma_wait3A_2829 = arith.constant 0 : i32
        %dma_wait3A_2830 = arith.constant 0 : i32
        %dma_wait3A_2831 = tpu.memref_slice %arg9[%run_scoped3A_2811, %dma_wait3A_2829, %dma_wait3A_2830] : memref<16x64x128xf32, #tpu.memory_space<vmem_shared>> -> memref<1x64x128xf32, #tpu.memory_space<vmem_shared>>
        %dma_wait3A_2832 = tpu.memref_squeeze %dma_wait3A_2831 : memref<1x64x128xf32, #tpu.memory_space<vmem_shared>> -> memref<64x128xf32, #tpu.memory_space<vmem_shared>>
        %dma_wait3A_2833 = arith.constant 0 : i32
        %dma_wait3A_2834 = arith.constant 0 : i32
        %dma_wait3A_2835 = tpu.memref_slice %arg2[%add3A, %dma_wait3A_2833, %dma_wait3A_2834] : memref<32x64x128xf32, #tpu.memory_space<hbm>> -> memref<1x64x128xf32, #tpu.memory_space<hbm>>
        %dma_wait3A_2836 = tpu.memref_squeeze %dma_wait3A_2835 : memref<1x64x128xf32, #tpu.memory_space<hbm>> -> memref<64x128xf32, #tpu.memory_space<hbm>>
        tpu.wait_dma2 semaphore(%run_scoped3A_2820 : memref<!tpu.dma_semaphore, #tpu.memory_space<semaphore_mem>>) src(%dma_wait3A_2836 : memref<64x128xf32, #tpu.memory_space<hbm>>) dst(%dma_wait3A_2832 : memref<64x128xf32, #tpu.memory_space<vmem_shared>>)
        tpu.yield
      }) : () -> ()
      %run_scoped3A_2812 = arith.constant 8 : i32
      "tpu.region"() ({
        %run_scoped3A_2820 = tpu.sem_alloc : memref<!tpu.dma_semaphore, #tpu.memory_space<semaphore_mem>>
        %dma_start3A_2821 = arith.constant 0 : i32
        %dma_start3A_2822 = arith.constant 0 : i32
        %dma_start3A_2823 = tpu.memref_slice %arg9[%run_scoped3A_2812, %dma_start3A_2821, %dma_start3A_2822] : memref<16x64x128xf32, #tpu.memory_space<vmem_shared>> -> memref<1x64x128xf32, #tpu.memory_space<vmem_shared>>
        %dma_start3A_2824 = tpu.memref_squeeze %dma_start3A_2823 : memref<1x64x128xf32, #tpu.memory_space<vmem_shared>> -> memref<64x128xf32, #tpu.memory_space<vmem_shared>>
        %dma_start3A_2825 = arith.constant 0 : i32
        %dma_start3A_2826 = arith.constant 0 : i32
        %dma_start3A_2827 = tpu.memref_slice %arg2[%add3A, %dma_start3A_2825, %dma_start3A_2826] : memref<32x64x128xf32, #tpu.memory_space<hbm>> -> memref<1x64x128xf32, #tpu.memory_space<hbm>>
        %dma_start3A_2828 = tpu.memref_squeeze %dma_start3A_2827 : memref<1x64x128xf32, #tpu.memory_space<hbm>> -> memref<64x128xf32, #tpu.memory_space<hbm>>
        tpu.enqueue_dma source(%dma_start3A_2828 : memref<64x128xf32, #tpu.memory_space<hbm>>) target(%dma_start3A_2824 : memref<64x128xf32, #tpu.memory_space<vmem_shared>>) target_semaphore(%run_scoped3A_2820 : memref<!tpu.dma_semaphore, #tpu.memory_space<semaphore_mem>>)
        %dma_wait3A_2829 = arith.constant 0 : i32
        %dma_wait3A_2830 = arith.constant 0 : i32
        %dma_wait3A_2831 = tpu.memref_slice %arg9[%run_scoped3A_2812, %dma_wait3A_2829, %dma_wait3A_2830] : memref<16x64x128xf32, #tpu.memory_space<vmem_shared>> -> memref<1x64x128xf32, #tpu.memory_space<vmem_shared>>
        %dma_wait3A_2832 = tpu.memref_squeeze %dma_wait3A_2831 : memref<1x64x128xf32, #tpu.memory_space<vmem_shared>> -> memref<64x128xf32, #tpu.memory_space<vmem_shared>>
        %dma_wait3A_2833 = arith.constant 0 : i32
        %dma_wait3A_2834 = arith.constant 0 : i32
        %dma_wait3A_2835 = tpu.memref_slice %arg2[%add3A, %dma_wait3A_2833, %dma_wait3A_2834] : memref<32x64x128xf32, #tpu.memory_space<hbm>> -> memref<1x64x128xf32, #tpu.memory_space<hbm>>
        %dma_wait3A_2836 = tpu.memref_squeeze %dma_wait3A_2835 : memref<1x64x128xf32, #tpu.memory_space<hbm>> -> memref<64x128xf32, #tpu.memory_space<hbm>>
        tpu.wait_dma2 semaphore(%run_scoped3A_2820 : memref<!tpu.dma_semaphore, #tpu.memory_space<semaphore_mem>>) src(%dma_wait3A_2836 : memref<64x128xf32, #tpu.memory_space<hbm>>) dst(%dma_wait3A_2832 : memref<64x128xf32, #tpu.memory_space<vmem_shared>>)
        tpu.yield
      }) : () -> ()
      %run_scoped3A_2813 = arith.constant 9 : i32
      "tpu.region"() ({
        %run_scoped3A_2820 = tpu.sem_alloc : memref<!tpu.dma_semaphore, #tpu.memory_space<semaphore_mem>>
        %dma_start3A_2821 = arith.constant 0 : i32
        %dma_start3A_2822 = arith.constant 0 : i32
        %dma_start3A_2823 = tpu.memref_slice %arg9[%run_scoped3A_2813, %dma_start3A_2821, %dma_start3A_2822] : memref<16x64x128xf32, #tpu.memory_space<vmem_shared>> -> memref<1x64x128xf32, #tpu.memory_space<vmem_shared>>
        %dma_start3A_2824 = tpu.memref_squeeze %dma_start3A_2823 : memref<1x64x128xf32, #tpu.memory_space<vmem_shared>> -> memref<64x128xf32, #tpu.memory_space<vmem_shared>>
        %dma_start3A_2825 = arith.constant 0 : i32
        %dma_start3A_2826 = arith.constant 0 : i32
        %dma_start3A_2827 = tpu.memref_slice %arg2[%add3A, %dma_start3A_2825, %dma_start3A_2826] : memref<32x64x128xf32, #tpu.memory_space<hbm>> -> memref<1x64x128xf32, #tpu.memory_space<hbm>>
        %dma_start3A_2828 = tpu.memref_squeeze %dma_start3A_2827 : memref<1x64x128xf32, #tpu.memory_space<hbm>> -> memref<64x128xf32, #tpu.memory_space<hbm>>
        tpu.enqueue_dma source(%dma_start3A_2828 : memref<64x128xf32, #tpu.memory_space<hbm>>) target(%dma_start3A_2824 : memref<64x128xf32, #tpu.memory_space<vmem_shared>>) target_semaphore(%run_scoped3A_2820 : memref<!tpu.dma_semaphore, #tpu.memory_space<semaphore_mem>>)
        %dma_wait3A_2829 = arith.constant 0 : i32
        %dma_wait3A_2830 = arith.constant 0 : i32
        %dma_wait3A_2831 = tpu.memref_slice %arg9[%run_scoped3A_2813, %dma_wait3A_2829, %dma_wait3A_2830] : memref<16x64x128xf32, #tpu.memory_space<vmem_shared>> -> memref<1x64x128xf32, #tpu.memory_space<vmem_shared>>
        %dma_wait3A_2832 = tpu.memref_squeeze %dma_wait3A_2831 : memref<1x64x128xf32, #tpu.memory_space<vmem_shared>> -> memref<64x128xf32, #tpu.memory_space<vmem_shared>>
        %dma_wait3A_2833 = arith.constant 0 : i32
        %dma_wait3A_2834 = arith.constant 0 : i32
        %dma_wait3A_2835 = tpu.memref_slice %arg2[%add3A, %dma_wait3A_2833, %dma_wait3A_2834] : memref<32x64x128xf32, #tpu.memory_space<hbm>> -> memref<1x64x128xf32, #tpu.memory_space<hbm>>
        %dma_wait3A_2836 = tpu.memref_squeeze %dma_wait3A_2835 : memref<1x64x128xf32, #tpu.memory_space<hbm>> -> memref<64x128xf32, #tpu.memory_space<hbm>>
        tpu.wait_dma2 semaphore(%run_scoped3A_2820 : memref<!tpu.dma_semaphore, #tpu.memory_space<semaphore_mem>>) src(%dma_wait3A_2836 : memref<64x128xf32, #tpu.memory_space<hbm>>) dst(%dma_wait3A_2832 : memref<64x128xf32, #tpu.memory_space<vmem_shared>>)
        tpu.yield
      }) : () -> ()
      %run_scoped3A_2814 = arith.constant 10 : i32
      "tpu.region"() ({
        %run_scoped3A_2820 = tpu.sem_alloc : memref<!tpu.dma_semaphore, #tpu.memory_space<semaphore_mem>>
        %dma_start3A_2821 = arith.constant 0 : i32
        %dma_start3A_2822 = arith.constant 0 : i32
        %dma_start3A_2823 = tpu.memref_slice %arg9[%run_scoped3A_2814, %dma_start3A_2821, %dma_start3A_2822] : memref<16x64x128xf32, #tpu.memory_space<vmem_shared>> -> memref<1x64x128xf32, #tpu.memory_space<vmem_shared>>
        %dma_start3A_2824 = tpu.memref_squeeze %dma_start3A_2823 : memref<1x64x128xf32, #tpu.memory_space<vmem_shared>> -> memref<64x128xf32, #tpu.memory_space<vmem_shared>>
        %dma_start3A_2825 = arith.constant 0 : i32
        %dma_start3A_2826 = arith.constant 0 : i32
        %dma_start3A_2827 = tpu.memref_slice %arg2[%add3A, %dma_start3A_2825, %dma_start3A_2826] : memref<32x64x128xf32, #tpu.memory_space<hbm>> -> memref<1x64x128xf32, #tpu.memory_space<hbm>>
        %dma_start3A_2828 = tpu.memref_squeeze %dma_start3A_2827 : memref<1x64x128xf32, #tpu.memory_space<hbm>> -> memref<64x128xf32, #tpu.memory_space<hbm>>
        tpu.enqueue_dma source(%dma_start3A_2828 : memref<64x128xf32, #tpu.memory_space<hbm>>) target(%dma_start3A_2824 : memref<64x128xf32, #tpu.memory_space<vmem_shared>>) target_semaphore(%run_scoped3A_2820 : memref<!tpu.dma_semaphore, #tpu.memory_space<semaphore_mem>>)
        %dma_wait3A_2829 = arith.constant 0 : i32
        %dma_wait3A_2830 = arith.constant 0 : i32
        %dma_wait3A_2831 = tpu.memref_slice %arg9[%run_scoped3A_2814, %dma_wait3A_2829, %dma_wait3A_2830] : memref<16x64x128xf32, #tpu.memory_space<vmem_shared>> -> memref<1x64x128xf32, #tpu.memory_space<vmem_shared>>
        %dma_wait3A_2832 = tpu.memref_squeeze %dma_wait3A_2831 : memref<1x64x128xf32, #tpu.memory_space<vmem_shared>> -> memref<64x128xf32, #tpu.memory_space<vmem_shared>>
        %dma_wait3A_2833 = arith.constant 0 : i32
        %dma_wait3A_2834 = arith.constant 0 : i32
        %dma_wait3A_2835 = tpu.memref_slice %arg2[%add3A, %dma_wait3A_2833, %dma_wait3A_2834] : memref<32x64x128xf32, #tpu.memory_space<hbm>> -> memref<1x64x128xf32, #tpu.memory_space<hbm>>
        %dma_wait3A_2836 = tpu.memref_squeeze %dma_wait3A_2835 : memref<1x64x128xf32, #tpu.memory_space<hbm>> -> memref<64x128xf32, #tpu.memory_space<hbm>>
        tpu.wait_dma2 semaphore(%run_scoped3A_2820 : memref<!tpu.dma_semaphore, #tpu.memory_space<semaphore_mem>>) src(%dma_wait3A_2836 : memref<64x128xf32, #tpu.memory_space<hbm>>) dst(%dma_wait3A_2832 : memref<64x128xf32, #tpu.memory_space<vmem_shared>>)
        tpu.yield
      }) : () -> ()
      %run_scoped3A_2815 = arith.constant 11 : i32
      "tpu.region"() ({
        %run_scoped3A_2820 = tpu.sem_alloc : memref<!tpu.dma_semaphore, #tpu.memory_space<semaphore_mem>>
        %dma_start3A_2821 = arith.constant 0 : i32
        %dma_start3A_2822 = arith.constant 0 : i32
        %dma_start3A_2823 = tpu.memref_slice %arg9[%run_scoped3A_2815, %dma_start3A_2821, %dma_start3A_2822] : memref<16x64x128xf32, #tpu.memory_space<vmem_shared>> -> memref<1x64x128xf32, #tpu.memory_space<vmem_shared>>
        %dma_start3A_2824 = tpu.memref_squeeze %dma_start3A_2823 : memref<1x64x128xf32, #tpu.memory_space<vmem_shared>> -> memref<64x128xf32, #tpu.memory_space<vmem_shared>>
        %dma_start3A_2825 = arith.constant 0 : i32
        %dma_start3A_2826 = arith.constant 0 : i32
        %dma_start3A_2827 = tpu.memref_slice %arg2[%add3A, %dma_start3A_2825, %dma_start3A_2826] : memref<32x64x128xf32, #tpu.memory_space<hbm>> -> memref<1x64x128xf32, #tpu.memory_space<hbm>>
        %dma_start3A_2828 = tpu.memref_squeeze %dma_start3A_2827 : memref<1x64x128xf32, #tpu.memory_space<hbm>> -> memref<64x128xf32, #tpu.memory_space<hbm>>
        tpu.enqueue_dma source(%dma_start3A_2828 : memref<64x128xf32, #tpu.memory_space<hbm>>) target(%dma_start3A_2824 : memref<64x128xf32, #tpu.memory_space<vmem_shared>>) target_semaphore(%run_scoped3A_2820 : memref<!tpu.dma_semaphore, #tpu.memory_space<semaphore_mem>>)
        %dma_wait3A_2829 = arith.constant 0 : i32
        %dma_wait3A_2830 = arith.constant 0 : i32
        %dma_wait3A_2831 = tpu.memref_slice %arg9[%run_scoped3A_2815, %dma_wait3A_2829, %dma_wait3A_2830] : memref<16x64x128xf32, #tpu.memory_space<vmem_shared>> -> memref<1x64x128xf32, #tpu.memory_space<vmem_shared>>
        %dma_wait3A_2832 = tpu.memref_squeeze %dma_wait3A_2831 : memref<1x64x128xf32, #tpu.memory_space<vmem_shared>> -> memref<64x128xf32, #tpu.memory_space<vmem_shared>>
        %dma_wait3A_2833 = arith.constant 0 : i32
        %dma_wait3A_2834 = arith.constant 0 : i32
        %dma_wait3A_2835 = tpu.memref_slice %arg2[%add3A, %dma_wait3A_2833, %dma_wait3A_2834] : memref<32x64x128xf32, #tpu.memory_space<hbm>> -> memref<1x64x128xf32, #tpu.memory_space<hbm>>
        %dma_wait3A_2836 = tpu.memref_squeeze %dma_wait3A_2835 : memref<1x64x128xf32, #tpu.memory_space<hbm>> -> memref<64x128xf32, #tpu.memory_space<hbm>>
        tpu.wait_dma2 semaphore(%run_scoped3A_2820 : memref<!tpu.dma_semaphore, #tpu.memory_space<semaphore_mem>>) src(%dma_wait3A_2836 : memref<64x128xf32, #tpu.memory_space<hbm>>) dst(%dma_wait3A_2832 : memref<64x128xf32, #tpu.memory_space<vmem_shared>>)
        tpu.yield
      }) : () -> ()
      %run_scoped3A_2816 = arith.constant 12 : i32
      "tpu.region"() ({
        %run_scoped3A_2820 = tpu.sem_alloc : memref<!tpu.dma_semaphore, #tpu.memory_space<semaphore_mem>>
        %dma_start3A_2821 = arith.constant 0 : i32
        %dma_start3A_2822 = arith.constant 0 : i32
        %dma_start3A_2823 = tpu.memref_slice %arg9[%run_scoped3A_2816, %dma_start3A_2821, %dma_start3A_2822] : memref<16x64x128xf32, #tpu.memory_space<vmem_shared>> -> memref<1x64x128xf32, #tpu.memory_space<vmem_shared>>
        %dma_start3A_2824 = tpu.memref_squeeze %dma_start3A_2823 : memref<1x64x128xf32, #tpu.memory_space<vmem_shared>> -> memref<64x128xf32, #tpu.memory_space<vmem_shared>>
        %dma_start3A_2825 = arith.constant 0 : i32
        %dma_start3A_2826 = arith.constant 0 : i32
        %dma_start3A_2827 = tpu.memref_slice %arg2[%add3A, %dma_start3A_2825, %dma_start3A_2826] : memref<32x64x128xf32, #tpu.memory_space<hbm>> -> memref<1x64x128xf32, #tpu.memory_space<hbm>>
        %dma_start3A_2828 = tpu.memref_squeeze %dma_start3A_2827 : memref<1x64x128xf32, #tpu.memory_space<hbm>> -> memref<64x128xf32, #tpu.memory_space<hbm>>
        tpu.enqueue_dma source(%dma_start3A_2828 : memref<64x128xf32, #tpu.memory_space<hbm>>) target(%dma_start3A_2824 : memref<64x128xf32, #tpu.memory_space<vmem_shared>>) target_semaphore(%run_scoped3A_2820 : memref<!tpu.dma_semaphore, #tpu.memory_space<semaphore_mem>>)
        %dma_wait3A_2829 = arith.constant 0 : i32
        %dma_wait3A_2830 = arith.constant 0 : i32
        %dma_wait3A_2831 = tpu.memref_slice %arg9[%run_scoped3A_2816, %dma_wait3A_2829, %dma_wait3A_2830] : memref<16x64x128xf32, #tpu.memory_space<vmem_shared>> -> memref<1x64x128xf32, #tpu.memory_space<vmem_shared>>
        %dma_wait3A_2832 = tpu.memref_squeeze %dma_wait3A_2831 : memref<1x64x128xf32, #tpu.memory_space<vmem_shared>> -> memref<64x128xf32, #tpu.memory_space<vmem_shared>>
        %dma_wait3A_2833 = arith.constant 0 : i32
        %dma_wait3A_2834 = arith.constant 0 : i32
        %dma_wait3A_2835 = tpu.memref_slice %arg2[%add3A, %dma_wait3A_2833, %dma_wait3A_2834] : memref<32x64x128xf32, #tpu.memory_space<hbm>> -> memref<1x64x128xf32, #tpu.memory_space<hbm>>
        %dma_wait3A_2836 = tpu.memref_squeeze %dma_wait3A_2835 : memref<1x64x128xf32, #tpu.memory_space<hbm>> -> memref<64x128xf32, #tpu.memory_space<hbm>>
        tpu.wait_dma2 semaphore(%run_scoped3A_2820 : memref<!tpu.dma_semaphore, #tpu.memory_space<semaphore_mem>>) src(%dma_wait3A_2836 : memref<64x128xf32, #tpu.memory_space<hbm>>) dst(%dma_wait3A_2832 : memref<64x128xf32, #tpu.memory_space<vmem_shared>>)
        tpu.yield
      }) : () -> ()
      %run_scoped3A_2817 = arith.constant 13 : i32
      "tpu.region"() ({
        %run_scoped3A_2820 = tpu.sem_alloc : memref<!tpu.dma_semaphore, #tpu.memory_space<semaphore_mem>>
        %dma_start3A_2821 = arith.constant 0 : i32
        %dma_start3A_2822 = arith.constant 0 : i32
        %dma_start3A_2823 = tpu.memref_slice %arg9[%run_scoped3A_2817, %dma_start3A_2821, %dma_start3A_2822] : memref<16x64x128xf32, #tpu.memory_space<vmem_shared>> -> memref<1x64x128xf32, #tpu.memory_space<vmem_shared>>
        %dma_start3A_2824 = tpu.memref_squeeze %dma_start3A_2823 : memref<1x64x128xf32, #tpu.memory_space<vmem_shared>> -> memref<64x128xf32, #tpu.memory_space<vmem_shared>>
        %dma_start3A_2825 = arith.constant 0 : i32
        %dma_start3A_2826 = arith.constant 0 : i32
        %dma_start3A_2827 = tpu.memref_slice %arg2[%add3A, %dma_start3A_2825, %dma_start3A_2826] : memref<32x64x128xf32, #tpu.memory_space<hbm>> -> memref<1x64x128xf32, #tpu.memory_space<hbm>>
        %dma_start3A_2828 = tpu.memref_squeeze %dma_start3A_2827 : memref<1x64x128xf32, #tpu.memory_space<hbm>> -> memref<64x128xf32, #tpu.memory_space<hbm>>
        tpu.enqueue_dma source(%dma_start3A_2828 : memref<64x128xf32, #tpu.memory_space<hbm>>) target(%dma_start3A_2824 : memref<64x128xf32, #tpu.memory_space<vmem_shared>>) target_semaphore(%run_scoped3A_2820 : memref<!tpu.dma_semaphore, #tpu.memory_space<semaphore_mem>>)
        %dma_wait3A_2829 = arith.constant 0 : i32
        %dma_wait3A_2830 = arith.constant 0 : i32
        %dma_wait3A_2831 = tpu.memref_slice %arg9[%run_scoped3A_2817, %dma_wait3A_2829, %dma_wait3A_2830] : memref<16x64x128xf32, #tpu.memory_space<vmem_shared>> -> memref<1x64x128xf32, #tpu.memory_space<vmem_shared>>
        %dma_wait3A_2832 = tpu.memref_squeeze %dma_wait3A_2831 : memref<1x64x128xf32, #tpu.memory_space<vmem_shared>> -> memref<64x128xf32, #tpu.memory_space<vmem_shared>>
        %dma_wait3A_2833 = arith.constant 0 : i32
        %dma_wait3A_2834 = arith.constant 0 : i32
        %dma_wait3A_2835 = tpu.memref_slice %arg2[%add3A, %dma_wait3A_2833, %dma_wait3A_2834] : memref<32x64x128xf32, #tpu.memory_space<hbm>> -> memref<1x64x128xf32, #tpu.memory_space<hbm>>
        %dma_wait3A_2836 = tpu.memref_squeeze %dma_wait3A_2835 : memref<1x64x128xf32, #tpu.memory_space<hbm>> -> memref<64x128xf32, #tpu.memory_space<hbm>>
        tpu.wait_dma2 semaphore(%run_scoped3A_2820 : memref<!tpu.dma_semaphore, #tpu.memory_space<semaphore_mem>>) src(%dma_wait3A_2836 : memref<64x128xf32, #tpu.memory_space<hbm>>) dst(%dma_wait3A_2832 : memref<64x128xf32, #tpu.memory_space<vmem_shared>>)
        tpu.yield
      }) : () -> ()
      %run_scoped3A_2818 = arith.constant 14 : i32
      "tpu.region"() ({
        %run_scoped3A_2820 = tpu.sem_alloc : memref<!tpu.dma_semaphore, #tpu.memory_space<semaphore_mem>>
        %dma_start3A_2821 = arith.constant 0 : i32
        %dma_start3A_2822 = arith.constant 0 : i32
        %dma_start3A_2823 = tpu.memref_slice %arg9[%run_scoped3A_2818, %dma_start3A_2821, %dma_start3A_2822] : memref<16x64x128xf32, #tpu.memory_space<vmem_shared>> -> memref<1x64x128xf32, #tpu.memory_space<vmem_shared>>
        %dma_start3A_2824 = tpu.memref_squeeze %dma_start3A_2823 : memref<1x64x128xf32, #tpu.memory_space<vmem_shared>> -> memref<64x128xf32, #tpu.memory_space<vmem_shared>>
        %dma_start3A_2825 = arith.constant 0 : i32
        %dma_start3A_2826 = arith.constant 0 : i32
        %dma_start3A_2827 = tpu.memref_slice %arg2[%add3A, %dma_start3A_2825, %dma_start3A_2826] : memref<32x64x128xf32, #tpu.memory_space<hbm>> -> memref<1x64x128xf32, #tpu.memory_space<hbm>>
        %dma_start3A_2828 = tpu.memref_squeeze %dma_start3A_2827 : memref<1x64x128xf32, #tpu.memory_space<hbm>> -> memref<64x128xf32, #tpu.memory_space<hbm>>
        tpu.enqueue_dma source(%dma_start3A_2828 : memref<64x128xf32, #tpu.memory_space<hbm>>) target(%dma_start3A_2824 : memref<64x128xf32, #tpu.memory_space<vmem_shared>>) target_semaphore(%run_scoped3A_2820 : memref<!tpu.dma_semaphore, #tpu.memory_space<semaphore_mem>>)
        %dma_wait3A_2829 = arith.constant 0 : i32
        %dma_wait3A_2830 = arith.constant 0 : i32
        %dma_wait3A_2831 = tpu.memref_slice %arg9[%run_scoped3A_2818, %dma_wait3A_2829, %dma_wait3A_2830] : memref<16x64x128xf32, #tpu.memory_space<vmem_shared>> -> memref<1x64x128xf32, #tpu.memory_space<vmem_shared>>
        %dma_wait3A_2832 = tpu.memref_squeeze %dma_wait3A_2831 : memref<1x64x128xf32, #tpu.memory_space<vmem_shared>> -> memref<64x128xf32, #tpu.memory_space<vmem_shared>>
        %dma_wait3A_2833 = arith.constant 0 : i32
        %dma_wait3A_2834 = arith.constant 0 : i32
        %dma_wait3A_2835 = tpu.memref_slice %arg2[%add3A, %dma_wait3A_2833, %dma_wait3A_2834] : memref<32x64x128xf32, #tpu.memory_space<hbm>> -> memref<1x64x128xf32, #tpu.memory_space<hbm>>
        %dma_wait3A_2836 = tpu.memref_squeeze %dma_wait3A_2835 : memref<1x64x128xf32, #tpu.memory_space<hbm>> -> memref<64x128xf32, #tpu.memory_space<hbm>>
        tpu.wait_dma2 semaphore(%run_scoped3A_2820 : memref<!tpu.dma_semaphore, #tpu.memory_space<semaphore_mem>>) src(%dma_wait3A_2836 : memref<64x128xf32, #tpu.memory_space<hbm>>) dst(%dma_wait3A_2832 : memref<64x128xf32, #tpu.memory_space<vmem_shared>>)
        tpu.yield
      }) : () -> ()
      %run_scoped3A_2819 = arith.constant 15 : i32
      "tpu.region"() ({
        %run_scoped3A_2820 = tpu.sem_alloc : memref<!tpu.dma_semaphore, #tpu.memory_space<semaphore_mem>>
        %dma_start3A_2821 = arith.constant 0 : i32
        %dma_start3A_2822 = arith.constant 0 : i32
        %dma_start3A_2823 = tpu.memref_slice %arg9[%run_scoped3A_2819, %dma_start3A_2821, %dma_start3A_2822] : memref<16x64x128xf32, #tpu.memory_space<vmem_shared>> -> memref<1x64x128xf32, #tpu.memory_space<vmem_shared>>
        %dma_start3A_2824 = tpu.memref_squeeze %dma_start3A_2823 : memref<1x64x128xf32, #tpu.memory_space<vmem_shared>> -> memref<64x128xf32, #tpu.memory_space<vmem_shared>>
        %dma_start3A_2825 = arith.constant 0 : i32
        %dma_start3A_2826 = arith.constant 0 : i32
        %dma_start3A_2827 = tpu.memref_slice %arg2[%add3A, %dma_start3A_2825, %dma_start3A_2826] : memref<32x64x128xf32, #tpu.memory_space<hbm>> -> memref<1x64x128xf32, #tpu.memory_space<hbm>>
        %dma_start3A_2828 = tpu.memref_squeeze %dma_start3A_2827 : memref<1x64x128xf32, #tpu.memory_space<hbm>> -> memref<64x128xf32, #tpu.memory_space<hbm>>
        tpu.enqueue_dma source(%dma_start3A_2828 : memref<64x128xf32, #tpu.memory_space<hbm>>) target(%dma_start3A_2824 : memref<64x128xf32, #tpu.memory_space<vmem_shared>>) target_semaphore(%run_scoped3A_2820 : memref<!tpu.dma_semaphore, #tpu.memory_space<semaphore_mem>>)
        %dma_wait3A_2829 = arith.constant 0 : i32
        %dma_wait3A_2830 = arith.constant 0 : i32
        %dma_wait3A_2831 = tpu.memref_slice %arg9[%run_scoped3A_2819, %dma_wait3A_2829, %dma_wait3A_2830] : memref<16x64x128xf32, #tpu.memory_space<vmem_shared>> -> memref<1x64x128xf32, #tpu.memory_space<vmem_shared>>
        %dma_wait3A_2832 = tpu.memref_squeeze %dma_wait3A_2831 : memref<1x64x128xf32, #tpu.memory_space<vmem_shared>> -> memref<64x128xf32, #tpu.memory_space<vmem_shared>>
        %dma_wait3A_2833 = arith.constant 0 : i32
        %dma_wait3A_2834 = arith.constant 0 : i32
        %dma_wait3A_2835 = tpu.memref_slice %arg2[%add3A, %dma_wait3A_2833, %dma_wait3A_2834] : memref<32x64x128xf32, #tpu.memory_space<hbm>> -> memref<1x64x128xf32, #tpu.memory_space<hbm>>
        %dma_wait3A_2836 = tpu.memref_squeeze %dma_wait3A_2835 : memref<1x64x128xf32, #tpu.memory_space<hbm>> -> memref<64x128xf32, #tpu.memory_space<hbm>>
        tpu.wait_dma2 semaphore(%run_scoped3A_2820 : memref<!tpu.dma_semaphore, #tpu.memory_space<semaphore_mem>>) src(%dma_wait3A_2836 : memref<64x128xf32, #tpu.memory_space<hbm>>) dst(%dma_wait3A_2832 : memref<64x128xf32, #tpu.memory_space<vmem_shared>>)
        tpu.yield
      }) : () -> ()
    } else {
    }
    %barrier3A = arith.constant 0 : index
    tpu.barrier barrier_id(%barrier3A)
    %multiple_of3A = tpu.assume_multiple %add3A_4, 160 : i32
    "tpu.region"() ({
      %run_scoped3A = tpu.sem_alloc : memref<!tpu.dma_semaphore, #tpu.memory_space<semaphore_mem>>
      %dma_start3A_2805 = tpu.memref_slice %arg3[%multiple_of3A] : memref<819200xi32, #tpu.memory_space<hbm>> -> memref<6400xi32, #tpu.memory_space<hbm>>
      %dma_start3A_2806 = tpu.memref_slice %arg3[%multiple_of3A] : memref<819200xi32, #tpu.memory_space<hbm>> -> memref<6400xi32, #tpu.memory_space<hbm>>
      tpu.enqueue_dma source(%dma_start3A_2806 : memref<6400xi32, #tpu.memory_space<hbm>>) target(%arg6 : memref<6400xi32, #tpu.memory_space<vmem>>) target_semaphore(%run_scoped3A : memref<!tpu.dma_semaphore, #tpu.memory_space<semaphore_mem>>)
      %dma_wait3A_2807 = tpu.memref_slice %arg3[%multiple_of3A] : memref<819200xi32, #tpu.memory_space<hbm>> -> memref<6400xi32, #tpu.memory_space<hbm>>
      %dma_wait3A_2808 = tpu.memref_slice %arg3[%multiple_of3A] : memref<819200xi32, #tpu.memory_space<hbm>> -> memref<6400xi32, #tpu.memory_space<hbm>>
      tpu.wait_dma2 semaphore(%run_scoped3A : memref<!tpu.dma_semaphore, #tpu.memory_space<semaphore_mem>>) src(%dma_wait3A_2808 : memref<6400xi32, #tpu.memory_space<hbm>>) dst(%arg6 : memref<6400xi32, #tpu.memory_space<vmem>>)
      tpu.yield
    }) : () -> ()
    %get3A = arith.constant 0 : index
    %get3A_38 = tpu.vector_load %arg6[%get3A] {strides = array<i32>} : memref<6400xi32, #tpu.memory_space<vmem>>, vector<16xi32>,
    %get3A_39 = vector.shape_cast %get3A_38 : vector<16xi32> to vector<16xi32>
    %get3A_40 = arith.constant 16 : index
    %get3A_41 = tpu.vector_load %arg6[%get3A_40] {strides = array<i32>} : memref<6400xi32, #tpu.memory_space<vmem>>, vector<16xi32>,
    %get3A_42 = vector.shape_cast %get3A_41 : vector<16xi32> to vector<16xi32>
    %lt3A_43 = arith.constant 0 : i32
    %lt3A_44 = vector.broadcast %lt3A_43 : i32 to vector<16xi32>
    %lt3A_45 = arith.cmpi slt, %select_n3A_31, %lt3A_44 : vector<16xi32>
    %add3A_46 = arith.constant 16 : i32
    %add3A_47 = vector.broadcast %add3A_46 : i32 to vector<16xi32>
    %add3A_48 = arith.addi %select_n3A_31, %add3A_47 : vector<16xi32>
    %select_n3A_49 = arith.select %lt3A_45, %add3A_48, %select_n3A_31 : vector<16xi1>, vector<16xi32>
    %broadcast_in_dim3A = vector.shape_cast %select_n3A_49 : vector<16xi32> to vector<16x1xi32>
    %gather3A = vector.shape_cast %broadcast_in_dim3A : vector<16x1xi32> to vector<16xi32>
    %gather3A_50 = tpu.dynamic_gather %get3A_39[%gather3A] in [0] : vector<16xi32>, vector<16xi32> -> vector<16xi32>
    %lt3A_51 = arith.constant 0 : i32
    %lt3A_52 = vector.broadcast %lt3A_51 : i32 to vector<16xi32>
    %lt3A_53 = arith.cmpi slt, %select_n3A_31, %lt3A_52 : vector<16xi32>
    %add3A_54 = arith.constant 16 : i32
    %add3A_55 = vector.broadcast %add3A_54 : i32 to vector<16xi32>
    %add3A_56 = arith.addi %select_n3A_31, %add3A_55 : vector<16xi32>
    %select_n3A_57 = arith.select %lt3A_53, %add3A_56, %select_n3A_31 : vector<16xi1>, vector<16xi32>
    %broadcast_in_dim3A_58 = vector.shape_cast %select_n3A_57 : vector<16xi32> to vector<16x1xi32>
    %gather3A_59 = vector.shape_cast %broadcast_in_dim3A_58 : vector<16x1xi32> to vector<16xi32>
    %gather3A_60 = tpu.dynamic_gather %get3A_42[%gather3A_59] in [0] : vector<16xi32>, vector<16xi32> -> vector<16xi32>
    %select_n3A_61 = arith.select %lt3A_8, %gather3A_50, %gather3A_60 : vector<16xi1>, vector<16xi32>
    %lt3A_62 = arith.constant 0 : i32
    %lt3A_63 = vector.broadcast %lt3A_62 : i32 to vector<16xi32>
    %lt3A_64 = arith.cmpi slt, %add3A_34, %lt3A_63 : vector<16xi32>
    %add3A_65 = arith.constant 16 : i32
    %add3A_66 = vector.broadcast %add3A_65 : i32 to vector<16xi32>
    %add3A_67 = arith.addi %add3A_34, %add3A_66 : vector<16xi32>
    %select_n3A_68 = arith.select %lt3A_64, %add3A_67, %add3A_34 : vector<16xi1>, vector<16xi32>
    %broadcast_in_dim3A_69 = vector.shape_cast %select_n3A_68 : vector<16xi32> to vector<16x1xi32>
    %gather3A_70 = vector.shape_cast %broadcast_in_dim3A_69 : vector<16x1xi32> to vector<16xi32>
    %gather3A_71 = tpu.dynamic_gather %get3A_39[%gather3A_70] in [0] : vector<16xi32>, vector<16xi32> -> vector<16xi32>
    %lt3A_72 = arith.constant 0 : i32
    %lt3A_73 = vector.broadcast %lt3A_72 : i32 to vector<16xi32>
    %lt3A_74 = arith.cmpi slt, %add3A_34, %lt3A_73 : vector<16xi32>
    %add3A_75 = arith.constant 16 : i32
    %add3A_76 = vector.broadcast %add3A_75 : i32 to vector<16xi32>
    %add3A_77 = arith.addi %add3A_34, %add3A_76 : vector<16xi32>
    %select_n3A_78 = arith.select %lt3A_74, %add3A_77, %add3A_34 : vector<16xi1>, vector<16xi32>
    %broadcast_in_dim3A_79 = vector.shape_cast %select_n3A_78 : vector<16xi32> to vector<16x1xi32>
    %gather3A_80 = vector.shape_cast %broadcast_in_dim3A_79 : vector<16x1xi32> to vector<16xi32>
    %gather3A_81 = tpu.dynamic_gather %get3A_42[%gather3A_80] in [0] : vector<16xi32>, vector<16xi32> -> vector<16xi32>
    %select_n3A_82 = arith.select %lt3A_8, %gather3A_71, %gather3A_81 : vector<16xi1>, vector<16xi32>
    %mul3A_83 = arith.constant 8 : i32
    %mul3A_84 = vector.broadcast %mul3A_83 : i32 to vector<16xi32>
    %mul3A_85 = arith.muli %select_n3A_61, %mul3A_84 : vector<16xi32>
    %add3A_86 = arith.addi %mul3A_85, %select_n3A_82 : vector<16xi32>
    %swap3A = arith.constant 0 : i32
    %swap3A_87 = arith.index_cast %swap3A : i32 to index
    %swap3A_88 = arith.constant 0 : index
    %swap3A_89 = tpu.vector_load %arg7[%swap3A_87, %swap3A_88] {strides = array<i32>} : memref<4x80xi32, #tpu.memory_space<vmem>>, vector<1x16xi32>,
    %swap3A_90 = vector.shape_cast %swap3A_89 : vector<1x16xi32> to vector<16xi32>
    %swap3A_91 = vector.shape_cast %add3A_86 : vector<16xi32> to vector<1x16xi32>
    tpu.vector_store %arg7[%swap3A_87, %swap3A_88], %swap3A_91 {strides = array<i32>} : memref<4x80xi32, #tpu.memory_space<vmem>>, vector<1x16xi32>,
    %get3A_92 = arith.constant 32 : index
    %get3A_93 = tpu.vector_load %arg6[%get3A_92] {strides = array<i32>} : memref<6400xi32, #tpu.memory_space<vmem>>, vector<16xi32>,
    %get3A_94 = vector.shape_cast %get3A_93 : vector<16xi32> to vector<16xi32>
    %get3A_95 = arith.constant 48 : index
    %get3A_96 = tpu.vector_load %arg6[%get3A_95] {strides = array<i32>} : memref<6400xi32, #tpu.memory_space<vmem>>, vector<16xi32>,
    %get3A_97 = vector.shape_cast %get3A_96 : vector<16xi32> to vector<16xi32>
    %lt3A_98 = arith.constant 0 : i32
    %lt3A_99 = vector.broadcast %lt3A_98 : i32 to vector<16xi32>
    %lt3A_100 = arith.cmpi slt, %select_n3A_31, %lt3A_99 : vector<16xi32>
    %add3A_101 = arith.constant 16 : i32
    %add3A_102 = vector.broadcast %add3A_101 : i32 to vector<16xi32>
    %add3A_103 = arith.addi %select_n3A_31, %add3A_102 : vector<16xi32>
    %select_n3A_104 = arith.select %lt3A_100, %add3A_103, %select_n3A_31 : vector<16xi1>, vector<16xi32>
    %broadcast_in_dim3A_105 = vector.shape_cast %select_n3A_104 : vector<16xi32> to vector<16x1xi32>
    %gather3A_106 = vector.shape_cast %broadcast_in_dim3A_105 : vector<16x1xi32> to vector<16xi32>
    %gather3A_107 = tpu.dynamic_gather %get3A_94[%gather3A_106] in [0] : vector<16xi32>, vector<16xi32> -> vector<16xi32>
    %lt3A_108 = arith.constant 0 : i32
    %lt3A_109 = vector.broadcast %lt3A_108 : i32 to vector<16xi32>
    %lt3A_110 = arith.cmpi slt, %select_n3A_31, %lt3A_109 : vector<16xi32>
    %add3A_111 = arith.constant 16 : i32
    %add3A_112 = vector.broadcast %add3A_111 : i32 to vector<16xi32>
    %add3A_113 = arith.addi %select_n3A_31, %add3A_112 : vector<16xi32>
    %select_n3A_114 = arith.select %lt3A_110, %add3A_113, %select_n3A_31 : vector<16xi1>, vector<16xi32>
    %broadcast_in_dim3A_115 = vector.shape_cast %select_n3A_114 : vector<16xi32> to vector<16x1xi32>
    %gather3A_116 = vector.shape_cast %broadcast_in_dim3A_115 : vector<16x1xi32> to vector<16xi32>
    %gather3A_117 = tpu.dynamic_gather %get3A_97[%gather3A_116] in [0] : vector<16xi32>, vector<16xi32> -> vector<16xi32>
    %select_n3A_118 = arith.select %lt3A_8, %gather3A_107, %gather3A_117 : vector<16xi1>, vector<16xi32>
    %lt3A_119 = arith.constant 0 : i32
    %lt3A_120 = vector.broadcast %lt3A_119 : i32 to vector<16xi32>
    %lt3A_121 = arith.cmpi slt, %add3A_34, %lt3A_120 : vector<16xi32>
    %add3A_122 = arith.constant 16 : i32
    %add3A_123 = vector.broadcast %add3A_122 : i32 to vector<16xi32>
    %add3A_124 = arith.addi %add3A_34, %add3A_123 : vector<16xi32>
    %select_n3A_125 = arith.select %lt3A_121, %add3A_124, %add3A_34 : vector<16xi1>, vector<16xi32>
    %broadcast_in_dim3A_126 = vector.shape_cast %select_n3A_125 : vector<16xi32> to vector<16x1xi32>
    %gather3A_127 = vector.shape_cast %broadcast_in_dim3A_126 : vector<16x1xi32> to vector<16xi32>
    %gather3A_128 = tpu.dynamic_gather %get3A_94[%gather3A_127] in [0] : vector<16xi32>, vector<16xi32> -> vector<16xi32>
    %lt3A_129 = arith.constant 0 : i32
    %lt3A_130 = vector.broadcast %lt3A_129 : i32 to vector<16xi32>
    %lt3A_131 = arith.cmpi slt, %add3A_34, %lt3A_130 : vector<16xi32>
    %add3A_132 = arith.constant 16 : i32
    %add3A_133 = vector.broadcast %add3A_132 : i32 to vector<16xi32>
    %add3A_134 = arith.addi %add3A_34, %add3A_133 : vector<16xi32>
    %select_n3A_135 = arith.select %lt3A_131, %add3A_134, %add3A_34 : vector<16xi1>, vector<16xi32>
    %broadcast_in_dim3A_136 = vector.shape_cast %select_n3A_135 : vector<16xi32> to vector<16x1xi32>
    %gather3A_137 = vector.shape_cast %broadcast_in_dim3A_136 : vector<16x1xi32> to vector<16xi32>
    %gather3A_138 = tpu.dynamic_gather %get3A_97[%gather3A_137] in [0] : vector<16xi32>, vector<16xi32> -> vector<16xi32>
    %select_n3A_139 = arith.select %lt3A_8, %gather3A_128, %gather3A_138 : vector<16xi1>, vector<16xi32>
    %mul3A_140 = arith.constant 8 : i32
    %mul3A_141 = vector.broadcast %mul3A_140 : i32 to vector<16xi32>
    %mul3A_142 = arith.muli %select_n3A_118, %mul3A_141 : vector<16xi32>
    %add3A_143 = arith.addi %mul3A_142, %select_n3A_139 : vector<16xi32>
    %swap3A_144 = arith.constant 0 : i32
    %swap3A_145 = arith.index_cast %swap3A_144 : i32 to index
    %swap3A_146 = arith.constant 16 : index
    %swap3A_147 = tpu.vector_load %arg7[%swap3A_145, %swap3A_146] {strides = array<i32>} : memref<4x80xi32, #tpu.memory_space<vmem>>, vector<1x16xi32>,
    %swap3A_148 = vector.shape_cast %swap3A_147 : vector<1x16xi32> to vector<16xi32>
    %swap3A_149 = vector.shape_cast %add3A_143 : vector<16xi32> to vector<1x16xi32>
    tpu.vector_store %arg7[%swap3A_145, %swap3A_146], %swap3A_149 {strides = array<i32>} : memref<4x80xi32, #tpu.memory_space<vmem>>, vector<1x16xi32>,
    %get3A_150 = arith.constant 64 : index
    %get3A_151 = tpu.vector_load %arg6[%get3A_150] {strides = array<i32>} : memref<6400xi32, #tpu.memory_space<vmem>>, vector<16xi32>,
    %get3A_152 = vector.shape_cast %get3A_151 : vector<16xi32> to vector<16xi32>
    %get3A_153 = arith.constant 80 : index
    %get3A_154 = tpu.vector_load %arg6[%get3A_153] {strides = array<i32>} : memref<6400xi32, #tpu.memory_space<vmem>>, vector<16xi32>,
    %get3A_155 = vector.shape_cast %get3A_154 : vector<16xi32> to vector<16xi32>
    %lt3A_156 = arith.constant 0 : i32
    %lt3A_157 = vector.broadcast %lt3A_156 : i32 to vector<16xi32>
    %lt3A_158 = arith.cmpi slt, %select_n3A_31, %lt3A_157 : vector<16xi32>
    %add3A_159 = arith.constant 16 : i32
    %add3A_160 = vector.broadcast %add3A_159 : i32 to vector<16xi32>
    %add3A_161 = arith.addi %select_n3A_31, %add3A_160 : vector<16xi32>
    %select_n3A_162 = arith.select %lt3A_158, %add3A_161, %select_n3A_31 : vector<16xi1>, vector<16xi32>
    %broadcast_in_dim3A_163 = vector.shape_cast %select_n3A_162 : vector<16xi32> to vector<16x1xi32>
    %gather3A_164 = vector.shape_cast %broadcast_in_dim3A_163 : vector<16x1xi32> to vector<16xi32>
    %gather3A_165 = tpu.dynamic_gather %get3A_152[%gather3A_164] in [0] : vector<16xi32>, vector<16xi32> -> vector<16xi32>
    %lt3A_166 = arith.constant 0 : i32
    %lt3A_167 = vector.broadcast %lt3A_166 : i32 to vector<16xi32>
    %lt3A_168 = arith.cmpi slt, %select_n3A_31, %lt3A_167 : vector<16xi32>
    %add3A_169 = arith.constant 16 : i32
    %add3A_170 = vector.broadcast %add3A_169 : i32 to vector<16xi32>
    %add3A_171 = arith.addi %select_n3A_31, %add3A_170 : vector<16xi32>
    %select_n3A_172 = arith.select %lt3A_168, %add3A_171, %select_n3A_31 : vector<16xi1>, vector<16xi32>
    %broadcast_in_dim3A_173 = vector.shape_cast %select_n3A_172 : vector<16xi32> to vector<16x1xi32>
    %gather3A_174 = vector.shape_cast %broadcast_in_dim3A_173 : vector<16x1xi32> to vector<16xi32>
    %gather3A_175 = tpu.dynamic_gather %get3A_155[%gather3A_174] in [0] : vector<16xi32>, vector<16xi32> -> vector<16xi32>
    %select_n3A_176 = arith.select %lt3A_8, %gather3A_165, %gather3A_175 : vector<16xi1>, vector<16xi32>
    %lt3A_177 = arith.constant 0 : i32
    %lt3A_178 = vector.broadcast %lt3A_177 : i32 to vector<16xi32>
    %lt3A_179 = arith.cmpi slt, %add3A_34, %lt3A_178 : vector<16xi32>
    %add3A_180 = arith.constant 16 : i32
    %add3A_181 = vector.broadcast %add3A_180 : i32 to vector<16xi32>
    %add3A_182 = arith.addi %add3A_34, %add3A_181 : vector<16xi32>
    %select_n3A_183 = arith.select %lt3A_179, %add3A_182, %add3A_34 : vector<16xi1>, vector<16xi32>
    %broadcast_in_dim3A_184 = vector.shape_cast %select_n3A_183 : vector<16xi32> to vector<16x1xi32>
    %gather3A_185 = vector.shape_cast %broadcast_in_dim3A_184 : vector<16x1xi32> to vector<16xi32>
    %gather3A_186 = tpu.dynamic_gather %get3A_152[%gather3A_185] in [0] : vector<16xi32>, vector<16xi32> -> vector<16xi32>
    %lt3A_187 = arith.constant 0 : i32
    %lt3A_188 = vector.broadcast %lt3A_187 : i32 to vector<16xi32>
    %lt3A_189 = arith.cmpi slt, %add3A_34, %lt3A_188 : vector<16xi32>
    %add3A_190 = arith.constant 16 : i32
    %add3A_191 = vector.broadcast %add3A_190 : i32 to vector<16xi32>
    %add3A_192 = arith.addi %add3A_34, %add3A_191 : vector<16xi32>
    %select_n3A_193 = arith.select %lt3A_189, %add3A_192, %add3A_34 : vector<16xi1>, vector<16xi32>
    %broadcast_in_dim3A_194 = vector.shape_cast %select_n3A_193 : vector<16xi32> to vector<16x1xi32>
    %gather3A_195 = vector.shape_cast %broadcast_in_dim3A_194 : vector<16x1xi32> to vector<16xi32>
    %gather3A_196 = tpu.dynamic_gather %get3A_155[%gather3A_195] in [0] : vector<16xi32>, vector<16xi32> -> vector<16xi32>
    %select_n3A_197 = arith.select %lt3A_8, %gather3A_186, %gather3A_196 : vector<16xi1>, vector<16xi32>
    %mul3A_198 = arith.constant 8 : i32
    %mul3A_199 = vector.broadcast %mul3A_198 : i32 to vector<16xi32>
    %mul3A_200 = arith.muli %select_n3A_176, %mul3A_199 : vector<16xi32>
    %add3A_201 = arith.addi %mul3A_200, %select_n3A_197 : vector<16xi32>
    %swap3A_202 = arith.constant 0 : i32
    %swap3A_203 = arith.index_cast %swap3A_202 : i32 to index
    %swap3A_204 = arith.constant 32 : index
    %swap3A_205 = tpu.vector_load %arg7[%swap3A_203, %swap3A_204] {strides = array<i32>} : memref<4x80xi32, #tpu.memory_space<vmem>>, vector<1x16xi32>,
    %swap3A_206 = vector.shape_cast %swap3A_205 : vector<1x16xi32> to vector<16xi32>
    %swap3A_207 = vector.shape_cast %add3A_201 : vector<16xi32> to vector<1x16xi32>
    tpu.vector_store %arg7[%swap3A_203, %swap3A_204], %swap3A_207 {strides = array<i32>} : memref<4x80xi32, #tpu.memory_space<vmem>>, vector<1x16xi32>,
    %get3A_208 = arith.constant 96 : index
    %get3A_209 = tpu.vector_load %arg6[%get3A_208] {strides = array<i32>} : memref<6400xi32, #tpu.memory_space<vmem>>, vector<16xi32>,
    %get3A_210 = vector.shape_cast %get3A_209 : vector<16xi32> to vector<16xi32>
    %get3A_211 = arith.constant 112 : index
    %get3A_212 = tpu.vector_load %arg6[%get3A_211] {strides = array<i32>} : memref<6400xi32, #tpu.memory_space<vmem>>, vector<16xi32>,
    %get3A_213 = vector.shape_cast %get3A_212 : vector<16xi32> to vector<16xi32>
    %lt3A_214 = arith.constant 0 : i32
    %lt3A_215 = vector.broadcast %lt3A_214 : i32 to vector<16xi32>
    %lt3A_216 = arith.cmpi slt, %select_n3A_31, %lt3A_215 : vector<16xi32>
    %add3A_217 = arith.constant 16 : i32
    %add3A_218 = vector.broadcast %add3A_217 : i32 to vector<16xi32>
    %add3A_219 = arith.addi %select_n3A_31, %add3A_218 : vector<16xi32>
    %select_n3A_220 = arith.select %lt3A_216, %add3A_219, %select_n3A_31 : vector<16xi1>, vector<16xi32>
    %broadcast_in_dim3A_221 = vector.shape_cast %select_n3A_220 : vector<16xi32> to vector<16x1xi32>
    %gather3A_222 = vector.shape_cast %broadcast_in_dim3A_221 : vector<16x1xi32> to vector<16xi32>
    %gather3A_223 = tpu.dynamic_gather %get3A_210[%gather3A_222] in [0] : vector<16xi32>, vector<16xi32> -> vector<16xi32>
    %lt3A_224 = arith.constant 0 : i32
    %lt3A_225 = vector.broadcast %lt3A_224 : i32 to vector<16xi32>
    %lt3A_226 = arith.cmpi slt, %select_n3A_31, %lt3A_225 : vector<16xi32>
    %add3A_227 = arith.constant 16 : i32
    %add3A_228 = vector.broadcast %add3A_227 : i32 to vector<16xi32>
    %add3A_229 = arith.addi %select_n3A_31, %add3A_228 : vector<16xi32>
    %select_n3A_230 = arith.select %lt3A_226, %add3A_229, %select_n3A_31 : vector<16xi1>, vector<16xi32>
    %broadcast_in_dim3A_231 = vector.shape_cast %select_n3A_230 : vector<16xi32> to vector<16x1xi32>
    %gather3A_232 = vector.shape_cast %broadcast_in_dim3A_231 : vector<16x1xi32> to vector<16xi32>
    %gather3A_233 = tpu.dynamic_gather %get3A_213[%gather3A_232] in [0] : vector<16xi32>, vector<16xi32> -> vector<16xi32>
    %select_n3A_234 = arith.select %lt3A_8, %gather3A_223, %gather3A_233 : vector<16xi1>, vector<16xi32>
    %lt3A_235 = arith.constant 0 : i32
    %lt3A_236 = vector.broadcast %lt3A_235 : i32 to vector<16xi32>
    %lt3A_237 = arith.cmpi slt, %add3A_34, %lt3A_236 : vector<16xi32>
    %add3A_238 = arith.constant 16 : i32
    %add3A_239 = vector.broadcast %add3A_238 : i32 to vector<16xi32>
    %add3A_240 = arith.addi %add3A_34, %add3A_239 : vector<16xi32>
    %select_n3A_241 = arith.select %lt3A_237, %add3A_240, %add3A_34 : vector<16xi1>, vector<16xi32>
    %broadcast_in_dim3A_242 = vector.shape_cast %select_n3A_241 : vector<16xi32> to vector<16x1xi32>
    %gather3A_243 = vector.shape_cast %broadcast_in_dim3A_242 : vector<16x1xi32> to vector<16xi32>
    %gather3A_244 = tpu.dynamic_gather %get3A_210[%gather3A_243] in [0] : vector<16xi32>, vector<16xi32> -> vector<16xi32>
    %lt3A_245 = arith.constant 0 : i32
    %lt3A_246 = vector.broadcast %lt3A_245 : i32 to vector<16xi32>
    %lt3A_247 = arith.cmpi slt, %add3A_34, %lt3A_246 : vector<16xi32>
    %add3A_248 = arith.constant 16 : i32
    %add3A_249 = vector.broadcast %add3A_248 : i32 to vector<16xi32>
    %add3A_250 = arith.addi %add3A_34, %add3A_249 : vector<16xi32>
    %select_n3A_251 = arith.select %lt3A_247, %add3A_250, %add3A_34 : vector<16xi1>, vector<16xi32>
    %broadcast_in_dim3A_252 = vector.shape_cast %select_n3A_251 : vector<16xi32> to vector<16x1xi32>
    %gather3A_253 = vector.shape_cast %broadcast_in_dim3A_252 : vector<16x1xi32> to vector<16xi32>
    %gather3A_254 = tpu.dynamic_gather %get3A_213[%gather3A_253] in [0] : vector<16xi32>, vector<16xi32> -> vector<16xi32>
    %select_n3A_255 = arith.select %lt3A_8, %gather3A_244, %gather3A_254 : vector<16xi1>, vector<16xi32>
    %mul3A_256 = arith.constant 8 : i32
    %mul3A_257 = vector.broadcast %mul3A_256 : i32 to vector<16xi32>
    %mul3A_258 = arith.muli %select_n3A_234, %mul3A_257 : vector<16xi32>
    %add3A_259 = arith.addi %mul3A_258, %select_n3A_255 : vector<16xi32>
    %swap3A_260 = arith.constant 0 : i32
    %swap3A_261 = arith.index_cast %swap3A_260 : i32 to index
    %swap3A_262 = arith.constant 48 : index
    %swap3A_263 = tpu.vector_load %arg7[%swap3A_261, %swap3A_262] {strides = array<i32>} : memref<4x80xi32, #tpu.memory_space<vmem>>, vector<1x16xi32>,
    %swap3A_264 = vector.shape_cast %swap3A_263 : vector<1x16xi32> to vector<16xi32>
    %swap3A_265 = vector.shape_cast %add3A_259 : vector<16xi32> to vector<1x16xi32>
    tpu.vector_store %arg7[%swap3A_261, %swap3A_262], %swap3A_265 {strides = array<i32>} : memref<4x80xi32, #tpu.memory_space<vmem>>, vector<1x16xi32>,
    %get3A_266 = arith.constant 128 : index
    %get3A_267 = tpu.vector_load %arg6[%get3A_266] {strides = array<i32>} : memref<6400xi32, #tpu.memory_space<vmem>>, vector<16xi32>,
    %get3A_268 = vector.shape_cast %get3A_267 : vector<16xi32> to vector<16xi32>
    %get3A_269 = arith.constant 144 : index
    %get3A_270 = tpu.vector_load %arg6[%get3A_269] {strides = array<i32>} : memref<6400xi32, #tpu.memory_space<vmem>>, vector<16xi32>,
    %get3A_271 = vector.shape_cast %get3A_270 : vector<16xi32> to vector<16xi32>
    %lt3A_272 = arith.constant 0 : i32
    %lt3A_273 = vector.broadcast %lt3A_272 : i32 to vector<16xi32>
    %lt3A_274 = arith.cmpi slt, %select_n3A_31, %lt3A_273 : vector<16xi32>
    %add3A_275 = arith.constant 16 : i32
    %add3A_276 = vector.broadcast %add3A_275 : i32 to vector<16xi32>
    %add3A_277 = arith.addi %select_n3A_31, %add3A_276 : vector<16xi32>
    %select_n3A_278 = arith.select %lt3A_274, %add3A_277, %select_n3A_31 : vector<16xi1>, vector<16xi32>
    %broadcast_in_dim3A_279 = vector.shape_cast %select_n3A_278 : vector<16xi32> to vector<16x1xi32>
    %gather3A_280 = vector.shape_cast %broadcast_in_dim3A_279 : vector<16x1xi32> to vector<16xi32>
    %gather3A_281 = tpu.dynamic_gather %get3A_268[%gather3A_280] in [0] : vector<16xi32>, vector<16xi32> -> vector<16xi32>
    %lt3A_282 = arith.constant 0 : i32
    %lt3A_283 = vector.broadcast %lt3A_282 : i32 to vector<16xi32>
    %lt3A_284 = arith.cmpi slt, %select_n3A_31, %lt3A_283 : vector<16xi32>
    %add3A_285 = arith.constant 16 : i32
    %add3A_286 = vector.broadcast %add3A_285 : i32 to vector<16xi32>
    %add3A_287 = arith.addi %select_n3A_31, %add3A_286 : vector<16xi32>
    %select_n3A_288 = arith.select %lt3A_284, %add3A_287, %select_n3A_31 : vector<16xi1>, vector<16xi32>
    %broadcast_in_dim3A_289 = vector.shape_cast %select_n3A_288 : vector<16xi32> to vector<16x1xi32>
    %gather3A_290 = vector.shape_cast %broadcast_in_dim3A_289 : vector<16x1xi32> to vector<16xi32>
    %gather3A_291 = tpu.dynamic_gather %get3A_271[%gather3A_290] in [0] : vector<16xi32>, vector<16xi32> -> vector<16xi32>
    %select_n3A_292 = arith.select %lt3A_8, %gather3A_281, %gather3A_291 : vector<16xi1>, vector<16xi32>
    %lt3A_293 = arith.constant 0 : i32
    %lt3A_294 = vector.broadcast %lt3A_293 : i32 to vector<16xi32>
    %lt3A_295 = arith.cmpi slt, %add3A_34, %lt3A_294 : vector<16xi32>
    %add3A_296 = arith.constant 16 : i32
    %add3A_297 = vector.broadcast %add3A_296 : i32 to vector<16xi32>
    %add3A_298 = arith.addi %add3A_34, %add3A_297 : vector<16xi32>
    %select_n3A_299 = arith.select %lt3A_295, %add3A_298, %add3A_34 : vector<16xi1>, vector<16xi32>
    %broadcast_in_dim3A_300 = vector.shape_cast %select_n3A_299 : vector<16xi32> to vector<16x1xi32>
    %gather3A_301 = vector.shape_cast %broadcast_in_dim3A_300 : vector<16x1xi32> to vector<16xi32>
    %gather3A_302 = tpu.dynamic_gather %get3A_268[%gather3A_301] in [0] : vector<16xi32>, vector<16xi32> -> vector<16xi32>
    %lt3A_303 = arith.constant 0 : i32
    %lt3A_304 = vector.broadcast %lt3A_303 : i32 to vector<16xi32>
    %lt3A_305 = arith.cmpi slt, %add3A_34, %lt3A_304 : vector<16xi32>
    %add3A_306 = arith.constant 16 : i32
    %add3A_307 = vector.broadcast %add3A_306 : i32 to vector<16xi32>
    %add3A_308 = arith.addi %add3A_34, %add3A_307 : vector<16xi32>
    %select_n3A_309 = arith.select %lt3A_305, %add3A_308, %add3A_34 : vector<16xi1>, vector<16xi32>
    %broadcast_in_dim3A_310 = vector.shape_cast %select_n3A_309 : vector<16xi32> to vector<16x1xi32>
    %gather3A_311 = vector.shape_cast %broadcast_in_dim3A_310 : vector<16x1xi32> to vector<16xi32>
    %gather3A_312 = tpu.dynamic_gather %get3A_271[%gather3A_311] in [0] : vector<16xi32>, vector<16xi32> -> vector<16xi32>
    %select_n3A_313 = arith.select %lt3A_8, %gather3A_302, %gather3A_312 : vector<16xi1>, vector<16xi32>
    %mul3A_314 = arith.constant 8 : i32
    %mul3A_315 = vector.broadcast %mul3A_314 : i32 to vector<16xi32>
    %mul3A_316 = arith.muli %select_n3A_292, %mul3A_315 : vector<16xi32>
    %add3A_317 = arith.addi %mul3A_316, %select_n3A_313 : vector<16xi32>
    %swap3A_318 = arith.constant 0 : i32
    %swap3A_319 = arith.index_cast %swap3A_318 : i32 to index
    %swap3A_320 = arith.constant 64 : index
    %swap3A_321 = tpu.vector_load %arg7[%swap3A_319, %swap3A_320] {strides = array<i32>} : memref<4x80xi32, #tpu.memory_space<vmem>>, vector<1x16xi32>,
    %swap3A_322 = vector.shape_cast %swap3A_321 : vector<1x16xi32> to vector<16xi32>
    %swap3A_323 = vector.shape_cast %add3A_317 : vector<16xi32> to vector<1x16xi32>
    tpu.vector_store %arg7[%swap3A_319, %swap3A_320], %swap3A_323 {strides = array<i32>} : memref<4x80xi32, #tpu.memory_space<vmem>>, vector<1x16xi32>,
    %dma_start3A = arith.constant 0 : i32
    %dma_start3A_324 = arith.constant 0 : i32
    %dma_start3A_325 = arith.constant 0 : i32
    %dma_start3A_326 = arith.constant 0 : i32
    %dma_start3A_327 = tpu.memref_slice %arg8[%dma_start3A_324, %dma_start3A_325, %dma_start3A_326] : memref<4x80x128xf32, #tpu.memory_space<vmem>> -> memref<1x80x128xf32, #tpu.memory_space<vmem>>
    %dma_start3A_328 = tpu.memref_squeeze %dma_start3A_327 : memref<1x80x128xf32, #tpu.memory_space<vmem>> -> memref<80x128xf32, #tpu.memory_space<vmem>>
    %dma_start3A_329 = arith.constant 0 : i32
    %dma_start3A_330 = tpu.memref_slice %arg7[%dma_start3A, %dma_start3A_329] : memref<4x80xi32, #tpu.memory_space<vmem>> -> memref<1x80xi32, #tpu.memory_space<vmem>>
    %dma_start3A_331 = tpu.memref_squeeze %dma_start3A_330 : memref<1x80xi32, #tpu.memory_space<vmem>> -> memref<80xi32, #tpu.memory_space<vmem>>
    %dma_start3A_332 = arith.constant 0 : i32
    %dma_start3A_333 = arith.constant 0 : i32
    %dma_start3A_334 = tpu.memref_slice %arg9[%arg1, %dma_start3A_332, %dma_start3A_333] : memref<16x64x128xf32, #tpu.memory_space<vmem_shared>> -> memref<1x64x128xf32, #tpu.memory_space<vmem_shared>>
    %dma_start3A_335 = tpu.memref_squeeze %dma_start3A_334 : memref<1x64x128xf32, #tpu.memory_space<vmem_shared>> -> memref<64x128xf32, #tpu.memory_space<vmem_shared>>
    %dma_start3A_336 = arith.constant 0 : i32
    %dma_start3A_337 = arith.constant 0 : i32
    %dma_start3A_338 = tpu.memref_slice %dma_start3A_335[%dma_start3A_336, %dma_start3A_337] : memref<64x128xf32, #tpu.memory_space<vmem_shared>> -> memref<64x128xf32, #tpu.memory_space<vmem_shared>>
    tpu.enqueue_indirect_dma source(%dma_start3A_338 : memref<64x128xf32, #tpu.memory_space<vmem_shared>>) target(%dma_start3A_328 : memref<80x128xf32, #tpu.memory_space<vmem>>) offsets(%dma_start3A_331 : memref<80xi32, #tpu.memory_space<vmem>>) semaphore(%arg10 : memref<!tpu.dma_semaphore, #tpu.memory_space<semaphore_mem>>)
    %get3A_339 = arith.constant 160 : index
    %get3A_340 = tpu.vector_load %arg6[%get3A_339] {strides = array<i32>} : memref<6400xi32, #tpu.memory_space<vmem>>, vector<16xi32>,
    %get3A_341 = vector.shape_cast %get3A_340 : vector<16xi32> to vector<16xi32>
    %get3A_342 = arith.constant 176 : index
    %get3A_343 = tpu.vector_load %arg6[%get3A_342] {strides = array<i32>} : memref<6400xi32, #tpu.memory_space<vmem>>, vector<16xi32>,
    %get3A_344 = vector.shape_cast %get3A_343 : vector<16xi32> to vector<16xi32>
    %lt3A_345 = arith.constant 0 : i32
    %lt3A_346 = vector.broadcast %lt3A_345 : i32 to vector<16xi32>
    %lt3A_347 = arith.cmpi slt, %select_n3A_31, %lt3A_346 : vector<16xi32>
    %add3A_348 = arith.constant 16 : i32
    %add3A_349 = vector.broadcast %add3A_348 : i32 to vector<16xi32>
    %add3A_350 = arith.addi %select_n3A_31, %add3A_349 : vector<16xi32>
    %select_n3A_351 = arith.select %lt3A_347, %add3A_350, %select_n3A_31 : vector<16xi1>, vector<16xi32>
    %broadcast_in_dim3A_352 = vector.shape_cast %select_n3A_351 : vector<16xi32> to vector<16x1xi32>
    %gather3A_353 = vector.shape_cast %broadcast_in_dim3A_352 : vector<16x1xi32> to vector<16xi32>
    %gather3A_354 = tpu.dynamic_gather %get3A_341[%gather3A_353] in [0] : vector<16xi32>, vector<16xi32> -> vector<16xi32>
    %lt3A_355 = arith.constant 0 : i32
    %lt3A_356 = vector.broadcast %lt3A_355 : i32 to vector<16xi32>
    %lt3A_357 = arith.cmpi slt, %select_n3A_31, %lt3A_356 : vector<16xi32>
    %add3A_358 = arith.constant 16 : i32
    %add3A_359 = vector.broadcast %add3A_358 : i32 to vector<16xi32>
    %add3A_360 = arith.addi %select_n3A_31, %add3A_359 : vector<16xi32>
    %select_n3A_361 = arith.select %lt3A_357, %add3A_360, %select_n3A_31 : vector<16xi1>, vector<16xi32>
    %broadcast_in_dim3A_362 = vector.shape_cast %select_n3A_361 : vector<16xi32> to vector<16x1xi32>
    %gather3A_363 = vector.shape_cast %broadcast_in_dim3A_362 : vector<16x1xi32> to vector<16xi32>
    %gather3A_364 = tpu.dynamic_gather %get3A_344[%gather3A_363] in [0] : vector<16xi32>, vector<16xi32> -> vector<16xi32>
    %select_n3A_365 = arith.select %lt3A_8, %gather3A_354, %gather3A_364 : vector<16xi1>, vector<16xi32>
    %lt3A_366 = arith.constant 0 : i32
    %lt3A_367 = vector.broadcast %lt3A_366 : i32 to vector<16xi32>
    %lt3A_368 = arith.cmpi slt, %add3A_34, %lt3A_367 : vector<16xi32>
    %add3A_369 = arith.constant 16 : i32
    %add3A_370 = vector.broadcast %add3A_369 : i32 to vector<16xi32>
    %add3A_371 = arith.addi %add3A_34, %add3A_370 : vector<16xi32>
    %select_n3A_372 = arith.select %lt3A_368, %add3A_371, %add3A_34 : vector<16xi1>, vector<16xi32>
    %broadcast_in_dim3A_373 = vector.shape_cast %select_n3A_372 : vector<16xi32> to vector<16x1xi32>
    %gather3A_374 = vector.shape_cast %broadcast_in_dim3A_373 : vector<16x1xi32> to vector<16xi32>
    %gather3A_375 = tpu.dynamic_gather %get3A_341[%gather3A_374] in [0] : vector<16xi32>, vector<16xi32> -> vector<16xi32>
    %lt3A_376 = arith.constant 0 : i32
    %lt3A_377 = vector.broadcast %lt3A_376 : i32 to vector<16xi32>
    %lt3A_378 = arith.cmpi slt, %add3A_34, %lt3A_377 : vector<16xi32>
    %add3A_379 = arith.constant 16 : i32
    %add3A_380 = vector.broadcast %add3A_379 : i32 to vector<16xi32>
    %add3A_381 = arith.addi %add3A_34, %add3A_380 : vector<16xi32>
    %select_n3A_382 = arith.select %lt3A_378, %add3A_381, %add3A_34 : vector<16xi1>, vector<16xi32>
    %broadcast_in_dim3A_383 = vector.shape_cast %select_n3A_382 : vector<16xi32> to vector<16x1xi32>
    %gather3A_384 = vector.shape_cast %broadcast_in_dim3A_383 : vector<16x1xi32> to vector<16xi32>
    %gather3A_385 = tpu.dynamic_gather %get3A_344[%gather3A_384] in [0] : vector<16xi32>, vector<16xi32> -> vector<16xi32>
    %select_n3A_386 = arith.select %lt3A_8, %gather3A_375, %gather3A_385 : vector<16xi1>, vector<16xi32>
    %mul3A_387 = arith.constant 8 : i32
    %mul3A_388 = vector.broadcast %mul3A_387 : i32 to vector<16xi32>
    %mul3A_389 = arith.muli %select_n3A_365, %mul3A_388 : vector<16xi32>
    %add3A_390 = arith.addi %mul3A_389, %select_n3A_386 : vector<16xi32>
    %swap3A_391 = arith.constant 1 : i32
    %swap3A_392 = arith.index_cast %swap3A_391 : i32 to index
    %swap3A_393 = arith.constant 0 : index
    %swap3A_394 = tpu.vector_load %arg7[%swap3A_392, %swap3A_393] {strides = array<i32>} : memref<4x80xi32, #tpu.memory_space<vmem>>, vector<1x16xi32>,
    %swap3A_395 = vector.shape_cast %swap3A_394 : vector<1x16xi32> to vector<16xi32>
    %swap3A_396 = vector.shape_cast %add3A_390 : vector<16xi32> to vector<1x16xi32>
    tpu.vector_store %arg7[%swap3A_392, %swap3A_393], %swap3A_396 {strides = array<i32>} : memref<4x80xi32, #tpu.memory_space<vmem>>, vector<1x16xi32>,
    %get3A_397 = arith.constant 192 : index
    %get3A_398 = tpu.vector_load %arg6[%get3A_397] {strides = array<i32>} : memref<6400xi32, #tpu.memory_space<vmem>>, vector<16xi32>,
    %get3A_399 = vector.shape_cast %get3A_398 : vector<16xi32> to vector<16xi32>
    %get3A_400 = arith.constant 208 : index
    %get3A_401 = tpu.vector_load %arg6[%get3A_400] {strides = array<i32>} : memref<6400xi32, #tpu.memory_space<vmem>>, vector<16xi32>,
    %get3A_402 = vector.shape_cast %get3A_401 : vector<16xi32> to vector<16xi32>
    %lt3A_403 = arith.constant 0 : i32
    %lt3A_404 = vector.broadcast %lt3A_403 : i32 to vector<16xi32>
    %lt3A_405 = arith.cmpi slt, %select_n3A_31, %lt3A_404 : vector<16xi32>
    %add3A_406 = arith.constant 16 : i32
    %add3A_407 = vector.broadcast %add3A_406 : i32 to vector<16xi32>
    %add3A_408 = arith.addi %select_n3A_31, %add3A_407 : vector<16xi32>
    %select_n3A_409 = arith.select %lt3A_405, %add3A_408, %select_n3A_31 : vector<16xi1>, vector<16xi32>
    %broadcast_in_dim3A_410 = vector.shape_cast %select_n3A_409 : vector<16xi32> to vector<16x1xi32>
    %gather3A_411 = vector.shape_cast %broadcast_in_dim3A_410 : vector<16x1xi32> to vector<16xi32>
    %gather3A_412 = tpu.dynamic_gather %get3A_399[%gather3A_411] in [0] : vector<16xi32>, vector<16xi32> -> vector<16xi32>
    %lt3A_413 = arith.constant 0 : i32
    %lt3A_414 = vector.broadcast %lt3A_413 : i32 to vector<16xi32>
    %lt3A_415 = arith.cmpi slt, %select_n3A_31, %lt3A_414 : vector<16xi32>
    %add3A_416 = arith.constant 16 : i32
    %add3A_417 = vector.broadcast %add3A_416 : i32 to vector<16xi32>
    %add3A_418 = arith.addi %select_n3A_31, %add3A_417 : vector<16xi32>
    %select_n3A_419 = arith.select %lt3A_415, %add3A_418, %select_n3A_31 : vector<16xi1>, vector<16xi32>
    %broadcast_in_dim3A_420 = vector.shape_cast %select_n3A_419 : vector<16xi32> to vector<16x1xi32>
    %gather3A_421 = vector.shape_cast %broadcast_in_dim3A_420 : vector<16x1xi32> to vector<16xi32>
    %gather3A_422 = tpu.dynamic_gather %get3A_402[%gather3A_421] in [0] : vector<16xi32>, vector<16xi32> -> vector<16xi32>
    %select_n3A_423 = arith.select %lt3A_8, %gather3A_412, %gather3A_422 : vector<16xi1>, vector<16xi32>
    %lt3A_424 = arith.constant 0 : i32
    %lt3A_425 = vector.broadcast %lt3A_424 : i32 to vector<16xi32>
    %lt3A_426 = arith.cmpi slt, %add3A_34, %lt3A_425 : vector<16xi32>
    %add3A_427 = arith.constant 16 : i32
    %add3A_428 = vector.broadcast %add3A_427 : i32 to vector<16xi32>
    %add3A_429 = arith.addi %add3A_34, %add3A_428 : vector<16xi32>
    %select_n3A_430 = arith.select %lt3A_426, %add3A_429, %add3A_34 : vector<16xi1>, vector<16xi32>
    %broadcast_in_dim3A_431 = vector.shape_cast %select_n3A_430 : vector<16xi32> to vector<16x1xi32>
    %gather3A_432 = vector.shape_cast %broadcast_in_dim3A_431 : vector<16x1xi32> to vector<16xi32>
    %gather3A_433 = tpu.dynamic_gather %get3A_399[%gather3A_432] in [0] : vector<16xi32>, vector<16xi32> -> vector<16xi32>
    %lt3A_434 = arith.constant 0 : i32
    %lt3A_435 = vector.broadcast %lt3A_434 : i32 to vector<16xi32>
    %lt3A_436 = arith.cmpi slt, %add3A_34, %lt3A_435 : vector<16xi32>
    %add3A_437 = arith.constant 16 : i32
    %add3A_438 = vector.broadcast %add3A_437 : i32 to vector<16xi32>
    %add3A_439 = arith.addi %add3A_34, %add3A_438 : vector<16xi32>
    %select_n3A_440 = arith.select %lt3A_436, %add3A_439, %add3A_34 : vector<16xi1>, vector<16xi32>
    %broadcast_in_dim3A_441 = vector.shape_cast %select_n3A_440 : vector<16xi32> to vector<16x1xi32>
    %gather3A_442 = vector.shape_cast %broadcast_in_dim3A_441 : vector<16x1xi32> to vector<16xi32>
    %gather3A_443 = tpu.dynamic_gather %get3A_402[%gather3A_442] in [0] : vector<16xi32>, vector<16xi32> -> vector<16xi32>
    %select_n3A_444 = arith.select %lt3A_8, %gather3A_433, %gather3A_443 : vector<16xi1>, vector<16xi32>
    %mul3A_445 = arith.constant 8 : i32
    %mul3A_446 = vector.broadcast %mul3A_445 : i32 to vector<16xi32>
    %mul3A_447 = arith.muli %select_n3A_423, %mul3A_446 : vector<16xi32>
    %add3A_448 = arith.addi %mul3A_447, %select_n3A_444 : vector<16xi32>
    %swap3A_449 = arith.constant 1 : i32
    %swap3A_450 = arith.index_cast %swap3A_449 : i32 to index
    %swap3A_451 = arith.constant 16 : index
    %swap3A_452 = tpu.vector_load %arg7[%swap3A_450, %swap3A_451] {strides = array<i32>} : memref<4x80xi32, #tpu.memory_space<vmem>>, vector<1x16xi32>,
    %swap3A_453 = vector.shape_cast %swap3A_452 : vector<1x16xi32> to vector<16xi32>
    %swap3A_454 = vector.shape_cast %add3A_448 : vector<16xi32> to vector<1x16xi32>
    tpu.vector_store %arg7[%swap3A_450, %swap3A_451], %swap3A_454 {strides = array<i32>} : memref<4x80xi32, #tpu.memory_space<vmem>>, vector<1x16xi32>,
    %get3A_455 = arith.constant 224 : index
    %get3A_456 = tpu.vector_load %arg6[%get3A_455] {strides = array<i32>} : memref<6400xi32, #tpu.memory_space<vmem>>, vector<16xi32>,
    %get3A_457 = vector.shape_cast %get3A_456 : vector<16xi32> to vector<16xi32>
    %get3A_458 = arith.constant 240 : index
    %get3A_459 = tpu.vector_load %arg6[%get3A_458] {strides = array<i32>} : memref<6400xi32, #tpu.memory_space<vmem>>, vector<16xi32>,
    %get3A_460 = vector.shape_cast %get3A_459 : vector<16xi32> to vector<16xi32>
    %lt3A_461 = arith.constant 0 : i32
    %lt3A_462 = vector.broadcast %lt3A_461 : i32 to vector<16xi32>
    %lt3A_463 = arith.cmpi slt, %select_n3A_31, %lt3A_462 : vector<16xi32>
    %add3A_464 = arith.constant 16 : i32
    %add3A_465 = vector.broadcast %add3A_464 : i32 to vector<16xi32>
    %add3A_466 = arith.addi %select_n3A_31, %add3A_465 : vector<16xi32>
    %select_n3A_467 = arith.select %lt3A_463, %add3A_466, %select_n3A_31 : vector<16xi1>, vector<16xi32>
    %broadcast_in_dim3A_468 = vector.shape_cast %select_n3A_467 : vector<16xi32> to vector<16x1xi32>
    %gather3A_469 = vector.shape_cast %broadcast_in_dim3A_468 : vector<16x1xi32> to vector<16xi32>
    %gather3A_470 = tpu.dynamic_gather %get3A_457[%gather3A_469] in [0] : vector<16xi32>, vector<16xi32> -> vector<16xi32>
    %lt3A_471 = arith.constant 0 : i32
    %lt3A_472 = vector.broadcast %lt3A_471 : i32 to vector<16xi32>
    %lt3A_473 = arith.cmpi slt, %select_n3A_31, %lt3A_472 : vector<16xi32>
    %add3A_474 = arith.constant 16 : i32
    %add3A_475 = vector.broadcast %add3A_474 : i32 to vector<16xi32>
    %add3A_476 = arith.addi %select_n3A_31, %add3A_475 : vector<16xi32>
    %select_n3A_477 = arith.select %lt3A_473, %add3A_476, %select_n3A_31 : vector<16xi1>, vector<16xi32>
    %broadcast_in_dim3A_478 = vector.shape_cast %select_n3A_477 : vector<16xi32> to vector<16x1xi32>
    %gather3A_479 = vector.shape_cast %broadcast_in_dim3A_478 : vector<16x1xi32> to vector<16xi32>
    %gather3A_480 = tpu.dynamic_gather %get3A_460[%gather3A_479] in [0] : vector<16xi32>, vector<16xi32> -> vector<16xi32>
    %select_n3A_481 = arith.select %lt3A_8, %gather3A_470, %gather3A_480 : vector<16xi1>, vector<16xi32>
    %lt3A_482 = arith.constant 0 : i32
    %lt3A_483 = vector.broadcast %lt3A_482 : i32 to vector<16xi32>
    %lt3A_484 = arith.cmpi slt, %add3A_34, %lt3A_483 : vector<16xi32>
    %add3A_485 = arith.constant 16 : i32
    %add3A_486 = vector.broadcast %add3A_485 : i32 to vector<16xi32>
    %add3A_487 = arith.addi %add3A_34, %add3A_486 : vector<16xi32>
    %select_n3A_488 = arith.select %lt3A_484, %add3A_487, %add3A_34 : vector<16xi1>, vector<16xi32>
    %broadcast_in_dim3A_489 = vector.shape_cast %select_n3A_488 : vector<16xi32> to vector<16x1xi32>
    %gather3A_490 = vector.shape_cast %broadcast_in_dim3A_489 : vector<16x1xi32> to vector<16xi32>
    %gather3A_491 = tpu.dynamic_gather %get3A_457[%gather3A_490] in [0] : vector<16xi32>, vector<16xi32> -> vector<16xi32>
    %lt3A_492 = arith.constant 0 : i32
    %lt3A_493 = vector.broadcast %lt3A_492 : i32 to vector<16xi32>
    %lt3A_494 = arith.cmpi slt, %add3A_34, %lt3A_493 : vector<16xi32>
    %add3A_495 = arith.constant 16 : i32
    %add3A_496 = vector.broadcast %add3A_495 : i32 to vector<16xi32>
    %add3A_497 = arith.addi %add3A_34, %add3A_496 : vector<16xi32>
    %select_n3A_498 = arith.select %lt3A_494, %add3A_497, %add3A_34 : vector<16xi1>, vector<16xi32>
    %broadcast_in_dim3A_499 = vector.shape_cast %select_n3A_498 : vector<16xi32> to vector<16x1xi32>
    %gather3A_500 = vector.shape_cast %broadcast_in_dim3A_499 : vector<16x1xi32> to vector<16xi32>
    %gather3A_501 = tpu.dynamic_gather %get3A_460[%gather3A_500] in [0] : vector<16xi32>, vector<16xi32> -> vector<16xi32>
    %select_n3A_502 = arith.select %lt3A_8, %gather3A_491, %gather3A_501 : vector<16xi1>, vector<16xi32>
    %mul3A_503 = arith.constant 8 : i32
    %mul3A_504 = vector.broadcast %mul3A_503 : i32 to vector<16xi32>
    %mul3A_505 = arith.muli %select_n3A_481, %mul3A_504 : vector<16xi32>
    %add3A_506 = arith.addi %mul3A_505, %select_n3A_502 : vector<16xi32>
    %swap3A_507 = arith.constant 1 : i32
    %swap3A_508 = arith.index_cast %swap3A_507 : i32 to index
    %swap3A_509 = arith.constant 32 : index
    %swap3A_510 = tpu.vector_load %arg7[%swap3A_508, %swap3A_509] {strides = array<i32>} : memref<4x80xi32, #tpu.memory_space<vmem>>, vector<1x16xi32>,
    %swap3A_511 = vector.shape_cast %swap3A_510 : vector<1x16xi32> to vector<16xi32>
    %swap3A_512 = vector.shape_cast %add3A_506 : vector<16xi32> to vector<1x16xi32>
    tpu.vector_store %arg7[%swap3A_508, %swap3A_509], %swap3A_512 {strides = array<i32>} : memref<4x80xi32, #tpu.memory_space<vmem>>, vector<1x16xi32>,
    %get3A_513 = arith.constant 256 : index
    %get3A_514 = tpu.vector_load %arg6[%get3A_513] {strides = array<i32>} : memref<6400xi32, #tpu.memory_space<vmem>>, vector<16xi32>,
    %get3A_515 = vector.shape_cast %get3A_514 : vector<16xi32> to vector<16xi32>
    %get3A_516 = arith.constant 272 : index
    %get3A_517 = tpu.vector_load %arg6[%get3A_516] {strides = array<i32>} : memref<6400xi32, #tpu.memory_space<vmem>>, vector<16xi32>,
    %get3A_518 = vector.shape_cast %get3A_517 : vector<16xi32> to vector<16xi32>
    %lt3A_519 = arith.constant 0 : i32
    %lt3A_520 = vector.broadcast %lt3A_519 : i32 to vector<16xi32>
    %lt3A_521 = arith.cmpi slt, %select_n3A_31, %lt3A_520 : vector<16xi32>
    %add3A_522 = arith.constant 16 : i32
    %add3A_523 = vector.broadcast %add3A_522 : i32 to vector<16xi32>
    %add3A_524 = arith.addi %select_n3A_31, %add3A_523 : vector<16xi32>
    %select_n3A_525 = arith.select %lt3A_521, %add3A_524, %select_n3A_31 : vector<16xi1>, vector<16xi32>
    %broadcast_in_dim3A_526 = vector.shape_cast %select_n3A_525 : vector<16xi32> to vector<16x1xi32>
    %gather3A_527 = vector.shape_cast %broadcast_in_dim3A_526 : vector<16x1xi32> to vector<16xi32>
    %gather3A_528 = tpu.dynamic_gather %get3A_515[%gather3A_527] in [0] : vector<16xi32>, vector<16xi32> -> vector<16xi32>
    %lt3A_529 = arith.constant 0 : i32
    %lt3A_530 = vector.broadcast %lt3A_529 : i32 to vector<16xi32>
    %lt3A_531 = arith.cmpi slt, %select_n3A_31, %lt3A_530 : vector<16xi32>
    %add3A_532 = arith.constant 16 : i32
    %add3A_533 = vector.broadcast %add3A_532 : i32 to vector<16xi32>
    %add3A_534 = arith.addi %select_n3A_31, %add3A_533 : vector<16xi32>
    %select_n3A_535 = arith.select %lt3A_531, %add3A_534, %select_n3A_31 : vector<16xi1>, vector<16xi32>
    %broadcast_in_dim3A_536 = vector.shape_cast %select_n3A_535 : vector<16xi32> to vector<16x1xi32>
    %gather3A_537 = vector.shape_cast %broadcast_in_dim3A_536 : vector<16x1xi32> to vector<16xi32>
    %gather3A_538 = tpu.dynamic_gather %get3A_518[%gather3A_537] in [0] : vector<16xi32>, vector<16xi32> -> vector<16xi32>
    %select_n3A_539 = arith.select %lt3A_8, %gather3A_528, %gather3A_538 : vector<16xi1>, vector<16xi32>
    %lt3A_540 = arith.constant 0 : i32
    %lt3A_541 = vector.broadcast %lt3A_540 : i32 to vector<16xi32>
    %lt3A_542 = arith.cmpi slt, %add3A_34, %lt3A_541 : vector<16xi32>
    %add3A_543 = arith.constant 16 : i32
    %add3A_544 = vector.broadcast %add3A_543 : i32 to vector<16xi32>
    %add3A_545 = arith.addi %add3A_34, %add3A_544 : vector<16xi32>
    %select_n3A_546 = arith.select %lt3A_542, %add3A_545, %add3A_34 : vector<16xi1>, vector<16xi32>
    %broadcast_in_dim3A_547 = vector.shape_cast %select_n3A_546 : vector<16xi32> to vector<16x1xi32>
    %gather3A_548 = vector.shape_cast %broadcast_in_dim3A_547 : vector<16x1xi32> to vector<16xi32>
    %gather3A_549 = tpu.dynamic_gather %get3A_515[%gather3A_548] in [0] : vector<16xi32>, vector<16xi32> -> vector<16xi32>
    %lt3A_550 = arith.constant 0 : i32
    %lt3A_551 = vector.broadcast %lt3A_550 : i32 to vector<16xi32>
    %lt3A_552 = arith.cmpi slt, %add3A_34, %lt3A_551 : vector<16xi32>
    %add3A_553 = arith.constant 16 : i32
    %add3A_554 = vector.broadcast %add3A_553 : i32 to vector<16xi32>
    %add3A_555 = arith.addi %add3A_34, %add3A_554 : vector<16xi32>
    %select_n3A_556 = arith.select %lt3A_552, %add3A_555, %add3A_34 : vector<16xi1>, vector<16xi32>
    %broadcast_in_dim3A_557 = vector.shape_cast %select_n3A_556 : vector<16xi32> to vector<16x1xi32>
    %gather3A_558 = vector.shape_cast %broadcast_in_dim3A_557 : vector<16x1xi32> to vector<16xi32>
    %gather3A_559 = tpu.dynamic_gather %get3A_518[%gather3A_558] in [0] : vector<16xi32>, vector<16xi32> -> vector<16xi32>
    %select_n3A_560 = arith.select %lt3A_8, %gather3A_549, %gather3A_559 : vector<16xi1>, vector<16xi32>
    %mul3A_561 = arith.constant 8 : i32
    %mul3A_562 = vector.broadcast %mul3A_561 : i32 to vector<16xi32>
    %mul3A_563 = arith.muli %select_n3A_539, %mul3A_562 : vector<16xi32>
    %add3A_564 = arith.addi %mul3A_563, %select_n3A_560 : vector<16xi32>
    %swap3A_565 = arith.constant 1 : i32
    %swap3A_566 = arith.index_cast %swap3A_565 : i32 to index
    %swap3A_567 = arith.constant 48 : index
    %swap3A_568 = tpu.vector_load %arg7[%swap3A_566, %swap3A_567] {strides = array<i32>} : memref<4x80xi32, #tpu.memory_space<vmem>>, vector<1x16xi32>,
    %swap3A_569 = vector.shape_cast %swap3A_568 : vector<1x16xi32> to vector<16xi32>
    %swap3A_570 = vector.shape_cast %add3A_564 : vector<16xi32> to vector<1x16xi32>
    tpu.vector_store %arg7[%swap3A_566, %swap3A_567], %swap3A_570 {strides = array<i32>} : memref<4x80xi32, #tpu.memory_space<vmem>>, vector<1x16xi32>,
    %get3A_571 = arith.constant 288 : index
    %get3A_572 = tpu.vector_load %arg6[%get3A_571] {strides = array<i32>} : memref<6400xi32, #tpu.memory_space<vmem>>, vector<16xi32>,
    %get3A_573 = vector.shape_cast %get3A_572 : vector<16xi32> to vector<16xi32>
    %get3A_574 = arith.constant 304 : index
    %get3A_575 = tpu.vector_load %arg6[%get3A_574] {strides = array<i32>} : memref<6400xi32, #tpu.memory_space<vmem>>, vector<16xi32>,
    %get3A_576 = vector.shape_cast %get3A_575 : vector<16xi32> to vector<16xi32>
    %lt3A_577 = arith.constant 0 : i32
    %lt3A_578 = vector.broadcast %lt3A_577 : i32 to vector<16xi32>
    %lt3A_579 = arith.cmpi slt, %select_n3A_31, %lt3A_578 : vector<16xi32>
    %add3A_580 = arith.constant 16 : i32
    %add3A_581 = vector.broadcast %add3A_580 : i32 to vector<16xi32>
    %add3A_582 = arith.addi %select_n3A_31, %add3A_581 : vector<16xi32>
    %select_n3A_583 = arith.select %lt3A_579, %add3A_582, %select_n3A_31 : vector<16xi1>, vector<16xi32>
    %broadcast_in_dim3A_584 = vector.shape_cast %select_n3A_583 : vector<16xi32> to vector<16x1xi32>
    %gather3A_585 = vector.shape_cast %broadcast_in_dim3A_584 : vector<16x1xi32> to vector<16xi32>
    %gather3A_586 = tpu.dynamic_gather %get3A_573[%gather3A_585] in [0] : vector<16xi32>, vector<16xi32> -> vector<16xi32>
    %lt3A_587 = arith.constant 0 : i32
    %lt3A_588 = vector.broadcast %lt3A_587 : i32 to vector<16xi32>
    %lt3A_589 = arith.cmpi slt, %select_n3A_31, %lt3A_588 : vector<16xi32>
    %add3A_590 = arith.constant 16 : i32
    %add3A_591 = vector.broadcast %add3A_590 : i32 to vector<16xi32>
    %add3A_592 = arith.addi %select_n3A_31, %add3A_591 : vector<16xi32>
    %select_n3A_593 = arith.select %lt3A_589, %add3A_592, %select_n3A_31 : vector<16xi1>, vector<16xi32>
    %broadcast_in_dim3A_594 = vector.shape_cast %select_n3A_593 : vector<16xi32> to vector<16x1xi32>
    %gather3A_595 = vector.shape_cast %broadcast_in_dim3A_594 : vector<16x1xi32> to vector<16xi32>
    %gather3A_596 = tpu.dynamic_gather %get3A_576[%gather3A_595] in [0] : vector<16xi32>, vector<16xi32> -> vector<16xi32>
    %select_n3A_597 = arith.select %lt3A_8, %gather3A_586, %gather3A_596 : vector<16xi1>, vector<16xi32>
    %lt3A_598 = arith.constant 0 : i32
    %lt3A_599 = vector.broadcast %lt3A_598 : i32 to vector<16xi32>
    %lt3A_600 = arith.cmpi slt, %add3A_34, %lt3A_599 : vector<16xi32>
    %add3A_601 = arith.constant 16 : i32
    %add3A_602 = vector.broadcast %add3A_601 : i32 to vector<16xi32>
    %add3A_603 = arith.addi %add3A_34, %add3A_602 : vector<16xi32>
    %select_n3A_604 = arith.select %lt3A_600, %add3A_603, %add3A_34 : vector<16xi1>, vector<16xi32>
    %broadcast_in_dim3A_605 = vector.shape_cast %select_n3A_604 : vector<16xi32> to vector<16x1xi32>
    %gather3A_606 = vector.shape_cast %broadcast_in_dim3A_605 : vector<16x1xi32> to vector<16xi32>
    %gather3A_607 = tpu.dynamic_gather %get3A_573[%gather3A_606] in [0] : vector<16xi32>, vector<16xi32> -> vector<16xi32>
    %lt3A_608 = arith.constant 0 : i32
    %lt3A_609 = vector.broadcast %lt3A_608 : i32 to vector<16xi32>
    %lt3A_610 = arith.cmpi slt, %add3A_34, %lt3A_609 : vector<16xi32>
    %add3A_611 = arith.constant 16 : i32
    %add3A_612 = vector.broadcast %add3A_611 : i32 to vector<16xi32>
    %add3A_613 = arith.addi %add3A_34, %add3A_612 : vector<16xi32>
    %select_n3A_614 = arith.select %lt3A_610, %add3A_613, %add3A_34 : vector<16xi1>, vector<16xi32>
    %broadcast_in_dim3A_615 = vector.shape_cast %select_n3A_614 : vector<16xi32> to vector<16x1xi32>
    %gather3A_616 = vector.shape_cast %broadcast_in_dim3A_615 : vector<16x1xi32> to vector<16xi32>
    %gather3A_617 = tpu.dynamic_gather %get3A_576[%gather3A_616] in [0] : vector<16xi32>, vector<16xi32> -> vector<16xi32>
    %select_n3A_618 = arith.select %lt3A_8, %gather3A_607, %gather3A_617 : vector<16xi1>, vector<16xi32>
    %mul3A_619 = arith.constant 8 : i32
    %mul3A_620 = vector.broadcast %mul3A_619 : i32 to vector<16xi32>
    %mul3A_621 = arith.muli %select_n3A_597, %mul3A_620 : vector<16xi32>
    %add3A_622 = arith.addi %mul3A_621, %select_n3A_618 : vector<16xi32>
    %swap3A_623 = arith.constant 1 : i32
    %swap3A_624 = arith.index_cast %swap3A_623 : i32 to index
    %swap3A_625 = arith.constant 64 : index
    %swap3A_626 = tpu.vector_load %arg7[%swap3A_624, %swap3A_625] {strides = array<i32>} : memref<4x80xi32, #tpu.memory_space<vmem>>, vector<1x16xi32>,
    %swap3A_627 = vector.shape_cast %swap3A_626 : vector<1x16xi32> to vector<16xi32>
    %swap3A_628 = vector.shape_cast %add3A_622 : vector<16xi32> to vector<1x16xi32>
    tpu.vector_store %arg7[%swap3A_624, %swap3A_625], %swap3A_628 {strides = array<i32>} : memref<4x80xi32, #tpu.memory_space<vmem>>, vector<1x16xi32>,
    %dma_start3A_629 = arith.constant 1 : i32
    %dma_start3A_630 = arith.constant 1 : i32
    %dma_start3A_631 = arith.constant 0 : i32
    %dma_start3A_632 = arith.constant 0 : i32
    %dma_start3A_633 = tpu.memref_slice %arg8[%dma_start3A_630, %dma_start3A_631, %dma_start3A_632] : memref<4x80x128xf32, #tpu.memory_space<vmem>> -> memref<1x80x128xf32, #tpu.memory_space<vmem>>
    %dma_start3A_634 = tpu.memref_squeeze %dma_start3A_633 : memref<1x80x128xf32, #tpu.memory_space<vmem>> -> memref<80x128xf32, #tpu.memory_space<vmem>>
    %dma_start3A_635 = arith.constant 0 : i32
    %dma_start3A_636 = tpu.memref_slice %arg7[%dma_start3A_629, %dma_start3A_635] : memref<4x80xi32, #tpu.memory_space<vmem>> -> memref<1x80xi32, #tpu.memory_space<vmem>>
    %dma_start3A_637 = tpu.memref_squeeze %dma_start3A_636 : memref<1x80xi32, #tpu.memory_space<vmem>> -> memref<80xi32, #tpu.memory_space<vmem>>
    %dma_start3A_638 = arith.constant 0 : i32
    %dma_start3A_639 = arith.constant 0 : i32
    %dma_start3A_640 = tpu.memref_slice %arg9[%arg1, %dma_start3A_638, %dma_start3A_639] : memref<16x64x128xf32, #tpu.memory_space<vmem_shared>> -> memref<1x64x128xf32, #tpu.memory_space<vmem_shared>>
    %dma_start3A_641 = tpu.memref_squeeze %dma_start3A_640 : memref<1x64x128xf32, #tpu.memory_space<vmem_shared>> -> memref<64x128xf32, #tpu.memory_space<vmem_shared>>
    %dma_start3A_642 = arith.constant 0 : i32
    %dma_start3A_643 = arith.constant 0 : i32
    %dma_start3A_644 = tpu.memref_slice %dma_start3A_641[%dma_start3A_642, %dma_start3A_643] : memref<64x128xf32, #tpu.memory_space<vmem_shared>> -> memref<64x128xf32, #tpu.memory_space<vmem_shared>>
    tpu.enqueue_indirect_dma source(%dma_start3A_644 : memref<64x128xf32, #tpu.memory_space<vmem_shared>>) target(%dma_start3A_634 : memref<80x128xf32, #tpu.memory_space<vmem>>) offsets(%dma_start3A_637 : memref<80xi32, #tpu.memory_space<vmem>>) semaphore(%arg11 : memref<!tpu.dma_semaphore, #tpu.memory_space<semaphore_mem>>)
    %get3A_645 = arith.constant 320 : index
    %get3A_646 = tpu.vector_load %arg6[%get3A_645] {strides = array<i32>} : memref<6400xi32, #tpu.memory_space<vmem>>, vector<16xi32>,
    %get3A_647 = vector.shape_cast %get3A_646 : vector<16xi32> to vector<16xi32>
    %get3A_648 = arith.constant 336 : index
    %get3A_649 = tpu.vector_load %arg6[%get3A_648] {strides = array<i32>} : memref<6400xi32, #tpu.memory_space<vmem>>, vector<16xi32>,
    %get3A_650 = vector.shape_cast %get3A_649 : vector<16xi32> to vector<16xi32>
    %lt3A_651 = arith.constant 0 : i32
    %lt3A_652 = vector.broadcast %lt3A_651 : i32 to vector<16xi32>
    %lt3A_653 = arith.cmpi slt, %select_n3A_31, %lt3A_652 : vector<16xi32>
    %add3A_654 = arith.constant 16 : i32
    %add3A_655 = vector.broadcast %add3A_654 : i32 to vector<16xi32>
    %add3A_656 = arith.addi %select_n3A_31, %add3A_655 : vector<16xi32>
    %select_n3A_657 = arith.select %lt3A_653, %add3A_656, %select_n3A_31 : vector<16xi1>, vector<16xi32>
    %broadcast_in_dim3A_658 = vector.shape_cast %select_n3A_657 : vector<16xi32> to vector<16x1xi32>
    %gather3A_659 = vector.shape_cast %broadcast_in_dim3A_658 : vector<16x1xi32> to vector<16xi32>
    %gather3A_660 = tpu.dynamic_gather %get3A_647[%gather3A_659] in [0] : vector<16xi32>, vector<16xi32> -> vector<16xi32>
    %lt3A_661 = arith.constant 0 : i32
    %lt3A_662 = vector.broadcast %lt3A_661 : i32 to vector<16xi32>
    %lt3A_663 = arith.cmpi slt, %select_n3A_31, %lt3A_662 : vector<16xi32>
    %add3A_664 = arith.constant 16 : i32
    %add3A_665 = vector.broadcast %add3A_664 : i32 to vector<16xi32>
    %add3A_666 = arith.addi %select_n3A_31, %add3A_665 : vector<16xi32>
    %select_n3A_667 = arith.select %lt3A_663, %add3A_666, %select_n3A_31 : vector<16xi1>, vector<16xi32>
    %broadcast_in_dim3A_668 = vector.shape_cast %select_n3A_667 : vector<16xi32> to vector<16x1xi32>
    %gather3A_669 = vector.shape_cast %broadcast_in_dim3A_668 : vector<16x1xi32> to vector<16xi32>
    %gather3A_670 = tpu.dynamic_gather %get3A_650[%gather3A_669] in [0] : vector<16xi32>, vector<16xi32> -> vector<16xi32>
    %select_n3A_671 = arith.select %lt3A_8, %gather3A_660, %gather3A_670 : vector<16xi1>, vector<16xi32>
    %lt3A_672 = arith.constant 0 : i32
    %lt3A_673 = vector.broadcast %lt3A_672 : i32 to vector<16xi32>
    %lt3A_674 = arith.cmpi slt, %add3A_34, %lt3A_673 : vector<16xi32>
    %add3A_675 = arith.constant 16 : i32
    %add3A_676 = vector.broadcast %add3A_675 : i32 to vector<16xi32>
    %add3A_677 = arith.addi %add3A_34, %add3A_676 : vector<16xi32>
    %select_n3A_678 = arith.select %lt3A_674, %add3A_677, %add3A_34 : vector<16xi1>, vector<16xi32>
    %broadcast_in_dim3A_679 = vector.shape_cast %select_n3A_678 : vector<16xi32> to vector<16x1xi32>
    %gather3A_680 = vector.shape_cast %broadcast_in_dim3A_679 : vector<16x1xi32> to vector<16xi32>
    %gather3A_681 = tpu.dynamic_gather %get3A_647[%gather3A_680] in [0] : vector<16xi32>, vector<16xi32> -> vector<16xi32>
    %lt3A_682 = arith.constant 0 : i32
    %lt3A_683 = vector.broadcast %lt3A_682 : i32 to vector<16xi32>
    %lt3A_684 = arith.cmpi slt, %add3A_34, %lt3A_683 : vector<16xi32>
    %add3A_685 = arith.constant 16 : i32
    %add3A_686 = vector.broadcast %add3A_685 : i32 to vector<16xi32>
    %add3A_687 = arith.addi %add3A_34, %add3A_686 : vector<16xi32>
    %select_n3A_688 = arith.select %lt3A_684, %add3A_687, %add3A_34 : vector<16xi1>, vector<16xi32>
    %broadcast_in_dim3A_689 = vector.shape_cast %select_n3A_688 : vector<16xi32> to vector<16x1xi32>
    %gather3A_690 = vector.shape_cast %broadcast_in_dim3A_689 : vector<16x1xi32> to vector<16xi32>
    %gather3A_691 = tpu.dynamic_gather %get3A_650[%gather3A_690] in [0] : vector<16xi32>, vector<16xi32> -> vector<16xi32>
    %select_n3A_692 = arith.select %lt3A_8, %gather3A_681, %gather3A_691 : vector<16xi1>, vector<16xi32>
    %mul3A_693 = arith.constant 8 : i32
    %mul3A_694 = vector.broadcast %mul3A_693 : i32 to vector<16xi32>
    %mul3A_695 = arith.muli %select_n3A_671, %mul3A_694 : vector<16xi32>
    %add3A_696 = arith.addi %mul3A_695, %select_n3A_692 : vector<16xi32>
    %swap3A_697 = arith.constant 2 : i32
    %swap3A_698 = arith.index_cast %swap3A_697 : i32 to index
    %swap3A_699 = arith.constant 0 : index
    %swap3A_700 = tpu.vector_load %arg7[%swap3A_698, %swap3A_699] {strides = array<i32>} : memref<4x80xi32, #tpu.memory_space<vmem>>, vector<1x16xi32>,
    %swap3A_701 = vector.shape_cast %swap3A_700 : vector<1x16xi32> to vector<16xi32>
    %swap3A_702 = vector.shape_cast %add3A_696 : vector<16xi32> to vector<1x16xi32>
    tpu.vector_store %arg7[%swap3A_698, %swap3A_699], %swap3A_702 {strides = array<i32>} : memref<4x80xi32, #tpu.memory_space<vmem>>, vector<1x16xi32>,
    %get3A_703 = arith.constant 352 : index
    %get3A_704 = tpu.vector_load %arg6[%get3A_703] {strides = array<i32>} : memref<6400xi32, #tpu.memory_space<vmem>>, vector<16xi32>,
    %get3A_705 = vector.shape_cast %get3A_704 : vector<16xi32> to vector<16xi32>
    %get3A_706 = arith.constant 368 : index
    %get3A_707 = tpu.vector_load %arg6[%get3A_706] {strides = array<i32>} : memref<6400xi32, #tpu.memory_space<vmem>>, vector<16xi32>,
    %get3A_708 = vector.shape_cast %get3A_707 : vector<16xi32> to vector<16xi32>
    %lt3A_709 = arith.constant 0 : i32
    %lt3A_710 = vector.broadcast %lt3A_709 : i32 to vector<16xi32>
    %lt3A_711 = arith.cmpi slt, %select_n3A_31, %lt3A_710 : vector<16xi32>
    %add3A_712 = arith.constant 16 : i32
    %add3A_713 = vector.broadcast %add3A_712 : i32 to vector<16xi32>
    %add3A_714 = arith.addi %select_n3A_31, %add3A_713 : vector<16xi32>
    %select_n3A_715 = arith.select %lt3A_711, %add3A_714, %select_n3A_31 : vector<16xi1>, vector<16xi32>
    %broadcast_in_dim3A_716 = vector.shape_cast %select_n3A_715 : vector<16xi32> to vector<16x1xi32>
    %gather3A_717 = vector.shape_cast %broadcast_in_dim3A_716 : vector<16x1xi32> to vector<16xi32>
    %gather3A_718 = tpu.dynamic_gather %get3A_705[%gather3A_717] in [0] : vector<16xi32>, vector<16xi32> -> vector<16xi32>
    %lt3A_719 = arith.constant 0 : i32
    %lt3A_720 = vector.broadcast %lt3A_719 : i32 to vector<16xi32>
    %lt3A_721 = arith.cmpi slt, %select_n3A_31, %lt3A_720 : vector<16xi32>
    %add3A_722 = arith.constant 16 : i32
    %add3A_723 = vector.broadcast %add3A_722 : i32 to vector<16xi32>
    %add3A_724 = arith.addi %select_n3A_31, %add3A_723 : vector<16xi32>
    %select_n3A_725 = arith.select %lt3A_721, %add3A_724, %select_n3A_31 : vector<16xi1>, vector<16xi32>
    %broadcast_in_dim3A_726 = vector.shape_cast %select_n3A_725 : vector<16xi32> to vector<16x1xi32>
    %gather3A_727 = vector.shape_cast %broadcast_in_dim3A_726 : vector<16x1xi32> to vector<16xi32>
    %gather3A_728 = tpu.dynamic_gather %get3A_708[%gather3A_727] in [0] : vector<16xi32>, vector<16xi32> -> vector<16xi32>
    %select_n3A_729 = arith.select %lt3A_8, %gather3A_718, %gather3A_728 : vector<16xi1>, vector<16xi32>
    %lt3A_730 = arith.constant 0 : i32
    %lt3A_731 = vector.broadcast %lt3A_730 : i32 to vector<16xi32>
    %lt3A_732 = arith.cmpi slt, %add3A_34, %lt3A_731 : vector<16xi32>
    %add3A_733 = arith.constant 16 : i32
    %add3A_734 = vector.broadcast %add3A_733 : i32 to vector<16xi32>
    %add3A_735 = arith.addi %add3A_34, %add3A_734 : vector<16xi32>
    %select_n3A_736 = arith.select %lt3A_732, %add3A_735, %add3A_34 : vector<16xi1>, vector<16xi32>
    %broadcast_in_dim3A_737 = vector.shape_cast %select_n3A_736 : vector<16xi32> to vector<16x1xi32>
    %gather3A_738 = vector.shape_cast %broadcast_in_dim3A_737 : vector<16x1xi32> to vector<16xi32>
    %gather3A_739 = tpu.dynamic_gather %get3A_705[%gather3A_738] in [0] : vector<16xi32>, vector<16xi32> -> vector<16xi32>
    %lt3A_740 = arith.constant 0 : i32
    %lt3A_741 = vector.broadcast %lt3A_740 : i32 to vector<16xi32>
    %lt3A_742 = arith.cmpi slt, %add3A_34, %lt3A_741 : vector<16xi32>
    %add3A_743 = arith.constant 16 : i32
    %add3A_744 = vector.broadcast %add3A_743 : i32 to vector<16xi32>
    %add3A_745 = arith.addi %add3A_34, %add3A_744 : vector<16xi32>
    %select_n3A_746 = arith.select %lt3A_742, %add3A_745, %add3A_34 : vector<16xi1>, vector<16xi32>
    %broadcast_in_dim3A_747 = vector.shape_cast %select_n3A_746 : vector<16xi32> to vector<16x1xi32>
    %gather3A_748 = vector.shape_cast %broadcast_in_dim3A_747 : vector<16x1xi32> to vector<16xi32>
    %gather3A_749 = tpu.dynamic_gather %get3A_708[%gather3A_748] in [0] : vector<16xi32>, vector<16xi32> -> vector<16xi32>
    %select_n3A_750 = arith.select %lt3A_8, %gather3A_739, %gather3A_749 : vector<16xi1>, vector<16xi32>
    %mul3A_751 = arith.constant 8 : i32
    %mul3A_752 = vector.broadcast %mul3A_751 : i32 to vector<16xi32>
    %mul3A_753 = arith.muli %select_n3A_729, %mul3A_752 : vector<16xi32>
    %add3A_754 = arith.addi %mul3A_753, %select_n3A_750 : vector<16xi32>
    %swap3A_755 = arith.constant 2 : i32
    %swap3A_756 = arith.index_cast %swap3A_755 : i32 to index
    %swap3A_757 = arith.constant 16 : index
    %swap3A_758 = tpu.vector_load %arg7[%swap3A_756, %swap3A_757] {strides = array<i32>} : memref<4x80xi32, #tpu.memory_space<vmem>>, vector<1x16xi32>,
    %swap3A_759 = vector.shape_cast %swap3A_758 : vector<1x16xi32> to vector<16xi32>
    %swap3A_760 = vector.shape_cast %add3A_754 : vector<16xi32> to vector<1x16xi32>
    tpu.vector_store %arg7[%swap3A_756, %swap3A_757], %swap3A_760 {strides = array<i32>} : memref<4x80xi32, #tpu.memory_space<vmem>>, vector<1x16xi32>,
    %get3A_761 = arith.constant 384 : index
    %get3A_762 = tpu.vector_load %arg6[%get3A_761] {strides = array<i32>} : memref<6400xi32, #tpu.memory_space<vmem>>, vector<16xi32>,
    %get3A_763 = vector.shape_cast %get3A_762 : vector<16xi32> to vector<16xi32>
    %get3A_764 = arith.constant 400 : index
    %get3A_765 = tpu.vector_load %arg6[%get3A_764] {strides = array<i32>} : memref<6400xi32, #tpu.memory_space<vmem>>, vector<16xi32>,
    %get3A_766 = vector.shape_cast %get3A_765 : vector<16xi32> to vector<16xi32>
    %lt3A_767 = arith.constant 0 : i32
    %lt3A_768 = vector.broadcast %lt3A_767 : i32 to vector<16xi32>
    %lt3A_769 = arith.cmpi slt, %select_n3A_31, %lt3A_768 : vector<16xi32>
    %add3A_770 = arith.constant 16 : i32
    %add3A_771 = vector.broadcast %add3A_770 : i32 to vector<16xi32>
    %add3A_772 = arith.addi %select_n3A_31, %add3A_771 : vector<16xi32>
    %select_n3A_773 = arith.select %lt3A_769, %add3A_772, %select_n3A_31 : vector<16xi1>, vector<16xi32>
    %broadcast_in_dim3A_774 = vector.shape_cast %select_n3A_773 : vector<16xi32> to vector<16x1xi32>
    %gather3A_775 = vector.shape_cast %broadcast_in_dim3A_774 : vector<16x1xi32> to vector<16xi32>
    %gather3A_776 = tpu.dynamic_gather %get3A_763[%gather3A_775] in [0] : vector<16xi32>, vector<16xi32> -> vector<16xi32>
    %lt3A_777 = arith.constant 0 : i32
    %lt3A_778 = vector.broadcast %lt3A_777 : i32 to vector<16xi32>
    %lt3A_779 = arith.cmpi slt, %select_n3A_31, %lt3A_778 : vector<16xi32>
    %add3A_780 = arith.constant 16 : i32
    %add3A_781 = vector.broadcast %add3A_780 : i32 to vector<16xi32>
    %add3A_782 = arith.addi %select_n3A_31, %add3A_781 : vector<16xi32>
    %select_n3A_783 = arith.select %lt3A_779, %add3A_782, %select_n3A_31 : vector<16xi1>, vector<16xi32>
    %broadcast_in_dim3A_784 = vector.shape_cast %select_n3A_783 : vector<16xi32> to vector<16x1xi32>
    %gather3A_785 = vector.shape_cast %broadcast_in_dim3A_784 : vector<16x1xi32> to vector<16xi32>
    %gather3A_786 = tpu.dynamic_gather %get3A_766[%gather3A_785] in [0] : vector<16xi32>, vector<16xi32> -> vector<16xi32>
    %select_n3A_787 = arith.select %lt3A_8, %gather3A_776, %gather3A_786 : vector<16xi1>, vector<16xi32>
    %lt3A_788 = arith.constant 0 : i32
    %lt3A_789 = vector.broadcast %lt3A_788 : i32 to vector<16xi32>
    %lt3A_790 = arith.cmpi slt, %add3A_34, %lt3A_789 : vector<16xi32>
    %add3A_791 = arith.constant 16 : i32
    %add3A_792 = vector.broadcast %add3A_791 : i32 to vector<16xi32>
    %add3A_793 = arith.addi %add3A_34, %add3A_792 : vector<16xi32>
    %select_n3A_794 = arith.select %lt3A_790, %add3A_793, %add3A_34 : vector<16xi1>, vector<16xi32>
    %broadcast_in_dim3A_795 = vector.shape_cast %select_n3A_794 : vector<16xi32> to vector<16x1xi32>
    %gather3A_796 = vector.shape_cast %broadcast_in_dim3A_795 : vector<16x1xi32> to vector<16xi32>
    %gather3A_797 = tpu.dynamic_gather %get3A_763[%gather3A_796] in [0] : vector<16xi32>, vector<16xi32> -> vector<16xi32>
    %lt3A_798 = arith.constant 0 : i32
    %lt3A_799 = vector.broadcast %lt3A_798 : i32 to vector<16xi32>
    %lt3A_800 = arith.cmpi slt, %add3A_34, %lt3A_799 : vector<16xi32>
    %add3A_801 = arith.constant 16 : i32
    %add3A_802 = vector.broadcast %add3A_801 : i32 to vector<16xi32>
    %add3A_803 = arith.addi %add3A_34, %add3A_802 : vector<16xi32>
    %select_n3A_804 = arith.select %lt3A_800, %add3A_803, %add3A_34 : vector<16xi1>, vector<16xi32>
    %broadcast_in_dim3A_805 = vector.shape_cast %select_n3A_804 : vector<16xi32> to vector<16x1xi32>
    %gather3A_806 = vector.shape_cast %broadcast_in_dim3A_805 : vector<16x1xi32> to vector<16xi32>
    %gather3A_807 = tpu.dynamic_gather %get3A_766[%gather3A_806] in [0] : vector<16xi32>, vector<16xi32> -> vector<16xi32>
    %select_n3A_808 = arith.select %lt3A_8, %gather3A_797, %gather3A_807 : vector<16xi1>, vector<16xi32>
    %mul3A_809 = arith.constant 8 : i32
    %mul3A_810 = vector.broadcast %mul3A_809 : i32 to vector<16xi32>
    %mul3A_811 = arith.muli %select_n3A_787, %mul3A_810 : vector<16xi32>
    %add3A_812 = arith.addi %mul3A_811, %select_n3A_808 : vector<16xi32>
    %swap3A_813 = arith.constant 2 : i32
    %swap3A_814 = arith.index_cast %swap3A_813 : i32 to index
    %swap3A_815 = arith.constant 32 : index
    %swap3A_816 = tpu.vector_load %arg7[%swap3A_814, %swap3A_815] {strides = array<i32>} : memref<4x80xi32, #tpu.memory_space<vmem>>, vector<1x16xi32>,
    %swap3A_817 = vector.shape_cast %swap3A_816 : vector<1x16xi32> to vector<16xi32>
    %swap3A_818 = vector.shape_cast %add3A_812 : vector<16xi32> to vector<1x16xi32>
    tpu.vector_store %arg7[%swap3A_814, %swap3A_815], %swap3A_818 {strides = array<i32>} : memref<4x80xi32, #tpu.memory_space<vmem>>, vector<1x16xi32>,
    %get3A_819 = arith.constant 416 : index
    %get3A_820 = tpu.vector_load %arg6[%get3A_819] {strides = array<i32>} : memref<6400xi32, #tpu.memory_space<vmem>>, vector<16xi32>,
    %get3A_821 = vector.shape_cast %get3A_820 : vector<16xi32> to vector<16xi32>
    %get3A_822 = arith.constant 432 : index
    %get3A_823 = tpu.vector_load %arg6[%get3A_822] {strides = array<i32>} : memref<6400xi32, #tpu.memory_space<vmem>>, vector<16xi32>,
    %get3A_824 = vector.shape_cast %get3A_823 : vector<16xi32> to vector<16xi32>
    %lt3A_825 = arith.constant 0 : i32
    %lt3A_826 = vector.broadcast %lt3A_825 : i32 to vector<16xi32>
    %lt3A_827 = arith.cmpi slt, %select_n3A_31, %lt3A_826 : vector<16xi32>
    %add3A_828 = arith.constant 16 : i32
    %add3A_829 = vector.broadcast %add3A_828 : i32 to vector<16xi32>
    %add3A_830 = arith.addi %select_n3A_31, %add3A_829 : vector<16xi32>
    %select_n3A_831 = arith.select %lt3A_827, %add3A_830, %select_n3A_31 : vector<16xi1>, vector<16xi32>
    %broadcast_in_dim3A_832 = vector.shape_cast %select_n3A_831 : vector<16xi32> to vector<16x1xi32>
    %gather3A_833 = vector.shape_cast %broadcast_in_dim3A_832 : vector<16x1xi32> to vector<16xi32>
    %gather3A_834 = tpu.dynamic_gather %get3A_821[%gather3A_833] in [0] : vector<16xi32>, vector<16xi32> -> vector<16xi32>
    %lt3A_835 = arith.constant 0 : i32
    %lt3A_836 = vector.broadcast %lt3A_835 : i32 to vector<16xi32>
    %lt3A_837 = arith.cmpi slt, %select_n3A_31, %lt3A_836 : vector<16xi32>
    %add3A_838 = arith.constant 16 : i32
    %add3A_839 = vector.broadcast %add3A_838 : i32 to vector<16xi32>
    %add3A_840 = arith.addi %select_n3A_31, %add3A_839 : vector<16xi32>
    %select_n3A_841 = arith.select %lt3A_837, %add3A_840, %select_n3A_31 : vector<16xi1>, vector<16xi32>
    %broadcast_in_dim3A_842 = vector.shape_cast %select_n3A_841 : vector<16xi32> to vector<16x1xi32>
    %gather3A_843 = vector.shape_cast %broadcast_in_dim3A_842 : vector<16x1xi32> to vector<16xi32>
    %gather3A_844 = tpu.dynamic_gather %get3A_824[%gather3A_843] in [0] : vector<16xi32>, vector<16xi32> -> vector<16xi32>
    %select_n3A_845 = arith.select %lt3A_8, %gather3A_834, %gather3A_844 : vector<16xi1>, vector<16xi32>
    %lt3A_846 = arith.constant 0 : i32
    %lt3A_847 = vector.broadcast %lt3A_846 : i32 to vector<16xi32>
    %lt3A_848 = arith.cmpi slt, %add3A_34, %lt3A_847 : vector<16xi32>
    %add3A_849 = arith.constant 16 : i32
    %add3A_850 = vector.broadcast %add3A_849 : i32 to vector<16xi32>
    %add3A_851 = arith.addi %add3A_34, %add3A_850 : vector<16xi32>
    %select_n3A_852 = arith.select %lt3A_848, %add3A_851, %add3A_34 : vector<16xi1>, vector<16xi32>
    %broadcast_in_dim3A_853 = vector.shape_cast %select_n3A_852 : vector<16xi32> to vector<16x1xi32>
    %gather3A_854 = vector.shape_cast %broadcast_in_dim3A_853 : vector<16x1xi32> to vector<16xi32>
    %gather3A_855 = tpu.dynamic_gather %get3A_821[%gather3A_854] in [0] : vector<16xi32>, vector<16xi32> -> vector<16xi32>
    %lt3A_856 = arith.constant 0 : i32
    %lt3A_857 = vector.broadcast %lt3A_856 : i32 to vector<16xi32>
    %lt3A_858 = arith.cmpi slt, %add3A_34, %lt3A_857 : vector<16xi32>
    %add3A_859 = arith.constant 16 : i32
    %add3A_860 = vector.broadcast %add3A_859 : i32 to vector<16xi32>
    %add3A_861 = arith.addi %add3A_34, %add3A_860 : vector<16xi32>
    %select_n3A_862 = arith.select %lt3A_858, %add3A_861, %add3A_34 : vector<16xi1>, vector<16xi32>
    %broadcast_in_dim3A_863 = vector.shape_cast %select_n3A_862 : vector<16xi32> to vector<16x1xi32>
    %gather3A_864 = vector.shape_cast %broadcast_in_dim3A_863 : vector<16x1xi32> to vector<16xi32>
    %gather3A_865 = tpu.dynamic_gather %get3A_824[%gather3A_864] in [0] : vector<16xi32>, vector<16xi32> -> vector<16xi32>
    %select_n3A_866 = arith.select %lt3A_8, %gather3A_855, %gather3A_865 : vector<16xi1>, vector<16xi32>
    %mul3A_867 = arith.constant 8 : i32
    %mul3A_868 = vector.broadcast %mul3A_867 : i32 to vector<16xi32>
    %mul3A_869 = arith.muli %select_n3A_845, %mul3A_868 : vector<16xi32>
    %add3A_870 = arith.addi %mul3A_869, %select_n3A_866 : vector<16xi32>
    %swap3A_871 = arith.constant 2 : i32
    %swap3A_872 = arith.index_cast %swap3A_871 : i32 to index
    %swap3A_873 = arith.constant 48 : index
    %swap3A_874 = tpu.vector_load %arg7[%swap3A_872, %swap3A_873] {strides = array<i32>} : memref<4x80xi32, #tpu.memory_space<vmem>>, vector<1x16xi32>,
    %swap3A_875 = vector.shape_cast %swap3A_874 : vector<1x16xi32> to vector<16xi32>
    %swap3A_876 = vector.shape_cast %add3A_870 : vector<16xi32> to vector<1x16xi32>
    tpu.vector_store %arg7[%swap3A_872, %swap3A_873], %swap3A_876 {strides = array<i32>} : memref<4x80xi32, #tpu.memory_space<vmem>>, vector<1x16xi32>,
    %get3A_877 = arith.constant 448 : index
    %get3A_878 = tpu.vector_load %arg6[%get3A_877] {strides = array<i32>} : memref<6400xi32, #tpu.memory_space<vmem>>, vector<16xi32>,
    %get3A_879 = vector.shape_cast %get3A_878 : vector<16xi32> to vector<16xi32>
    %get3A_880 = arith.constant 464 : index
    %get3A_881 = tpu.vector_load %arg6[%get3A_880] {strides = array<i32>} : memref<6400xi32, #tpu.memory_space<vmem>>, vector<16xi32>,
    %get3A_882 = vector.shape_cast %get3A_881 : vector<16xi32> to vector<16xi32>
    %lt3A_883 = arith.constant 0 : i32
    %lt3A_884 = vector.broadcast %lt3A_883 : i32 to vector<16xi32>
    %lt3A_885 = arith.cmpi slt, %select_n3A_31, %lt3A_884 : vector<16xi32>
    %add3A_886 = arith.constant 16 : i32
    %add3A_887 = vector.broadcast %add3A_886 : i32 to vector<16xi32>
    %add3A_888 = arith.addi %select_n3A_31, %add3A_887 : vector<16xi32>
    %select_n3A_889 = arith.select %lt3A_885, %add3A_888, %select_n3A_31 : vector<16xi1>, vector<16xi32>
    %broadcast_in_dim3A_890 = vector.shape_cast %select_n3A_889 : vector<16xi32> to vector<16x1xi32>
    %gather3A_891 = vector.shape_cast %broadcast_in_dim3A_890 : vector<16x1xi32> to vector<16xi32>
    %gather3A_892 = tpu.dynamic_gather %get3A_879[%gather3A_891] in [0] : vector<16xi32>, vector<16xi32> -> vector<16xi32>
    %lt3A_893 = arith.constant 0 : i32
    %lt3A_894 = vector.broadcast %lt3A_893 : i32 to vector<16xi32>
    %lt3A_895 = arith.cmpi slt, %select_n3A_31, %lt3A_894 : vector<16xi32>
    %add3A_896 = arith.constant 16 : i32
    %add3A_897 = vector.broadcast %add3A_896 : i32 to vector<16xi32>
    %add3A_898 = arith.addi %select_n3A_31, %add3A_897 : vector<16xi32>
    %select_n3A_899 = arith.select %lt3A_895, %add3A_898, %select_n3A_31 : vector<16xi1>, vector<16xi32>
    %broadcast_in_dim3A_900 = vector.shape_cast %select_n3A_899 : vector<16xi32> to vector<16x1xi32>
    %gather3A_901 = vector.shape_cast %broadcast_in_dim3A_900 : vector<16x1xi32> to vector<16xi32>
    %gather3A_902 = tpu.dynamic_gather %get3A_882[%gather3A_901] in [0] : vector<16xi32>, vector<16xi32> -> vector<16xi32>
    %select_n3A_903 = arith.select %lt3A_8, %gather3A_892, %gather3A_902 : vector<16xi1>, vector<16xi32>
    %lt3A_904 = arith.constant 0 : i32
    %lt3A_905 = vector.broadcast %lt3A_904 : i32 to vector<16xi32>
    %lt3A_906 = arith.cmpi slt, %add3A_34, %lt3A_905 : vector<16xi32>
    %add3A_907 = arith.constant 16 : i32
    %add3A_908 = vector.broadcast %add3A_907 : i32 to vector<16xi32>
    %add3A_909 = arith.addi %add3A_34, %add3A_908 : vector<16xi32>
    %select_n3A_910 = arith.select %lt3A_906, %add3A_909, %add3A_34 : vector<16xi1>, vector<16xi32>
    %broadcast_in_dim3A_911 = vector.shape_cast %select_n3A_910 : vector<16xi32> to vector<16x1xi32>
    %gather3A_912 = vector.shape_cast %broadcast_in_dim3A_911 : vector<16x1xi32> to vector<16xi32>
    %gather3A_913 = tpu.dynamic_gather %get3A_879[%gather3A_912] in [0] : vector<16xi32>, vector<16xi32> -> vector<16xi32>
    %lt3A_914 = arith.constant 0 : i32
    %lt3A_915 = vector.broadcast %lt3A_914 : i32 to vector<16xi32>
    %lt3A_916 = arith.cmpi slt, %add3A_34, %lt3A_915 : vector<16xi32>
    %add3A_917 = arith.constant 16 : i32
    %add3A_918 = vector.broadcast %add3A_917 : i32 to vector<16xi32>
    %add3A_919 = arith.addi %add3A_34, %add3A_918 : vector<16xi32>
    %select_n3A_920 = arith.select %lt3A_916, %add3A_919, %add3A_34 : vector<16xi1>, vector<16xi32>
    %broadcast_in_dim3A_921 = vector.shape_cast %select_n3A_920 : vector<16xi32> to vector<16x1xi32>
    %gather3A_922 = vector.shape_cast %broadcast_in_dim3A_921 : vector<16x1xi32> to vector<16xi32>
    %gather3A_923 = tpu.dynamic_gather %get3A_882[%gather3A_922] in [0] : vector<16xi32>, vector<16xi32> -> vector<16xi32>
    %select_n3A_924 = arith.select %lt3A_8, %gather3A_913, %gather3A_923 : vector<16xi1>, vector<16xi32>
    %mul3A_925 = arith.constant 8 : i32
    %mul3A_926 = vector.broadcast %mul3A_925 : i32 to vector<16xi32>
    %mul3A_927 = arith.muli %select_n3A_903, %mul3A_926 : vector<16xi32>
    %add3A_928 = arith.addi %mul3A_927, %select_n3A_924 : vector<16xi32>
    %swap3A_929 = arith.constant 2 : i32
    %swap3A_930 = arith.index_cast %swap3A_929 : i32 to index
    %swap3A_931 = arith.constant 64 : index
    %swap3A_932 = tpu.vector_load %arg7[%swap3A_930, %swap3A_931] {strides = array<i32>} : memref<4x80xi32, #tpu.memory_space<vmem>>, vector<1x16xi32>,
    %swap3A_933 = vector.shape_cast %swap3A_932 : vector<1x16xi32> to vector<16xi32>
    %swap3A_934 = vector.shape_cast %add3A_928 : vector<16xi32> to vector<1x16xi32>
    tpu.vector_store %arg7[%swap3A_930, %swap3A_931], %swap3A_934 {strides = array<i32>} : memref<4x80xi32, #tpu.memory_space<vmem>>, vector<1x16xi32>,
    %dma_start3A_935 = arith.constant 2 : i32
    %dma_start3A_936 = arith.constant 2 : i32
    %dma_start3A_937 = arith.constant 0 : i32
    %dma_start3A_938 = arith.constant 0 : i32
    %dma_start3A_939 = tpu.memref_slice %arg8[%dma_start3A_936, %dma_start3A_937, %dma_start3A_938] : memref<4x80x128xf32, #tpu.memory_space<vmem>> -> memref<1x80x128xf32, #tpu.memory_space<vmem>>
    %dma_start3A_940 = tpu.memref_squeeze %dma_start3A_939 : memref<1x80x128xf32, #tpu.memory_space<vmem>> -> memref<80x128xf32, #tpu.memory_space<vmem>>
    %dma_start3A_941 = arith.constant 0 : i32
    %dma_start3A_942 = tpu.memref_slice %arg7[%dma_start3A_935, %dma_start3A_941] : memref<4x80xi32, #tpu.memory_space<vmem>> -> memref<1x80xi32, #tpu.memory_space<vmem>>
    %dma_start3A_943 = tpu.memref_squeeze %dma_start3A_942 : memref<1x80xi32, #tpu.memory_space<vmem>> -> memref<80xi32, #tpu.memory_space<vmem>>
    %dma_start3A_944 = arith.constant 0 : i32
    %dma_start3A_945 = arith.constant 0 : i32
    %dma_start3A_946 = tpu.memref_slice %arg9[%arg1, %dma_start3A_944, %dma_start3A_945] : memref<16x64x128xf32, #tpu.memory_space<vmem_shared>> -> memref<1x64x128xf32, #tpu.memory_space<vmem_shared>>
    %dma_start3A_947 = tpu.memref_squeeze %dma_start3A_946 : memref<1x64x128xf32, #tpu.memory_space<vmem_shared>> -> memref<64x128xf32, #tpu.memory_space<vmem_shared>>
    %dma_start3A_948 = arith.constant 0 : i32
    %dma_start3A_949 = arith.constant 0 : i32
    %dma_start3A_950 = tpu.memref_slice %dma_start3A_947[%dma_start3A_948, %dma_start3A_949] : memref<64x128xf32, #tpu.memory_space<vmem_shared>> -> memref<64x128xf32, #tpu.memory_space<vmem_shared>>
    tpu.enqueue_indirect_dma source(%dma_start3A_950 : memref<64x128xf32, #tpu.memory_space<vmem_shared>>) target(%dma_start3A_940 : memref<80x128xf32, #tpu.memory_space<vmem>>) offsets(%dma_start3A_943 : memref<80xi32, #tpu.memory_space<vmem>>) semaphore(%arg12 : memref<!tpu.dma_semaphore, #tpu.memory_space<semaphore_mem>>)
    %dma_wait3A = arith.constant 0 : i32
    %dma_wait3A_951 = arith.constant 0 : i32
    %dma_wait3A_952 = arith.constant 0 : i32
    %dma_wait3A_953 = tpu.memref_slice %arg8[%dma_wait3A, %dma_wait3A_951, %dma_wait3A_952] : memref<4x80x128xf32, #tpu.memory_space<vmem>> -> memref<1x80x128xf32, #tpu.memory_space<vmem>>
    %dma_wait3A_954 = tpu.memref_squeeze %dma_wait3A_953 : memref<1x80x128xf32, #tpu.memory_space<vmem>> -> memref<80x128xf32, #tpu.memory_space<vmem>>
    %dma_wait3A_955 = arith.constant 0 : i32
    %dma_wait3A_956 = arith.constant 0 : i32
    %dma_wait3A_957 = tpu.memref_slice %arg8[%dma_wait3A, %dma_wait3A_955, %dma_wait3A_956] : memref<4x80x128xf32, #tpu.memory_space<vmem>> -> memref<1x80x128xf32, #tpu.memory_space<vmem>>
    %dma_wait3A_958 = tpu.memref_squeeze %dma_wait3A_957 : memref<1x80x128xf32, #tpu.memory_space<vmem>> -> memref<80x128xf32, #tpu.memory_space<vmem>>
    tpu.wait_dma2 semaphore(%arg10 : memref<!tpu.dma_semaphore, #tpu.memory_space<semaphore_mem>>) src(%arg4 : memref<80x128xf32, #tpu.memory_space<hbm>>) dst(%dma_wait3A_958 : memref<80x128xf32, #tpu.memory_space<vmem>>)
    %add3A_959 = arith.constant 0 : i32
    %add3A_960 = arith.addi %mul3A_6, %add3A_959 : i32
    %multiple_of3A_961 = tpu.assume_multiple %add3A_960, 80 : i32
    %dma_start3A_962 = arith.constant 0 : i32
    %dma_start3A_963 = arith.constant 0 : i32
    %dma_start3A_964 = arith.constant 0 : i32
    %dma_start3A_965 = tpu.memref_slice %arg8[%dma_start3A_962, %dma_start3A_963, %dma_start3A_964] : memref<4x80x128xf32, #tpu.memory_space<vmem>> -> memref<1x80x128xf32, #tpu.memory_space<vmem>>
    %dma_start3A_966 = tpu.memref_squeeze %dma_start3A_965 : memref<1x80x128xf32, #tpu.memory_space<vmem>> -> memref<80x128xf32, #tpu.memory_space<vmem>>
    %dma_start3A_967 = arith.constant 0 : i32
    %dma_start3A_968 = tpu.memref_slice %arg5[%multiple_of3A_961, %dma_start3A_967] : memref<102400x128xf32, #tpu.memory_space<hbm>> -> memref<80x128xf32, #tpu.memory_space<hbm>>
    %dma_start3A_969 = arith.constant 0 : i32
    %dma_start3A_970 = tpu.memref_slice %arg5[%multiple_of3A_961, %dma_start3A_969] : memref<102400x128xf32, #tpu.memory_space<hbm>> -> memref<80x128xf32, #tpu.memory_space<hbm>>
    %dma_start3A_971 = arith.constant 0 : i32
    %dma_start3A_972 = arith.constant 0 : i32
    %dma_start3A_973 = tpu.memref_slice %arg8[%dma_start3A_962, %dma_start3A_971, %dma_start3A_972] : memref<4x80x128xf32, #tpu.memory_space<vmem>> -> memref<1x80x128xf32, #tpu.memory_space<vmem>>
    %dma_start3A_974 = tpu.memref_squeeze %dma_start3A_973 : memref<1x80x128xf32, #tpu.memory_space<vmem>> -> memref<80x128xf32, #tpu.memory_space<vmem>>
    tpu.enqueue_dma source(%dma_start3A_974 : memref<80x128xf32, #tpu.memory_space<vmem>>) target(%dma_start3A_970 : memref<80x128xf32, #tpu.memory_space<hbm>>) target_semaphore(%arg14 : memref<!tpu.dma_semaphore, #tpu.memory_space<semaphore_mem>>)
    %get3A_975 = arith.constant 480 : index
    %get3A_976 = tpu.vector_load %arg6[%get3A_975] {strides = array<i32>} : memref<6400xi32, #tpu.memory_space<vmem>>, vector<16xi32>,
    %get3A_977 = vector.shape_cast %get3A_976 : vector<16xi32> to vector<16xi32>
    %get3A_978 = arith.constant 496 : index
    %get3A_979 = tpu.vector_load %arg6[%get3A_978] {strides = array<i32>} : memref<6400xi32, #tpu.memory_space<vmem>>, vector<16xi32>,
    %get3A_980 = vector.shape_cast %get3A_979 : vector<16xi32> to vector<16xi32>
    %lt3A_981 = arith.constant 0 : i32
    %lt3A_982 = vector.broadcast %lt3A_981 : i32 to vector<16xi32>
    %lt3A_983 = arith.cmpi slt, %select_n3A_31, %lt3A_982 : vector<16xi32>
    %add3A_984 = arith.constant 16 : i32
    %add3A_985 = vector.broadcast %add3A_984 : i32 to vector<16xi32>
    %add3A_986 = arith.addi %select_n3A_31, %add3A_985 : vector<16xi32>
    %select_n3A_987 = arith.select %lt3A_983, %add3A_986, %select_n3A_31 : vector<16xi1>, vector<16xi32>
    %broadcast_in_dim3A_988 = vector.shape_cast %select_n3A_987 : vector<16xi32> to vector<16x1xi32>
    %gather3A_989 = vector.shape_cast %broadcast_in_dim3A_988 : vector<16x1xi32> to vector<16xi32>
    %gather3A_990 = tpu.dynamic_gather %get3A_977[%gather3A_989] in [0] : vector<16xi32>, vector<16xi32> -> vector<16xi32>
    %lt3A_991 = arith.constant 0 : i32
    %lt3A_992 = vector.broadcast %lt3A_991 : i32 to vector<16xi32>
    %lt3A_993 = arith.cmpi slt, %select_n3A_31, %lt3A_992 : vector<16xi32>
    %add3A_994 = arith.constant 16 : i32
    %add3A_995 = vector.broadcast %add3A_994 : i32 to vector<16xi32>
    %add3A_996 = arith.addi %select_n3A_31, %add3A_995 : vector<16xi32>
    %select_n3A_997 = arith.select %lt3A_993, %add3A_996, %select_n3A_31 : vector<16xi1>, vector<16xi32>
    %broadcast_in_dim3A_998 = vector.shape_cast %select_n3A_997 : vector<16xi32> to vector<16x1xi32>
    %gather3A_999 = vector.shape_cast %broadcast_in_dim3A_998 : vector<16x1xi32> to vector<16xi32>
    %gather3A_1000 = tpu.dynamic_gather %get3A_980[%gather3A_999] in [0] : vector<16xi32>, vector<16xi32> -> vector<16xi32>
    %select_n3A_1001 = arith.select %lt3A_8, %gather3A_990, %gather3A_1000 : vector<16xi1>, vector<16xi32>
    %lt3A_1002 = arith.constant 0 : i32
    %lt3A_1003 = vector.broadcast %lt3A_1002 : i32 to vector<16xi32>
    %lt3A_1004 = arith.cmpi slt, %add3A_34, %lt3A_1003 : vector<16xi32>
    %add3A_1005 = arith.constant 16 : i32
    %add3A_1006 = vector.broadcast %add3A_1005 : i32 to vector<16xi32>
    %add3A_1007 = arith.addi %add3A_34, %add3A_1006 : vector<16xi32>
    %select_n3A_1008 = arith.select %lt3A_1004, %add3A_1007, %add3A_34 : vector<16xi1>, vector<16xi32>
    %broadcast_in_dim3A_1009 = vector.shape_cast %select_n3A_1008 : vector<16xi32> to vector<16x1xi32>
    %gather3A_1010 = vector.shape_cast %broadcast_in_dim3A_1009 : vector<16x1xi32> to vector<16xi32>
    %gather3A_1011 = tpu.dynamic_gather %get3A_977[%gather3A_1010] in [0] : vector<16xi32>, vector<16xi32> -> vector<16xi32>
    %lt3A_1012 = arith.constant 0 : i32
    %lt3A_1013 = vector.broadcast %lt3A_1012 : i32 to vector<16xi32>
    %lt3A_1014 = arith.cmpi slt, %add3A_34, %lt3A_1013 : vector<16xi32>
    %add3A_1015 = arith.constant 16 : i32
    %add3A_1016 = vector.broadcast %add3A_1015 : i32 to vector<16xi32>
    %add3A_1017 = arith.addi %add3A_34, %add3A_1016 : vector<16xi32>
    %select_n3A_1018 = arith.select %lt3A_1014, %add3A_1017, %add3A_34 : vector<16xi1>, vector<16xi32>
    %broadcast_in_dim3A_1019 = vector.shape_cast %select_n3A_1018 : vector<16xi32> to vector<16x1xi32>
    %gather3A_1020 = vector.shape_cast %broadcast_in_dim3A_1019 : vector<16x1xi32> to vector<16xi32>
    %gather3A_1021 = tpu.dynamic_gather %get3A_980[%gather3A_1020] in [0] : vector<16xi32>, vector<16xi32> -> vector<16xi32>
    %select_n3A_1022 = arith.select %lt3A_8, %gather3A_1011, %gather3A_1021 : vector<16xi1>, vector<16xi32>
    %mul3A_1023 = arith.constant 8 : i32
    %mul3A_1024 = vector.broadcast %mul3A_1023 : i32 to vector<16xi32>
    %mul3A_1025 = arith.muli %select_n3A_1001, %mul3A_1024 : vector<16xi32>
    %add3A_1026 = arith.addi %mul3A_1025, %select_n3A_1022 : vector<16xi32>
    %swap3A_1027 = arith.constant 3 : i32
    %swap3A_1028 = arith.index_cast %swap3A_1027 : i32 to index
    %swap3A_1029 = arith.constant 0 : index
    %swap3A_1030 = tpu.vector_load %arg7[%swap3A_1028, %swap3A_1029] {strides = array<i32>} : memref<4x80xi32, #tpu.memory_space<vmem>>, vector<1x16xi32>,
    %swap3A_1031 = vector.shape_cast %swap3A_1030 : vector<1x16xi32> to vector<16xi32>
    %swap3A_1032 = vector.shape_cast %add3A_1026 : vector<16xi32> to vector<1x16xi32>
    tpu.vector_store %arg7[%swap3A_1028, %swap3A_1029], %swap3A_1032 {strides = array<i32>} : memref<4x80xi32, #tpu.memory_space<vmem>>, vector<1x16xi32>,
    %get3A_1033 = arith.constant 512 : index
    %get3A_1034 = tpu.vector_load %arg6[%get3A_1033] {strides = array<i32>} : memref<6400xi32, #tpu.memory_space<vmem>>, vector<16xi32>,
    %get3A_1035 = vector.shape_cast %get3A_1034 : vector<16xi32> to vector<16xi32>
    %get3A_1036 = arith.constant 528 : index
    %get3A_1037 = tpu.vector_load %arg6[%get3A_1036] {strides = array<i32>} : memref<6400xi32, #tpu.memory_space<vmem>>, vector<16xi32>,
    %get3A_1038 = vector.shape_cast %get3A_1037 : vector<16xi32> to vector<16xi32>
    %lt3A_1039 = arith.constant 0 : i32
    %lt3A_1040 = vector.broadcast %lt3A_1039 : i32 to vector<16xi32>
    %lt3A_1041 = arith.cmpi slt, %select_n3A_31, %lt3A_1040 : vector<16xi32>
    %add3A_1042 = arith.constant 16 : i32
    %add3A_1043 = vector.broadcast %add3A_1042 : i32 to vector<16xi32>
    %add3A_1044 = arith.addi %select_n3A_31, %add3A_1043 : vector<16xi32>
    %select_n3A_1045 = arith.select %lt3A_1041, %add3A_1044, %select_n3A_31 : vector<16xi1>, vector<16xi32>
    %broadcast_in_dim3A_1046 = vector.shape_cast %select_n3A_1045 : vector<16xi32> to vector<16x1xi32>
    %gather3A_1047 = vector.shape_cast %broadcast_in_dim3A_1046 : vector<16x1xi32> to vector<16xi32>
    %gather3A_1048 = tpu.dynamic_gather %get3A_1035[%gather3A_1047] in [0] : vector<16xi32>, vector<16xi32> -> vector<16xi32>
    %lt3A_1049 = arith.constant 0 : i32
    %lt3A_1050 = vector.broadcast %lt3A_1049 : i32 to vector<16xi32>
    %lt3A_1051 = arith.cmpi slt, %select_n3A_31, %lt3A_1050 : vector<16xi32>
    %add3A_1052 = arith.constant 16 : i32
    %add3A_1053 = vector.broadcast %add3A_1052 : i32 to vector<16xi32>
    %add3A_1054 = arith.addi %select_n3A_31, %add3A_1053 : vector<16xi32>
    %select_n3A_1055 = arith.select %lt3A_1051, %add3A_1054, %select_n3A_31 : vector<16xi1>, vector<16xi32>
    %broadcast_in_dim3A_1056 = vector.shape_cast %select_n3A_1055 : vector<16xi32> to vector<16x1xi32>
    %gather3A_1057 = vector.shape_cast %broadcast_in_dim3A_1056 : vector<16x1xi32> to vector<16xi32>
    %gather3A_1058 = tpu.dynamic_gather %get3A_1038[%gather3A_1057] in [0] : vector<16xi32>, vector<16xi32> -> vector<16xi32>
    %select_n3A_1059 = arith.select %lt3A_8, %gather3A_1048, %gather3A_1058 : vector<16xi1>, vector<16xi32>
    %lt3A_1060 = arith.constant 0 : i32
    %lt3A_1061 = vector.broadcast %lt3A_1060 : i32 to vector<16xi32>
    %lt3A_1062 = arith.cmpi slt, %add3A_34, %lt3A_1061 : vector<16xi32>
    %add3A_1063 = arith.constant 16 : i32
    %add3A_1064 = vector.broadcast %add3A_1063 : i32 to vector<16xi32>
    %add3A_1065 = arith.addi %add3A_34, %add3A_1064 : vector<16xi32>
    %select_n3A_1066 = arith.select %lt3A_1062, %add3A_1065, %add3A_34 : vector<16xi1>, vector<16xi32>
    %broadcast_in_dim3A_1067 = vector.shape_cast %select_n3A_1066 : vector<16xi32> to vector<16x1xi32>
    %gather3A_1068 = vector.shape_cast %broadcast_in_dim3A_1067 : vector<16x1xi32> to vector<16xi32>
    %gather3A_1069 = tpu.dynamic_gather %get3A_1035[%gather3A_1068] in [0] : vector<16xi32>, vector<16xi32> -> vector<16xi32>
    %lt3A_1070 = arith.constant 0 : i32
    %lt3A_1071 = vector.broadcast %lt3A_1070 : i32 to vector<16xi32>
    %lt3A_1072 = arith.cmpi slt, %add3A_34, %lt3A_1071 : vector<16xi32>
    %add3A_1073 = arith.constant 16 : i32
    %add3A_1074 = vector.broadcast %add3A_1073 : i32 to vector<16xi32>
    %add3A_1075 = arith.addi %add3A_34, %add3A_1074 : vector<16xi32>
    %select_n3A_1076 = arith.select %lt3A_1072, %add3A_1075, %add3A_34 : vector<16xi1>, vector<16xi32>
    %broadcast_in_dim3A_1077 = vector.shape_cast %select_n3A_1076 : vector<16xi32> to vector<16x1xi32>
    %gather3A_1078 = vector.shape_cast %broadcast_in_dim3A_1077 : vector<16x1xi32> to vector<16xi32>
    %gather3A_1079 = tpu.dynamic_gather %get3A_1038[%gather3A_1078] in [0] : vector<16xi32>, vector<16xi32> -> vector<16xi32>
    %select_n3A_1080 = arith.select %lt3A_8, %gather3A_1069, %gather3A_1079 : vector<16xi1>, vector<16xi32>
    %mul3A_1081 = arith.constant 8 : i32
    %mul3A_1082 = vector.broadcast %mul3A_1081 : i32 to vector<16xi32>
    %mul3A_1083 = arith.muli %select_n3A_1059, %mul3A_1082 : vector<16xi32>
    %add3A_1084 = arith.addi %mul3A_1083, %select_n3A_1080 : vector<16xi32>
    %swap3A_1085 = arith.constant 3 : i32
    %swap3A_1086 = arith.index_cast %swap3A_1085 : i32 to index
    %swap3A_1087 = arith.constant 16 : index
    %swap3A_1088 = tpu.vector_load %arg7[%swap3A_1086, %swap3A_1087] {strides = array<i32>} : memref<4x80xi32, #tpu.memory_space<vmem>>, vector<1x16xi32>,
    %swap3A_1089 = vector.shape_cast %swap3A_1088 : vector<1x16xi32> to vector<16xi32>
    %swap3A_1090 = vector.shape_cast %add3A_1084 : vector<16xi32> to vector<1x16xi32>
    tpu.vector_store %arg7[%swap3A_1086, %swap3A_1087], %swap3A_1090 {strides = array<i32>} : memref<4x80xi32, #tpu.memory_space<vmem>>, vector<1x16xi32>,
    %get3A_1091 = arith.constant 544 : index
    %get3A_1092 = tpu.vector_load %arg6[%get3A_1091] {strides = array<i32>} : memref<6400xi32, #tpu.memory_space<vmem>>, vector<16xi32>,
    %get3A_1093 = vector.shape_cast %get3A_1092 : vector<16xi32> to vector<16xi32>
    %get3A_1094 = arith.constant 560 : index
    %get3A_1095 = tpu.vector_load %arg6[%get3A_1094] {strides = array<i32>} : memref<6400xi32, #tpu.memory_space<vmem>>, vector<16xi32>,
    %get3A_1096 = vector.shape_cast %get3A_1095 : vector<16xi32> to vector<16xi32>
    %lt3A_1097 = arith.constant 0 : i32
    %lt3A_1098 = vector.broadcast %lt3A_1097 : i32 to vector<16xi32>
    %lt3A_1099 = arith.cmpi slt, %select_n3A_31, %lt3A_1098 : vector<16xi32>
    %add3A_1100 = arith.constant 16 : i32
    %add3A_1101 = vector.broadcast %add3A_1100 : i32 to vector<16xi32>
    %add3A_1102 = arith.addi %select_n3A_31, %add3A_1101 : vector<16xi32>
    %select_n3A_1103 = arith.select %lt3A_1099, %add3A_1102, %select_n3A_31 : vector<16xi1>, vector<16xi32>
    %broadcast_in_dim3A_1104 = vector.shape_cast %select_n3A_1103 : vector<16xi32> to vector<16x1xi32>
    %gather3A_1105 = vector.shape_cast %broadcast_in_dim3A_1104 : vector<16x1xi32> to vector<16xi32>
    %gather3A_1106 = tpu.dynamic_gather %get3A_1093[%gather3A_1105] in [0] : vector<16xi32>, vector<16xi32> -> vector<16xi32>
    %lt3A_1107 = arith.constant 0 : i32
    %lt3A_1108 = vector.broadcast %lt3A_1107 : i32 to vector<16xi32>
    %lt3A_1109 = arith.cmpi slt, %select_n3A_31, %lt3A_1108 : vector<16xi32>
    %add3A_1110 = arith.constant 16 : i32
    %add3A_1111 = vector.broadcast %add3A_1110 : i32 to vector<16xi32>
    %add3A_1112 = arith.addi %select_n3A_31, %add3A_1111 : vector<16xi32>
    %select_n3A_1113 = arith.select %lt3A_1109, %add3A_1112, %select_n3A_31 : vector<16xi1>, vector<16xi32>
    %broadcast_in_dim3A_1114 = vector.shape_cast %select_n3A_1113 : vector<16xi32> to vector<16x1xi32>
    %gather3A_1115 = vector.shape_cast %broadcast_in_dim3A_1114 : vector<16x1xi32> to vector<16xi32>
    %gather3A_1116 = tpu.dynamic_gather %get3A_1096[%gather3A_1115] in [0] : vector<16xi32>, vector<16xi32> -> vector<16xi32>
    %select_n3A_1117 = arith.select %lt3A_8, %gather3A_1106, %gather3A_1116 : vector<16xi1>, vector<16xi32>
    %lt3A_1118 = arith.constant 0 : i32
    %lt3A_1119 = vector.broadcast %lt3A_1118 : i32 to vector<16xi32>
    %lt3A_1120 = arith.cmpi slt, %add3A_34, %lt3A_1119 : vector<16xi32>
    %add3A_1121 = arith.constant 16 : i32
    %add3A_1122 = vector.broadcast %add3A_1121 : i32 to vector<16xi32>
    %add3A_1123 = arith.addi %add3A_34, %add3A_1122 : vector<16xi32>
    %select_n3A_1124 = arith.select %lt3A_1120, %add3A_1123, %add3A_34 : vector<16xi1>, vector<16xi32>
    %broadcast_in_dim3A_1125 = vector.shape_cast %select_n3A_1124 : vector<16xi32> to vector<16x1xi32>
    %gather3A_1126 = vector.shape_cast %broadcast_in_dim3A_1125 : vector<16x1xi32> to vector<16xi32>
    %gather3A_1127 = tpu.dynamic_gather %get3A_1093[%gather3A_1126] in [0] : vector<16xi32>, vector<16xi32> -> vector<16xi32>
    %lt3A_1128 = arith.constant 0 : i32
    %lt3A_1129 = vector.broadcast %lt3A_1128 : i32 to vector<16xi32>
    %lt3A_1130 = arith.cmpi slt, %add3A_34, %lt3A_1129 : vector<16xi32>
    %add3A_1131 = arith.constant 16 : i32
    %add3A_1132 = vector.broadcast %add3A_1131 : i32 to vector<16xi32>
    %add3A_1133 = arith.addi %add3A_34, %add3A_1132 : vector<16xi32>
    %select_n3A_1134 = arith.select %lt3A_1130, %add3A_1133, %add3A_34 : vector<16xi1>, vector<16xi32>
    %broadcast_in_dim3A_1135 = vector.shape_cast %select_n3A_1134 : vector<16xi32> to vector<16x1xi32>
    %gather3A_1136 = vector.shape_cast %broadcast_in_dim3A_1135 : vector<16x1xi32> to vector<16xi32>
    %gather3A_1137 = tpu.dynamic_gather %get3A_1096[%gather3A_1136] in [0] : vector<16xi32>, vector<16xi32> -> vector<16xi32>
    %select_n3A_1138 = arith.select %lt3A_8, %gather3A_1127, %gather3A_1137 : vector<16xi1>, vector<16xi32>
    %mul3A_1139 = arith.constant 8 : i32
    %mul3A_1140 = vector.broadcast %mul3A_1139 : i32 to vector<16xi32>
    %mul3A_1141 = arith.muli %select_n3A_1117, %mul3A_1140 : vector<16xi32>
    %add3A_1142 = arith.addi %mul3A_1141, %select_n3A_1138 : vector<16xi32>
    %swap3A_1143 = arith.constant 3 : i32
    %swap3A_1144 = arith.index_cast %swap3A_1143 : i32 to index
    %swap3A_1145 = arith.constant 32 : index
    %swap3A_1146 = tpu.vector_load %arg7[%swap3A_1144, %swap3A_1145] {strides = array<i32>} : memref<4x80xi32, #tpu.memory_space<vmem>>, vector<1x16xi32>,
    %swap3A_1147 = vector.shape_cast %swap3A_1146 : vector<1x16xi32> to vector<16xi32>
    %swap3A_1148 = vector.shape_cast %add3A_1142 : vector<16xi32> to vector<1x16xi32>
    tpu.vector_store %arg7[%swap3A_1144, %swap3A_1145], %swap3A_1148 {strides = array<i32>} : memref<4x80xi32, #tpu.memory_space<vmem>>, vector<1x16xi32>,
    %get3A_1149 = arith.constant 576 : index
    %get3A_1150 = tpu.vector_load %arg6[%get3A_1149] {strides = array<i32>} : memref<6400xi32, #tpu.memory_space<vmem>>, vector<16xi32>,
    %get3A_1151 = vector.shape_cast %get3A_1150 : vector<16xi32> to vector<16xi32>
    %get3A_1152 = arith.constant 592 : index
    %get3A_1153 = tpu.vector_load %arg6[%get3A_1152] {strides = array<i32>} : memref<6400xi32, #tpu.memory_space<vmem>>, vector<16xi32>,
    %get3A_1154 = vector.shape_cast %get3A_1153 : vector<16xi32> to vector<16xi32>
    %lt3A_1155 = arith.constant 0 : i32
    %lt3A_1156 = vector.broadcast %lt3A_1155 : i32 to vector<16xi32>
    %lt3A_1157 = arith.cmpi slt, %select_n3A_31, %lt3A_1156 : vector<16xi32>
    %add3A_1158 = arith.constant 16 : i32
    %add3A_1159 = vector.broadcast %add3A_1158 : i32 to vector<16xi32>
    %add3A_1160 = arith.addi %select_n3A_31, %add3A_1159 : vector<16xi32>
    %select_n3A_1161 = arith.select %lt3A_1157, %add3A_1160, %select_n3A_31 : vector<16xi1>, vector<16xi32>
    %broadcast_in_dim3A_1162 = vector.shape_cast %select_n3A_1161 : vector<16xi32> to vector<16x1xi32>
    %gather3A_1163 = vector.shape_cast %broadcast_in_dim3A_1162 : vector<16x1xi32> to vector<16xi32>
    %gather3A_1164 = tpu.dynamic_gather %get3A_1151[%gather3A_1163] in [0] : vector<16xi32>, vector<16xi32> -> vector<16xi32>
    %lt3A_1165 = arith.constant 0 : i32
    %lt3A_1166 = vector.broadcast %lt3A_1165 : i32 to vector<16xi32>
    %lt3A_1167 = arith.cmpi slt, %select_n3A_31, %lt3A_1166 : vector<16xi32>
    %add3A_1168 = arith.constant 16 : i32
    %add3A_1169 = vector.broadcast %add3A_1168 : i32 to vector<16xi32>
    %add3A_1170 = arith.addi %select_n3A_31, %add3A_1169 : vector<16xi32>
    %select_n3A_1171 = arith.select %lt3A_1167, %add3A_1170, %select_n3A_31 : vector<16xi1>, vector<16xi32>
    %broadcast_in_dim3A_1172 = vector.shape_cast %select_n3A_1171 : vector<16xi32> to vector<16x1xi32>
    %gather3A_1173 = vector.shape_cast %broadcast_in_dim3A_1172 : vector<16x1xi32> to vector<16xi32>
    %gather3A_1174 = tpu.dynamic_gather %get3A_1154[%gather3A_1173] in [0] : vector<16xi32>, vector<16xi32> -> vector<16xi32>
    %select_n3A_1175 = arith.select %lt3A_8, %gather3A_1164, %gather3A_1174 : vector<16xi1>, vector<16xi32>
    %lt3A_1176 = arith.constant 0 : i32
    %lt3A_1177 = vector.broadcast %lt3A_1176 : i32 to vector<16xi32>
    %lt3A_1178 = arith.cmpi slt, %add3A_34, %lt3A_1177 : vector<16xi32>
    %add3A_1179 = arith.constant 16 : i32
    %add3A_1180 = vector.broadcast %add3A_1179 : i32 to vector<16xi32>
    %add3A_1181 = arith.addi %add3A_34, %add3A_1180 : vector<16xi32>
    %select_n3A_1182 = arith.select %lt3A_1178, %add3A_1181, %add3A_34 : vector<16xi1>, vector<16xi32>
    %broadcast_in_dim3A_1183 = vector.shape_cast %select_n3A_1182 : vector<16xi32> to vector<16x1xi32>
    %gather3A_1184 = vector.shape_cast %broadcast_in_dim3A_1183 : vector<16x1xi32> to vector<16xi32>
    %gather3A_1185 = tpu.dynamic_gather %get3A_1151[%gather3A_1184] in [0] : vector<16xi32>, vector<16xi32> -> vector<16xi32>
    %lt3A_1186 = arith.constant 0 : i32
    %lt3A_1187 = vector.broadcast %lt3A_1186 : i32 to vector<16xi32>
    %lt3A_1188 = arith.cmpi slt, %add3A_34, %lt3A_1187 : vector<16xi32>
    %add3A_1189 = arith.constant 16 : i32
    %add3A_1190 = vector.broadcast %add3A_1189 : i32 to vector<16xi32>
    %add3A_1191 = arith.addi %add3A_34, %add3A_1190 : vector<16xi32>
    %select_n3A_1192 = arith.select %lt3A_1188, %add3A_1191, %add3A_34 : vector<16xi1>, vector<16xi32>
    %broadcast_in_dim3A_1193 = vector.shape_cast %select_n3A_1192 : vector<16xi32> to vector<16x1xi32>
    %gather3A_1194 = vector.shape_cast %broadcast_in_dim3A_1193 : vector<16x1xi32> to vector<16xi32>
    %gather3A_1195 = tpu.dynamic_gather %get3A_1154[%gather3A_1194] in [0] : vector<16xi32>, vector<16xi32> -> vector<16xi32>
    %select_n3A_1196 = arith.select %lt3A_8, %gather3A_1185, %gather3A_1195 : vector<16xi1>, vector<16xi32>
    %mul3A_1197 = arith.constant 8 : i32
    %mul3A_1198 = vector.broadcast %mul3A_1197 : i32 to vector<16xi32>
    %mul3A_1199 = arith.muli %select_n3A_1175, %mul3A_1198 : vector<16xi32>
    %add3A_1200 = arith.addi %mul3A_1199, %select_n3A_1196 : vector<16xi32>
    %swap3A_1201 = arith.constant 3 : i32
    %swap3A_1202 = arith.index_cast %swap3A_1201 : i32 to index
    %swap3A_1203 = arith.constant 48 : index
    %swap3A_1204 = tpu.vector_load %arg7[%swap3A_1202, %swap3A_1203] {strides = array<i32>} : memref<4x80xi32, #tpu.memory_space<vmem>>, vector<1x16xi32>,
    %swap3A_1205 = vector.shape_cast %swap3A_1204 : vector<1x16xi32> to vector<16xi32>
    %swap3A_1206 = vector.shape_cast %add3A_1200 : vector<16xi32> to vector<1x16xi32>
    tpu.vector_store %arg7[%swap3A_1202, %swap3A_1203], %swap3A_1206 {strides = array<i32>} : memref<4x80xi32, #tpu.memory_space<vmem>>, vector<1x16xi32>,
    %get3A_1207 = arith.constant 608 : index
    %get3A_1208 = tpu.vector_load %arg6[%get3A_1207] {strides = array<i32>} : memref<6400xi32, #tpu.memory_space<vmem>>, vector<16xi32>,
    %get3A_1209 = vector.shape_cast %get3A_1208 : vector<16xi32> to vector<16xi32>
    %get3A_1210 = arith.constant 624 : index
    %get3A_1211 = tpu.vector_load %arg6[%get3A_1210] {strides = array<i32>} : memref<6400xi32, #tpu.memory_space<vmem>>, vector<16xi32>,
    %get3A_1212 = vector.shape_cast %get3A_1211 : vector<16xi32> to vector<16xi32>
    %lt3A_1213 = arith.constant 0 : i32
    %lt3A_1214 = vector.broadcast %lt3A_1213 : i32 to vector<16xi32>
    %lt3A_1215 = arith.cmpi slt, %select_n3A_31, %lt3A_1214 : vector<16xi32>
    %add3A_1216 = arith.constant 16 : i32
    %add3A_1217 = vector.broadcast %add3A_1216 : i32 to vector<16xi32>
    %add3A_1218 = arith.addi %select_n3A_31, %add3A_1217 : vector<16xi32>
    %select_n3A_1219 = arith.select %lt3A_1215, %add3A_1218, %select_n3A_31 : vector<16xi1>, vector<16xi32>
    %broadcast_in_dim3A_1220 = vector.shape_cast %select_n3A_1219 : vector<16xi32> to vector<16x1xi32>
    %gather3A_1221 = vector.shape_cast %broadcast_in_dim3A_1220 : vector<16x1xi32> to vector<16xi32>
    %gather3A_1222 = tpu.dynamic_gather %get3A_1209[%gather3A_1221] in [0] : vector<16xi32>, vector<16xi32> -> vector<16xi32>
    %lt3A_1223 = arith.constant 0 : i32
    %lt3A_1224 = vector.broadcast %lt3A_1223 : i32 to vector<16xi32>
    %lt3A_1225 = arith.cmpi slt, %select_n3A_31, %lt3A_1224 : vector<16xi32>
    %add3A_1226 = arith.constant 16 : i32
    %add3A_1227 = vector.broadcast %add3A_1226 : i32 to vector<16xi32>
    %add3A_1228 = arith.addi %select_n3A_31, %add3A_1227 : vector<16xi32>
    %select_n3A_1229 = arith.select %lt3A_1225, %add3A_1228, %select_n3A_31 : vector<16xi1>, vector<16xi32>
    %broadcast_in_dim3A_1230 = vector.shape_cast %select_n3A_1229 : vector<16xi32> to vector<16x1xi32>
    %gather3A_1231 = vector.shape_cast %broadcast_in_dim3A_1230 : vector<16x1xi32> to vector<16xi32>
    %gather3A_1232 = tpu.dynamic_gather %get3A_1212[%gather3A_1231] in [0] : vector<16xi32>, vector<16xi32> -> vector<16xi32>
    %select_n3A_1233 = arith.select %lt3A_8, %gather3A_1222, %gather3A_1232 : vector<16xi1>, vector<16xi32>
    %lt3A_1234 = arith.constant 0 : i32
    %lt3A_1235 = vector.broadcast %lt3A_1234 : i32 to vector<16xi32>
    %lt3A_1236 = arith.cmpi slt, %add3A_34, %lt3A_1235 : vector<16xi32>
    %add3A_1237 = arith.constant 16 : i32
    %add3A_1238 = vector.broadcast %add3A_1237 : i32 to vector<16xi32>
    %add3A_1239 = arith.addi %add3A_34, %add3A_1238 : vector<16xi32>
    %select_n3A_1240 = arith.select %lt3A_1236, %add3A_1239, %add3A_34 : vector<16xi1>, vector<16xi32>
    %broadcast_in_dim3A_1241 = vector.shape_cast %select_n3A_1240 : vector<16xi32> to vector<16x1xi32>
    %gather3A_1242 = vector.shape_cast %broadcast_in_dim3A_1241 : vector<16x1xi32> to vector<16xi32>
    %gather3A_1243 = tpu.dynamic_gather %get3A_1209[%gather3A_1242] in [0] : vector<16xi32>, vector<16xi32> -> vector<16xi32>
    %lt3A_1244 = arith.constant 0 : i32
    %lt3A_1245 = vector.broadcast %lt3A_1244 : i32 to vector<16xi32>
    %lt3A_1246 = arith.cmpi slt, %add3A_34, %lt3A_1245 : vector<16xi32>
    %add3A_1247 = arith.constant 16 : i32
    %add3A_1248 = vector.broadcast %add3A_1247 : i32 to vector<16xi32>
    %add3A_1249 = arith.addi %add3A_34, %add3A_1248 : vector<16xi32>
    %select_n3A_1250 = arith.select %lt3A_1246, %add3A_1249, %add3A_34 : vector<16xi1>, vector<16xi32>
    %broadcast_in_dim3A_1251 = vector.shape_cast %select_n3A_1250 : vector<16xi32> to vector<16x1xi32>
    %gather3A_1252 = vector.shape_cast %broadcast_in_dim3A_1251 : vector<16x1xi32> to vector<16xi32>
    %gather3A_1253 = tpu.dynamic_gather %get3A_1212[%gather3A_1252] in [0] : vector<16xi32>, vector<16xi32> -> vector<16xi32>
    %select_n3A_1254 = arith.select %lt3A_8, %gather3A_1243, %gather3A_1253 : vector<16xi1>, vector<16xi32>
    %mul3A_1255 = arith.constant 8 : i32
    %mul3A_1256 = vector.broadcast %mul3A_1255 : i32 to vector<16xi32>
    %mul3A_1257 = arith.muli %select_n3A_1233, %mul3A_1256 : vector<16xi32>
    %add3A_1258 = arith.addi %mul3A_1257, %select_n3A_1254 : vector<16xi32>
    %swap3A_1259 = arith.constant 3 : i32
    %swap3A_1260 = arith.index_cast %swap3A_1259 : i32 to index
    %swap3A_1261 = arith.constant 64 : index
    %swap3A_1262 = tpu.vector_load %arg7[%swap3A_1260, %swap3A_1261] {strides = array<i32>} : memref<4x80xi32, #tpu.memory_space<vmem>>, vector<1x16xi32>,
    %swap3A_1263 = vector.shape_cast %swap3A_1262 : vector<1x16xi32> to vector<16xi32>
    %swap3A_1264 = vector.shape_cast %add3A_1258 : vector<16xi32> to vector<1x16xi32>
    tpu.vector_store %arg7[%swap3A_1260, %swap3A_1261], %swap3A_1264 {strides = array<i32>} : memref<4x80xi32, #tpu.memory_space<vmem>>, vector<1x16xi32>,
    %dma_start3A_1265 = arith.constant 3 : i32
    %dma_start3A_1266 = arith.constant 3 : i32
    %dma_start3A_1267 = arith.constant 0 : i32
    %dma_start3A_1268 = arith.constant 0 : i32
    %dma_start3A_1269 = tpu.memref_slice %arg8[%dma_start3A_1266, %dma_start3A_1267, %dma_start3A_1268] : memref<4x80x128xf32, #tpu.memory_space<vmem>> -> memref<1x80x128xf32, #tpu.memory_space<vmem>>
    %dma_start3A_1270 = tpu.memref_squeeze %dma_start3A_1269 : memref<1x80x128xf32, #tpu.memory_space<vmem>> -> memref<80x128xf32, #tpu.memory_space<vmem>>
    %dma_start3A_1271 = arith.constant 0 : i32
    %dma_start3A_1272 = tpu.memref_slice %arg7[%dma_start3A_1265, %dma_start3A_1271] : memref<4x80xi32, #tpu.memory_space<vmem>> -> memref<1x80xi32, #tpu.memory_space<vmem>>
    %dma_start3A_1273 = tpu.memref_squeeze %dma_start3A_1272 : memref<1x80xi32, #tpu.memory_space<vmem>> -> memref<80xi32, #tpu.memory_space<vmem>>
    %dma_start3A_1274 = arith.constant 0 : i32
    %dma_start3A_1275 = arith.constant 0 : i32
    %dma_start3A_1276 = tpu.memref_slice %arg9[%arg1, %dma_start3A_1274, %dma_start3A_1275] : memref<16x64x128xf32, #tpu.memory_space<vmem_shared>> -> memref<1x64x128xf32, #tpu.memory_space<vmem_shared>>
    %dma_start3A_1277 = tpu.memref_squeeze %dma_start3A_1276 : memref<1x64x128xf32, #tpu.memory_space<vmem_shared>> -> memref<64x128xf32, #tpu.memory_space<vmem_shared>>
    %dma_start3A_1278 = arith.constant 0 : i32
    %dma_start3A_1279 = arith.constant 0 : i32
    %dma_start3A_1280 = tpu.memref_slice %dma_start3A_1277[%dma_start3A_1278, %dma_start3A_1279] : memref<64x128xf32, #tpu.memory_space<vmem_shared>> -> memref<64x128xf32, #tpu.memory_space<vmem_shared>>
    tpu.enqueue_indirect_dma source(%dma_start3A_1280 : memref<64x128xf32, #tpu.memory_space<vmem_shared>>) target(%dma_start3A_1270 : memref<80x128xf32, #tpu.memory_space<vmem>>) offsets(%dma_start3A_1273 : memref<80xi32, #tpu.memory_space<vmem>>) semaphore(%arg13 : memref<!tpu.dma_semaphore, #tpu.memory_space<semaphore_mem>>)
    %dma_wait3A_1281 = arith.constant 1 : i32
    %dma_wait3A_1282 = arith.constant 0 : i32
    %dma_wait3A_1283 = arith.constant 0 : i32
    %dma_wait3A_1284 = tpu.memref_slice %arg8[%dma_wait3A_1281, %dma_wait3A_1282, %dma_wait3A_1283] : memref<4x80x128xf32, #tpu.memory_space<vmem>> -> memref<1x80x128xf32, #tpu.memory_space<vmem>>
    %dma_wait3A_1285 = tpu.memref_squeeze %dma_wait3A_1284 : memref<1x80x128xf32, #tpu.memory_space<vmem>> -> memref<80x128xf32, #tpu.memory_space<vmem>>
    %dma_wait3A_1286 = arith.constant 0 : i32
    %dma_wait3A_1287 = arith.constant 0 : i32
    %dma_wait3A_1288 = tpu.memref_slice %arg8[%dma_wait3A_1281, %dma_wait3A_1286, %dma_wait3A_1287] : memref<4x80x128xf32, #tpu.memory_space<vmem>> -> memref<1x80x128xf32, #tpu.memory_space<vmem>>
    %dma_wait3A_1289 = tpu.memref_squeeze %dma_wait3A_1288 : memref<1x80x128xf32, #tpu.memory_space<vmem>> -> memref<80x128xf32, #tpu.memory_space<vmem>>
    tpu.wait_dma2 semaphore(%arg11 : memref<!tpu.dma_semaphore, #tpu.memory_space<semaphore_mem>>) src(%arg4 : memref<80x128xf32, #tpu.memory_space<hbm>>) dst(%dma_wait3A_1289 : memref<80x128xf32, #tpu.memory_space<vmem>>)
    %add3A_1290 = arith.constant 80 : i32
    %add3A_1291 = arith.addi %mul3A_6, %add3A_1290 : i32
    %multiple_of3A_1292 = tpu.assume_multiple %add3A_1291, 80 : i32
    %dma_start3A_1293 = arith.constant 1 : i32
    %dma_start3A_1294 = arith.constant 0 : i32
    %dma_start3A_1295 = arith.constant 0 : i32
    %dma_start3A_1296 = tpu.memref_slice %arg8[%dma_start3A_1293, %dma_start3A_1294, %dma_start3A_1295] : memref<4x80x128xf32, #tpu.memory_space<vmem>> -> memref<1x80x128xf32, #tpu.memory_space<vmem>>
    %dma_start3A_1297 = tpu.memref_squeeze %dma_start3A_1296 : memref<1x80x128xf32, #tpu.memory_space<vmem>> -> memref<80x128xf32, #tpu.memory_space<vmem>>
    %dma_start3A_1298 = arith.constant 0 : i32
    %dma_start3A_1299 = tpu.memref_slice %arg5[%multiple_of3A_1292, %dma_start3A_1298] : memref<102400x128xf32, #tpu.memory_space<hbm>> -> memref<80x128xf32, #tpu.memory_space<hbm>>
    %dma_start3A_1300 = arith.constant 0 : i32
    %dma_start3A_1301 = tpu.memref_slice %arg5[%multiple_of3A_1292, %dma_start3A_1300] : memref<102400x128xf32, #tpu.memory_space<hbm>> -> memref<80x128xf32, #tpu.memory_space<hbm>>
    %dma_start3A_1302 = arith.constant 0 : i32
    %dma_start3A_1303 = arith.constant 0 : i32
    %dma_start3A_1304 = tpu.memref_slice %arg8[%dma_start3A_1293, %dma_start3A_1302, %dma_start3A_1303] : memref<4x80x128xf32, #tpu.memory_space<vmem>> -> memref<1x80x128xf32, #tpu.memory_space<vmem>>
    %dma_start3A_1305 = tpu.memref_squeeze %dma_start3A_1304 : memref<1x80x128xf32, #tpu.memory_space<vmem>> -> memref<80x128xf32, #tpu.memory_space<vmem>>
    tpu.enqueue_dma source(%dma_start3A_1305 : memref<80x128xf32, #tpu.memory_space<vmem>>) target(%dma_start3A_1301 : memref<80x128xf32, #tpu.memory_space<hbm>>) target_semaphore(%arg15 : memref<!tpu.dma_semaphore, #tpu.memory_space<semaphore_mem>>)
    %dma_wait3A_1306 = arith.constant 0 : i32
    %dma_wait3A_1307 = arith.constant 0 : i32
    %dma_wait3A_1308 = arith.constant 0 : i32
    %dma_wait3A_1309 = tpu.memref_slice %arg8[%dma_wait3A_1306, %dma_wait3A_1307, %dma_wait3A_1308] : memref<4x80x128xf32, #tpu.memory_space<vmem>> -> memref<1x80x128xf32, #tpu.memory_space<vmem>>
    %dma_wait3A_1310 = tpu.memref_squeeze %dma_wait3A_1309 : memref<1x80x128xf32, #tpu.memory_space<vmem>> -> memref<80x128xf32, #tpu.memory_space<vmem>>
    %dma_wait3A_1311 = arith.constant 0 : i32
    %dma_wait3A_1312 = arith.constant 0 : i32
    %dma_wait3A_1313 = tpu.memref_slice %arg5[%dma_wait3A_1311, %dma_wait3A_1312] : memref<102400x128xf32, #tpu.memory_space<hbm>> -> memref<80x128xf32, #tpu.memory_space<hbm>>
    %dma_wait3A_1314 = arith.constant 0 : i32
    %dma_wait3A_1315 = arith.constant 0 : i32
    %dma_wait3A_1316 = tpu.memref_slice %arg5[%dma_wait3A_1314, %dma_wait3A_1315] : memref<102400x128xf32, #tpu.memory_space<hbm>> -> memref<80x128xf32, #tpu.memory_space<hbm>>
    %dma_wait3A_1317 = arith.constant 0 : i32
    %dma_wait3A_1318 = arith.constant 0 : i32
    %dma_wait3A_1319 = tpu.memref_slice %arg8[%dma_wait3A_1306, %dma_wait3A_1317, %dma_wait3A_1318] : memref<4x80x128xf32, #tpu.memory_space<vmem>> -> memref<1x80x128xf32, #tpu.memory_space<vmem>>
    %dma_wait3A_1320 = tpu.memref_squeeze %dma_wait3A_1319 : memref<1x80x128xf32, #tpu.memory_space<vmem>> -> memref<80x128xf32, #tpu.memory_space<vmem>>
    tpu.wait_dma2 semaphore(%arg14 : memref<!tpu.dma_semaphore, #tpu.memory_space<semaphore_mem>>) src(%dma_wait3A_1320 : memref<80x128xf32, #tpu.memory_space<vmem>>) dst(%dma_wait3A_1316 : memref<80x128xf32, #tpu.memory_space<hbm>>)
    %get3A_1321 = arith.constant 640 : index
    %get3A_1322 = tpu.vector_load %arg6[%get3A_1321] {strides = array<i32>} : memref<6400xi32, #tpu.memory_space<vmem>>, vector<16xi32>,
    %get3A_1323 = vector.shape_cast %get3A_1322 : vector<16xi32> to vector<16xi32>
    %get3A_1324 = arith.constant 656 : index
    %get3A_1325 = tpu.vector_load %arg6[%get3A_1324] {strides = array<i32>} : memref<6400xi32, #tpu.memory_space<vmem>>, vector<16xi32>,
    %get3A_1326 = vector.shape_cast %get3A_1325 : vector<16xi32> to vector<16xi32>
    %lt3A_1327 = arith.constant 0 : i32
    %lt3A_1328 = vector.broadcast %lt3A_1327 : i32 to vector<16xi32>
    %lt3A_1329 = arith.cmpi slt, %select_n3A_31, %lt3A_1328 : vector<16xi32>
    %add3A_1330 = arith.constant 16 : i32
    %add3A_1331 = vector.broadcast %add3A_1330 : i32 to vector<16xi32>
    %add3A_1332 = arith.addi %select_n3A_31, %add3A_1331 : vector<16xi32>
    %select_n3A_1333 = arith.select %lt3A_1329, %add3A_1332, %select_n3A_31 : vector<16xi1>, vector<16xi32>
    %broadcast_in_dim3A_1334 = vector.shape_cast %select_n3A_1333 : vector<16xi32> to vector<16x1xi32>
    %gather3A_1335 = vector.shape_cast %broadcast_in_dim3A_1334 : vector<16x1xi32> to vector<16xi32>
    %gather3A_1336 = tpu.dynamic_gather %get3A_1323[%gather3A_1335] in [0] : vector<16xi32>, vector<16xi32> -> vector<16xi32>
    %lt3A_1337 = arith.constant 0 : i32
    %lt3A_1338 = vector.broadcast %lt3A_1337 : i32 to vector<16xi32>
    %lt3A_1339 = arith.cmpi slt, %select_n3A_31, %lt3A_1338 : vector<16xi32>
    %add3A_1340 = arith.constant 16 : i32
    %add3A_1341 = vector.broadcast %add3A_1340 : i32 to vector<16xi32>
    %add3A_1342 = arith.addi %select_n3A_31, %add3A_1341 : vector<16xi32>
    %select_n3A_1343 = arith.select %lt3A_1339, %add3A_1342, %select_n3A_31 : vector<16xi1>, vector<16xi32>
    %broadcast_in_dim3A_1344 = vector.shape_cast %select_n3A_1343 : vector<16xi32> to vector<16x1xi32>
    %gather3A_1345 = vector.shape_cast %broadcast_in_dim3A_1344 : vector<16x1xi32> to vector<16xi32>
    %gather3A_1346 = tpu.dynamic_gather %get3A_1326[%gather3A_1345] in [0] : vector<16xi32>, vector<16xi32> -> vector<16xi32>
    %select_n3A_1347 = arith.select %lt3A_8, %gather3A_1336, %gather3A_1346 : vector<16xi1>, vector<16xi32>
    %lt3A_1348 = arith.constant 0 : i32
    %lt3A_1349 = vector.broadcast %lt3A_1348 : i32 to vector<16xi32>
    %lt3A_1350 = arith.cmpi slt, %add3A_34, %lt3A_1349 : vector<16xi32>
    %add3A_1351 = arith.constant 16 : i32
    %add3A_1352 = vector.broadcast %add3A_1351 : i32 to vector<16xi32>
    %add3A_1353 = arith.addi %add3A_34, %add3A_1352 : vector<16xi32>
    %select_n3A_1354 = arith.select %lt3A_1350, %add3A_1353, %add3A_34 : vector<16xi1>, vector<16xi32>
    %broadcast_in_dim3A_1355 = vector.shape_cast %select_n3A_1354 : vector<16xi32> to vector<16x1xi32>
    %gather3A_1356 = vector.shape_cast %broadcast_in_dim3A_1355 : vector<16x1xi32> to vector<16xi32>
    %gather3A_1357 = tpu.dynamic_gather %get3A_1323[%gather3A_1356] in [0] : vector<16xi32>, vector<16xi32> -> vector<16xi32>
    %lt3A_1358 = arith.constant 0 : i32
    %lt3A_1359 = vector.broadcast %lt3A_1358 : i32 to vector<16xi32>
    %lt3A_1360 = arith.cmpi slt, %add3A_34, %lt3A_1359 : vector<16xi32>
    %add3A_1361 = arith.constant 16 : i32
    %add3A_1362 = vector.broadcast %add3A_1361 : i32 to vector<16xi32>
    %add3A_1363 = arith.addi %add3A_34, %add3A_1362 : vector<16xi32>
    %select_n3A_1364 = arith.select %lt3A_1360, %add3A_1363, %add3A_34 : vector<16xi1>, vector<16xi32>
    %broadcast_in_dim3A_1365 = vector.shape_cast %select_n3A_1364 : vector<16xi32> to vector<16x1xi32>
    %gather3A_1366 = vector.shape_cast %broadcast_in_dim3A_1365 : vector<16x1xi32> to vector<16xi32>
    %gather3A_1367 = tpu.dynamic_gather %get3A_1326[%gather3A_1366] in [0] : vector<16xi32>, vector<16xi32> -> vector<16xi32>
    %select_n3A_1368 = arith.select %lt3A_8, %gather3A_1357, %gather3A_1367 : vector<16xi1>, vector<16xi32>
    %mul3A_1369 = arith.constant 8 : i32
    %mul3A_1370 = vector.broadcast %mul3A_1369 : i32 to vector<16xi32>
    %mul3A_1371 = arith.muli %select_n3A_1347, %mul3A_1370 : vector<16xi32>
    %add3A_1372 = arith.addi %mul3A_1371, %select_n3A_1368 : vector<16xi32>
    %swap3A_1373 = arith.constant 0 : i32
    %swap3A_1374 = arith.index_cast %swap3A_1373 : i32 to index
    %swap3A_1375 = arith.constant 0 : index
    %swap3A_1376 = tpu.vector_load %arg7[%swap3A_1374, %swap3A_1375] {strides = array<i32>} : memref<4x80xi32, #tpu.memory_space<vmem>>, vector<1x16xi32>,
    %swap3A_1377 = vector.shape_cast %swap3A_1376 : vector<1x16xi32> to vector<16xi32>
    %swap3A_1378 = vector.shape_cast %add3A_1372 : vector<16xi32> to vector<1x16xi32>
    tpu.vector_store %arg7[%swap3A_1374, %swap3A_1375], %swap3A_1378 {strides = array<i32>} : memref<4x80xi32, #tpu.memory_space<vmem>>, vector<1x16xi32>,
    %get3A_1379 = arith.constant 672 : index
    %get3A_1380 = tpu.vector_load %arg6[%get3A_1379] {strides = array<i32>} : memref<6400xi32, #tpu.memory_space<vmem>>, vector<16xi32>,
    %get3A_1381 = vector.shape_cast %get3A_1380 : vector<16xi32> to vector<16xi32>
    %get3A_1382 = arith.constant 688 : index
    %get3A_1383 = tpu.vector_load %arg6[%get3A_1382] {strides = array<i32>} : memref<6400xi32, #tpu.memory_space<vmem>>, vector<16xi32>,
    %get3A_1384 = vector.shape_cast %get3A_1383 : vector<16xi32> to vector<16xi32>
    %lt3A_1385 = arith.constant 0 : i32
    %lt3A_1386 = vector.broadcast %lt3A_1385 : i32 to vector<16xi32>
    %lt3A_1387 = arith.cmpi slt, %select_n3A_31, %lt3A_1386 : vector<16xi32>
    %add3A_1388 = arith.constant 16 : i32
    %add3A_1389 = vector.broadcast %add3A_1388 : i32 to vector<16xi32>
    %add3A_1390 = arith.addi %select_n3A_31, %add3A_1389 : vector<16xi32>
    %select_n3A_1391 = arith.select %lt3A_1387, %add3A_1390, %select_n3A_31 : vector<16xi1>, vector<16xi32>
    %broadcast_in_dim3A_1392 = vector.shape_cast %select_n3A_1391 : vector<16xi32> to vector<16x1xi32>
    %gather3A_1393 = vector.shape_cast %broadcast_in_dim3A_1392 : vector<16x1xi32> to vector<16xi32>
    %gather3A_1394 = tpu.dynamic_gather %get3A_1381[%gather3A_1393] in [0] : vector<16xi32>, vector<16xi32> -> vector<16xi32>
    %lt3A_1395 = arith.constant 0 : i32
    %lt3A_1396 = vector.broadcast %lt3A_1395 : i32 to vector<16xi32>
    %lt3A_1397 = arith.cmpi slt, %select_n3A_31, %lt3A_1396 : vector<16xi32>
    %add3A_1398 = arith.constant 16 : i32
    %add3A_1399 = vector.broadcast %add3A_1398 : i32 to vector<16xi32>
    %add3A_1400 = arith.addi %select_n3A_31, %add3A_1399 : vector<16xi32>
    %select_n3A_1401 = arith.select %lt3A_1397, %add3A_1400, %select_n3A_31 : vector<16xi1>, vector<16xi32>
    %broadcast_in_dim3A_1402 = vector.shape_cast %select_n3A_1401 : vector<16xi32> to vector<16x1xi32>
    %gather3A_1403 = vector.shape_cast %broadcast_in_dim3A_1402 : vector<16x1xi32> to vector<16xi32>
    %gather3A_1404 = tpu.dynamic_gather %get3A_1384[%gather3A_1403] in [0] : vector<16xi32>, vector<16xi32> -> vector<16xi32>
    %select_n3A_1405 = arith.select %lt3A_8, %gather3A_1394, %gather3A_1404 : vector<16xi1>, vector<16xi32>
    %lt3A_1406 = arith.constant 0 : i32
    %lt3A_1407 = vector.broadcast %lt3A_1406 : i32 to vector<16xi32>
    %lt3A_1408 = arith.cmpi slt, %add3A_34, %lt3A_1407 : vector<16xi32>
    %add3A_1409 = arith.constant 16 : i32
    %add3A_1410 = vector.broadcast %add3A_1409 : i32 to vector<16xi32>
    %add3A_1411 = arith.addi %add3A_34, %add3A_1410 : vector<16xi32>
    %select_n3A_1412 = arith.select %lt3A_1408, %add3A_1411, %add3A_34 : vector<16xi1>, vector<16xi32>
    %broadcast_in_dim3A_1413 = vector.shape_cast %select_n3A_1412 : vector<16xi32> to vector<16x1xi32>
    %gather3A_1414 = vector.shape_cast %broadcast_in_dim3A_1413 : vector<16x1xi32> to vector<16xi32>
    %gather3A_1415 = tpu.dynamic_gather %get3A_1381[%gather3A_1414] in [0] : vector<16xi32>, vector<16xi32> -> vector<16xi32>
    %lt3A_1416 = arith.constant 0 : i32
    %lt3A_1417 = vector.broadcast %lt3A_1416 : i32 to vector<16xi32>
    %lt3A_1418 = arith.cmpi slt, %add3A_34, %lt3A_1417 : vector<16xi32>
    %add3A_1419 = arith.constant 16 : i32
    %add3A_1420 = vector.broadcast %add3A_1419 : i32 to vector<16xi32>
    %add3A_1421 = arith.addi %add3A_34, %add3A_1420 : vector<16xi32>
    %select_n3A_1422 = arith.select %lt3A_1418, %add3A_1421, %add3A_34 : vector<16xi1>, vector<16xi32>
    %broadcast_in_dim3A_1423 = vector.shape_cast %select_n3A_1422 : vector<16xi32> to vector<16x1xi32>
    %gather3A_1424 = vector.shape_cast %broadcast_in_dim3A_1423 : vector<16x1xi32> to vector<16xi32>
    %gather3A_1425 = tpu.dynamic_gather %get3A_1384[%gather3A_1424] in [0] : vector<16xi32>, vector<16xi32> -> vector<16xi32>
    %select_n3A_1426 = arith.select %lt3A_8, %gather3A_1415, %gather3A_1425 : vector<16xi1>, vector<16xi32>
    %mul3A_1427 = arith.constant 8 : i32
    %mul3A_1428 = vector.broadcast %mul3A_1427 : i32 to vector<16xi32>
    %mul3A_1429 = arith.muli %select_n3A_1405, %mul3A_1428 : vector<16xi32>
    %add3A_1430 = arith.addi %mul3A_1429, %select_n3A_1426 : vector<16xi32>
    %swap3A_1431 = arith.constant 0 : i32
    %swap3A_1432 = arith.index_cast %swap3A_1431 : i32 to index
    %swap3A_1433 = arith.constant 16 : index
    %swap3A_1434 = tpu.vector_load %arg7[%swap3A_1432, %swap3A_1433] {strides = array<i32>} : memref<4x80xi32, #tpu.memory_space<vmem>>, vector<1x16xi32>,
    %swap3A_1435 = vector.shape_cast %swap3A_1434 : vector<1x16xi32> to vector<16xi32>
    %swap3A_1436 = vector.shape_cast %add3A_1430 : vector<16xi32> to vector<1x16xi32>
    tpu.vector_store %arg7[%swap3A_1432, %swap3A_1433], %swap3A_1436 {strides = array<i32>} : memref<4x80xi32, #tpu.memory_space<vmem>>, vector<1x16xi32>,
    %get3A_1437 = arith.constant 704 : index
    %get3A_1438 = tpu.vector_load %arg6[%get3A_1437] {strides = array<i32>} : memref<6400xi32, #tpu.memory_space<vmem>>, vector<16xi32>,
    %get3A_1439 = vector.shape_cast %get3A_1438 : vector<16xi32> to vector<16xi32>
    %get3A_1440 = arith.constant 720 : index
    %get3A_1441 = tpu.vector_load %arg6[%get3A_1440] {strides = array<i32>} : memref<6400xi32, #tpu.memory_space<vmem>>, vector<16xi32>,
    %get3A_1442 = vector.shape_cast %get3A_1441 : vector<16xi32> to vector<16xi32>
    %lt3A_1443 = arith.constant 0 : i32
    %lt3A_1444 = vector.broadcast %lt3A_1443 : i32 to vector<16xi32>
    %lt3A_1445 = arith.cmpi slt, %select_n3A_31, %lt3A_1444 : vector<16xi32>
    %add3A_1446 = arith.constant 16 : i32
    %add3A_1447 = vector.broadcast %add3A_1446 : i32 to vector<16xi32>
    %add3A_1448 = arith.addi %select_n3A_31, %add3A_1447 : vector<16xi32>
    %select_n3A_1449 = arith.select %lt3A_1445, %add3A_1448, %select_n3A_31 : vector<16xi1>, vector<16xi32>
    %broadcast_in_dim3A_1450 = vector.shape_cast %select_n3A_1449 : vector<16xi32> to vector<16x1xi32>
    %gather3A_1451 = vector.shape_cast %broadcast_in_dim3A_1450 : vector<16x1xi32> to vector<16xi32>
    %gather3A_1452 = tpu.dynamic_gather %get3A_1439[%gather3A_1451] in [0] : vector<16xi32>, vector<16xi32> -> vector<16xi32>
    %lt3A_1453 = arith.constant 0 : i32
    %lt3A_1454 = vector.broadcast %lt3A_1453 : i32 to vector<16xi32>
    %lt3A_1455 = arith.cmpi slt, %select_n3A_31, %lt3A_1454 : vector<16xi32>
    %add3A_1456 = arith.constant 16 : i32
    %add3A_1457 = vector.broadcast %add3A_1456 : i32 to vector<16xi32>
    %add3A_1458 = arith.addi %select_n3A_31, %add3A_1457 : vector<16xi32>
    %select_n3A_1459 = arith.select %lt3A_1455, %add3A_1458, %select_n3A_31 : vector<16xi1>, vector<16xi32>
    %broadcast_in_dim3A_1460 = vector.shape_cast %select_n3A_1459 : vector<16xi32> to vector<16x1xi32>
    %gather3A_1461 = vector.shape_cast %broadcast_in_dim3A_1460 : vector<16x1xi32> to vector<16xi32>
    %gather3A_1462 = tpu.dynamic_gather %get3A_1442[%gather3A_1461] in [0] : vector<16xi32>, vector<16xi32> -> vector<16xi32>
    %select_n3A_1463 = arith.select %lt3A_8, %gather3A_1452, %gather3A_1462 : vector<16xi1>, vector<16xi32>
    %lt3A_1464 = arith.constant 0 : i32
    %lt3A_1465 = vector.broadcast %lt3A_1464 : i32 to vector<16xi32>
    %lt3A_1466 = arith.cmpi slt, %add3A_34, %lt3A_1465 : vector<16xi32>
    %add3A_1467 = arith.constant 16 : i32
    %add3A_1468 = vector.broadcast %add3A_1467 : i32 to vector<16xi32>
    %add3A_1469 = arith.addi %add3A_34, %add3A_1468 : vector<16xi32>
    %select_n3A_1470 = arith.select %lt3A_1466, %add3A_1469, %add3A_34 : vector<16xi1>, vector<16xi32>
    %broadcast_in_dim3A_1471 = vector.shape_cast %select_n3A_1470 : vector<16xi32> to vector<16x1xi32>
    %gather3A_1472 = vector.shape_cast %broadcast_in_dim3A_1471 : vector<16x1xi32> to vector<16xi32>
    %gather3A_1473 = tpu.dynamic_gather %get3A_1439[%gather3A_1472] in [0] : vector<16xi32>, vector<16xi32> -> vector<16xi32>
    %lt3A_1474 = arith.constant 0 : i32
    %lt3A_1475 = vector.broadcast %lt3A_1474 : i32 to vector<16xi32>
    %lt3A_1476 = arith.cmpi slt, %add3A_34, %lt3A_1475 : vector<16xi32>
    %add3A_1477 = arith.constant 16 : i32
    %add3A_1478 = vector.broadcast %add3A_1477 : i32 to vector<16xi32>
    %add3A_1479 = arith.addi %add3A_34, %add3A_1478 : vector<16xi32>
    %select_n3A_1480 = arith.select %lt3A_1476, %add3A_1479, %add3A_34 : vector<16xi1>, vector<16xi32>
    %broadcast_in_dim3A_1481 = vector.shape_cast %select_n3A_1480 : vector<16xi32> to vector<16x1xi32>
    %gather3A_1482 = vector.shape_cast %broadcast_in_dim3A_1481 : vector<16x1xi32> to vector<16xi32>
    %gather3A_1483 = tpu.dynamic_gather %get3A_1442[%gather3A_1482] in [0] : vector<16xi32>, vector<16xi32> -> vector<16xi32>
    %select_n3A_1484 = arith.select %lt3A_8, %gather3A_1473, %gather3A_1483 : vector<16xi1>, vector<16xi32>
    %mul3A_1485 = arith.constant 8 : i32
    %mul3A_1486 = vector.broadcast %mul3A_1485 : i32 to vector<16xi32>
    %mul3A_1487 = arith.muli %select_n3A_1463, %mul3A_1486 : vector<16xi32>
    %add3A_1488 = arith.addi %mul3A_1487, %select_n3A_1484 : vector<16xi32>
    %swap3A_1489 = arith.constant 0 : i32
    %swap3A_1490 = arith.index_cast %swap3A_1489 : i32 to index
    %swap3A_1491 = arith.constant 32 : index
    %swap3A_1492 = tpu.vector_load %arg7[%swap3A_1490, %swap3A_1491] {strides = array<i32>} : memref<4x80xi32, #tpu.memory_space<vmem>>, vector<1x16xi32>,
    %swap3A_1493 = vector.shape_cast %swap3A_1492 : vector<1x16xi32> to vector<16xi32>
    %swap3A_1494 = vector.shape_cast %add3A_1488 : vector<16xi32> to vector<1x16xi32>
    tpu.vector_store %arg7[%swap3A_1490, %swap3A_1491], %swap3A_1494 {strides = array<i32>} : memref<4x80xi32, #tpu.memory_space<vmem>>, vector<1x16xi32>,
    %get3A_1495 = arith.constant 736 : index
    %get3A_1496 = tpu.vector_load %arg6[%get3A_1495] {strides = array<i32>} : memref<6400xi32, #tpu.memory_space<vmem>>, vector<16xi32>,
    %get3A_1497 = vector.shape_cast %get3A_1496 : vector<16xi32> to vector<16xi32>
    %get3A_1498 = arith.constant 752 : index
    %get3A_1499 = tpu.vector_load %arg6[%get3A_1498] {strides = array<i32>} : memref<6400xi32, #tpu.memory_space<vmem>>, vector<16xi32>,
    %get3A_1500 = vector.shape_cast %get3A_1499 : vector<16xi32> to vector<16xi32>
    %lt3A_1501 = arith.constant 0 : i32
    %lt3A_1502 = vector.broadcast %lt3A_1501 : i32 to vector<16xi32>
    %lt3A_1503 = arith.cmpi slt, %select_n3A_31, %lt3A_1502 : vector<16xi32>
    %add3A_1504 = arith.constant 16 : i32
    %add3A_1505 = vector.broadcast %add3A_1504 : i32 to vector<16xi32>
    %add3A_1506 = arith.addi %select_n3A_31, %add3A_1505 : vector<16xi32>
    %select_n3A_1507 = arith.select %lt3A_1503, %add3A_1506, %select_n3A_31 : vector<16xi1>, vector<16xi32>
    %broadcast_in_dim3A_1508 = vector.shape_cast %select_n3A_1507 : vector<16xi32> to vector<16x1xi32>
    %gather3A_1509 = vector.shape_cast %broadcast_in_dim3A_1508 : vector<16x1xi32> to vector<16xi32>
    %gather3A_1510 = tpu.dynamic_gather %get3A_1497[%gather3A_1509] in [0] : vector<16xi32>, vector<16xi32> -> vector<16xi32>
    %lt3A_1511 = arith.constant 0 : i32
    %lt3A_1512 = vector.broadcast %lt3A_1511 : i32 to vector<16xi32>
    %lt3A_1513 = arith.cmpi slt, %select_n3A_31, %lt3A_1512 : vector<16xi32>
    %add3A_1514 = arith.constant 16 : i32
    %add3A_1515 = vector.broadcast %add3A_1514 : i32 to vector<16xi32>
    %add3A_1516 = arith.addi %select_n3A_31, %add3A_1515 : vector<16xi32>
    %select_n3A_1517 = arith.select %lt3A_1513, %add3A_1516, %select_n3A_31 : vector<16xi1>, vector<16xi32>
    %broadcast_in_dim3A_1518 = vector.shape_cast %select_n3A_1517 : vector<16xi32> to vector<16x1xi32>
    %gather3A_1519 = vector.shape_cast %broadcast_in_dim3A_1518 : vector<16x1xi32> to vector<16xi32>
    %gather3A_1520 = tpu.dynamic_gather %get3A_1500[%gather3A_1519] in [0] : vector<16xi32>, vector<16xi32> -> vector<16xi32>
    %select_n3A_1521 = arith.select %lt3A_8, %gather3A_1510, %gather3A_1520 : vector<16xi1>, vector<16xi32>
    %lt3A_1522 = arith.constant 0 : i32
    %lt3A_1523 = vector.broadcast %lt3A_1522 : i32 to vector<16xi32>
    %lt3A_1524 = arith.cmpi slt, %add3A_34, %lt3A_1523 : vector<16xi32>
    %add3A_1525 = arith.constant 16 : i32
    %add3A_1526 = vector.broadcast %add3A_1525 : i32 to vector<16xi32>
    %add3A_1527 = arith.addi %add3A_34, %add3A_1526 : vector<16xi32>
    %select_n3A_1528 = arith.select %lt3A_1524, %add3A_1527, %add3A_34 : vector<16xi1>, vector<16xi32>
    %broadcast_in_dim3A_1529 = vector.shape_cast %select_n3A_1528 : vector<16xi32> to vector<16x1xi32>
    %gather3A_1530 = vector.shape_cast %broadcast_in_dim3A_1529 : vector<16x1xi32> to vector<16xi32>
    %gather3A_1531 = tpu.dynamic_gather %get3A_1497[%gather3A_1530] in [0] : vector<16xi32>, vector<16xi32> -> vector<16xi32>
    %lt3A_1532 = arith.constant 0 : i32
    %lt3A_1533 = vector.broadcast %lt3A_1532 : i32 to vector<16xi32>
    %lt3A_1534 = arith.cmpi slt, %add3A_34, %lt3A_1533 : vector<16xi32>
    %add3A_1535 = arith.constant 16 : i32
    %add3A_1536 = vector.broadcast %add3A_1535 : i32 to vector<16xi32>
    %add3A_1537 = arith.addi %add3A_34, %add3A_1536 : vector<16xi32>
    %select_n3A_1538 = arith.select %lt3A_1534, %add3A_1537, %add3A_34 : vector<16xi1>, vector<16xi32>
    %broadcast_in_dim3A_1539 = vector.shape_cast %select_n3A_1538 : vector<16xi32> to vector<16x1xi32>
    %gather3A_1540 = vector.shape_cast %broadcast_in_dim3A_1539 : vector<16x1xi32> to vector<16xi32>
    %gather3A_1541 = tpu.dynamic_gather %get3A_1500[%gather3A_1540] in [0] : vector<16xi32>, vector<16xi32> -> vector<16xi32>
    %select_n3A_1542 = arith.select %lt3A_8, %gather3A_1531, %gather3A_1541 : vector<16xi1>, vector<16xi32>
    %mul3A_1543 = arith.constant 8 : i32
    %mul3A_1544 = vector.broadcast %mul3A_1543 : i32 to vector<16xi32>
    %mul3A_1545 = arith.muli %select_n3A_1521, %mul3A_1544 : vector<16xi32>
    %add3A_1546 = arith.addi %mul3A_1545, %select_n3A_1542 : vector<16xi32>
    %swap3A_1547 = arith.constant 0 : i32
    %swap3A_1548 = arith.index_cast %swap3A_1547 : i32 to index
    %swap3A_1549 = arith.constant 48 : index
    %swap3A_1550 = tpu.vector_load %arg7[%swap3A_1548, %swap3A_1549] {strides = array<i32>} : memref<4x80xi32, #tpu.memory_space<vmem>>, vector<1x16xi32>,
    %swap3A_1551 = vector.shape_cast %swap3A_1550 : vector<1x16xi32> to vector<16xi32>
    %swap3A_1552 = vector.shape_cast %add3A_1546 : vector<16xi32> to vector<1x16xi32>
    tpu.vector_store %arg7[%swap3A_1548, %swap3A_1549], %swap3A_1552 {strides = array<i32>} : memref<4x80xi32, #tpu.memory_space<vmem>>, vector<1x16xi32>,
    %get3A_1553 = arith.constant 768 : index
    %get3A_1554 = tpu.vector_load %arg6[%get3A_1553] {strides = array<i32>} : memref<6400xi32, #tpu.memory_space<vmem>>, vector<16xi32>,
    %get3A_1555 = vector.shape_cast %get3A_1554 : vector<16xi32> to vector<16xi32>
    %get3A_1556 = arith.constant 784 : index
    %get3A_1557 = tpu.vector_load %arg6[%get3A_1556] {strides = array<i32>} : memref<6400xi32, #tpu.memory_space<vmem>>, vector<16xi32>,
    %get3A_1558 = vector.shape_cast %get3A_1557 : vector<16xi32> to vector<16xi32>
    %lt3A_1559 = arith.constant 0 : i32
    %lt3A_1560 = vector.broadcast %lt3A_1559 : i32 to vector<16xi32>
    %lt3A_1561 = arith.cmpi slt, %select_n3A_31, %lt3A_1560 : vector<16xi32>
    %add3A_1562 = arith.constant 16 : i32
    %add3A_1563 = vector.broadcast %add3A_1562 : i32 to vector<16xi32>
    %add3A_1564 = arith.addi %select_n3A_31, %add3A_1563 : vector<16xi32>
    %select_n3A_1565 = arith.select %lt3A_1561, %add3A_1564, %select_n3A_31 : vector<16xi1>, vector<16xi32>
    %broadcast_in_dim3A_1566 = vector.shape_cast %select_n3A_1565 : vector<16xi32> to vector<16x1xi32>
    %gather3A_1567 = vector.shape_cast %broadcast_in_dim3A_1566 : vector<16x1xi32> to vector<16xi32>
    %gather3A_1568 = tpu.dynamic_gather %get3A_1555[%gather3A_1567] in [0] : vector<16xi32>, vector<16xi32> -> vector<16xi32>
    %lt3A_1569 = arith.constant 0 : i32
    %lt3A_1570 = vector.broadcast %lt3A_1569 : i32 to vector<16xi32>
    %lt3A_1571 = arith.cmpi slt, %select_n3A_31, %lt3A_1570 : vector<16xi32>
    %add3A_1572 = arith.constant 16 : i32
    %add3A_1573 = vector.broadcast %add3A_1572 : i32 to vector<16xi32>
    %add3A_1574 = arith.addi %select_n3A_31, %add3A_1573 : vector<16xi32>
    %select_n3A_1575 = arith.select %lt3A_1571, %add3A_1574, %select_n3A_31 : vector<16xi1>, vector<16xi32>
    %broadcast_in_dim3A_1576 = vector.shape_cast %select_n3A_1575 : vector<16xi32> to vector<16x1xi32>
    %gather3A_1577 = vector.shape_cast %broadcast_in_dim3A_1576 : vector<16x1xi32> to vector<16xi32>
    %gather3A_1578 = tpu.dynamic_gather %get3A_1558[%gather3A_1577] in [0] : vector<16xi32>, vector<16xi32> -> vector<16xi32>
    %select_n3A_1579 = arith.select %lt3A_8, %gather3A_1568, %gather3A_1578 : vector<16xi1>, vector<16xi32>
    %lt3A_1580 = arith.constant 0 : i32
    %lt3A_1581 = vector.broadcast %lt3A_1580 : i32 to vector<16xi32>
    %lt3A_1582 = arith.cmpi slt, %add3A_34, %lt3A_1581 : vector<16xi32>
    %add3A_1583 = arith.constant 16 : i32
    %add3A_1584 = vector.broadcast %add3A_1583 : i32 to vector<16xi32>
    %add3A_1585 = arith.addi %add3A_34, %add3A_1584 : vector<16xi32>
    %select_n3A_1586 = arith.select %lt3A_1582, %add3A_1585, %add3A_34 : vector<16xi1>, vector<16xi32>
    %broadcast_in_dim3A_1587 = vector.shape_cast %select_n3A_1586 : vector<16xi32> to vector<16x1xi32>
    %gather3A_1588 = vector.shape_cast %broadcast_in_dim3A_1587 : vector<16x1xi32> to vector<16xi32>
    %gather3A_1589 = tpu.dynamic_gather %get3A_1555[%gather3A_1588] in [0] : vector<16xi32>, vector<16xi32> -> vector<16xi32>
    %lt3A_1590 = arith.constant 0 : i32
    %lt3A_1591 = vector.broadcast %lt3A_1590 : i32 to vector<16xi32>
    %lt3A_1592 = arith.cmpi slt, %add3A_34, %lt3A_1591 : vector<16xi32>
    %add3A_1593 = arith.constant 16 : i32
    %add3A_1594 = vector.broadcast %add3A_1593 : i32 to vector<16xi32>
    %add3A_1595 = arith.addi %add3A_34, %add3A_1594 : vector<16xi32>
    %select_n3A_1596 = arith.select %lt3A_1592, %add3A_1595, %add3A_34 : vector<16xi1>, vector<16xi32>
    %broadcast_in_dim3A_1597 = vector.shape_cast %select_n3A_1596 : vector<16xi32> to vector<16x1xi32>
    %gather3A_1598 = vector.shape_cast %broadcast_in_dim3A_1597 : vector<16x1xi32> to vector<16xi32>
    %gather3A_1599 = tpu.dynamic_gather %get3A_1558[%gather3A_1598] in [0] : vector<16xi32>, vector<16xi32> -> vector<16xi32>
    %select_n3A_1600 = arith.select %lt3A_8, %gather3A_1589, %gather3A_1599 : vector<16xi1>, vector<16xi32>
    %mul3A_1601 = arith.constant 8 : i32
    %mul3A_1602 = vector.broadcast %mul3A_1601 : i32 to vector<16xi32>
    %mul3A_1603 = arith.muli %select_n3A_1579, %mul3A_1602 : vector<16xi32>
    %add3A_1604 = arith.addi %mul3A_1603, %select_n3A_1600 : vector<16xi32>
    %swap3A_1605 = arith.constant 0 : i32
    %swap3A_1606 = arith.index_cast %swap3A_1605 : i32 to index
    %swap3A_1607 = arith.constant 64 : index
    %swap3A_1608 = tpu.vector_load %arg7[%swap3A_1606, %swap3A_1607] {strides = array<i32>} : memref<4x80xi32, #tpu.memory_space<vmem>>, vector<1x16xi32>,
    %swap3A_1609 = vector.shape_cast %swap3A_1608 : vector<1x16xi32> to vector<16xi32>
    %swap3A_1610 = vector.shape_cast %add3A_1604 : vector<16xi32> to vector<1x16xi32>
    tpu.vector_store %arg7[%swap3A_1606, %swap3A_1607], %swap3A_1610 {strides = array<i32>} : memref<4x80xi32, #tpu.memory_space<vmem>>, vector<1x16xi32>,
    %dma_start3A_1611 = arith.constant 0 : i32
    %dma_start3A_1612 = arith.constant 0 : i32
    %dma_start3A_1613 = arith.constant 0 : i32
    %dma_start3A_1614 = arith.constant 0 : i32
    %dma_start3A_1615 = tpu.memref_slice %arg8[%dma_start3A_1612, %dma_start3A_1613, %dma_start3A_1614] : memref<4x80x128xf32, #tpu.memory_space<vmem>> -> memref<1x80x128xf32, #tpu.memory_space<vmem>>
    %dma_start3A_1616 = tpu.memref_squeeze %dma_start3A_1615 : memref<1x80x128xf32, #tpu.memory_space<vmem>> -> memref<80x128xf32, #tpu.memory_space<vmem>>
    %dma_start3A_1617 = arith.constant 0 : i32
    %dma_start3A_1618 = tpu.memref_slice %arg7[%dma_start3A_1611, %dma_start3A_1617] : memref<4x80xi32, #tpu.memory_space<vmem>> -> memref<1x80xi32, #tpu.memory_space<vmem>>
    %dma_start3A_1619 = tpu.memref_squeeze %dma_start3A_1618 : memref<1x80xi32, #tpu.memory_space<vmem>> -> memref<80xi32, #tpu.memory_space<vmem>>
    %dma_start3A_1620 = arith.constant 0 : i32
    %dma_start3A_1621 = arith.constant 0 : i32
    %dma_start3A_1622 = tpu.memref_slice %arg9[%arg1, %dma_start3A_1620, %dma_start3A_1621] : memref<16x64x128xf32, #tpu.memory_space<vmem_shared>> -> memref<1x64x128xf32, #tpu.memory_space<vmem_shared>>
    %dma_start3A_1623 = tpu.memref_squeeze %dma_start3A_1622 : memref<1x64x128xf32, #tpu.memory_space<vmem_shared>> -> memref<64x128xf32, #tpu.memory_space<vmem_shared>>
    %dma_start3A_1624 = arith.constant 0 : i32
    %dma_start3A_1625 = arith.constant 0 : i32
    %dma_start3A_1626 = tpu.memref_slice %dma_start3A_1623[%dma_start3A_1624, %dma_start3A_1625] : memref<64x128xf32, #tpu.memory_space<vmem_shared>> -> memref<64x128xf32, #tpu.memory_space<vmem_shared>>
    tpu.enqueue_indirect_dma source(%dma_start3A_1626 : memref<64x128xf32, #tpu.memory_space<vmem_shared>>) target(%dma_start3A_1616 : memref<80x128xf32, #tpu.memory_space<vmem>>) offsets(%dma_start3A_1619 : memref<80xi32, #tpu.memory_space<vmem>>) semaphore(%arg10 : memref<!tpu.dma_semaphore, #tpu.memory_space<semaphore_mem>>)
    %dma_wait3A_1627 = arith.constant 2 : i32
    %dma_wait3A_1628 = arith.constant 0 : i32
    %dma_wait3A_1629 = arith.constant 0 : i32
    %dma_wait3A_1630 = tpu.memref_slice %arg8[%dma_wait3A_1627, %dma_wait3A_1628, %dma_wait3A_1629] : memref<4x80x128xf32, #tpu.memory_space<vmem>> -> memref<1x80x128xf32, #tpu.memory_space<vmem>>
    %dma_wait3A_1631 = tpu.memref_squeeze %dma_wait3A_1630 : memref<1x80x128xf32, #tpu.memory_space<vmem>> -> memref<80x128xf32, #tpu.memory_space<vmem>>
    %dma_wait3A_1632 = arith.constant 0 : i32
    %dma_wait3A_1633 = arith.constant 0 : i32
    %dma_wait3A_1634 = tpu.memref_slice %arg8[%dma_wait3A_1627, %dma_wait3A_1632, %dma_wait3A_1633] : memref<4x80x128xf32, #tpu.memory_space<vmem>> -> memref<1x80x128xf32, #tpu.memory_space<vmem>>
    %dma_wait3A_1635 = tpu.memref_squeeze %dma_wait3A_1634 : memref<1x80x128xf32, #tpu.memory_space<vmem>> -> memref<80x128xf32, #tpu.memory_space<vmem>>
    tpu.wait_dma2 semaphore(%arg12 : memref<!tpu.dma_semaphore, #tpu.memory_space<semaphore_mem>>) src(%arg4 : memref<80x128xf32, #tpu.memory_space<hbm>>) dst(%dma_wait3A_1635 : memref<80x128xf32, #tpu.memory_space<vmem>>)
    %add3A_1636 = arith.constant 160 : i32
    %add3A_1637 = arith.addi %mul3A_6, %add3A_1636 : i32
    %multiple_of3A_1638 = tpu.assume_multiple %add3A_1637, 80 : i32
    %dma_start3A_1639 = arith.constant 2 : i32
    %dma_start3A_1640 = arith.constant 0 : i32
    %dma_start3A_1641 = arith.constant 0 : i32
    %dma_start3A_1642 = tpu.memref_slice %arg8[%dma_start3A_1639, %dma_start3A_1640, %dma_start3A_1641] : memref<4x80x128xf32, #tpu.memory_space<vmem>> -> memref<1x80x128xf32, #tpu.memory_space<vmem>>
    %dma_start3A_1643 = tpu.memref_squeeze %dma_start3A_1642 : memref<1x80x128xf32, #tpu.memory_space<vmem>> -> memref<80x128xf32, #tpu.memory_space<vmem>>
    %dma_start3A_1644 = arith.constant 0 : i32
    %dma_start3A_1645 = tpu.memref_slice %arg5[%multiple_of3A_1638, %dma_start3A_1644] : memref<102400x128xf32, #tpu.memory_space<hbm>> -> memref<80x128xf32, #tpu.memory_space<hbm>>
    %dma_start3A_1646 = arith.constant 0 : i32
    %dma_start3A_1647 = tpu.memref_slice %arg5[%multiple_of3A_1638, %dma_start3A_1646] : memref<102400x128xf32, #tpu.memory_space<hbm>> -> memref<80x128xf32, #tpu.memory_space<hbm>>
    %dma_start3A_1648 = arith.constant 0 : i32
    %dma_start3A_1649 = arith.constant 0 : i32
    %dma_start3A_1650 = tpu.memref_slice %arg8[%dma_start3A_1639, %dma_start3A_1648, %dma_start3A_1649] : memref<4x80x128xf32, #tpu.memory_space<vmem>> -> memref<1x80x128xf32, #tpu.memory_space<vmem>>
    %dma_start3A_1651 = tpu.memref_squeeze %dma_start3A_1650 : memref<1x80x128xf32, #tpu.memory_space<vmem>> -> memref<80x128xf32, #tpu.memory_space<vmem>>
    tpu.enqueue_dma source(%dma_start3A_1651 : memref<80x128xf32, #tpu.memory_space<vmem>>) target(%dma_start3A_1647 : memref<80x128xf32, #tpu.memory_space<hbm>>) target_semaphore(%arg16 : memref<!tpu.dma_semaphore, #tpu.memory_space<semaphore_mem>>)
    %dma_wait3A_1652 = arith.constant 1 : i32
    %dma_wait3A_1653 = arith.constant 0 : i32
    %dma_wait3A_1654 = arith.constant 0 : i32
    %dma_wait3A_1655 = tpu.memref_slice %arg8[%dma_wait3A_1652, %dma_wait3A_1653, %dma_wait3A_1654] : memref<4x80x128xf32, #tpu.memory_space<vmem>> -> memref<1x80x128xf32, #tpu.memory_space<vmem>>
    %dma_wait3A_1656 = tpu.memref_squeeze %dma_wait3A_1655 : memref<1x80x128xf32, #tpu.memory_space<vmem>> -> memref<80x128xf32, #tpu.memory_space<vmem>>
    %dma_wait3A_1657 = arith.constant 0 : i32
    %dma_wait3A_1658 = arith.constant 0 : i32
    %dma_wait3A_1659 = tpu.memref_slice %arg5[%dma_wait3A_1657, %dma_wait3A_1658] : memref<102400x128xf32, #tpu.memory_space<hbm>> -> memref<80x128xf32, #tpu.memory_space<hbm>>
    %dma_wait3A_1660 = arith.constant 0 : i32
    %dma_wait3A_1661 = arith.constant 0 : i32
    %dma_wait3A_1662 = tpu.memref_slice %arg5[%dma_wait3A_1660, %dma_wait3A_1661] : memref<102400x128xf32, #tpu.memory_space<hbm>> -> memref<80x128xf32, #tpu.memory_space<hbm>>
    %dma_wait3A_1663 = arith.constant 0 : i32
    %dma_wait3A_1664 = arith.constant 0 : i32
    %dma_wait3A_1665 = tpu.memref_slice %arg8[%dma_wait3A_1652, %dma_wait3A_1663, %dma_wait3A_1664] : memref<4x80x128xf32, #tpu.memory_space<vmem>> -> memref<1x80x128xf32, #tpu.memory_space<vmem>>
    %dma_wait3A_1666 = tpu.memref_squeeze %dma_wait3A_1665 : memref<1x80x128xf32, #tpu.memory_space<vmem>> -> memref<80x128xf32, #tpu.memory_space<vmem>>
    tpu.wait_dma2 semaphore(%arg15 : memref<!tpu.dma_semaphore, #tpu.memory_space<semaphore_mem>>) src(%dma_wait3A_1666 : memref<80x128xf32, #tpu.memory_space<vmem>>) dst(%dma_wait3A_1662 : memref<80x128xf32, #tpu.memory_space<hbm>>)
    %get3A_1667 = arith.constant 800 : index
    %get3A_1668 = tpu.vector_load %arg6[%get3A_1667] {strides = array<i32>} : memref<6400xi32, #tpu.memory_space<vmem>>, vector<16xi32>,
    %get3A_1669 = vector.shape_cast %get3A_1668 : vector<16xi32> to vector<16xi32>
    %get3A_1670 = arith.constant 816 : index
    %get3A_1671 = tpu.vector_load %arg6[%get3A_1670] {strides = array<i32>} : memref<6400xi32, #tpu.memory_space<vmem>>, vector<16xi32>,
    %get3A_1672 = vector.shape_cast %get3A_1671 : vector<16xi32> to vector<16xi32>
    %lt3A_1673 = arith.constant 0 : i32
    %lt3A_1674 = vector.broadcast %lt3A_1673 : i32 to vector<16xi32>
    %lt3A_1675 = arith.cmpi slt, %select_n3A_31, %lt3A_1674 : vector<16xi32>
    %add3A_1676 = arith.constant 16 : i32
    %add3A_1677 = vector.broadcast %add3A_1676 : i32 to vector<16xi32>
    %add3A_1678 = arith.addi %select_n3A_31, %add3A_1677 : vector<16xi32>
    %select_n3A_1679 = arith.select %lt3A_1675, %add3A_1678, %select_n3A_31 : vector<16xi1>, vector<16xi32>
    %broadcast_in_dim3A_1680 = vector.shape_cast %select_n3A_1679 : vector<16xi32> to vector<16x1xi32>
    %gather3A_1681 = vector.shape_cast %broadcast_in_dim3A_1680 : vector<16x1xi32> to vector<16xi32>
    %gather3A_1682 = tpu.dynamic_gather %get3A_1669[%gather3A_1681] in [0] : vector<16xi32>, vector<16xi32> -> vector<16xi32>
    %lt3A_1683 = arith.constant 0 : i32
    %lt3A_1684 = vector.broadcast %lt3A_1683 : i32 to vector<16xi32>
    %lt3A_1685 = arith.cmpi slt, %select_n3A_31, %lt3A_1684 : vector<16xi32>
    %add3A_1686 = arith.constant 16 : i32
    %add3A_1687 = vector.broadcast %add3A_1686 : i32 to vector<16xi32>
    %add3A_1688 = arith.addi %select_n3A_31, %add3A_1687 : vector<16xi32>
    %select_n3A_1689 = arith.select %lt3A_1685, %add3A_1688, %select_n3A_31 : vector<16xi1>, vector<16xi32>
    %broadcast_in_dim3A_1690 = vector.shape_cast %select_n3A_1689 : vector<16xi32> to vector<16x1xi32>
    %gather3A_1691 = vector.shape_cast %broadcast_in_dim3A_1690 : vector<16x1xi32> to vector<16xi32>
    %gather3A_1692 = tpu.dynamic_gather %get3A_1672[%gather3A_1691] in [0] : vector<16xi32>, vector<16xi32> -> vector<16xi32>
    %select_n3A_1693 = arith.select %lt3A_8, %gather3A_1682, %gather3A_1692 : vector<16xi1>, vector<16xi32>
    %lt3A_1694 = arith.constant 0 : i32
    %lt3A_1695 = vector.broadcast %lt3A_1694 : i32 to vector<16xi32>
    %lt3A_1696 = arith.cmpi slt, %add3A_34, %lt3A_1695 : vector<16xi32>
    %add3A_1697 = arith.constant 16 : i32
    %add3A_1698 = vector.broadcast %add3A_1697 : i32 to vector<16xi32>
    %add3A_1699 = arith.addi %add3A_34, %add3A_1698 : vector<16xi32>
    %select_n3A_1700 = arith.select %lt3A_1696, %add3A_1699, %add3A_34 : vector<16xi1>, vector<16xi32>
    %broadcast_in_dim3A_1701 = vector.shape_cast %select_n3A_1700 : vector<16xi32> to vector<16x1xi32>
    %gather3A_1702 = vector.shape_cast %broadcast_in_dim3A_1701 : vector<16x1xi32> to vector<16xi32>
    %gather3A_1703 = tpu.dynamic_gather %get3A_1669[%gather3A_1702] in [0] : vector<16xi32>, vector<16xi32> -> vector<16xi32>
    %lt3A_1704 = arith.constant 0 : i32
    %lt3A_1705 = vector.broadcast %lt3A_1704 : i32 to vector<16xi32>
    %lt3A_1706 = arith.cmpi slt, %add3A_34, %lt3A_1705 : vector<16xi32>
    %add3A_1707 = arith.constant 16 : i32
    %add3A_1708 = vector.broadcast %add3A_1707 : i32 to vector<16xi32>
    %add3A_1709 = arith.addi %add3A_34, %add3A_1708 : vector<16xi32>
    %select_n3A_1710 = arith.select %lt3A_1706, %add3A_1709, %add3A_34 : vector<16xi1>, vector<16xi32>
    %broadcast_in_dim3A_1711 = vector.shape_cast %select_n3A_1710 : vector<16xi32> to vector<16x1xi32>
    %gather3A_1712 = vector.shape_cast %broadcast_in_dim3A_1711 : vector<16x1xi32> to vector<16xi32>
    %gather3A_1713 = tpu.dynamic_gather %get3A_1672[%gather3A_1712] in [0] : vector<16xi32>, vector<16xi32> -> vector<16xi32>
    %select_n3A_1714 = arith.select %lt3A_8, %gather3A_1703, %gather3A_1713 : vector<16xi1>, vector<16xi32>
    %mul3A_1715 = arith.constant 8 : i32
    %mul3A_1716 = vector.broadcast %mul3A_1715 : i32 to vector<16xi32>
    %mul3A_1717 = arith.muli %select_n3A_1693, %mul3A_1716 : vector<16xi32>
    %add3A_1718 = arith.addi %mul3A_1717, %select_n3A_1714 : vector<16xi32>
    %swap3A_1719 = arith.constant 1 : i32
    %swap3A_1720 = arith.index_cast %swap3A_1719 : i32 to index
    %swap3A_1721 = arith.constant 0 : index
    %swap3A_1722 = tpu.vector_load %arg7[%swap3A_1720, %swap3A_1721] {strides = array<i32>} : memref<4x80xi32, #tpu.memory_space<vmem>>, vector<1x16xi32>,
    %swap3A_1723 = vector.shape_cast %swap3A_1722 : vector<1x16xi32> to vector<16xi32>
    %swap3A_1724 = vector.shape_cast %add3A_1718 : vector<16xi32> to vector<1x16xi32>
    tpu.vector_store %arg7[%swap3A_1720, %swap3A_1721], %swap3A_1724 {strides = array<i32>} : memref<4x80xi32, #tpu.memory_space<vmem>>, vector<1x16xi32>,
    %get3A_1725 = arith.constant 832 : index
    %get3A_1726 = tpu.vector_load %arg6[%get3A_1725] {strides = array<i32>} : memref<6400xi32, #tpu.memory_space<vmem>>, vector<16xi32>,
    %get3A_1727 = vector.shape_cast %get3A_1726 : vector<16xi32> to vector<16xi32>
    %get3A_1728 = arith.constant 848 : index
    %get3A_1729 = tpu.vector_load %arg6[%get3A_1728] {strides = array<i32>} : memref<6400xi32, #tpu.memory_space<vmem>>, vector<16xi32>,
    %get3A_1730 = vector.shape_cast %get3A_1729 : vector<16xi32> to vector<16xi32>
    %lt3A_1731 = arith.constant 0 : i32
    %lt3A_1732 = vector.broadcast %lt3A_1731 : i32 to vector<16xi32>
    %lt3A_1733 = arith.cmpi slt, %select_n3A_31, %lt3A_1732 : vector<16xi32>
    %add3A_1734 = arith.constant 16 : i32
    %add3A_1735 = vector.broadcast %add3A_1734 : i32 to vector<16xi32>
    %add3A_1736 = arith.addi %select_n3A_31, %add3A_1735 : vector<16xi32>
    %select_n3A_1737 = arith.select %lt3A_1733, %add3A_1736, %select_n3A_31 : vector<16xi1>, vector<16xi32>
    %broadcast_in_dim3A_1738 = vector.shape_cast %select_n3A_1737 : vector<16xi32> to vector<16x1xi32>
    %gather3A_1739 = vector.shape_cast %broadcast_in_dim3A_1738 : vector<16x1xi32> to vector<16xi32>
    %gather3A_1740 = tpu.dynamic_gather %get3A_1727[%gather3A_1739] in [0] : vector<16xi32>, vector<16xi32> -> vector<16xi32>
    %lt3A_1741 = arith.constant 0 : i32
    %lt3A_1742 = vector.broadcast %lt3A_1741 : i32 to vector<16xi32>
    %lt3A_1743 = arith.cmpi slt, %select_n3A_31, %lt3A_1742 : vector<16xi32>
    %add3A_1744 = arith.constant 16 : i32
    %add3A_1745 = vector.broadcast %add3A_1744 : i32 to vector<16xi32>
    %add3A_1746 = arith.addi %select_n3A_31, %add3A_1745 : vector<16xi32>
    %select_n3A_1747 = arith.select %lt3A_1743, %add3A_1746, %select_n3A_31 : vector<16xi1>, vector<16xi32>
    %broadcast_in_dim3A_1748 = vector.shape_cast %select_n3A_1747 : vector<16xi32> to vector<16x1xi32>
    %gather3A_1749 = vector.shape_cast %broadcast_in_dim3A_1748 : vector<16x1xi32> to vector<16xi32>
    %gather3A_1750 = tpu.dynamic_gather %get3A_1730[%gather3A_1749] in [0] : vector<16xi32>, vector<16xi32> -> vector<16xi32>
    %select_n3A_1751 = arith.select %lt3A_8, %gather3A_1740, %gather3A_1750 : vector<16xi1>, vector<16xi32>
    %lt3A_1752 = arith.constant 0 : i32
    %lt3A_1753 = vector.broadcast %lt3A_1752 : i32 to vector<16xi32>
    %lt3A_1754 = arith.cmpi slt, %add3A_34, %lt3A_1753 : vector<16xi32>
    %add3A_1755 = arith.constant 16 : i32
    %add3A_1756 = vector.broadcast %add3A_1755 : i32 to vector<16xi32>
    %add3A_1757 = arith.addi %add3A_34, %add3A_1756 : vector<16xi32>
    %select_n3A_1758 = arith.select %lt3A_1754, %add3A_1757, %add3A_34 : vector<16xi1>, vector<16xi32>
    %broadcast_in_dim3A_1759 = vector.shape_cast %select_n3A_1758 : vector<16xi32> to vector<16x1xi32>
    %gather3A_1760 = vector.shape_cast %broadcast_in_dim3A_1759 : vector<16x1xi32> to vector<16xi32>
    %gather3A_1761 = tpu.dynamic_gather %get3A_1727[%gather3A_1760] in [0] : vector<16xi32>, vector<16xi32> -> vector<16xi32>
    %lt3A_1762 = arith.constant 0 : i32
    %lt3A_1763 = vector.broadcast %lt3A_1762 : i32 to vector<16xi32>
    %lt3A_1764 = arith.cmpi slt, %add3A_34, %lt3A_1763 : vector<16xi32>
    %add3A_1765 = arith.constant 16 : i32
    %add3A_1766 = vector.broadcast %add3A_1765 : i32 to vector<16xi32>
    %add3A_1767 = arith.addi %add3A_34, %add3A_1766 : vector<16xi32>
    %select_n3A_1768 = arith.select %lt3A_1764, %add3A_1767, %add3A_34 : vector<16xi1>, vector<16xi32>
    %broadcast_in_dim3A_1769 = vector.shape_cast %select_n3A_1768 : vector<16xi32> to vector<16x1xi32>
    %gather3A_1770 = vector.shape_cast %broadcast_in_dim3A_1769 : vector<16x1xi32> to vector<16xi32>
    %gather3A_1771 = tpu.dynamic_gather %get3A_1730[%gather3A_1770] in [0] : vector<16xi32>, vector<16xi32> -> vector<16xi32>
    %select_n3A_1772 = arith.select %lt3A_8, %gather3A_1761, %gather3A_1771 : vector<16xi1>, vector<16xi32>
    %mul3A_1773 = arith.constant 8 : i32
    %mul3A_1774 = vector.broadcast %mul3A_1773 : i32 to vector<16xi32>
    %mul3A_1775 = arith.muli %select_n3A_1751, %mul3A_1774 : vector<16xi32>
    %add3A_1776 = arith.addi %mul3A_1775, %select_n3A_1772 : vector<16xi32>
    %swap3A_1777 = arith.constant 1 : i32
    %swap3A_1778 = arith.index_cast %swap3A_1777 : i32 to index
    %swap3A_1779 = arith.constant 16 : index
    %swap3A_1780 = tpu.vector_load %arg7[%swap3A_1778, %swap3A_1779] {strides = array<i32>} : memref<4x80xi32, #tpu.memory_space<vmem>>, vector<1x16xi32>,
    %swap3A_1781 = vector.shape_cast %swap3A_1780 : vector<1x16xi32> to vector<16xi32>
    %swap3A_1782 = vector.shape_cast %add3A_1776 : vector<16xi32> to vector<1x16xi32>
    tpu.vector_store %arg7[%swap3A_1778, %swap3A_1779], %swap3A_1782 {strides = array<i32>} : memref<4x80xi32, #tpu.memory_space<vmem>>, vector<1x16xi32>,
    %get3A_1783 = arith.constant 864 : index
    %get3A_1784 = tpu.vector_load %arg6[%get3A_1783] {strides = array<i32>} : memref<6400xi32, #tpu.memory_space<vmem>>, vector<16xi32>,
    %get3A_1785 = vector.shape_cast %get3A_1784 : vector<16xi32> to vector<16xi32>
    %get3A_1786 = arith.constant 880 : index
    %get3A_1787 = tpu.vector_load %arg6[%get3A_1786] {strides = array<i32>} : memref<6400xi32, #tpu.memory_space<vmem>>, vector<16xi32>,
    %get3A_1788 = vector.shape_cast %get3A_1787 : vector<16xi32> to vector<16xi32>
    %lt3A_1789 = arith.constant 0 : i32
    %lt3A_1790 = vector.broadcast %lt3A_1789 : i32 to vector<16xi32>
    %lt3A_1791 = arith.cmpi slt, %select_n3A_31, %lt3A_1790 : vector<16xi32>
    %add3A_1792 = arith.constant 16 : i32
    %add3A_1793 = vector.broadcast %add3A_1792 : i32 to vector<16xi32>
    %add3A_1794 = arith.addi %select_n3A_31, %add3A_1793 : vector<16xi32>
    %select_n3A_1795 = arith.select %lt3A_1791, %add3A_1794, %select_n3A_31 : vector<16xi1>, vector<16xi32>
    %broadcast_in_dim3A_1796 = vector.shape_cast %select_n3A_1795 : vector<16xi32> to vector<16x1xi32>
    %gather3A_1797 = vector.shape_cast %broadcast_in_dim3A_1796 : vector<16x1xi32> to vector<16xi32>
    %gather3A_1798 = tpu.dynamic_gather %get3A_1785[%gather3A_1797] in [0] : vector<16xi32>, vector<16xi32> -> vector<16xi32>
    %lt3A_1799 = arith.constant 0 : i32
    %lt3A_1800 = vector.broadcast %lt3A_1799 : i32 to vector<16xi32>
    %lt3A_1801 = arith.cmpi slt, %select_n3A_31, %lt3A_1800 : vector<16xi32>
    %add3A_1802 = arith.constant 16 : i32
    %add3A_1803 = vector.broadcast %add3A_1802 : i32 to vector<16xi32>
    %add3A_1804 = arith.addi %select_n3A_31, %add3A_1803 : vector<16xi32>
    %select_n3A_1805 = arith.select %lt3A_1801, %add3A_1804, %select_n3A_31 : vector<16xi1>, vector<16xi32>
    %broadcast_in_dim3A_1806 = vector.shape_cast %select_n3A_1805 : vector<16xi32> to vector<16x1xi32>
    %gather3A_1807 = vector.shape_cast %broadcast_in_dim3A_1806 : vector<16x1xi32> to vector<16xi32>
    %gather3A_1808 = tpu.dynamic_gather %get3A_1788[%gather3A_1807] in [0] : vector<16xi32>, vector<16xi32> -> vector<16xi32>
    %select_n3A_1809 = arith.select %lt3A_8, %gather3A_1798, %gather3A_1808 : vector<16xi1>, vector<16xi32>
    %lt3A_1810 = arith.constant 0 : i32
    %lt3A_1811 = vector.broadcast %lt3A_1810 : i32 to vector<16xi32>
    %lt3A_1812 = arith.cmpi slt, %add3A_34, %lt3A_1811 : vector<16xi32>
    %add3A_1813 = arith.constant 16 : i32
    %add3A_1814 = vector.broadcast %add3A_1813 : i32 to vector<16xi32>
    %add3A_1815 = arith.addi %add3A_34, %add3A_1814 : vector<16xi32>
    %select_n3A_1816 = arith.select %lt3A_1812, %add3A_1815, %add3A_34 : vector<16xi1>, vector<16xi32>
    %broadcast_in_dim3A_1817 = vector.shape_cast %select_n3A_1816 : vector<16xi32> to vector<16x1xi32>
    %gather3A_1818 = vector.shape_cast %broadcast_in_dim3A_1817 : vector<16x1xi32> to vector<16xi32>
    %gather3A_1819 = tpu.dynamic_gather %get3A_1785[%gather3A_1818] in [0] : vector<16xi32>, vector<16xi32> -> vector<16xi32>
    %lt3A_1820 = arith.constant 0 : i32
    %lt3A_1821 = vector.broadcast %lt3A_1820 : i32 to vector<16xi32>
    %lt3A_1822 = arith.cmpi slt, %add3A_34, %lt3A_1821 : vector<16xi32>
    %add3A_1823 = arith.constant 16 : i32
    %add3A_1824 = vector.broadcast %add3A_1823 : i32 to vector<16xi32>
    %add3A_1825 = arith.addi %add3A_34, %add3A_1824 : vector<16xi32>
    %select_n3A_1826 = arith.select %lt3A_1822, %add3A_1825, %add3A_34 : vector<16xi1>, vector<16xi32>
    %broadcast_in_dim3A_1827 = vector.shape_cast %select_n3A_1826 : vector<16xi32> to vector<16x1xi32>
    %gather3A_1828 = vector.shape_cast %broadcast_in_dim3A_1827 : vector<16x1xi32> to vector<16xi32>
    %gather3A_1829 = tpu.dynamic_gather %get3A_1788[%gather3A_1828] in [0] : vector<16xi32>, vector<16xi32> -> vector<16xi32>
    %select_n3A_1830 = arith.select %lt3A_8, %gather3A_1819, %gather3A_1829 : vector<16xi1>, vector<16xi32>
    %mul3A_1831 = arith.constant 8 : i32
    %mul3A_1832 = vector.broadcast %mul3A_1831 : i32 to vector<16xi32>
    %mul3A_1833 = arith.muli %select_n3A_1809, %mul3A_1832 : vector<16xi32>
    %add3A_1834 = arith.addi %mul3A_1833, %select_n3A_1830 : vector<16xi32>
    %swap3A_1835 = arith.constant 1 : i32
    %swap3A_1836 = arith.index_cast %swap3A_1835 : i32 to index
    %swap3A_1837 = arith.constant 32 : index
    %swap3A_1838 = tpu.vector_load %arg7[%swap3A_1836, %swap3A_1837] {strides = array<i32>} : memref<4x80xi32, #tpu.memory_space<vmem>>, vector<1x16xi32>,
    %swap3A_1839 = vector.shape_cast %swap3A_1838 : vector<1x16xi32> to vector<16xi32>
    %swap3A_1840 = vector.shape_cast %add3A_1834 : vector<16xi32> to vector<1x16xi32>
    tpu.vector_store %arg7[%swap3A_1836, %swap3A_1837], %swap3A_1840 {strides = array<i32>} : memref<4x80xi32, #tpu.memory_space<vmem>>, vector<1x16xi32>,
    %get3A_1841 = arith.constant 896 : index
    %get3A_1842 = tpu.vector_load %arg6[%get3A_1841] {strides = array<i32>} : memref<6400xi32, #tpu.memory_space<vmem>>, vector<16xi32>,
    %get3A_1843 = vector.shape_cast %get3A_1842 : vector<16xi32> to vector<16xi32>
    %get3A_1844 = arith.constant 912 : index
    %get3A_1845 = tpu.vector_load %arg6[%get3A_1844] {strides = array<i32>} : memref<6400xi32, #tpu.memory_space<vmem>>, vector<16xi32>,
    %get3A_1846 = vector.shape_cast %get3A_1845 : vector<16xi32> to vector<16xi32>
    %lt3A_1847 = arith.constant 0 : i32
    %lt3A_1848 = vector.broadcast %lt3A_1847 : i32 to vector<16xi32>
    %lt3A_1849 = arith.cmpi slt, %select_n3A_31, %lt3A_1848 : vector<16xi32>
    %add3A_1850 = arith.constant 16 : i32
    %add3A_1851 = vector.broadcast %add3A_1850 : i32 to vector<16xi32>
    %add3A_1852 = arith.addi %select_n3A_31, %add3A_1851 : vector<16xi32>
    %select_n3A_1853 = arith.select %lt3A_1849, %add3A_1852, %select_n3A_31 : vector<16xi1>, vector<16xi32>
    %broadcast_in_dim3A_1854 = vector.shape_cast %select_n3A_1853 : vector<16xi32> to vector<16x1xi32>
    %gather3A_1855 = vector.shape_cast %broadcast_in_dim3A_1854 : vector<16x1xi32> to vector<16xi32>
    %gather3A_1856 = tpu.dynamic_gather %get3A_1843[%gather3A_1855] in [0] : vector<16xi32>, vector<16xi32> -> vector<16xi32>
    %lt3A_1857 = arith.constant 0 : i32
    %lt3A_1858 = vector.broadcast %lt3A_1857 : i32 to vector<16xi32>
    %lt3A_1859 = arith.cmpi slt, %select_n3A_31, %lt3A_1858 : vector<16xi32>
    %add3A_1860 = arith.constant 16 : i32
    %add3A_1861 = vector.broadcast %add3A_1860 : i32 to vector<16xi32>
    %add3A_1862 = arith.addi %select_n3A_31, %add3A_1861 : vector<16xi32>
    %select_n3A_1863 = arith.select %lt3A_1859, %add3A_1862, %select_n3A_31 : vector<16xi1>, vector<16xi32>
    %broadcast_in_dim3A_1864 = vector.shape_cast %select_n3A_1863 : vector<16xi32> to vector<16x1xi32>
    %gather3A_1865 = vector.shape_cast %broadcast_in_dim3A_1864 : vector<16x1xi32> to vector<16xi32>
    %gather3A_1866 = tpu.dynamic_gather %get3A_1846[%gather3A_1865] in [0] : vector<16xi32>, vector<16xi32> -> vector<16xi32>
    %select_n3A_1867 = arith.select %lt3A_8, %gather3A_1856, %gather3A_1866 : vector<16xi1>, vector<16xi32>
    %lt3A_1868 = arith.constant 0 : i32
    %lt3A_1869 = vector.broadcast %lt3A_1868 : i32 to vector<16xi32>
    %lt3A_1870 = arith.cmpi slt, %add3A_34, %lt3A_1869 : vector<16xi32>
    %add3A_1871 = arith.constant 16 : i32
    %add3A_1872 = vector.broadcast %add3A_1871 : i32 to vector<16xi32>
    %add3A_1873 = arith.addi %add3A_34, %add3A_1872 : vector<16xi32>
    %select_n3A_1874 = arith.select %lt3A_1870, %add3A_1873, %add3A_34 : vector<16xi1>, vector<16xi32>
    %broadcast_in_dim3A_1875 = vector.shape_cast %select_n3A_1874 : vector<16xi32> to vector<16x1xi32>
    %gather3A_1876 = vector.shape_cast %broadcast_in_dim3A_1875 : vector<16x1xi32> to vector<16xi32>
    %gather3A_1877 = tpu.dynamic_gather %get3A_1843[%gather3A_1876] in [0] : vector<16xi32>, vector<16xi32> -> vector<16xi32>
    %lt3A_1878 = arith.constant 0 : i32
    %lt3A_1879 = vector.broadcast %lt3A_1878 : i32 to vector<16xi32>
    %lt3A_1880 = arith.cmpi slt, %add3A_34, %lt3A_1879 : vector<16xi32>
    %add3A_1881 = arith.constant 16 : i32
    %add3A_1882 = vector.broadcast %add3A_1881 : i32 to vector<16xi32>
    %add3A_1883 = arith.addi %add3A_34, %add3A_1882 : vector<16xi32>
    %select_n3A_1884 = arith.select %lt3A_1880, %add3A_1883, %add3A_34 : vector<16xi1>, vector<16xi32>
    %broadcast_in_dim3A_1885 = vector.shape_cast %select_n3A_1884 : vector<16xi32> to vector<16x1xi32>
    %gather3A_1886 = vector.shape_cast %broadcast_in_dim3A_1885 : vector<16x1xi32> to vector<16xi32>
    %gather3A_1887 = tpu.dynamic_gather %get3A_1846[%gather3A_1886] in [0] : vector<16xi32>, vector<16xi32> -> vector<16xi32>
    %select_n3A_1888 = arith.select %lt3A_8, %gather3A_1877, %gather3A_1887 : vector<16xi1>, vector<16xi32>
    %mul3A_1889 = arith.constant 8 : i32
    %mul3A_1890 = vector.broadcast %mul3A_1889 : i32 to vector<16xi32>
    %mul3A_1891 = arith.muli %select_n3A_1867, %mul3A_1890 : vector<16xi32>
    %add3A_1892 = arith.addi %mul3A_1891, %select_n3A_1888 : vector<16xi32>
    %swap3A_1893 = arith.constant 1 : i32
    %swap3A_1894 = arith.index_cast %swap3A_1893 : i32 to index
    %swap3A_1895 = arith.constant 48 : index
    %swap3A_1896 = tpu.vector_load %arg7[%swap3A_1894, %swap3A_1895] {strides = array<i32>} : memref<4x80xi32, #tpu.memory_space<vmem>>, vector<1x16xi32>,
    %swap3A_1897 = vector.shape_cast %swap3A_1896 : vector<1x16xi32> to vector<16xi32>
    %swap3A_1898 = vector.shape_cast %add3A_1892 : vector<16xi32> to vector<1x16xi32>
    tpu.vector_store %arg7[%swap3A_1894, %swap3A_1895], %swap3A_1898 {strides = array<i32>} : memref<4x80xi32, #tpu.memory_space<vmem>>, vector<1x16xi32>,
    %get3A_1899 = arith.constant 928 : index
    %get3A_1900 = tpu.vector_load %arg6[%get3A_1899] {strides = array<i32>} : memref<6400xi32, #tpu.memory_space<vmem>>, vector<16xi32>,
    %get3A_1901 = vector.shape_cast %get3A_1900 : vector<16xi32> to vector<16xi32>
    %get3A_1902 = arith.constant 944 : index
    %get3A_1903 = tpu.vector_load %arg6[%get3A_1902] {strides = array<i32>} : memref<6400xi32, #tpu.memory_space<vmem>>, vector<16xi32>,
    %get3A_1904 = vector.shape_cast %get3A_1903 : vector<16xi32> to vector<16xi32>
    %lt3A_1905 = arith.constant 0 : i32
    %lt3A_1906 = vector.broadcast %lt3A_1905 : i32 to vector<16xi32>
    %lt3A_1907 = arith.cmpi slt, %select_n3A_31, %lt3A_1906 : vector<16xi32>
    %add3A_1908 = arith.constant 16 : i32
    %add3A_1909 = vector.broadcast %add3A_1908 : i32 to vector<16xi32>
    %add3A_1910 = arith.addi %select_n3A_31, %add3A_1909 : vector<16xi32>
    %select_n3A_1911 = arith.select %lt3A_1907, %add3A_1910, %select_n3A_31 : vector<16xi1>, vector<16xi32>
    %broadcast_in_dim3A_1912 = vector.shape_cast %select_n3A_1911 : vector<16xi32> to vector<16x1xi32>
    %gather3A_1913 = vector.shape_cast %broadcast_in_dim3A_1912 : vector<16x1xi32> to vector<16xi32>
    %gather3A_1914 = tpu.dynamic_gather %get3A_1901[%gather3A_1913] in [0] : vector<16xi32>, vector<16xi32> -> vector<16xi32>
    %lt3A_1915 = arith.constant 0 : i32
    %lt3A_1916 = vector.broadcast %lt3A_1915 : i32 to vector<16xi32>
    %lt3A_1917 = arith.cmpi slt, %select_n3A_31, %lt3A_1916 : vector<16xi32>
    %add3A_1918 = arith.constant 16 : i32
    %add3A_1919 = vector.broadcast %add3A_1918 : i32 to vector<16xi32>
    %add3A_1920 = arith.addi %select_n3A_31, %add3A_1919 : vector<16xi32>
    %select_n3A_1921 = arith.select %lt3A_1917, %add3A_1920, %select_n3A_31 : vector<16xi1>, vector<16xi32>
    %broadcast_in_dim3A_1922 = vector.shape_cast %select_n3A_1921 : vector<16xi32> to vector<16x1xi32>
    %gather3A_1923 = vector.shape_cast %broadcast_in_dim3A_1922 : vector<16x1xi32> to vector<16xi32>
    %gather3A_1924 = tpu.dynamic_gather %get3A_1904[%gather3A_1923] in [0] : vector<16xi32>, vector<16xi32> -> vector<16xi32>
    %select_n3A_1925 = arith.select %lt3A_8, %gather3A_1914, %gather3A_1924 : vector<16xi1>, vector<16xi32>
    %lt3A_1926 = arith.constant 0 : i32
    %lt3A_1927 = vector.broadcast %lt3A_1926 : i32 to vector<16xi32>
    %lt3A_1928 = arith.cmpi slt, %add3A_34, %lt3A_1927 : vector<16xi32>
    %add3A_1929 = arith.constant 16 : i32
    %add3A_1930 = vector.broadcast %add3A_1929 : i32 to vector<16xi32>
    %add3A_1931 = arith.addi %add3A_34, %add3A_1930 : vector<16xi32>
    %select_n3A_1932 = arith.select %lt3A_1928, %add3A_1931, %add3A_34 : vector<16xi1>, vector<16xi32>
    %broadcast_in_dim3A_1933 = vector.shape_cast %select_n3A_1932 : vector<16xi32> to vector<16x1xi32>
    %gather3A_1934 = vector.shape_cast %broadcast_in_dim3A_1933 : vector<16x1xi32> to vector<16xi32>
    %gather3A_1935 = tpu.dynamic_gather %get3A_1901[%gather3A_1934] in [0] : vector<16xi32>, vector<16xi32> -> vector<16xi32>
    %lt3A_1936 = arith.constant 0 : i32
    %lt3A_1937 = vector.broadcast %lt3A_1936 : i32 to vector<16xi32>
    %lt3A_1938 = arith.cmpi slt, %add3A_34, %lt3A_1937 : vector<16xi32>
    %add3A_1939 = arith.constant 16 : i32
    %add3A_1940 = vector.broadcast %add3A_1939 : i32 to vector<16xi32>
    %add3A_1941 = arith.addi %add3A_34, %add3A_1940 : vector<16xi32>
    %select_n3A_1942 = arith.select %lt3A_1938, %add3A_1941, %add3A_34 : vector<16xi1>, vector<16xi32>
    %broadcast_in_dim3A_1943 = vector.shape_cast %select_n3A_1942 : vector<16xi32> to vector<16x1xi32>
    %gather3A_1944 = vector.shape_cast %broadcast_in_dim3A_1943 : vector<16x1xi32> to vector<16xi32>
    %gather3A_1945 = tpu.dynamic_gather %get3A_1904[%gather3A_1944] in [0] : vector<16xi32>, vector<16xi32> -> vector<16xi32>
    %select_n3A_1946 = arith.select %lt3A_8, %gather3A_1935, %gather3A_1945 : vector<16xi1>, vector<16xi32>
    %mul3A_1947 = arith.constant 8 : i32
    %mul3A_1948 = vector.broadcast %mul3A_1947 : i32 to vector<16xi32>
    %mul3A_1949 = arith.muli %select_n3A_1925, %mul3A_1948 : vector<16xi32>
    %add3A_1950 = arith.addi %mul3A_1949, %select_n3A_1946 : vector<16xi32>
    %swap3A_1951 = arith.constant 1 : i32
    %swap3A_1952 = arith.index_cast %swap3A_1951 : i32 to index
    %swap3A_1953 = arith.constant 64 : index
    %swap3A_1954 = tpu.vector_load %arg7[%swap3A_1952, %swap3A_1953] {strides = array<i32>} : memref<4x80xi32, #tpu.memory_space<vmem>>, vector<1x16xi32>,
    %swap3A_1955 = vector.shape_cast %swap3A_1954 : vector<1x16xi32> to vector<16xi32>
    %swap3A_1956 = vector.shape_cast %add3A_1950 : vector<16xi32> to vector<1x16xi32>
    tpu.vector_store %arg7[%swap3A_1952, %swap3A_1953], %swap3A_1956 {strides = array<i32>} : memref<4x80xi32, #tpu.memory_space<vmem>>, vector<1x16xi32>,
    %dma_start3A_1957 = arith.constant 1 : i32
    %dma_start3A_1958 = arith.constant 1 : i32
    %dma_start3A_1959 = arith.constant 0 : i32
    %dma_start3A_1960 = arith.constant 0 : i32
    %dma_start3A_1961 = tpu.memref_slice %arg8[%dma_start3A_1958, %dma_start3A_1959, %dma_start3A_1960] : memref<4x80x128xf32, #tpu.memory_space<vmem>> -> memref<1x80x128xf32, #tpu.memory_space<vmem>>
    %dma_start3A_1962 = tpu.memref_squeeze %dma_start3A_1961 : memref<1x80x128xf32, #tpu.memory_space<vmem>> -> memref<80x128xf32, #tpu.memory_space<vmem>>
    %dma_start3A_1963 = arith.constant 0 : i32
    %dma_start3A_1964 = tpu.memref_slice %arg7[%dma_start3A_1957, %dma_start3A_1963] : memref<4x80xi32, #tpu.memory_space<vmem>> -> memref<1x80xi32, #tpu.memory_space<vmem>>
    %dma_start3A_1965 = tpu.memref_squeeze %dma_start3A_1964 : memref<1x80xi32, #tpu.memory_space<vmem>> -> memref<80xi32, #tpu.memory_space<vmem>>
    %dma_start3A_1966 = arith.constant 0 : i32
    %dma_start3A_1967 = arith.constant 0 : i32
    %dma_start3A_1968 = tpu.memref_slice %arg9[%arg1, %dma_start3A_1966, %dma_start3A_1967] : memref<16x64x128xf32, #tpu.memory_space<vmem_shared>> -> memref<1x64x128xf32, #tpu.memory_space<vmem_shared>>
    %dma_start3A_1969 = tpu.memref_squeeze %dma_start3A_1968 : memref<1x64x128xf32, #tpu.memory_space<vmem_shared>> -> memref<64x128xf32, #tpu.memory_space<vmem_shared>>
    %dma_start3A_1970 = arith.constant 0 : i32
    %dma_start3A_1971 = arith.constant 0 : i32
    %dma_start3A_1972 = tpu.memref_slice %dma_start3A_1969[%dma_start3A_1970, %dma_start3A_1971] : memref<64x128xf32, #tpu.memory_space<vmem_shared>> -> memref<64x128xf32, #tpu.memory_space<vmem_shared>>
    tpu.enqueue_indirect_dma source(%dma_start3A_1972 : memref<64x128xf32, #tpu.memory_space<vmem_shared>>) target(%dma_start3A_1962 : memref<80x128xf32, #tpu.memory_space<vmem>>) offsets(%dma_start3A_1965 : memref<80xi32, #tpu.memory_space<vmem>>) semaphore(%arg11 : memref<!tpu.dma_semaphore, #tpu.memory_space<semaphore_mem>>)
    %dma_wait3A_1973 = arith.constant 3 : i32
    %dma_wait3A_1974 = arith.constant 0 : i32
    %dma_wait3A_1975 = arith.constant 0 : i32
    %dma_wait3A_1976 = tpu.memref_slice %arg8[%dma_wait3A_1973, %dma_wait3A_1974, %dma_wait3A_1975] : memref<4x80x128xf32, #tpu.memory_space<vmem>> -> memref<1x80x128xf32, #tpu.memory_space<vmem>>
    %dma_wait3A_1977 = tpu.memref_squeeze %dma_wait3A_1976 : memref<1x80x128xf32, #tpu.memory_space<vmem>> -> memref<80x128xf32, #tpu.memory_space<vmem>>
    %dma_wait3A_1978 = arith.constant 0 : i32
    %dma_wait3A_1979 = arith.constant 0 : i32
    %dma_wait3A_1980 = tpu.memref_slice %arg8[%dma_wait3A_1973, %dma_wait3A_1978, %dma_wait3A_1979] : memref<4x80x128xf32, #tpu.memory_space<vmem>> -> memref<1x80x128xf32, #tpu.memory_space<vmem>>
    %dma_wait3A_1981 = tpu.memref_squeeze %dma_wait3A_1980 : memref<1x80x128xf32, #tpu.memory_space<vmem>> -> memref<80x128xf32, #tpu.memory_space<vmem>>
    tpu.wait_dma2 semaphore(%arg13 : memref<!tpu.dma_semaphore, #tpu.memory_space<semaphore_mem>>) src(%arg4 : memref<80x128xf32, #tpu.memory_space<hbm>>) dst(%dma_wait3A_1981 : memref<80x128xf32, #tpu.memory_space<vmem>>)
    %add3A_1982 = arith.constant 240 : i32
    %add3A_1983 = arith.addi %mul3A_6, %add3A_1982 : i32
    %multiple_of3A_1984 = tpu.assume_multiple %add3A_1983, 80 : i32
    %dma_start3A_1985 = arith.constant 3 : i32
    %dma_start3A_1986 = arith.constant 0 : i32
    %dma_start3A_1987 = arith.constant 0 : i32
    %dma_start3A_1988 = tpu.memref_slice %arg8[%dma_start3A_1985, %dma_start3A_1986, %dma_start3A_1987] : memref<4x80x128xf32, #tpu.memory_space<vmem>> -> memref<1x80x128xf32, #tpu.memory_space<vmem>>
    %dma_start3A_1989 = tpu.memref_squeeze %dma_start3A_1988 : memref<1x80x128xf32, #tpu.memory_space<vmem>> -> memref<80x128xf32, #tpu.memory_space<vmem>>
    %dma_start3A_1990 = arith.constant 0 : i32
    %dma_start3A_1991 = tpu.memref_slice %arg5[%multiple_of3A_1984, %dma_start3A_1990] : memref<102400x128xf32, #tpu.memory_space<hbm>> -> memref<80x128xf32, #tpu.memory_space<hbm>>
    %dma_start3A_1992 = arith.constant 0 : i32
    %dma_start3A_1993 = tpu.memref_slice %arg5[%multiple_of3A_1984, %dma_start3A_1992] : memref<102400x128xf32, #tpu.memory_space<hbm>> -> memref<80x128xf32, #tpu.memory_space<hbm>>
    %dma_start3A_1994 = arith.constant 0 : i32
    %dma_start3A_1995 = arith.constant 0 : i32
    %dma_start3A_1996 = tpu.memref_slice %arg8[%dma_start3A_1985, %dma_start3A_1994, %dma_start3A_1995] : memref<4x80x128xf32, #tpu.memory_space<vmem>> -> memref<1x80x128xf32, #tpu.memory_space<vmem>>
    %dma_start3A_1997 = tpu.memref_squeeze %dma_start3A_1996 : memref<1x80x128xf32, #tpu.memory_space<vmem>> -> memref<80x128xf32, #tpu.memory_space<vmem>>
    tpu.enqueue_dma source(%dma_start3A_1997 : memref<80x128xf32, #tpu.memory_space<vmem>>) target(%dma_start3A_1993 : memref<80x128xf32, #tpu.memory_space<hbm>>) target_semaphore(%arg17 : memref<!tpu.dma_semaphore, #tpu.memory_space<semaphore_mem>>)
    %scan3A = arith.constant 0 : i32
    %scan3A_1998 = arith.constant 1 : i32
    %scan3A_1999 = arith.constant 8 : i32
    %scan3A_2000 = arith.addi %scan3A_1998, %scan3A_1999 : i32
    %scan3A_2001 = arith.constant 1 : i32
    scf.for %scan3A_2805 = %scan3A_1998 to %scan3A_2000 step %scan3A_2001  : i32 {
      %mul3A_2806 = arith.constant 4 : i32
      %mul3A_2807 = arith.muli %scan3A_2805, %mul3A_2806 : i32
      %add3A_2808 = arith.constant 0 : i32
      %add3A_2809 = arith.addi %mul3A_2807, %add3A_2808 : i32
      %dma_wait3A_2810 = arith.constant 2 : i32
      %dma_wait3A_2811 = arith.constant 0 : i32
      %dma_wait3A_2812 = arith.constant 0 : i32
      %dma_wait3A_2813 = tpu.memref_slice %arg8[%dma_wait3A_2810, %dma_wait3A_2811, %dma_wait3A_2812] : memref<4x80x128xf32, #tpu.memory_space<vmem>> -> memref<1x80x128xf32, #tpu.memory_space<vmem>>
      %dma_wait3A_2814 = tpu.memref_squeeze %dma_wait3A_2813 : memref<1x80x128xf32, #tpu.memory_space<vmem>> -> memref<80x128xf32, #tpu.memory_space<vmem>>
      %dma_wait3A_2815 = arith.constant 0 : i32
      %dma_wait3A_2816 = arith.constant 0 : i32
      %dma_wait3A_2817 = tpu.memref_slice %arg5[%dma_wait3A_2815, %dma_wait3A_2816] : memref<102400x128xf32, #tpu.memory_space<hbm>> -> memref<80x128xf32, #tpu.memory_space<hbm>>
      %dma_wait3A_2818 = arith.constant 0 : i32
      %dma_wait3A_2819 = arith.constant 0 : i32
      %dma_wait3A_2820 = tpu.memref_slice %arg5[%dma_wait3A_2818, %dma_wait3A_2819] : memref<102400x128xf32, #tpu.memory_space<hbm>> -> memref<80x128xf32, #tpu.memory_space<hbm>>
      %dma_wait3A_2821 = arith.constant 0 : i32
      %dma_wait3A_2822 = arith.constant 0 : i32
      %dma_wait3A_2823 = tpu.memref_slice %arg8[%dma_wait3A_2810, %dma_wait3A_2821, %dma_wait3A_2822] : memref<4x80x128xf32, #tpu.memory_space<vmem>> -> memref<1x80x128xf32, #tpu.memory_space<vmem>>
      %dma_wait3A_2824 = tpu.memref_squeeze %dma_wait3A_2823 : memref<1x80x128xf32, #tpu.memory_space<vmem>> -> memref<80x128xf32, #tpu.memory_space<vmem>>
      tpu.wait_dma2 semaphore(%arg16 : memref<!tpu.dma_semaphore, #tpu.memory_space<semaphore_mem>>) src(%dma_wait3A_2824 : memref<80x128xf32, #tpu.memory_space<vmem>>) dst(%dma_wait3A_2820 : memref<80x128xf32, #tpu.memory_space<hbm>>)
      %add3A_2825 = arith.constant 2 : i32
      %add3A_2826 = arith.addi %add3A_2809, %add3A_2825 : i32
      %mul3A_2827 = arith.constant 160 : i32
      %mul3A_2828 = arith.muli %add3A_2826, %mul3A_2827 : i32
      %add3A_2829 = arith.constant 0 : i32
      %add3A_2830 = arith.addi %mul3A_2828, %add3A_2829 : i32
      %get3A_2831 = arith.index_cast %add3A_2830 : i32 to index
      %get3A_2832 = tpu.vector_load %arg6[%get3A_2831] {strides = array<i32>} : memref<6400xi32, #tpu.memory_space<vmem>>, vector<16xi32>,
      %get3A_2833 = vector.shape_cast %get3A_2832 : vector<16xi32> to vector<16xi32>
      %add3A_2834 = arith.constant 0 : i32
      %add3A_2835 = arith.addi %mul3A_2828, %add3A_2834 : i32
      %add3A_2836 = arith.constant 16 : i32
      %add3A_2837 = arith.addi %add3A_2835, %add3A_2836 : i32
      %get3A_2838 = arith.index_cast %add3A_2837 : i32 to index
      %get3A_2839 = tpu.vector_load %arg6[%get3A_2838] {strides = array<i32>} : memref<6400xi32, #tpu.memory_space<vmem>>, vector<16xi32>,
      %get3A_2840 = vector.shape_cast %get3A_2839 : vector<16xi32> to vector<16xi32>
      %lt3A_2841 = arith.constant 0 : i32
      %lt3A_2842 = vector.broadcast %lt3A_2841 : i32 to vector<16xi32>
      %lt3A_2843 = arith.cmpi slt, %select_n3A_31, %lt3A_2842 : vector<16xi32>
      %add3A_2844 = arith.constant 16 : i32
      %add3A_2845 = vector.broadcast %add3A_2844 : i32 to vector<16xi32>
      %add3A_2846 = arith.addi %select_n3A_31, %add3A_2845 : vector<16xi32>
      %select_n3A_2847 = arith.select %lt3A_2843, %add3A_2846, %select_n3A_31 : vector<16xi1>, vector<16xi32>
      %broadcast_in_dim3A_2848 = vector.shape_cast %select_n3A_2847 : vector<16xi32> to vector<16x1xi32>
      %gather3A_2849 = vector.shape_cast %broadcast_in_dim3A_2848 : vector<16x1xi32> to vector<16xi32>
      %gather3A_2850 = tpu.dynamic_gather %get3A_2833[%gather3A_2849] in [0] : vector<16xi32>, vector<16xi32> -> vector<16xi32>
      %lt3A_2851 = arith.constant 0 : i32
      %lt3A_2852 = vector.broadcast %lt3A_2851 : i32 to vector<16xi32>
      %lt3A_2853 = arith.cmpi slt, %select_n3A_31, %lt3A_2852 : vector<16xi32>
      %add3A_2854 = arith.constant 16 : i32
      %add3A_2855 = vector.broadcast %add3A_2854 : i32 to vector<16xi32>
      %add3A_2856 = arith.addi %select_n3A_31, %add3A_2855 : vector<16xi32>
      %select_n3A_2857 = arith.select %lt3A_2853, %add3A_2856, %select_n3A_31 : vector<16xi1>, vector<16xi32>
      %broadcast_in_dim3A_2858 = vector.shape_cast %select_n3A_2857 : vector<16xi32> to vector<16x1xi32>
      %gather3A_2859 = vector.shape_cast %broadcast_in_dim3A_2858 : vector<16x1xi32> to vector<16xi32>
      %gather3A_2860 = tpu.dynamic_gather %get3A_2840[%gather3A_2859] in [0] : vector<16xi32>, vector<16xi32> -> vector<16xi32>
      %select_n3A_2861 = arith.select %lt3A_8, %gather3A_2850, %gather3A_2860 : vector<16xi1>, vector<16xi32>
      %lt3A_2862 = arith.constant 0 : i32
      %lt3A_2863 = vector.broadcast %lt3A_2862 : i32 to vector<16xi32>
      %lt3A_2864 = arith.cmpi slt, %add3A_34, %lt3A_2863 : vector<16xi32>
      %add3A_2865 = arith.constant 16 : i32
      %add3A_2866 = vector.broadcast %add3A_2865 : i32 to vector<16xi32>
      %add3A_2867 = arith.addi %add3A_34, %add3A_2866 : vector<16xi32>
      %select_n3A_2868 = arith.select %lt3A_2864, %add3A_2867, %add3A_34 : vector<16xi1>, vector<16xi32>
      %broadcast_in_dim3A_2869 = vector.shape_cast %select_n3A_2868 : vector<16xi32> to vector<16x1xi32>
      %gather3A_2870 = vector.shape_cast %broadcast_in_dim3A_2869 : vector<16x1xi32> to vector<16xi32>
      %gather3A_2871 = tpu.dynamic_gather %get3A_2833[%gather3A_2870] in [0] : vector<16xi32>, vector<16xi32> -> vector<16xi32>
      %lt3A_2872 = arith.constant 0 : i32
      %lt3A_2873 = vector.broadcast %lt3A_2872 : i32 to vector<16xi32>
      %lt3A_2874 = arith.cmpi slt, %add3A_34, %lt3A_2873 : vector<16xi32>
      %add3A_2875 = arith.constant 16 : i32
      %add3A_2876 = vector.broadcast %add3A_2875 : i32 to vector<16xi32>
      %add3A_2877 = arith.addi %add3A_34, %add3A_2876 : vector<16xi32>
      %select_n3A_2878 = arith.select %lt3A_2874, %add3A_2877, %add3A_34 : vector<16xi1>, vector<16xi32>
      %broadcast_in_dim3A_2879 = vector.shape_cast %select_n3A_2878 : vector<16xi32> to vector<16x1xi32>
      %gather3A_2880 = vector.shape_cast %broadcast_in_dim3A_2879 : vector<16x1xi32> to vector<16xi32>
      %gather3A_2881 = tpu.dynamic_gather %get3A_2840[%gather3A_2880] in [0] : vector<16xi32>, vector<16xi32> -> vector<16xi32>
      %select_n3A_2882 = arith.select %lt3A_8, %gather3A_2871, %gather3A_2881 : vector<16xi1>, vector<16xi32>
      %mul3A_2883 = arith.constant 8 : i32
      %mul3A_2884 = vector.broadcast %mul3A_2883 : i32 to vector<16xi32>
      %mul3A_2885 = arith.muli %select_n3A_2861, %mul3A_2884 : vector<16xi32>
      %add3A_2886 = arith.addi %mul3A_2885, %select_n3A_2882 : vector<16xi32>
      %swap3A_2887 = arith.constant 2 : i32
      %swap3A_2888 = arith.index_cast %swap3A_2887 : i32 to index
      %swap3A_2889 = arith.constant 0 : index
      %swap3A_2890 = tpu.vector_load %arg7[%swap3A_2888, %swap3A_2889] {strides = array<i32>} : memref<4x80xi32, #tpu.memory_space<vmem>>, vector<1x16xi32>,
      %swap3A_2891 = vector.shape_cast %swap3A_2890 : vector<1x16xi32> to vector<16xi32>
      %swap3A_2892 = vector.shape_cast %add3A_2886 : vector<16xi32> to vector<1x16xi32>
      tpu.vector_store %arg7[%swap3A_2888, %swap3A_2889], %swap3A_2892 {strides = array<i32>} : memref<4x80xi32, #tpu.memory_space<vmem>>, vector<1x16xi32>,
      %add3A_2893 = arith.constant 32 : i32
      %add3A_2894 = arith.addi %mul3A_2828, %add3A_2893 : i32
      %get3A_2895 = arith.index_cast %add3A_2894 : i32 to index
      %get3A_2896 = tpu.vector_load %arg6[%get3A_2895] {strides = array<i32>} : memref<6400xi32, #tpu.memory_space<vmem>>, vector<16xi32>,
      %get3A_2897 = vector.shape_cast %get3A_2896 : vector<16xi32> to vector<16xi32>
      %add3A_2898 = arith.constant 32 : i32
      %add3A_2899 = arith.addi %mul3A_2828, %add3A_2898 : i32
      %add3A_2900 = arith.constant 16 : i32
      %add3A_2901 = arith.addi %add3A_2899, %add3A_2900 : i32
      %get3A_2902 = arith.index_cast %add3A_2901 : i32 to index
      %get3A_2903 = tpu.vector_load %arg6[%get3A_2902] {strides = array<i32>} : memref<6400xi32, #tpu.memory_space<vmem>>, vector<16xi32>,
      %get3A_2904 = vector.shape_cast %get3A_2903 : vector<16xi32> to vector<16xi32>
      %lt3A_2905 = arith.constant 0 : i32
      %lt3A_2906 = vector.broadcast %lt3A_2905 : i32 to vector<16xi32>
      %lt3A_2907 = arith.cmpi slt, %select_n3A_31, %lt3A_2906 : vector<16xi32>
      %add3A_2908 = arith.constant 16 : i32
      %add3A_2909 = vector.broadcast %add3A_2908 : i32 to vector<16xi32>
      %add3A_2910 = arith.addi %select_n3A_31, %add3A_2909 : vector<16xi32>
      %select_n3A_2911 = arith.select %lt3A_2907, %add3A_2910, %select_n3A_31 : vector<16xi1>, vector<16xi32>
      %broadcast_in_dim3A_2912 = vector.shape_cast %select_n3A_2911 : vector<16xi32> to vector<16x1xi32>
      %gather3A_2913 = vector.shape_cast %broadcast_in_dim3A_2912 : vector<16x1xi32> to vector<16xi32>
      %gather3A_2914 = tpu.dynamic_gather %get3A_2897[%gather3A_2913] in [0] : vector<16xi32>, vector<16xi32> -> vector<16xi32>
      %lt3A_2915 = arith.constant 0 : i32
      %lt3A_2916 = vector.broadcast %lt3A_2915 : i32 to vector<16xi32>
      %lt3A_2917 = arith.cmpi slt, %select_n3A_31, %lt3A_2916 : vector<16xi32>
      %add3A_2918 = arith.constant 16 : i32
      %add3A_2919 = vector.broadcast %add3A_2918 : i32 to vector<16xi32>
      %add3A_2920 = arith.addi %select_n3A_31, %add3A_2919 : vector<16xi32>
      %select_n3A_2921 = arith.select %lt3A_2917, %add3A_2920, %select_n3A_31 : vector<16xi1>, vector<16xi32>
      %broadcast_in_dim3A_2922 = vector.shape_cast %select_n3A_2921 : vector<16xi32> to vector<16x1xi32>
      %gather3A_2923 = vector.shape_cast %broadcast_in_dim3A_2922 : vector<16x1xi32> to vector<16xi32>
      %gather3A_2924 = tpu.dynamic_gather %get3A_2904[%gather3A_2923] in [0] : vector<16xi32>, vector<16xi32> -> vector<16xi32>
      %select_n3A_2925 = arith.select %lt3A_8, %gather3A_2914, %gather3A_2924 : vector<16xi1>, vector<16xi32>
      %lt3A_2926 = arith.constant 0 : i32
      %lt3A_2927 = vector.broadcast %lt3A_2926 : i32 to vector<16xi32>
      %lt3A_2928 = arith.cmpi slt, %add3A_34, %lt3A_2927 : vector<16xi32>
      %add3A_2929 = arith.constant 16 : i32
      %add3A_2930 = vector.broadcast %add3A_2929 : i32 to vector<16xi32>
      %add3A_2931 = arith.addi %add3A_34, %add3A_2930 : vector<16xi32>
      %select_n3A_2932 = arith.select %lt3A_2928, %add3A_2931, %add3A_34 : vector<16xi1>, vector<16xi32>
      %broadcast_in_dim3A_2933 = vector.shape_cast %select_n3A_2932 : vector<16xi32> to vector<16x1xi32>
      %gather3A_2934 = vector.shape_cast %broadcast_in_dim3A_2933 : vector<16x1xi32> to vector<16xi32>
      %gather3A_2935 = tpu.dynamic_gather %get3A_2897[%gather3A_2934] in [0] : vector<16xi32>, vector<16xi32> -> vector<16xi32>
      %lt3A_2936 = arith.constant 0 : i32
      %lt3A_2937 = vector.broadcast %lt3A_2936 : i32 to vector<16xi32>
      %lt3A_2938 = arith.cmpi slt, %add3A_34, %lt3A_2937 : vector<16xi32>
      %add3A_2939 = arith.constant 16 : i32
      %add3A_2940 = vector.broadcast %add3A_2939 : i32 to vector<16xi32>
      %add3A_2941 = arith.addi %add3A_34, %add3A_2940 : vector<16xi32>
      %select_n3A_2942 = arith.select %lt3A_2938, %add3A_2941, %add3A_34 : vector<16xi1>, vector<16xi32>
      %broadcast_in_dim3A_2943 = vector.shape_cast %select_n3A_2942 : vector<16xi32> to vector<16x1xi32>
      %gather3A_2944 = vector.shape_cast %broadcast_in_dim3A_2943 : vector<16x1xi32> to vector<16xi32>
      %gather3A_2945 = tpu.dynamic_gather %get3A_2904[%gather3A_2944] in [0] : vector<16xi32>, vector<16xi32> -> vector<16xi32>
      %select_n3A_2946 = arith.select %lt3A_8, %gather3A_2935, %gather3A_2945 : vector<16xi1>, vector<16xi32>
      %mul3A_2947 = arith.constant 8 : i32
      %mul3A_2948 = vector.broadcast %mul3A_2947 : i32 to vector<16xi32>
      %mul3A_2949 = arith.muli %select_n3A_2925, %mul3A_2948 : vector<16xi32>
      %add3A_2950 = arith.addi %mul3A_2949, %select_n3A_2946 : vector<16xi32>
      %swap3A_2951 = arith.constant 2 : i32
      %swap3A_2952 = arith.index_cast %swap3A_2951 : i32 to index
      %swap3A_2953 = arith.constant 16 : index
      %swap3A_2954 = tpu.vector_load %arg7[%swap3A_2952, %swap3A_2953] {strides = array<i32>} : memref<4x80xi32, #tpu.memory_space<vmem>>, vector<1x16xi32>,
      %swap3A_2955 = vector.shape_cast %swap3A_2954 : vector<1x16xi32> to vector<16xi32>
      %swap3A_2956 = vector.shape_cast %add3A_2950 : vector<16xi32> to vector<1x16xi32>
      tpu.vector_store %arg7[%swap3A_2952, %swap3A_2953], %swap3A_2956 {strides = array<i32>} : memref<4x80xi32, #tpu.memory_space<vmem>>, vector<1x16xi32>,
      %add3A_2957 = arith.constant 64 : i32
      %add3A_2958 = arith.addi %mul3A_2828, %add3A_2957 : i32
      %get3A_2959 = arith.index_cast %add3A_2958 : i32 to index
      %get3A_2960 = tpu.vector_load %arg6[%get3A_2959] {strides = array<i32>} : memref<6400xi32, #tpu.memory_space<vmem>>, vector<16xi32>,
      %get3A_2961 = vector.shape_cast %get3A_2960 : vector<16xi32> to vector<16xi32>
      %add3A_2962 = arith.constant 64 : i32
      %add3A_2963 = arith.addi %mul3A_2828, %add3A_2962 : i32
      %add3A_2964 = arith.constant 16 : i32
      %add3A_2965 = arith.addi %add3A_2963, %add3A_2964 : i32
      %get3A_2966 = arith.index_cast %add3A_2965 : i32 to index
      %get3A_2967 = tpu.vector_load %arg6[%get3A_2966] {strides = array<i32>} : memref<6400xi32, #tpu.memory_space<vmem>>, vector<16xi32>,
      %get3A_2968 = vector.shape_cast %get3A_2967 : vector<16xi32> to vector<16xi32>
      %lt3A_2969 = arith.constant 0 : i32
      %lt3A_2970 = vector.broadcast %lt3A_2969 : i32 to vector<16xi32>
      %lt3A_2971 = arith.cmpi slt, %select_n3A_31, %lt3A_2970 : vector<16xi32>
      %add3A_2972 = arith.constant 16 : i32
      %add3A_2973 = vector.broadcast %add3A_2972 : i32 to vector<16xi32>
      %add3A_2974 = arith.addi %select_n3A_31, %add3A_2973 : vector<16xi32>
      %select_n3A_2975 = arith.select %lt3A_2971, %add3A_2974, %select_n3A_31 : vector<16xi1>, vector<16xi32>
      %broadcast_in_dim3A_2976 = vector.shape_cast %select_n3A_2975 : vector<16xi32> to vector<16x1xi32>
      %gather3A_2977 = vector.shape_cast %broadcast_in_dim3A_2976 : vector<16x1xi32> to vector<16xi32>
      %gather3A_2978 = tpu.dynamic_gather %get3A_2961[%gather3A_2977] in [0] : vector<16xi32>, vector<16xi32> -> vector<16xi32>
      %lt3A_2979 = arith.constant 0 : i32
      %lt3A_2980 = vector.broadcast %lt3A_2979 : i32 to vector<16xi32>
      %lt3A_2981 = arith.cmpi slt, %select_n3A_31, %lt3A_2980 : vector<16xi32>
      %add3A_2982 = arith.constant 16 : i32
      %add3A_2983 = vector.broadcast %add3A_2982 : i32 to vector<16xi32>
      %add3A_2984 = arith.addi %select_n3A_31, %add3A_2983 : vector<16xi32>
      %select_n3A_2985 = arith.select %lt3A_2981, %add3A_2984, %select_n3A_31 : vector<16xi1>, vector<16xi32>
      %broadcast_in_dim3A_2986 = vector.shape_cast %select_n3A_2985 : vector<16xi32> to vector<16x1xi32>
      %gather3A_2987 = vector.shape_cast %broadcast_in_dim3A_2986 : vector<16x1xi32> to vector<16xi32>
      %gather3A_2988 = tpu.dynamic_gather %get3A_2968[%gather3A_2987] in [0] : vector<16xi32>, vector<16xi32> -> vector<16xi32>
      %select_n3A_2989 = arith.select %lt3A_8, %gather3A_2978, %gather3A_2988 : vector<16xi1>, vector<16xi32>
      %lt3A_2990 = arith.constant 0 : i32
      %lt3A_2991 = vector.broadcast %lt3A_2990 : i32 to vector<16xi32>
      %lt3A_2992 = arith.cmpi slt, %add3A_34, %lt3A_2991 : vector<16xi32>
      %add3A_2993 = arith.constant 16 : i32
      %add3A_2994 = vector.broadcast %add3A_2993 : i32 to vector<16xi32>
      %add3A_2995 = arith.addi %add3A_34, %add3A_2994 : vector<16xi32>
      %select_n3A_2996 = arith.select %lt3A_2992, %add3A_2995, %add3A_34 : vector<16xi1>, vector<16xi32>
      %broadcast_in_dim3A_2997 = vector.shape_cast %select_n3A_2996 : vector<16xi32> to vector<16x1xi32>
      %gather3A_2998 = vector.shape_cast %broadcast_in_dim3A_2997 : vector<16x1xi32> to vector<16xi32>
      %gather3A_2999 = tpu.dynamic_gather %get3A_2961[%gather3A_2998] in [0] : vector<16xi32>, vector<16xi32> -> vector<16xi32>
      %lt3A_3000 = arith.constant 0 : i32
      %lt3A_3001 = vector.broadcast %lt3A_3000 : i32 to vector<16xi32>
      %lt3A_3002 = arith.cmpi slt, %add3A_34, %lt3A_3001 : vector<16xi32>
      %add3A_3003 = arith.constant 16 : i32
      %add3A_3004 = vector.broadcast %add3A_3003 : i32 to vector<16xi32>
      %add3A_3005 = arith.addi %add3A_34, %add3A_3004 : vector<16xi32>
      %select_n3A_3006 = arith.select %lt3A_3002, %add3A_3005, %add3A_34 : vector<16xi1>, vector<16xi32>
      %broadcast_in_dim3A_3007 = vector.shape_cast %select_n3A_3006 : vector<16xi32> to vector<16x1xi32>
      %gather3A_3008 = vector.shape_cast %broadcast_in_dim3A_3007 : vector<16x1xi32> to vector<16xi32>
      %gather3A_3009 = tpu.dynamic_gather %get3A_2968[%gather3A_3008] in [0] : vector<16xi32>, vector<16xi32> -> vector<16xi32>
      %select_n3A_3010 = arith.select %lt3A_8, %gather3A_2999, %gather3A_3009 : vector<16xi1>, vector<16xi32>
      %mul3A_3011 = arith.constant 8 : i32
      %mul3A_3012 = vector.broadcast %mul3A_3011 : i32 to vector<16xi32>
      %mul3A_3013 = arith.muli %select_n3A_2989, %mul3A_3012 : vector<16xi32>
      %add3A_3014 = arith.addi %mul3A_3013, %select_n3A_3010 : vector<16xi32>
      %swap3A_3015 = arith.constant 2 : i32
      %swap3A_3016 = arith.index_cast %swap3A_3015 : i32 to index
      %swap3A_3017 = arith.constant 32 : index
      %swap3A_3018 = tpu.vector_load %arg7[%swap3A_3016, %swap3A_3017] {strides = array<i32>} : memref<4x80xi32, #tpu.memory_space<vmem>>, vector<1x16xi32>,
      %swap3A_3019 = vector.shape_cast %swap3A_3018 : vector<1x16xi32> to vector<16xi32>
      %swap3A_3020 = vector.shape_cast %add3A_3014 : vector<16xi32> to vector<1x16xi32>
      tpu.vector_store %arg7[%swap3A_3016, %swap3A_3017], %swap3A_3020 {strides = array<i32>} : memref<4x80xi32, #tpu.memory_space<vmem>>, vector<1x16xi32>,
      %add3A_3021 = arith.constant 96 : i32
      %add3A_3022 = arith.addi %mul3A_2828, %add3A_3021 : i32
      %get3A_3023 = arith.index_cast %add3A_3022 : i32 to index
      %get3A_3024 = tpu.vector_load %arg6[%get3A_3023] {strides = array<i32>} : memref<6400xi32, #tpu.memory_space<vmem>>, vector<16xi32>,
      %get3A_3025 = vector.shape_cast %get3A_3024 : vector<16xi32> to vector<16xi32>
      %add3A_3026 = arith.constant 96 : i32
      %add3A_3027 = arith.addi %mul3A_2828, %add3A_3026 : i32
      %add3A_3028 = arith.constant 16 : i32
      %add3A_3029 = arith.addi %add3A_3027, %add3A_3028 : i32
      %get3A_3030 = arith.index_cast %add3A_3029 : i32 to index
      %get3A_3031 = tpu.vector_load %arg6[%get3A_3030] {strides = array<i32>} : memref<6400xi32, #tpu.memory_space<vmem>>, vector<16xi32>,
      %get3A_3032 = vector.shape_cast %get3A_3031 : vector<16xi32> to vector<16xi32>
      %lt3A_3033 = arith.constant 0 : i32
      %lt3A_3034 = vector.broadcast %lt3A_3033 : i32 to vector<16xi32>
      %lt3A_3035 = arith.cmpi slt, %select_n3A_31, %lt3A_3034 : vector<16xi32>
      %add3A_3036 = arith.constant 16 : i32
      %add3A_3037 = vector.broadcast %add3A_3036 : i32 to vector<16xi32>
      %add3A_3038 = arith.addi %select_n3A_31, %add3A_3037 : vector<16xi32>
      %select_n3A_3039 = arith.select %lt3A_3035, %add3A_3038, %select_n3A_31 : vector<16xi1>, vector<16xi32>
      %broadcast_in_dim3A_3040 = vector.shape_cast %select_n3A_3039 : vector<16xi32> to vector<16x1xi32>
      %gather3A_3041 = vector.shape_cast %broadcast_in_dim3A_3040 : vector<16x1xi32> to vector<16xi32>
      %gather3A_3042 = tpu.dynamic_gather %get3A_3025[%gather3A_3041] in [0] : vector<16xi32>, vector<16xi32> -> vector<16xi32>
      %lt3A_3043 = arith.constant 0 : i32
      %lt3A_3044 = vector.broadcast %lt3A_3043 : i32 to vector<16xi32>
      %lt3A_3045 = arith.cmpi slt, %select_n3A_31, %lt3A_3044 : vector<16xi32>
      %add3A_3046 = arith.constant 16 : i32
      %add3A_3047 = vector.broadcast %add3A_3046 : i32 to vector<16xi32>
      %add3A_3048 = arith.addi %select_n3A_31, %add3A_3047 : vector<16xi32>
      %select_n3A_3049 = arith.select %lt3A_3045, %add3A_3048, %select_n3A_31 : vector<16xi1>, vector<16xi32>
      %broadcast_in_dim3A_3050 = vector.shape_cast %select_n3A_3049 : vector<16xi32> to vector<16x1xi32>
      %gather3A_3051 = vector.shape_cast %broadcast_in_dim3A_3050 : vector<16x1xi32> to vector<16xi32>
      %gather3A_3052 = tpu.dynamic_gather %get3A_3032[%gather3A_3051] in [0] : vector<16xi32>, vector<16xi32> -> vector<16xi32>
      %select_n3A_3053 = arith.select %lt3A_8, %gather3A_3042, %gather3A_3052 : vector<16xi1>, vector<16xi32>
      %lt3A_3054 = arith.constant 0 : i32
      %lt3A_3055 = vector.broadcast %lt3A_3054 : i32 to vector<16xi32>
      %lt3A_3056 = arith.cmpi slt, %add3A_34, %lt3A_3055 : vector<16xi32>
      %add3A_3057 = arith.constant 16 : i32
      %add3A_3058 = vector.broadcast %add3A_3057 : i32 to vector<16xi32>
      %add3A_3059 = arith.addi %add3A_34, %add3A_3058 : vector<16xi32>
      %select_n3A_3060 = arith.select %lt3A_3056, %add3A_3059, %add3A_34 : vector<16xi1>, vector<16xi32>
      %broadcast_in_dim3A_3061 = vector.shape_cast %select_n3A_3060 : vector<16xi32> to vector<16x1xi32>
      %gather3A_3062 = vector.shape_cast %broadcast_in_dim3A_3061 : vector<16x1xi32> to vector<16xi32>
      %gather3A_3063 = tpu.dynamic_gather %get3A_3025[%gather3A_3062] in [0] : vector<16xi32>, vector<16xi32> -> vector<16xi32>
      %lt3A_3064 = arith.constant 0 : i32
      %lt3A_3065 = vector.broadcast %lt3A_3064 : i32 to vector<16xi32>
      %lt3A_3066 = arith.cmpi slt, %add3A_34, %lt3A_3065 : vector<16xi32>
      %add3A_3067 = arith.constant 16 : i32
      %add3A_3068 = vector.broadcast %add3A_3067 : i32 to vector<16xi32>
      %add3A_3069 = arith.addi %add3A_34, %add3A_3068 : vector<16xi32>
      %select_n3A_3070 = arith.select %lt3A_3066, %add3A_3069, %add3A_34 : vector<16xi1>, vector<16xi32>
      %broadcast_in_dim3A_3071 = vector.shape_cast %select_n3A_3070 : vector<16xi32> to vector<16x1xi32>
      %gather3A_3072 = vector.shape_cast %broadcast_in_dim3A_3071 : vector<16x1xi32> to vector<16xi32>
      %gather3A_3073 = tpu.dynamic_gather %get3A_3032[%gather3A_3072] in [0] : vector<16xi32>, vector<16xi32> -> vector<16xi32>
      %select_n3A_3074 = arith.select %lt3A_8, %gather3A_3063, %gather3A_3073 : vector<16xi1>, vector<16xi32>
      %mul3A_3075 = arith.constant 8 : i32
      %mul3A_3076 = vector.broadcast %mul3A_3075 : i32 to vector<16xi32>
      %mul3A_3077 = arith.muli %select_n3A_3053, %mul3A_3076 : vector<16xi32>
      %add3A_3078 = arith.addi %mul3A_3077, %select_n3A_3074 : vector<16xi32>
      %swap3A_3079 = arith.constant 2 : i32
      %swap3A_3080 = arith.index_cast %swap3A_3079 : i32 to index
      %swap3A_3081 = arith.constant 48 : index
      %swap3A_3082 = tpu.vector_load %arg7[%swap3A_3080, %swap3A_3081] {strides = array<i32>} : memref<4x80xi32, #tpu.memory_space<vmem>>, vector<1x16xi32>,
      %swap3A_3083 = vector.shape_cast %swap3A_3082 : vector<1x16xi32> to vector<16xi32>
      %swap3A_3084 = vector.shape_cast %add3A_3078 : vector<16xi32> to vector<1x16xi32>
      tpu.vector_store %arg7[%swap3A_3080, %swap3A_3081], %swap3A_3084 {strides = array<i32>} : memref<4x80xi32, #tpu.memory_space<vmem>>, vector<1x16xi32>,
      %add3A_3085 = arith.constant 128 : i32
      %add3A_3086 = arith.addi %mul3A_2828, %add3A_3085 : i32
      %get3A_3087 = arith.index_cast %add3A_3086 : i32 to index
      %get3A_3088 = tpu.vector_load %arg6[%get3A_3087] {strides = array<i32>} : memref<6400xi32, #tpu.memory_space<vmem>>, vector<16xi32>,
      %get3A_3089 = vector.shape_cast %get3A_3088 : vector<16xi32> to vector<16xi32>
      %add3A_3090 = arith.constant 128 : i32
      %add3A_3091 = arith.addi %mul3A_2828, %add3A_3090 : i32
      %add3A_3092 = arith.constant 16 : i32
      %add3A_3093 = arith.addi %add3A_3091, %add3A_3092 : i32
      %get3A_3094 = arith.index_cast %add3A_3093 : i32 to index
      %get3A_3095 = tpu.vector_load %arg6[%get3A_3094] {strides = array<i32>} : memref<6400xi32, #tpu.memory_space<vmem>>, vector<16xi32>,
      %get3A_3096 = vector.shape_cast %get3A_3095 : vector<16xi32> to vector<16xi32>
      %lt3A_3097 = arith.constant 0 : i32
      %lt3A_3098 = vector.broadcast %lt3A_3097 : i32 to vector<16xi32>
      %lt3A_3099 = arith.cmpi slt, %select_n3A_31, %lt3A_3098 : vector<16xi32>
      %add3A_3100 = arith.constant 16 : i32
      %add3A_3101 = vector.broadcast %add3A_3100 : i32 to vector<16xi32>
      %add3A_3102 = arith.addi %select_n3A_31, %add3A_3101 : vector<16xi32>
      %select_n3A_3103 = arith.select %lt3A_3099, %add3A_3102, %select_n3A_31 : vector<16xi1>, vector<16xi32>
      %broadcast_in_dim3A_3104 = vector.shape_cast %select_n3A_3103 : vector<16xi32> to vector<16x1xi32>
      %gather3A_3105 = vector.shape_cast %broadcast_in_dim3A_3104 : vector<16x1xi32> to vector<16xi32>
      %gather3A_3106 = tpu.dynamic_gather %get3A_3089[%gather3A_3105] in [0] : vector<16xi32>, vector<16xi32> -> vector<16xi32>
      %lt3A_3107 = arith.constant 0 : i32
      %lt3A_3108 = vector.broadcast %lt3A_3107 : i32 to vector<16xi32>
      %lt3A_3109 = arith.cmpi slt, %select_n3A_31, %lt3A_3108 : vector<16xi32>
      %add3A_3110 = arith.constant 16 : i32
      %add3A_3111 = vector.broadcast %add3A_3110 : i32 to vector<16xi32>
      %add3A_3112 = arith.addi %select_n3A_31, %add3A_3111 : vector<16xi32>
      %select_n3A_3113 = arith.select %lt3A_3109, %add3A_3112, %select_n3A_31 : vector<16xi1>, vector<16xi32>
      %broadcast_in_dim3A_3114 = vector.shape_cast %select_n3A_3113 : vector<16xi32> to vector<16x1xi32>
      %gather3A_3115 = vector.shape_cast %broadcast_in_dim3A_3114 : vector<16x1xi32> to vector<16xi32>
      %gather3A_3116 = tpu.dynamic_gather %get3A_3096[%gather3A_3115] in [0] : vector<16xi32>, vector<16xi32> -> vector<16xi32>
      %select_n3A_3117 = arith.select %lt3A_8, %gather3A_3106, %gather3A_3116 : vector<16xi1>, vector<16xi32>
      %lt3A_3118 = arith.constant 0 : i32
      %lt3A_3119 = vector.broadcast %lt3A_3118 : i32 to vector<16xi32>
      %lt3A_3120 = arith.cmpi slt, %add3A_34, %lt3A_3119 : vector<16xi32>
      %add3A_3121 = arith.constant 16 : i32
      %add3A_3122 = vector.broadcast %add3A_3121 : i32 to vector<16xi32>
      %add3A_3123 = arith.addi %add3A_34, %add3A_3122 : vector<16xi32>
      %select_n3A_3124 = arith.select %lt3A_3120, %add3A_3123, %add3A_34 : vector<16xi1>, vector<16xi32>
      %broadcast_in_dim3A_3125 = vector.shape_cast %select_n3A_3124 : vector<16xi32> to vector<16x1xi32>
      %gather3A_3126 = vector.shape_cast %broadcast_in_dim3A_3125 : vector<16x1xi32> to vector<16xi32>
      %gather3A_3127 = tpu.dynamic_gather %get3A_3089[%gather3A_3126] in [0] : vector<16xi32>, vector<16xi32> -> vector<16xi32>
      %lt3A_3128 = arith.constant 0 : i32
      %lt3A_3129 = vector.broadcast %lt3A_3128 : i32 to vector<16xi32>
      %lt3A_3130 = arith.cmpi slt, %add3A_34, %lt3A_3129 : vector<16xi32>
      %add3A_3131 = arith.constant 16 : i32
      %add3A_3132 = vector.broadcast %add3A_3131 : i32 to vector<16xi32>
      %add3A_3133 = arith.addi %add3A_34, %add3A_3132 : vector<16xi32>
      %select_n3A_3134 = arith.select %lt3A_3130, %add3A_3133, %add3A_34 : vector<16xi1>, vector<16xi32>
      %broadcast_in_dim3A_3135 = vector.shape_cast %select_n3A_3134 : vector<16xi32> to vector<16x1xi32>
      %gather3A_3136 = vector.shape_cast %broadcast_in_dim3A_3135 : vector<16x1xi32> to vector<16xi32>
      %gather3A_3137 = tpu.dynamic_gather %get3A_3096[%gather3A_3136] in [0] : vector<16xi32>, vector<16xi32> -> vector<16xi32>
      %select_n3A_3138 = arith.select %lt3A_8, %gather3A_3127, %gather3A_3137 : vector<16xi1>, vector<16xi32>
      %mul3A_3139 = arith.constant 8 : i32
      %mul3A_3140 = vector.broadcast %mul3A_3139 : i32 to vector<16xi32>
      %mul3A_3141 = arith.muli %select_n3A_3117, %mul3A_3140 : vector<16xi32>
      %add3A_3142 = arith.addi %mul3A_3141, %select_n3A_3138 : vector<16xi32>
      %swap3A_3143 = arith.constant 2 : i32
      %swap3A_3144 = arith.index_cast %swap3A_3143 : i32 to index
      %swap3A_3145 = arith.constant 64 : index
      %swap3A_3146 = tpu.vector_load %arg7[%swap3A_3144, %swap3A_3145] {strides = array<i32>} : memref<4x80xi32, #tpu.memory_space<vmem>>, vector<1x16xi32>,
      %swap3A_3147 = vector.shape_cast %swap3A_3146 : vector<1x16xi32> to vector<16xi32>
      %swap3A_3148 = vector.shape_cast %add3A_3142 : vector<16xi32> to vector<1x16xi32>
      tpu.vector_store %arg7[%swap3A_3144, %swap3A_3145], %swap3A_3148 {strides = array<i32>} : memref<4x80xi32, #tpu.memory_space<vmem>>, vector<1x16xi32>,
      %dma_start3A_3149 = arith.constant 2 : i32
      %dma_start3A_3150 = arith.constant 2 : i32
      %dma_start3A_3151 = arith.constant 0 : i32
      %dma_start3A_3152 = arith.constant 0 : i32
      %dma_start3A_3153 = tpu.memref_slice %arg8[%dma_start3A_3150, %dma_start3A_3151, %dma_start3A_3152] : memref<4x80x128xf32, #tpu.memory_space<vmem>> -> memref<1x80x128xf32, #tpu.memory_space<vmem>>
      %dma_start3A_3154 = tpu.memref_squeeze %dma_start3A_3153 : memref<1x80x128xf32, #tpu.memory_space<vmem>> -> memref<80x128xf32, #tpu.memory_space<vmem>>
      %dma_start3A_3155 = arith.constant 0 : i32
      %dma_start3A_3156 = tpu.memref_slice %arg7[%dma_start3A_3149, %dma_start3A_3155] : memref<4x80xi32, #tpu.memory_space<vmem>> -> memref<1x80xi32, #tpu.memory_space<vmem>>
      %dma_start3A_3157 = tpu.memref_squeeze %dma_start3A_3156 : memref<1x80xi32, #tpu.memory_space<vmem>> -> memref<80xi32, #tpu.memory_space<vmem>>
      %dma_start3A_3158 = arith.constant 0 : i32
      %dma_start3A_3159 = arith.constant 0 : i32
      %dma_start3A_3160 = tpu.memref_slice %arg9[%arg1, %dma_start3A_3158, %dma_start3A_3159] : memref<16x64x128xf32, #tpu.memory_space<vmem_shared>> -> memref<1x64x128xf32, #tpu.memory_space<vmem_shared>>
      %dma_start3A_3161 = tpu.memref_squeeze %dma_start3A_3160 : memref<1x64x128xf32, #tpu.memory_space<vmem_shared>> -> memref<64x128xf32, #tpu.memory_space<vmem_shared>>
      %dma_start3A_3162 = arith.constant 0 : i32
      %dma_start3A_3163 = arith.constant 0 : i32
      %dma_start3A_3164 = tpu.memref_slice %dma_start3A_3161[%dma_start3A_3162, %dma_start3A_3163] : memref<64x128xf32, #tpu.memory_space<vmem_shared>> -> memref<64x128xf32, #tpu.memory_space<vmem_shared>>
      tpu.enqueue_indirect_dma source(%dma_start3A_3164 : memref<64x128xf32, #tpu.memory_space<vmem_shared>>) target(%dma_start3A_3154 : memref<80x128xf32, #tpu.memory_space<vmem>>) offsets(%dma_start3A_3157 : memref<80xi32, #tpu.memory_space<vmem>>) semaphore(%arg12 : memref<!tpu.dma_semaphore, #tpu.memory_space<semaphore_mem>>)
      %dma_wait3A_3165 = arith.constant 0 : i32
      %dma_wait3A_3166 = arith.constant 0 : i32
      %dma_wait3A_3167 = arith.constant 0 : i32
      %dma_wait3A_3168 = tpu.memref_slice %arg8[%dma_wait3A_3165, %dma_wait3A_3166, %dma_wait3A_3167] : memref<4x80x128xf32, #tpu.memory_space<vmem>> -> memref<1x80x128xf32, #tpu.memory_space<vmem>>
      %dma_wait3A_3169 = tpu.memref_squeeze %dma_wait3A_3168 : memref<1x80x128xf32, #tpu.memory_space<vmem>> -> memref<80x128xf32, #tpu.memory_space<vmem>>
      %dma_wait3A_3170 = arith.constant 0 : i32
      %dma_wait3A_3171 = arith.constant 0 : i32
      %dma_wait3A_3172 = tpu.memref_slice %arg8[%dma_wait3A_3165, %dma_wait3A_3170, %dma_wait3A_3171] : memref<4x80x128xf32, #tpu.memory_space<vmem>> -> memref<1x80x128xf32, #tpu.memory_space<vmem>>
      %dma_wait3A_3173 = tpu.memref_squeeze %dma_wait3A_3172 : memref<1x80x128xf32, #tpu.memory_space<vmem>> -> memref<80x128xf32, #tpu.memory_space<vmem>>
      tpu.wait_dma2 semaphore(%arg10 : memref<!tpu.dma_semaphore, #tpu.memory_space<semaphore_mem>>) src(%arg4 : memref<80x128xf32, #tpu.memory_space<hbm>>) dst(%dma_wait3A_3173 : memref<80x128xf32, #tpu.memory_space<vmem>>)
      %mul3A_3174 = arith.constant 80 : i32
      %mul3A_3175 = arith.muli %add3A_2809, %mul3A_3174 : i32
      %add3A_3176 = arith.addi %mul3A_6, %mul3A_3175 : i32
      %multiple_of3A_3177 = tpu.assume_multiple %add3A_3176, 80 : i32
      %dma_start3A_3178 = arith.constant 0 : i32
      %dma_start3A_3179 = arith.constant 0 : i32
      %dma_start3A_3180 = arith.constant 0 : i32
      %dma_start3A_3181 = tpu.memref_slice %arg8[%dma_start3A_3178, %dma_start3A_3179, %dma_start3A_3180] : memref<4x80x128xf32, #tpu.memory_space<vmem>> -> memref<1x80x128xf32, #tpu.memory_space<vmem>>
      %dma_start3A_3182 = tpu.memref_squeeze %dma_start3A_3181 : memref<1x80x128xf32, #tpu.memory_space<vmem>> -> memref<80x128xf32, #tpu.memory_space<vmem>>
      %dma_start3A_3183 = arith.constant 0 : i32
      %dma_start3A_3184 = tpu.memref_slice %arg5[%multiple_of3A_3177, %dma_start3A_3183] : memref<102400x128xf32, #tpu.memory_space<hbm>> -> memref<80x128xf32, #tpu.memory_space<hbm>>
      %dma_start3A_3185 = arith.constant 0 : i32
      %dma_start3A_3186 = tpu.memref_slice %arg5[%multiple_of3A_3177, %dma_start3A_3185] : memref<102400x128xf32, #tpu.memory_space<hbm>> -> memref<80x128xf32, #tpu.memory_space<hbm>>
      %dma_start3A_3187 = arith.constant 0 : i32
      %dma_start3A_3188 = arith.constant 0 : i32
      %dma_start3A_3189 = tpu.memref_slice %arg8[%dma_start3A_3178, %dma_start3A_3187, %dma_start3A_3188] : memref<4x80x128xf32, #tpu.memory_space<vmem>> -> memref<1x80x128xf32, #tpu.memory_space<vmem>>
      %dma_start3A_3190 = tpu.memref_squeeze %dma_start3A_3189 : memref<1x80x128xf32, #tpu.memory_space<vmem>> -> memref<80x128xf32, #tpu.memory_space<vmem>>
      tpu.enqueue_dma source(%dma_start3A_3190 : memref<80x128xf32, #tpu.memory_space<vmem>>) target(%dma_start3A_3186 : memref<80x128xf32, #tpu.memory_space<hbm>>) target_semaphore(%arg14 : memref<!tpu.dma_semaphore, #tpu.memory_space<semaphore_mem>>)
      %mul3A_3191 = arith.constant 4 : i32
      %mul3A_3192 = arith.muli %scan3A_2805, %mul3A_3191 : i32
      %add3A_3193 = arith.constant 1 : i32
      %add3A_3194 = arith.addi %mul3A_3192, %add3A_3193 : i32
      %dma_wait3A_3195 = arith.constant 3 : i32
      %dma_wait3A_3196 = arith.constant 0 : i32
      %dma_wait3A_3197 = arith.constant 0 : i32
      %dma_wait3A_3198 = tpu.memref_slice %arg8[%dma_wait3A_3195, %dma_wait3A_3196, %dma_wait3A_3197] : memref<4x80x128xf32, #tpu.memory_space<vmem>> -> memref<1x80x128xf32, #tpu.memory_space<vmem>>
      %dma_wait3A_3199 = tpu.memref_squeeze %dma_wait3A_3198 : memref<1x80x128xf32, #tpu.memory_space<vmem>> -> memref<80x128xf32, #tpu.memory_space<vmem>>
      %dma_wait3A_3200 = arith.constant 0 : i32
      %dma_wait3A_3201 = arith.constant 0 : i32
      %dma_wait3A_3202 = tpu.memref_slice %arg5[%dma_wait3A_3200, %dma_wait3A_3201] : memref<102400x128xf32, #tpu.memory_space<hbm>> -> memref<80x128xf32, #tpu.memory_space<hbm>>
      %dma_wait3A_3203 = arith.constant 0 : i32
      %dma_wait3A_3204 = arith.constant 0 : i32
      %dma_wait3A_3205 = tpu.memref_slice %arg5[%dma_wait3A_3203, %dma_wait3A_3204] : memref<102400x128xf32, #tpu.memory_space<hbm>> -> memref<80x128xf32, #tpu.memory_space<hbm>>
      %dma_wait3A_3206 = arith.constant 0 : i32
      %dma_wait3A_3207 = arith.constant 0 : i32
      %dma_wait3A_3208 = tpu.memref_slice %arg8[%dma_wait3A_3195, %dma_wait3A_3206, %dma_wait3A_3207] : memref<4x80x128xf32, #tpu.memory_space<vmem>> -> memref<1x80x128xf32, #tpu.memory_space<vmem>>
      %dma_wait3A_3209 = tpu.memref_squeeze %dma_wait3A_3208 : memref<1x80x128xf32, #tpu.memory_space<vmem>> -> memref<80x128xf32, #tpu.memory_space<vmem>>
      tpu.wait_dma2 semaphore(%arg17 : memref<!tpu.dma_semaphore, #tpu.memory_space<semaphore_mem>>) src(%dma_wait3A_3209 : memref<80x128xf32, #tpu.memory_space<vmem>>) dst(%dma_wait3A_3205 : memref<80x128xf32, #tpu.memory_space<hbm>>)
      %add3A_3210 = arith.constant 2 : i32
      %add3A_3211 = arith.addi %add3A_3194, %add3A_3210 : i32
      %mul3A_3212 = arith.constant 160 : i32
      %mul3A_3213 = arith.muli %add3A_3211, %mul3A_3212 : i32
      %add3A_3214 = arith.constant 0 : i32
      %add3A_3215 = arith.addi %mul3A_3213, %add3A_3214 : i32
      %get3A_3216 = arith.index_cast %add3A_3215 : i32 to index
      %get3A_3217 = tpu.vector_load %arg6[%get3A_3216] {strides = array<i32>} : memref<6400xi32, #tpu.memory_space<vmem>>, vector<16xi32>,
      %get3A_3218 = vector.shape_cast %get3A_3217 : vector<16xi32> to vector<16xi32>
      %add3A_3219 = arith.constant 0 : i32
      %add3A_3220 = arith.addi %mul3A_3213, %add3A_3219 : i32
      %add3A_3221 = arith.constant 16 : i32
      %add3A_3222 = arith.addi %add3A_3220, %add3A_3221 : i32
      %get3A_3223 = arith.index_cast %add3A_3222 : i32 to index
      %get3A_3224 = tpu.vector_load %arg6[%get3A_3223] {strides = array<i32>} : memref<6400xi32, #tpu.memory_space<vmem>>, vector<16xi32>,
      %get3A_3225 = vector.shape_cast %get3A_3224 : vector<16xi32> to vector<16xi32>
      %lt3A_3226 = arith.constant 0 : i32
      %lt3A_3227 = vector.broadcast %lt3A_3226 : i32 to vector<16xi32>
      %lt3A_3228 = arith.cmpi slt, %select_n3A_31, %lt3A_3227 : vector<16xi32>
      %add3A_3229 = arith.constant 16 : i32
      %add3A_3230 = vector.broadcast %add3A_3229 : i32 to vector<16xi32>
      %add3A_3231 = arith.addi %select_n3A_31, %add3A_3230 : vector<16xi32>
      %select_n3A_3232 = arith.select %lt3A_3228, %add3A_3231, %select_n3A_31 : vector<16xi1>, vector<16xi32>
      %broadcast_in_dim3A_3233 = vector.shape_cast %select_n3A_3232 : vector<16xi32> to vector<16x1xi32>
      %gather3A_3234 = vector.shape_cast %broadcast_in_dim3A_3233 : vector<16x1xi32> to vector<16xi32>
      %gather3A_3235 = tpu.dynamic_gather %get3A_3218[%gather3A_3234] in [0] : vector<16xi32>, vector<16xi32> -> vector<16xi32>
      %lt3A_3236 = arith.constant 0 : i32
      %lt3A_3237 = vector.broadcast %lt3A_3236 : i32 to vector<16xi32>
      %lt3A_3238 = arith.cmpi slt, %select_n3A_31, %lt3A_3237 : vector<16xi32>
      %add3A_3239 = arith.constant 16 : i32
      %add3A_3240 = vector.broadcast %add3A_3239 : i32 to vector<16xi32>
      %add3A_3241 = arith.addi %select_n3A_31, %add3A_3240 : vector<16xi32>
      %select_n3A_3242 = arith.select %lt3A_3238, %add3A_3241, %select_n3A_31 : vector<16xi1>, vector<16xi32>
      %broadcast_in_dim3A_3243 = vector.shape_cast %select_n3A_3242 : vector<16xi32> to vector<16x1xi32>
      %gather3A_3244 = vector.shape_cast %broadcast_in_dim3A_3243 : vector<16x1xi32> to vector<16xi32>
      %gather3A_3245 = tpu.dynamic_gather %get3A_3225[%gather3A_3244] in [0] : vector<16xi32>, vector<16xi32> -> vector<16xi32>
      %select_n3A_3246 = arith.select %lt3A_8, %gather3A_3235, %gather3A_3245 : vector<16xi1>, vector<16xi32>
      %lt3A_3247 = arith.constant 0 : i32
      %lt3A_3248 = vector.broadcast %lt3A_3247 : i32 to vector<16xi32>
      %lt3A_3249 = arith.cmpi slt, %add3A_34, %lt3A_3248 : vector<16xi32>
      %add3A_3250 = arith.constant 16 : i32
      %add3A_3251 = vector.broadcast %add3A_3250 : i32 to vector<16xi32>
      %add3A_3252 = arith.addi %add3A_34, %add3A_3251 : vector<16xi32>
      %select_n3A_3253 = arith.select %lt3A_3249, %add3A_3252, %add3A_34 : vector<16xi1>, vector<16xi32>
      %broadcast_in_dim3A_3254 = vector.shape_cast %select_n3A_3253 : vector<16xi32> to vector<16x1xi32>
      %gather3A_3255 = vector.shape_cast %broadcast_in_dim3A_3254 : vector<16x1xi32> to vector<16xi32>
      %gather3A_3256 = tpu.dynamic_gather %get3A_3218[%gather3A_3255] in [0] : vector<16xi32>, vector<16xi32> -> vector<16xi32>
      %lt3A_3257 = arith.constant 0 : i32
      %lt3A_3258 = vector.broadcast %lt3A_3257 : i32 to vector<16xi32>
      %lt3A_3259 = arith.cmpi slt, %add3A_34, %lt3A_3258 : vector<16xi32>
      %add3A_3260 = arith.constant 16 : i32
      %add3A_3261 = vector.broadcast %add3A_3260 : i32 to vector<16xi32>
      %add3A_3262 = arith.addi %add3A_34, %add3A_3261 : vector<16xi32>
      %select_n3A_3263 = arith.select %lt3A_3259, %add3A_3262, %add3A_34 : vector<16xi1>, vector<16xi32>
      %broadcast_in_dim3A_3264 = vector.shape_cast %select_n3A_3263 : vector<16xi32> to vector<16x1xi32>
      %gather3A_3265 = vector.shape_cast %broadcast_in_dim3A_3264 : vector<16x1xi32> to vector<16xi32>
      %gather3A_3266 = tpu.dynamic_gather %get3A_3225[%gather3A_3265] in [0] : vector<16xi32>, vector<16xi32> -> vector<16xi32>
      %select_n3A_3267 = arith.select %lt3A_8, %gather3A_3256, %gather3A_3266 : vector<16xi1>, vector<16xi32>
      %mul3A_3268 = arith.constant 8 : i32
      %mul3A_3269 = vector.broadcast %mul3A_3268 : i32 to vector<16xi32>
      %mul3A_3270 = arith.muli %select_n3A_3246, %mul3A_3269 : vector<16xi32>
      %add3A_3271 = arith.addi %mul3A_3270, %select_n3A_3267 : vector<16xi32>
      %swap3A_3272 = arith.constant 3 : i32
      %swap3A_3273 = arith.index_cast %swap3A_3272 : i32 to index
      %swap3A_3274 = arith.constant 0 : index
      %swap3A_3275 = tpu.vector_load %arg7[%swap3A_3273, %swap3A_3274] {strides = array<i32>} : memref<4x80xi32, #tpu.memory_space<vmem>>, vector<1x16xi32>,
      %swap3A_3276 = vector.shape_cast %swap3A_3275 : vector<1x16xi32> to vector<16xi32>
      %swap3A_3277 = vector.shape_cast %add3A_3271 : vector<16xi32> to vector<1x16xi32>
      tpu.vector_store %arg7[%swap3A_3273, %swap3A_3274], %swap3A_3277 {strides = array<i32>} : memref<4x80xi32, #tpu.memory_space<vmem>>, vector<1x16xi32>,
      %add3A_3278 = arith.constant 32 : i32
      %add3A_3279 = arith.addi %mul3A_3213, %add3A_3278 : i32
      %get3A_3280 = arith.index_cast %add3A_3279 : i32 to index
      %get3A_3281 = tpu.vector_load %arg6[%get3A_3280] {strides = array<i32>} : memref<6400xi32, #tpu.memory_space<vmem>>, vector<16xi32>,
      %get3A_3282 = vector.shape_cast %get3A_3281 : vector<16xi32> to vector<16xi32>
      %add3A_3283 = arith.constant 32 : i32
      %add3A_3284 = arith.addi %mul3A_3213, %add3A_3283 : i32
      %add3A_3285 = arith.constant 16 : i32
      %add3A_3286 = arith.addi %add3A_3284, %add3A_3285 : i32
      %get3A_3287 = arith.index_cast %add3A_3286 : i32 to index
      %get3A_3288 = tpu.vector_load %arg6[%get3A_3287] {strides = array<i32>} : memref<6400xi32, #tpu.memory_space<vmem>>, vector<16xi32>,
      %get3A_3289 = vector.shape_cast %get3A_3288 : vector<16xi32> to vector<16xi32>
      %lt3A_3290 = arith.constant 0 : i32
      %lt3A_3291 = vector.broadcast %lt3A_3290 : i32 to vector<16xi32>
      %lt3A_3292 = arith.cmpi slt, %select_n3A_31, %lt3A_3291 : vector<16xi32>
      %add3A_3293 = arith.constant 16 : i32
      %add3A_3294 = vector.broadcast %add3A_3293 : i32 to vector<16xi32>
      %add3A_3295 = arith.addi %select_n3A_31, %add3A_3294 : vector<16xi32>
      %select_n3A_3296 = arith.select %lt3A_3292, %add3A_3295, %select_n3A_31 : vector<16xi1>, vector<16xi32>
      %broadcast_in_dim3A_3297 = vector.shape_cast %select_n3A_3296 : vector<16xi32> to vector<16x1xi32>
      %gather3A_3298 = vector.shape_cast %broadcast_in_dim3A_3297 : vector<16x1xi32> to vector<16xi32>
      %gather3A_3299 = tpu.dynamic_gather %get3A_3282[%gather3A_3298] in [0] : vector<16xi32>, vector<16xi32> -> vector<16xi32>
      %lt3A_3300 = arith.constant 0 : i32
      %lt3A_3301 = vector.broadcast %lt3A_3300 : i32 to vector<16xi32>
      %lt3A_3302 = arith.cmpi slt, %select_n3A_31, %lt3A_3301 : vector<16xi32>
      %add3A_3303 = arith.constant 16 : i32
      %add3A_3304 = vector.broadcast %add3A_3303 : i32 to vector<16xi32>
      %add3A_3305 = arith.addi %select_n3A_31, %add3A_3304 : vector<16xi32>
      %select_n3A_3306 = arith.select %lt3A_3302, %add3A_3305, %select_n3A_31 : vector<16xi1>, vector<16xi32>
      %broadcast_in_dim3A_3307 = vector.shape_cast %select_n3A_3306 : vector<16xi32> to vector<16x1xi32>
      %gather3A_3308 = vector.shape_cast %broadcast_in_dim3A_3307 : vector<16x1xi32> to vector<16xi32>
      %gather3A_3309 = tpu.dynamic_gather %get3A_3289[%gather3A_3308] in [0] : vector<16xi32>, vector<16xi32> -> vector<16xi32>
      %select_n3A_3310 = arith.select %lt3A_8, %gather3A_3299, %gather3A_3309 : vector<16xi1>, vector<16xi32>
      %lt3A_3311 = arith.constant 0 : i32
      %lt3A_3312 = vector.broadcast %lt3A_3311 : i32 to vector<16xi32>
      %lt3A_3313 = arith.cmpi slt, %add3A_34, %lt3A_3312 : vector<16xi32>
      %add3A_3314 = arith.constant 16 : i32
      %add3A_3315 = vector.broadcast %add3A_3314 : i32 to vector<16xi32>
      %add3A_3316 = arith.addi %add3A_34, %add3A_3315 : vector<16xi32>
      %select_n3A_3317 = arith.select %lt3A_3313, %add3A_3316, %add3A_34 : vector<16xi1>, vector<16xi32>
      %broadcast_in_dim3A_3318 = vector.shape_cast %select_n3A_3317 : vector<16xi32> to vector<16x1xi32>
      %gather3A_3319 = vector.shape_cast %broadcast_in_dim3A_3318 : vector<16x1xi32> to vector<16xi32>
      %gather3A_3320 = tpu.dynamic_gather %get3A_3282[%gather3A_3319] in [0] : vector<16xi32>, vector<16xi32> -> vector<16xi32>
      %lt3A_3321 = arith.constant 0 : i32
      %lt3A_3322 = vector.broadcast %lt3A_3321 : i32 to vector<16xi32>
      %lt3A_3323 = arith.cmpi slt, %add3A_34, %lt3A_3322 : vector<16xi32>
      %add3A_3324 = arith.constant 16 : i32
      %add3A_3325 = vector.broadcast %add3A_3324 : i32 to vector<16xi32>
      %add3A_3326 = arith.addi %add3A_34, %add3A_3325 : vector<16xi32>
      %select_n3A_3327 = arith.select %lt3A_3323, %add3A_3326, %add3A_34 : vector<16xi1>, vector<16xi32>
      %broadcast_in_dim3A_3328 = vector.shape_cast %select_n3A_3327 : vector<16xi32> to vector<16x1xi32>
      %gather3A_3329 = vector.shape_cast %broadcast_in_dim3A_3328 : vector<16x1xi32> to vector<16xi32>
      %gather3A_3330 = tpu.dynamic_gather %get3A_3289[%gather3A_3329] in [0] : vector<16xi32>, vector<16xi32> -> vector<16xi32>
      %select_n3A_3331 = arith.select %lt3A_8, %gather3A_3320, %gather3A_3330 : vector<16xi1>, vector<16xi32>
      %mul3A_3332 = arith.constant 8 : i32
      %mul3A_3333 = vector.broadcast %mul3A_3332 : i32 to vector<16xi32>
      %mul3A_3334 = arith.muli %select_n3A_3310, %mul3A_3333 : vector<16xi32>
      %add3A_3335 = arith.addi %mul3A_3334, %select_n3A_3331 : vector<16xi32>
      %swap3A_3336 = arith.constant 3 : i32
      %swap3A_3337 = arith.index_cast %swap3A_3336 : i32 to index
      %swap3A_3338 = arith.constant 16 : index
      %swap3A_3339 = tpu.vector_load %arg7[%swap3A_3337, %swap3A_3338] {strides = array<i32>} : memref<4x80xi32, #tpu.memory_space<vmem>>, vector<1x16xi32>,
      %swap3A_3340 = vector.shape_cast %swap3A_3339 : vector<1x16xi32> to vector<16xi32>
      %swap3A_3341 = vector.shape_cast %add3A_3335 : vector<16xi32> to vector<1x16xi32>
      tpu.vector_store %arg7[%swap3A_3337, %swap3A_3338], %swap3A_3341 {strides = array<i32>} : memref<4x80xi32, #tpu.memory_space<vmem>>, vector<1x16xi32>,
      %add3A_3342 = arith.constant 64 : i32
      %add3A_3343 = arith.addi %mul3A_3213, %add3A_3342 : i32
      %get3A_3344 = arith.index_cast %add3A_3343 : i32 to index
      %get3A_3345 = tpu.vector_load %arg6[%get3A_3344] {strides = array<i32>} : memref<6400xi32, #tpu.memory_space<vmem>>, vector<16xi32>,
      %get3A_3346 = vector.shape_cast %get3A_3345 : vector<16xi32> to vector<16xi32>
      %add3A_3347 = arith.constant 64 : i32
      %add3A_3348 = arith.addi %mul3A_3213, %add3A_3347 : i32
      %add3A_3349 = arith.constant 16 : i32
      %add3A_3350 = arith.addi %add3A_3348, %add3A_3349 : i32
      %get3A_3351 = arith.index_cast %add3A_3350 : i32 to index
      %get3A_3352 = tpu.vector_load %arg6[%get3A_3351] {strides = array<i32>} : memref<6400xi32, #tpu.memory_space<vmem>>, vector<16xi32>,
      %get3A_3353 = vector.shape_cast %get3A_3352 : vector<16xi32> to vector<16xi32>
      %lt3A_3354 = arith.constant 0 : i32
      %lt3A_3355 = vector.broadcast %lt3A_3354 : i32 to vector<16xi32>
      %lt3A_3356 = arith.cmpi slt, %select_n3A_31, %lt3A_3355 : vector<16xi32>
      %add3A_3357 = arith.constant 16 : i32
      %add3A_3358 = vector.broadcast %add3A_3357 : i32 to vector<16xi32>
      %add3A_3359 = arith.addi %select_n3A_31, %add3A_3358 : vector<16xi32>
      %select_n3A_3360 = arith.select %lt3A_3356, %add3A_3359, %select_n3A_31 : vector<16xi1>, vector<16xi32>
      %broadcast_in_dim3A_3361 = vector.shape_cast %select_n3A_3360 : vector<16xi32> to vector<16x1xi32>
      %gather3A_3362 = vector.shape_cast %broadcast_in_dim3A_3361 : vector<16x1xi32> to vector<16xi32>
      %gather3A_3363 = tpu.dynamic_gather %get3A_3346[%gather3A_3362] in [0] : vector<16xi32>, vector<16xi32> -> vector<16xi32>
      %lt3A_3364 = arith.constant 0 : i32
      %lt3A_3365 = vector.broadcast %lt3A_3364 : i32 to vector<16xi32>
      %lt3A_3366 = arith.cmpi slt, %select_n3A_31, %lt3A_3365 : vector<16xi32>
      %add3A_3367 = arith.constant 16 : i32
      %add3A_3368 = vector.broadcast %add3A_3367 : i32 to vector<16xi32>
      %add3A_3369 = arith.addi %select_n3A_31, %add3A_3368 : vector<16xi32>
      %select_n3A_3370 = arith.select %lt3A_3366, %add3A_3369, %select_n3A_31 : vector<16xi1>, vector<16xi32>
      %broadcast_in_dim3A_3371 = vector.shape_cast %select_n3A_3370 : vector<16xi32> to vector<16x1xi32>
      %gather3A_3372 = vector.shape_cast %broadcast_in_dim3A_3371 : vector<16x1xi32> to vector<16xi32>
      %gather3A_3373 = tpu.dynamic_gather %get3A_3353[%gather3A_3372] in [0] : vector<16xi32>, vector<16xi32> -> vector<16xi32>
      %select_n3A_3374 = arith.select %lt3A_8, %gather3A_3363, %gather3A_3373 : vector<16xi1>, vector<16xi32>
      %lt3A_3375 = arith.constant 0 : i32
      %lt3A_3376 = vector.broadcast %lt3A_3375 : i32 to vector<16xi32>
      %lt3A_3377 = arith.cmpi slt, %add3A_34, %lt3A_3376 : vector<16xi32>
      %add3A_3378 = arith.constant 16 : i32
      %add3A_3379 = vector.broadcast %add3A_3378 : i32 to vector<16xi32>
      %add3A_3380 = arith.addi %add3A_34, %add3A_3379 : vector<16xi32>
      %select_n3A_3381 = arith.select %lt3A_3377, %add3A_3380, %add3A_34 : vector<16xi1>, vector<16xi32>
      %broadcast_in_dim3A_3382 = vector.shape_cast %select_n3A_3381 : vector<16xi32> to vector<16x1xi32>
      %gather3A_3383 = vector.shape_cast %broadcast_in_dim3A_3382 : vector<16x1xi32> to vector<16xi32>
      %gather3A_3384 = tpu.dynamic_gather %get3A_3346[%gather3A_3383] in [0] : vector<16xi32>, vector<16xi32> -> vector<16xi32>
      %lt3A_3385 = arith.constant 0 : i32
      %lt3A_3386 = vector.broadcast %lt3A_3385 : i32 to vector<16xi32>
      %lt3A_3387 = arith.cmpi slt, %add3A_34, %lt3A_3386 : vector<16xi32>
      %add3A_3388 = arith.constant 16 : i32
      %add3A_3389 = vector.broadcast %add3A_3388 : i32 to vector<16xi32>
      %add3A_3390 = arith.addi %add3A_34, %add3A_3389 : vector<16xi32>
      %select_n3A_3391 = arith.select %lt3A_3387, %add3A_3390, %add3A_34 : vector<16xi1>, vector<16xi32>
      %broadcast_in_dim3A_3392 = vector.shape_cast %select_n3A_3391 : vector<16xi32> to vector<16x1xi32>
      %gather3A_3393 = vector.shape_cast %broadcast_in_dim3A_3392 : vector<16x1xi32> to vector<16xi32>
      %gather3A_3394 = tpu.dynamic_gather %get3A_3353[%gather3A_3393] in [0] : vector<16xi32>, vector<16xi32> -> vector<16xi32>
      %select_n3A_3395 = arith.select %lt3A_8, %gather3A_3384, %gather3A_3394 : vector<16xi1>, vector<16xi32>
      %mul3A_3396 = arith.constant 8 : i32
      %mul3A_3397 = vector.broadcast %mul3A_3396 : i32 to vector<16xi32>
      %mul3A_3398 = arith.muli %select_n3A_3374, %mul3A_3397 : vector<16xi32>
      %add3A_3399 = arith.addi %mul3A_3398, %select_n3A_3395 : vector<16xi32>
      %swap3A_3400 = arith.constant 3 : i32
      %swap3A_3401 = arith.index_cast %swap3A_3400 : i32 to index
      %swap3A_3402 = arith.constant 32 : index
      %swap3A_3403 = tpu.vector_load %arg7[%swap3A_3401, %swap3A_3402] {strides = array<i32>} : memref<4x80xi32, #tpu.memory_space<vmem>>, vector<1x16xi32>,
      %swap3A_3404 = vector.shape_cast %swap3A_3403 : vector<1x16xi32> to vector<16xi32>
      %swap3A_3405 = vector.shape_cast %add3A_3399 : vector<16xi32> to vector<1x16xi32>
      tpu.vector_store %arg7[%swap3A_3401, %swap3A_3402], %swap3A_3405 {strides = array<i32>} : memref<4x80xi32, #tpu.memory_space<vmem>>, vector<1x16xi32>,
      %add3A_3406 = arith.constant 96 : i32
      %add3A_3407 = arith.addi %mul3A_3213, %add3A_3406 : i32
      %get3A_3408 = arith.index_cast %add3A_3407 : i32 to index
      %get3A_3409 = tpu.vector_load %arg6[%get3A_3408] {strides = array<i32>} : memref<6400xi32, #tpu.memory_space<vmem>>, vector<16xi32>,
      %get3A_3410 = vector.shape_cast %get3A_3409 : vector<16xi32> to vector<16xi32>
      %add3A_3411 = arith.constant 96 : i32
      %add3A_3412 = arith.addi %mul3A_3213, %add3A_3411 : i32
      %add3A_3413 = arith.constant 16 : i32
      %add3A_3414 = arith.addi %add3A_3412, %add3A_3413 : i32
      %get3A_3415 = arith.index_cast %add3A_3414 : i32 to index
      %get3A_3416 = tpu.vector_load %arg6[%get3A_3415] {strides = array<i32>} : memref<6400xi32, #tpu.memory_space<vmem>>, vector<16xi32>,
      %get3A_3417 = vector.shape_cast %get3A_3416 : vector<16xi32> to vector<16xi32>
      %lt3A_3418 = arith.constant 0 : i32
      %lt3A_3419 = vector.broadcast %lt3A_3418 : i32 to vector<16xi32>
      %lt3A_3420 = arith.cmpi slt, %select_n3A_31, %lt3A_3419 : vector<16xi32>
      %add3A_3421 = arith.constant 16 : i32
      %add3A_3422 = vector.broadcast %add3A_3421 : i32 to vector<16xi32>
      %add3A_3423 = arith.addi %select_n3A_31, %add3A_3422 : vector<16xi32>
      %select_n3A_3424 = arith.select %lt3A_3420, %add3A_3423, %select_n3A_31 : vector<16xi1>, vector<16xi32>
      %broadcast_in_dim3A_3425 = vector.shape_cast %select_n3A_3424 : vector<16xi32> to vector<16x1xi32>
      %gather3A_3426 = vector.shape_cast %broadcast_in_dim3A_3425 : vector<16x1xi32> to vector<16xi32>
      %gather3A_3427 = tpu.dynamic_gather %get3A_3410[%gather3A_3426] in [0] : vector<16xi32>, vector<16xi32> -> vector<16xi32>
      %lt3A_3428 = arith.constant 0 : i32
      %lt3A_3429 = vector.broadcast %lt3A_3428 : i32 to vector<16xi32>
      %lt3A_3430 = arith.cmpi slt, %select_n3A_31, %lt3A_3429 : vector<16xi32>
      %add3A_3431 = arith.constant 16 : i32
      %add3A_3432 = vector.broadcast %add3A_3431 : i32 to vector<16xi32>
      %add3A_3433 = arith.addi %select_n3A_31, %add3A_3432 : vector<16xi32>
      %select_n3A_3434 = arith.select %lt3A_3430, %add3A_3433, %select_n3A_31 : vector<16xi1>, vector<16xi32>
      %broadcast_in_dim3A_3435 = vector.shape_cast %select_n3A_3434 : vector<16xi32> to vector<16x1xi32>
      %gather3A_3436 = vector.shape_cast %broadcast_in_dim3A_3435 : vector<16x1xi32> to vector<16xi32>
      %gather3A_3437 = tpu.dynamic_gather %get3A_3417[%gather3A_3436] in [0] : vector<16xi32>, vector<16xi32> -> vector<16xi32>
      %select_n3A_3438 = arith.select %lt3A_8, %gather3A_3427, %gather3A_3437 : vector<16xi1>, vector<16xi32>
      %lt3A_3439 = arith.constant 0 : i32
      %lt3A_3440 = vector.broadcast %lt3A_3439 : i32 to vector<16xi32>
      %lt3A_3441 = arith.cmpi slt, %add3A_34, %lt3A_3440 : vector<16xi32>
      %add3A_3442 = arith.constant 16 : i32
      %add3A_3443 = vector.broadcast %add3A_3442 : i32 to vector<16xi32>
      %add3A_3444 = arith.addi %add3A_34, %add3A_3443 : vector<16xi32>
      %select_n3A_3445 = arith.select %lt3A_3441, %add3A_3444, %add3A_34 : vector<16xi1>, vector<16xi32>
      %broadcast_in_dim3A_3446 = vector.shape_cast %select_n3A_3445 : vector<16xi32> to vector<16x1xi32>
      %gather3A_3447 = vector.shape_cast %broadcast_in_dim3A_3446 : vector<16x1xi32> to vector<16xi32>
      %gather3A_3448 = tpu.dynamic_gather %get3A_3410[%gather3A_3447] in [0] : vector<16xi32>, vector<16xi32> -> vector<16xi32>
      %lt3A_3449 = arith.constant 0 : i32
      %lt3A_3450 = vector.broadcast %lt3A_3449 : i32 to vector<16xi32>
      %lt3A_3451 = arith.cmpi slt, %add3A_34, %lt3A_3450 : vector<16xi32>
      %add3A_3452 = arith.constant 16 : i32
      %add3A_3453 = vector.broadcast %add3A_3452 : i32 to vector<16xi32>
      %add3A_3454 = arith.addi %add3A_34, %add3A_3453 : vector<16xi32>
      %select_n3A_3455 = arith.select %lt3A_3451, %add3A_3454, %add3A_34 : vector<16xi1>, vector<16xi32>
      %broadcast_in_dim3A_3456 = vector.shape_cast %select_n3A_3455 : vector<16xi32> to vector<16x1xi32>
      %gather3A_3457 = vector.shape_cast %broadcast_in_dim3A_3456 : vector<16x1xi32> to vector<16xi32>
      %gather3A_3458 = tpu.dynamic_gather %get3A_3417[%gather3A_3457] in [0] : vector<16xi32>, vector<16xi32> -> vector<16xi32>
      %select_n3A_3459 = arith.select %lt3A_8, %gather3A_3448, %gather3A_3458 : vector<16xi1>, vector<16xi32>
      %mul3A_3460 = arith.constant 8 : i32
      %mul3A_3461 = vector.broadcast %mul3A_3460 : i32 to vector<16xi32>
      %mul3A_3462 = arith.muli %select_n3A_3438, %mul3A_3461 : vector<16xi32>
      %add3A_3463 = arith.addi %mul3A_3462, %select_n3A_3459 : vector<16xi32>
      %swap3A_3464 = arith.constant 3 : i32
      %swap3A_3465 = arith.index_cast %swap3A_3464 : i32 to index
      %swap3A_3466 = arith.constant 48 : index
      %swap3A_3467 = tpu.vector_load %arg7[%swap3A_3465, %swap3A_3466] {strides = array<i32>} : memref<4x80xi32, #tpu.memory_space<vmem>>, vector<1x16xi32>,
      %swap3A_3468 = vector.shape_cast %swap3A_3467 : vector<1x16xi32> to vector<16xi32>
      %swap3A_3469 = vector.shape_cast %add3A_3463 : vector<16xi32> to vector<1x16xi32>
      tpu.vector_store %arg7[%swap3A_3465, %swap3A_3466], %swap3A_3469 {strides = array<i32>} : memref<4x80xi32, #tpu.memory_space<vmem>>, vector<1x16xi32>,
      %add3A_3470 = arith.constant 128 : i32
      %add3A_3471 = arith.addi %mul3A_3213, %add3A_3470 : i32
      %get3A_3472 = arith.index_cast %add3A_3471 : i32 to index
      %get3A_3473 = tpu.vector_load %arg6[%get3A_3472] {strides = array<i32>} : memref<6400xi32, #tpu.memory_space<vmem>>, vector<16xi32>,
      %get3A_3474 = vector.shape_cast %get3A_3473 : vector<16xi32> to vector<16xi32>
      %add3A_3475 = arith.constant 128 : i32
      %add3A_3476 = arith.addi %mul3A_3213, %add3A_3475 : i32
      %add3A_3477 = arith.constant 16 : i32
      %add3A_3478 = arith.addi %add3A_3476, %add3A_3477 : i32
      %get3A_3479 = arith.index_cast %add3A_3478 : i32 to index
      %get3A_3480 = tpu.vector_load %arg6[%get3A_3479] {strides = array<i32>} : memref<6400xi32, #tpu.memory_space<vmem>>, vector<16xi32>,
      %get3A_3481 = vector.shape_cast %get3A_3480 : vector<16xi32> to vector<16xi32>
      %lt3A_3482 = arith.constant 0 : i32
      %lt3A_3483 = vector.broadcast %lt3A_3482 : i32 to vector<16xi32>
      %lt3A_3484 = arith.cmpi slt, %select_n3A_31, %lt3A_3483 : vector<16xi32>
      %add3A_3485 = arith.constant 16 : i32
      %add3A_3486 = vector.broadcast %add3A_3485 : i32 to vector<16xi32>
      %add3A_3487 = arith.addi %select_n3A_31, %add3A_3486 : vector<16xi32>
      %select_n3A_3488 = arith.select %lt3A_3484, %add3A_3487, %select_n3A_31 : vector<16xi1>, vector<16xi32>
      %broadcast_in_dim3A_3489 = vector.shape_cast %select_n3A_3488 : vector<16xi32> to vector<16x1xi32>
      %gather3A_3490 = vector.shape_cast %broadcast_in_dim3A_3489 : vector<16x1xi32> to vector<16xi32>
      %gather3A_3491 = tpu.dynamic_gather %get3A_3474[%gather3A_3490] in [0] : vector<16xi32>, vector<16xi32> -> vector<16xi32>
      %lt3A_3492 = arith.constant 0 : i32
      %lt3A_3493 = vector.broadcast %lt3A_3492 : i32 to vector<16xi32>
      %lt3A_3494 = arith.cmpi slt, %select_n3A_31, %lt3A_3493 : vector<16xi32>
      %add3A_3495 = arith.constant 16 : i32
      %add3A_3496 = vector.broadcast %add3A_3495 : i32 to vector<16xi32>
      %add3A_3497 = arith.addi %select_n3A_31, %add3A_3496 : vector<16xi32>
      %select_n3A_3498 = arith.select %lt3A_3494, %add3A_3497, %select_n3A_31 : vector<16xi1>, vector<16xi32>
      %broadcast_in_dim3A_3499 = vector.shape_cast %select_n3A_3498 : vector<16xi32> to vector<16x1xi32>
      %gather3A_3500 = vector.shape_cast %broadcast_in_dim3A_3499 : vector<16x1xi32> to vector<16xi32>
      %gather3A_3501 = tpu.dynamic_gather %get3A_3481[%gather3A_3500] in [0] : vector<16xi32>, vector<16xi32> -> vector<16xi32>
      %select_n3A_3502 = arith.select %lt3A_8, %gather3A_3491, %gather3A_3501 : vector<16xi1>, vector<16xi32>
      %lt3A_3503 = arith.constant 0 : i32
      %lt3A_3504 = vector.broadcast %lt3A_3503 : i32 to vector<16xi32>
      %lt3A_3505 = arith.cmpi slt, %add3A_34, %lt3A_3504 : vector<16xi32>
      %add3A_3506 = arith.constant 16 : i32
      %add3A_3507 = vector.broadcast %add3A_3506 : i32 to vector<16xi32>
      %add3A_3508 = arith.addi %add3A_34, %add3A_3507 : vector<16xi32>
      %select_n3A_3509 = arith.select %lt3A_3505, %add3A_3508, %add3A_34 : vector<16xi1>, vector<16xi32>
      %broadcast_in_dim3A_3510 = vector.shape_cast %select_n3A_3509 : vector<16xi32> to vector<16x1xi32>
      %gather3A_3511 = vector.shape_cast %broadcast_in_dim3A_3510 : vector<16x1xi32> to vector<16xi32>
      %gather3A_3512 = tpu.dynamic_gather %get3A_3474[%gather3A_3511] in [0] : vector<16xi32>, vector<16xi32> -> vector<16xi32>
      %lt3A_3513 = arith.constant 0 : i32
      %lt3A_3514 = vector.broadcast %lt3A_3513 : i32 to vector<16xi32>
      %lt3A_3515 = arith.cmpi slt, %add3A_34, %lt3A_3514 : vector<16xi32>
      %add3A_3516 = arith.constant 16 : i32
      %add3A_3517 = vector.broadcast %add3A_3516 : i32 to vector<16xi32>
      %add3A_3518 = arith.addi %add3A_34, %add3A_3517 : vector<16xi32>
      %select_n3A_3519 = arith.select %lt3A_3515, %add3A_3518, %add3A_34 : vector<16xi1>, vector<16xi32>
      %broadcast_in_dim3A_3520 = vector.shape_cast %select_n3A_3519 : vector<16xi32> to vector<16x1xi32>
      %gather3A_3521 = vector.shape_cast %broadcast_in_dim3A_3520 : vector<16x1xi32> to vector<16xi32>
      %gather3A_3522 = tpu.dynamic_gather %get3A_3481[%gather3A_3521] in [0] : vector<16xi32>, vector<16xi32> -> vector<16xi32>
      %select_n3A_3523 = arith.select %lt3A_8, %gather3A_3512, %gather3A_3522 : vector<16xi1>, vector<16xi32>
      %mul3A_3524 = arith.constant 8 : i32
      %mul3A_3525 = vector.broadcast %mul3A_3524 : i32 to vector<16xi32>
      %mul3A_3526 = arith.muli %select_n3A_3502, %mul3A_3525 : vector<16xi32>
      %add3A_3527 = arith.addi %mul3A_3526, %select_n3A_3523 : vector<16xi32>
      %swap3A_3528 = arith.constant 3 : i32
      %swap3A_3529 = arith.index_cast %swap3A_3528 : i32 to index
      %swap3A_3530 = arith.constant 64 : index
      %swap3A_3531 = tpu.vector_load %arg7[%swap3A_3529, %swap3A_3530] {strides = array<i32>} : memref<4x80xi32, #tpu.memory_space<vmem>>, vector<1x16xi32>,
      %swap3A_3532 = vector.shape_cast %swap3A_3531 : vector<1x16xi32> to vector<16xi32>
      %swap3A_3533 = vector.shape_cast %add3A_3527 : vector<16xi32> to vector<1x16xi32>
      tpu.vector_store %arg7[%swap3A_3529, %swap3A_3530], %swap3A_3533 {strides = array<i32>} : memref<4x80xi32, #tpu.memory_space<vmem>>, vector<1x16xi32>,
      %dma_start3A_3534 = arith.constant 3 : i32
      %dma_start3A_3535 = arith.constant 3 : i32
      %dma_start3A_3536 = arith.constant 0 : i32
      %dma_start3A_3537 = arith.constant 0 : i32
      %dma_start3A_3538 = tpu.memref_slice %arg8[%dma_start3A_3535, %dma_start3A_3536, %dma_start3A_3537] : memref<4x80x128xf32, #tpu.memory_space<vmem>> -> memref<1x80x128xf32, #tpu.memory_space<vmem>>
      %dma_start3A_3539 = tpu.memref_squeeze %dma_start3A_3538 : memref<1x80x128xf32, #tpu.memory_space<vmem>> -> memref<80x128xf32, #tpu.memory_space<vmem>>
      %dma_start3A_3540 = arith.constant 0 : i32
      %dma_start3A_3541 = tpu.memref_slice %arg7[%dma_start3A_3534, %dma_start3A_3540] : memref<4x80xi32, #tpu.memory_space<vmem>> -> memref<1x80xi32, #tpu.memory_space<vmem>>
      %dma_start3A_3542 = tpu.memref_squeeze %dma_start3A_3541 : memref<1x80xi32, #tpu.memory_space<vmem>> -> memref<80xi32, #tpu.memory_space<vmem>>
      %dma_start3A_3543 = arith.constant 0 : i32
      %dma_start3A_3544 = arith.constant 0 : i32
      %dma_start3A_3545 = tpu.memref_slice %arg9[%arg1, %dma_start3A_3543, %dma_start3A_3544] : memref<16x64x128xf32, #tpu.memory_space<vmem_shared>> -> memref<1x64x128xf32, #tpu.memory_space<vmem_shared>>
      %dma_start3A_3546 = tpu.memref_squeeze %dma_start3A_3545 : memref<1x64x128xf32, #tpu.memory_space<vmem_shared>> -> memref<64x128xf32, #tpu.memory_space<vmem_shared>>
      %dma_start3A_3547 = arith.constant 0 : i32
      %dma_start3A_3548 = arith.constant 0 : i32
      %dma_start3A_3549 = tpu.memref_slice %dma_start3A_3546[%dma_start3A_3547, %dma_start3A_3548] : memref<64x128xf32, #tpu.memory_space<vmem_shared>> -> memref<64x128xf32, #tpu.memory_space<vmem_shared>>
      tpu.enqueue_indirect_dma source(%dma_start3A_3549 : memref<64x128xf32, #tpu.memory_space<vmem_shared>>) target(%dma_start3A_3539 : memref<80x128xf32, #tpu.memory_space<vmem>>) offsets(%dma_start3A_3542 : memref<80xi32, #tpu.memory_space<vmem>>) semaphore(%arg13 : memref<!tpu.dma_semaphore, #tpu.memory_space<semaphore_mem>>)
      %dma_wait3A_3550 = arith.constant 1 : i32
      %dma_wait3A_3551 = arith.constant 0 : i32
      %dma_wait3A_3552 = arith.constant 0 : i32
      %dma_wait3A_3553 = tpu.memref_slice %arg8[%dma_wait3A_3550, %dma_wait3A_3551, %dma_wait3A_3552] : memref<4x80x128xf32, #tpu.memory_space<vmem>> -> memref<1x80x128xf32, #tpu.memory_space<vmem>>
      %dma_wait3A_3554 = tpu.memref_squeeze %dma_wait3A_3553 : memref<1x80x128xf32, #tpu.memory_space<vmem>> -> memref<80x128xf32, #tpu.memory_space<vmem>>
      %dma_wait3A_3555 = arith.constant 0 : i32
      %dma_wait3A_3556 = arith.constant 0 : i32
      %dma_wait3A_3557 = tpu.memref_slice %arg8[%dma_wait3A_3550, %dma_wait3A_3555, %dma_wait3A_3556] : memref<4x80x128xf32, #tpu.memory_space<vmem>> -> memref<1x80x128xf32, #tpu.memory_space<vmem>>
      %dma_wait3A_3558 = tpu.memref_squeeze %dma_wait3A_3557 : memref<1x80x128xf32, #tpu.memory_space<vmem>> -> memref<80x128xf32, #tpu.memory_space<vmem>>
      tpu.wait_dma2 semaphore(%arg11 : memref<!tpu.dma_semaphore, #tpu.memory_space<semaphore_mem>>) src(%arg4 : memref<80x128xf32, #tpu.memory_space<hbm>>) dst(%dma_wait3A_3558 : memref<80x128xf32, #tpu.memory_space<vmem>>)
      %mul3A_3559 = arith.constant 80 : i32
      %mul3A_3560 = arith.muli %add3A_3194, %mul3A_3559 : i32
      %add3A_3561 = arith.addi %mul3A_6, %mul3A_3560 : i32
      %multiple_of3A_3562 = tpu.assume_multiple %add3A_3561, 80 : i32
      %dma_start3A_3563 = arith.constant 1 : i32
      %dma_start3A_3564 = arith.constant 0 : i32
      %dma_start3A_3565 = arith.constant 0 : i32
      %dma_start3A_3566 = tpu.memref_slice %arg8[%dma_start3A_3563, %dma_start3A_3564, %dma_start3A_3565] : memref<4x80x128xf32, #tpu.memory_space<vmem>> -> memref<1x80x128xf32, #tpu.memory_space<vmem>>
      %dma_start3A_3567 = tpu.memref_squeeze %dma_start3A_3566 : memref<1x80x128xf32, #tpu.memory_space<vmem>> -> memref<80x128xf32, #tpu.memory_space<vmem>>
      %dma_start3A_3568 = arith.constant 0 : i32
      %dma_start3A_3569 = tpu.memref_slice %arg5[%multiple_of3A_3562, %dma_start3A_3568] : memref<102400x128xf32, #tpu.memory_space<hbm>> -> memref<80x128xf32, #tpu.memory_space<hbm>>
      %dma_start3A_3570 = arith.constant 0 : i32
      %dma_start3A_3571 = tpu.memref_slice %arg5[%multiple_of3A_3562, %dma_start3A_3570] : memref<102400x128xf32, #tpu.memory_space<hbm>> -> memref<80x128xf32, #tpu.memory_space<hbm>>
      %dma_start3A_3572 = arith.constant 0 : i32
      %dma_start3A_3573 = arith.constant 0 : i32
      %dma_start3A_3574 = tpu.memref_slice %arg8[%dma_start3A_3563, %dma_start3A_3572, %dma_start3A_3573] : memref<4x80x128xf32, #tpu.memory_space<vmem>> -> memref<1x80x128xf32, #tpu.memory_space<vmem>>
      %dma_start3A_3575 = tpu.memref_squeeze %dma_start3A_3574 : memref<1x80x128xf32, #tpu.memory_space<vmem>> -> memref<80x128xf32, #tpu.memory_space<vmem>>
      tpu.enqueue_dma source(%dma_start3A_3575 : memref<80x128xf32, #tpu.memory_space<vmem>>) target(%dma_start3A_3571 : memref<80x128xf32, #tpu.memory_space<hbm>>) target_semaphore(%arg15 : memref<!tpu.dma_semaphore, #tpu.memory_space<semaphore_mem>>)
      %mul3A_3576 = arith.constant 4 : i32
      %mul3A_3577 = arith.muli %scan3A_2805, %mul3A_3576 : i32
      %add3A_3578 = arith.constant 2 : i32
      %add3A_3579 = arith.addi %mul3A_3577, %add3A_3578 : i32
      %dma_wait3A_3580 = arith.constant 0 : i32
      %dma_wait3A_3581 = arith.constant 0 : i32
      %dma_wait3A_3582 = arith.constant 0 : i32
      %dma_wait3A_3583 = tpu.memref_slice %arg8[%dma_wait3A_3580, %dma_wait3A_3581, %dma_wait3A_3582] : memref<4x80x128xf32, #tpu.memory_space<vmem>> -> memref<1x80x128xf32, #tpu.memory_space<vmem>>
      %dma_wait3A_3584 = tpu.memref_squeeze %dma_wait3A_3583 : memref<1x80x128xf32, #tpu.memory_space<vmem>> -> memref<80x128xf32, #tpu.memory_space<vmem>>
      %dma_wait3A_3585 = arith.constant 0 : i32
      %dma_wait3A_3586 = arith.constant 0 : i32
      %dma_wait3A_3587 = tpu.memref_slice %arg5[%dma_wait3A_3585, %dma_wait3A_3586] : memref<102400x128xf32, #tpu.memory_space<hbm>> -> memref<80x128xf32, #tpu.memory_space<hbm>>
      %dma_wait3A_3588 = arith.constant 0 : i32
      %dma_wait3A_3589 = arith.constant 0 : i32
      %dma_wait3A_3590 = tpu.memref_slice %arg5[%dma_wait3A_3588, %dma_wait3A_3589] : memref<102400x128xf32, #tpu.memory_space<hbm>> -> memref<80x128xf32, #tpu.memory_space<hbm>>
      %dma_wait3A_3591 = arith.constant 0 : i32
      %dma_wait3A_3592 = arith.constant 0 : i32
      %dma_wait3A_3593 = tpu.memref_slice %arg8[%dma_wait3A_3580, %dma_wait3A_3591, %dma_wait3A_3592] : memref<4x80x128xf32, #tpu.memory_space<vmem>> -> memref<1x80x128xf32, #tpu.memory_space<vmem>>
      %dma_wait3A_3594 = tpu.memref_squeeze %dma_wait3A_3593 : memref<1x80x128xf32, #tpu.memory_space<vmem>> -> memref<80x128xf32, #tpu.memory_space<vmem>>
      tpu.wait_dma2 semaphore(%arg14 : memref<!tpu.dma_semaphore, #tpu.memory_space<semaphore_mem>>) src(%dma_wait3A_3594 : memref<80x128xf32, #tpu.memory_space<vmem>>) dst(%dma_wait3A_3590 : memref<80x128xf32, #tpu.memory_space<hbm>>)
      %add3A_3595 = arith.constant 2 : i32
      %add3A_3596 = arith.addi %add3A_3579, %add3A_3595 : i32
      %mul3A_3597 = arith.constant 160 : i32
      %mul3A_3598 = arith.muli %add3A_3596, %mul3A_3597 : i32
      %add3A_3599 = arith.constant 0 : i32
      %add3A_3600 = arith.addi %mul3A_3598, %add3A_3599 : i32
      %get3A_3601 = arith.index_cast %add3A_3600 : i32 to index
      %get3A_3602 = tpu.vector_load %arg6[%get3A_3601] {strides = array<i32>} : memref<6400xi32, #tpu.memory_space<vmem>>, vector<16xi32>,
      %get3A_3603 = vector.shape_cast %get3A_3602 : vector<16xi32> to vector<16xi32>
      %add3A_3604 = arith.constant 0 : i32
      %add3A_3605 = arith.addi %mul3A_3598, %add3A_3604 : i32
      %add3A_3606 = arith.constant 16 : i32
      %add3A_3607 = arith.addi %add3A_3605, %add3A_3606 : i32
      %get3A_3608 = arith.index_cast %add3A_3607 : i32 to index
      %get3A_3609 = tpu.vector_load %arg6[%get3A_3608] {strides = array<i32>} : memref<6400xi32, #tpu.memory_space<vmem>>, vector<16xi32>,
      %get3A_3610 = vector.shape_cast %get3A_3609 : vector<16xi32> to vector<16xi32>
      %lt3A_3611 = arith.constant 0 : i32
      %lt3A_3612 = vector.broadcast %lt3A_3611 : i32 to vector<16xi32>
      %lt3A_3613 = arith.cmpi slt, %select_n3A_31, %lt3A_3612 : vector<16xi32>
      %add3A_3614 = arith.constant 16 : i32
      %add3A_3615 = vector.broadcast %add3A_3614 : i32 to vector<16xi32>
      %add3A_3616 = arith.addi %select_n3A_31, %add3A_3615 : vector<16xi32>
      %select_n3A_3617 = arith.select %lt3A_3613, %add3A_3616, %select_n3A_31 : vector<16xi1>, vector<16xi32>
      %broadcast_in_dim3A_3618 = vector.shape_cast %select_n3A_3617 : vector<16xi32> to vector<16x1xi32>
      %gather3A_3619 = vector.shape_cast %broadcast_in_dim3A_3618 : vector<16x1xi32> to vector<16xi32>
      %gather3A_3620 = tpu.dynamic_gather %get3A_3603[%gather3A_3619] in [0] : vector<16xi32>, vector<16xi32> -> vector<16xi32>
      %lt3A_3621 = arith.constant 0 : i32
      %lt3A_3622 = vector.broadcast %lt3A_3621 : i32 to vector<16xi32>
      %lt3A_3623 = arith.cmpi slt, %select_n3A_31, %lt3A_3622 : vector<16xi32>
      %add3A_3624 = arith.constant 16 : i32
      %add3A_3625 = vector.broadcast %add3A_3624 : i32 to vector<16xi32>
      %add3A_3626 = arith.addi %select_n3A_31, %add3A_3625 : vector<16xi32>
      %select_n3A_3627 = arith.select %lt3A_3623, %add3A_3626, %select_n3A_31 : vector<16xi1>, vector<16xi32>
      %broadcast_in_dim3A_3628 = vector.shape_cast %select_n3A_3627 : vector<16xi32> to vector<16x1xi32>
      %gather3A_3629 = vector.shape_cast %broadcast_in_dim3A_3628 : vector<16x1xi32> to vector<16xi32>
      %gather3A_3630 = tpu.dynamic_gather %get3A_3610[%gather3A_3629] in [0] : vector<16xi32>, vector<16xi32> -> vector<16xi32>
      %select_n3A_3631 = arith.select %lt3A_8, %gather3A_3620, %gather3A_3630 : vector<16xi1>, vector<16xi32>
      %lt3A_3632 = arith.constant 0 : i32
      %lt3A_3633 = vector.broadcast %lt3A_3632 : i32 to vector<16xi32>
      %lt3A_3634 = arith.cmpi slt, %add3A_34, %lt3A_3633 : vector<16xi32>
      %add3A_3635 = arith.constant 16 : i32
      %add3A_3636 = vector.broadcast %add3A_3635 : i32 to vector<16xi32>
      %add3A_3637 = arith.addi %add3A_34, %add3A_3636 : vector<16xi32>
      %select_n3A_3638 = arith.select %lt3A_3634, %add3A_3637, %add3A_34 : vector<16xi1>, vector<16xi32>
      %broadcast_in_dim3A_3639 = vector.shape_cast %select_n3A_3638 : vector<16xi32> to vector<16x1xi32>
      %gather3A_3640 = vector.shape_cast %broadcast_in_dim3A_3639 : vector<16x1xi32> to vector<16xi32>
      %gather3A_3641 = tpu.dynamic_gather %get3A_3603[%gather3A_3640] in [0] : vector<16xi32>, vector<16xi32> -> vector<16xi32>
      %lt3A_3642 = arith.constant 0 : i32
      %lt3A_3643 = vector.broadcast %lt3A_3642 : i32 to vector<16xi32>
      %lt3A_3644 = arith.cmpi slt, %add3A_34, %lt3A_3643 : vector<16xi32>
      %add3A_3645 = arith.constant 16 : i32
      %add3A_3646 = vector.broadcast %add3A_3645 : i32 to vector<16xi32>
      %add3A_3647 = arith.addi %add3A_34, %add3A_3646 : vector<16xi32>
      %select_n3A_3648 = arith.select %lt3A_3644, %add3A_3647, %add3A_34 : vector<16xi1>, vector<16xi32>
      %broadcast_in_dim3A_3649 = vector.shape_cast %select_n3A_3648 : vector<16xi32> to vector<16x1xi32>
      %gather3A_3650 = vector.shape_cast %broadcast_in_dim3A_3649 : vector<16x1xi32> to vector<16xi32>
      %gather3A_3651 = tpu.dynamic_gather %get3A_3610[%gather3A_3650] in [0] : vector<16xi32>, vector<16xi32> -> vector<16xi32>
      %select_n3A_3652 = arith.select %lt3A_8, %gather3A_3641, %gather3A_3651 : vector<16xi1>, vector<16xi32>
      %mul3A_3653 = arith.constant 8 : i32
      %mul3A_3654 = vector.broadcast %mul3A_3653 : i32 to vector<16xi32>
      %mul3A_3655 = arith.muli %select_n3A_3631, %mul3A_3654 : vector<16xi32>
      %add3A_3656 = arith.addi %mul3A_3655, %select_n3A_3652 : vector<16xi32>
      %swap3A_3657 = arith.constant 0 : i32
      %swap3A_3658 = arith.index_cast %swap3A_3657 : i32 to index
      %swap3A_3659 = arith.constant 0 : index
      %swap3A_3660 = tpu.vector_load %arg7[%swap3A_3658, %swap3A_3659] {strides = array<i32>} : memref<4x80xi32, #tpu.memory_space<vmem>>, vector<1x16xi32>,
      %swap3A_3661 = vector.shape_cast %swap3A_3660 : vector<1x16xi32> to vector<16xi32>
      %swap3A_3662 = vector.shape_cast %add3A_3656 : vector<16xi32> to vector<1x16xi32>
      tpu.vector_store %arg7[%swap3A_3658, %swap3A_3659], %swap3A_3662 {strides = array<i32>} : memref<4x80xi32, #tpu.memory_space<vmem>>, vector<1x16xi32>,
      %add3A_3663 = arith.constant 32 : i32
      %add3A_3664 = arith.addi %mul3A_3598, %add3A_3663 : i32
      %get3A_3665 = arith.index_cast %add3A_3664 : i32 to index
      %get3A_3666 = tpu.vector_load %arg6[%get3A_3665] {strides = array<i32>} : memref<6400xi32, #tpu.memory_space<vmem>>, vector<16xi32>,
      %get3A_3667 = vector.shape_cast %get3A_3666 : vector<16xi32> to vector<16xi32>
      %add3A_3668 = arith.constant 32 : i32
      %add3A_3669 = arith.addi %mul3A_3598, %add3A_3668 : i32
      %add3A_3670 = arith.constant 16 : i32
      %add3A_3671 = arith.addi %add3A_3669, %add3A_3670 : i32
      %get3A_3672 = arith.index_cast %add3A_3671 : i32 to index
      %get3A_3673 = tpu.vector_load %arg6[%get3A_3672] {strides = array<i32>} : memref<6400xi32, #tpu.memory_space<vmem>>, vector<16xi32>,
      %get3A_3674 = vector.shape_cast %get3A_3673 : vector<16xi32> to vector<16xi32>
      %lt3A_3675 = arith.constant 0 : i32
      %lt3A_3676 = vector.broadcast %lt3A_3675 : i32 to vector<16xi32>
      %lt3A_3677 = arith.cmpi slt, %select_n3A_31, %lt3A_3676 : vector<16xi32>
      %add3A_3678 = arith.constant 16 : i32
      %add3A_3679 = vector.broadcast %add3A_3678 : i32 to vector<16xi32>
      %add3A_3680 = arith.addi %select_n3A_31, %add3A_3679 : vector<16xi32>
      %select_n3A_3681 = arith.select %lt3A_3677, %add3A_3680, %select_n3A_31 : vector<16xi1>, vector<16xi32>
      %broadcast_in_dim3A_3682 = vector.shape_cast %select_n3A_3681 : vector<16xi32> to vector<16x1xi32>
      %gather3A_3683 = vector.shape_cast %broadcast_in_dim3A_3682 : vector<16x1xi32> to vector<16xi32>
      %gather3A_3684 = tpu.dynamic_gather %get3A_3667[%gather3A_3683] in [0] : vector<16xi32>, vector<16xi32> -> vector<16xi32>
      %lt3A_3685 = arith.constant 0 : i32
      %lt3A_3686 = vector.broadcast %lt3A_3685 : i32 to vector<16xi32>
      %lt3A_3687 = arith.cmpi slt, %select_n3A_31, %lt3A_3686 : vector<16xi32>
      %add3A_3688 = arith.constant 16 : i32
      %add3A_3689 = vector.broadcast %add3A_3688 : i32 to vector<16xi32>
      %add3A_3690 = arith.addi %select_n3A_31, %add3A_3689 : vector<16xi32>
      %select_n3A_3691 = arith.select %lt3A_3687, %add3A_3690, %select_n3A_31 : vector<16xi1>, vector<16xi32>
      %broadcast_in_dim3A_3692 = vector.shape_cast %select_n3A_3691 : vector<16xi32> to vector<16x1xi32>
      %gather3A_3693 = vector.shape_cast %broadcast_in_dim3A_3692 : vector<16x1xi32> to vector<16xi32>
      %gather3A_3694 = tpu.dynamic_gather %get3A_3674[%gather3A_3693] in [0] : vector<16xi32>, vector<16xi32> -> vector<16xi32>
      %select_n3A_3695 = arith.select %lt3A_8, %gather3A_3684, %gather3A_3694 : vector<16xi1>, vector<16xi32>
      %lt3A_3696 = arith.constant 0 : i32
      %lt3A_3697 = vector.broadcast %lt3A_3696 : i32 to vector<16xi32>
      %lt3A_3698 = arith.cmpi slt, %add3A_34, %lt3A_3697 : vector<16xi32>
      %add3A_3699 = arith.constant 16 : i32
      %add3A_3700 = vector.broadcast %add3A_3699 : i32 to vector<16xi32>
      %add3A_3701 = arith.addi %add3A_34, %add3A_3700 : vector<16xi32>
      %select_n3A_3702 = arith.select %lt3A_3698, %add3A_3701, %add3A_34 : vector<16xi1>, vector<16xi32>
      %broadcast_in_dim3A_3703 = vector.shape_cast %select_n3A_3702 : vector<16xi32> to vector<16x1xi32>
      %gather3A_3704 = vector.shape_cast %broadcast_in_dim3A_3703 : vector<16x1xi32> to vector<16xi32>
      %gather3A_3705 = tpu.dynamic_gather %get3A_3667[%gather3A_3704] in [0] : vector<16xi32>, vector<16xi32> -> vector<16xi32>
      %lt3A_3706 = arith.constant 0 : i32
      %lt3A_3707 = vector.broadcast %lt3A_3706 : i32 to vector<16xi32>
      %lt3A_3708 = arith.cmpi slt, %add3A_34, %lt3A_3707 : vector<16xi32>
      %add3A_3709 = arith.constant 16 : i32
      %add3A_3710 = vector.broadcast %add3A_3709 : i32 to vector<16xi32>
      %add3A_3711 = arith.addi %add3A_34, %add3A_3710 : vector<16xi32>
      %select_n3A_3712 = arith.select %lt3A_3708, %add3A_3711, %add3A_34 : vector<16xi1>, vector<16xi32>
      %broadcast_in_dim3A_3713 = vector.shape_cast %select_n3A_3712 : vector<16xi32> to vector<16x1xi32>
      %gather3A_3714 = vector.shape_cast %broadcast_in_dim3A_3713 : vector<16x1xi32> to vector<16xi32>
      %gather3A_3715 = tpu.dynamic_gather %get3A_3674[%gather3A_3714] in [0] : vector<16xi32>, vector<16xi32> -> vector<16xi32>
      %select_n3A_3716 = arith.select %lt3A_8, %gather3A_3705, %gather3A_3715 : vector<16xi1>, vector<16xi32>
      %mul3A_3717 = arith.constant 8 : i32
      %mul3A_3718 = vector.broadcast %mul3A_3717 : i32 to vector<16xi32>
      %mul3A_3719 = arith.muli %select_n3A_3695, %mul3A_3718 : vector<16xi32>
      %add3A_3720 = arith.addi %mul3A_3719, %select_n3A_3716 : vector<16xi32>
      %swap3A_3721 = arith.constant 0 : i32
      %swap3A_3722 = arith.index_cast %swap3A_3721 : i32 to index
      %swap3A_3723 = arith.constant 16 : index
      %swap3A_3724 = tpu.vector_load %arg7[%swap3A_3722, %swap3A_3723] {strides = array<i32>} : memref<4x80xi32, #tpu.memory_space<vmem>>, vector<1x16xi32>,
      %swap3A_3725 = vector.shape_cast %swap3A_3724 : vector<1x16xi32> to vector<16xi32>
      %swap3A_3726 = vector.shape_cast %add3A_3720 : vector<16xi32> to vector<1x16xi32>
      tpu.vector_store %arg7[%swap3A_3722, %swap3A_3723], %swap3A_3726 {strides = array<i32>} : memref<4x80xi32, #tpu.memory_space<vmem>>, vector<1x16xi32>,
      %add3A_3727 = arith.constant 64 : i32
      %add3A_3728 = arith.addi %mul3A_3598, %add3A_3727 : i32
      %get3A_3729 = arith.index_cast %add3A_3728 : i32 to index
      %get3A_3730 = tpu.vector_load %arg6[%get3A_3729] {strides = array<i32>} : memref<6400xi32, #tpu.memory_space<vmem>>, vector<16xi32>,
      %get3A_3731 = vector.shape_cast %get3A_3730 : vector<16xi32> to vector<16xi32>
      %add3A_3732 = arith.constant 64 : i32
      %add3A_3733 = arith.addi %mul3A_3598, %add3A_3732 : i32
      %add3A_3734 = arith.constant 16 : i32
      %add3A_3735 = arith.addi %add3A_3733, %add3A_3734 : i32
      %get3A_3736 = arith.index_cast %add3A_3735 : i32 to index
      %get3A_3737 = tpu.vector_load %arg6[%get3A_3736] {strides = array<i32>} : memref<6400xi32, #tpu.memory_space<vmem>>, vector<16xi32>,
      %get3A_3738 = vector.shape_cast %get3A_3737 : vector<16xi32> to vector<16xi32>
      %lt3A_3739 = arith.constant 0 : i32
      %lt3A_3740 = vector.broadcast %lt3A_3739 : i32 to vector<16xi32>
      %lt3A_3741 = arith.cmpi slt, %select_n3A_31, %lt3A_3740 : vector<16xi32>
      %add3A_3742 = arith.constant 16 : i32
      %add3A_3743 = vector.broadcast %add3A_3742 : i32 to vector<16xi32>
      %add3A_3744 = arith.addi %select_n3A_31, %add3A_3743 : vector<16xi32>
      %select_n3A_3745 = arith.select %lt3A_3741, %add3A_3744, %select_n3A_31 : vector<16xi1>, vector<16xi32>
      %broadcast_in_dim3A_3746 = vector.shape_cast %select_n3A_3745 : vector<16xi32> to vector<16x1xi32>
      %gather3A_3747 = vector.shape_cast %broadcast_in_dim3A_3746 : vector<16x1xi32> to vector<16xi32>
      %gather3A_3748 = tpu.dynamic_gather %get3A_3731[%gather3A_3747] in [0] : vector<16xi32>, vector<16xi32> -> vector<16xi32>
      %lt3A_3749 = arith.constant 0 : i32
      %lt3A_3750 = vector.broadcast %lt3A_3749 : i32 to vector<16xi32>
      %lt3A_3751 = arith.cmpi slt, %select_n3A_31, %lt3A_3750 : vector<16xi32>
      %add3A_3752 = arith.constant 16 : i32
      %add3A_3753 = vector.broadcast %add3A_3752 : i32 to vector<16xi32>
      %add3A_3754 = arith.addi %select_n3A_31, %add3A_3753 : vector<16xi32>
      %select_n3A_3755 = arith.select %lt3A_3751, %add3A_3754, %select_n3A_31 : vector<16xi1>, vector<16xi32>
      %broadcast_in_dim3A_3756 = vector.shape_cast %select_n3A_3755 : vector<16xi32> to vector<16x1xi32>
      %gather3A_3757 = vector.shape_cast %broadcast_in_dim3A_3756 : vector<16x1xi32> to vector<16xi32>
      %gather3A_3758 = tpu.dynamic_gather %get3A_3738[%gather3A_3757] in [0] : vector<16xi32>, vector<16xi32> -> vector<16xi32>
      %select_n3A_3759 = arith.select %lt3A_8, %gather3A_3748, %gather3A_3758 : vector<16xi1>, vector<16xi32>
      %lt3A_3760 = arith.constant 0 : i32
      %lt3A_3761 = vector.broadcast %lt3A_3760 : i32 to vector<16xi32>
      %lt3A_3762 = arith.cmpi slt, %add3A_34, %lt3A_3761 : vector<16xi32>
      %add3A_3763 = arith.constant 16 : i32
      %add3A_3764 = vector.broadcast %add3A_3763 : i32 to vector<16xi32>
      %add3A_3765 = arith.addi %add3A_34, %add3A_3764 : vector<16xi32>
      %select_n3A_3766 = arith.select %lt3A_3762, %add3A_3765, %add3A_34 : vector<16xi1>, vector<16xi32>
      %broadcast_in_dim3A_3767 = vector.shape_cast %select_n3A_3766 : vector<16xi32> to vector<16x1xi32>
      %gather3A_3768 = vector.shape_cast %broadcast_in_dim3A_3767 : vector<16x1xi32> to vector<16xi32>
      %gather3A_3769 = tpu.dynamic_gather %get3A_3731[%gather3A_3768] in [0] : vector<16xi32>, vector<16xi32> -> vector<16xi32>
      %lt3A_3770 = arith.constant 0 : i32
      %lt3A_3771 = vector.broadcast %lt3A_3770 : i32 to vector<16xi32>
      %lt3A_3772 = arith.cmpi slt, %add3A_34, %lt3A_3771 : vector<16xi32>
      %add3A_3773 = arith.constant 16 : i32
      %add3A_3774 = vector.broadcast %add3A_3773 : i32 to vector<16xi32>
      %add3A_3775 = arith.addi %add3A_34, %add3A_3774 : vector<16xi32>
      %select_n3A_3776 = arith.select %lt3A_3772, %add3A_3775, %add3A_34 : vector<16xi1>, vector<16xi32>
      %broadcast_in_dim3A_3777 = vector.shape_cast %select_n3A_3776 : vector<16xi32> to vector<16x1xi32>
      %gather3A_3778 = vector.shape_cast %broadcast_in_dim3A_3777 : vector<16x1xi32> to vector<16xi32>
      %gather3A_3779 = tpu.dynamic_gather %get3A_3738[%gather3A_3778] in [0] : vector<16xi32>, vector<16xi32> -> vector<16xi32>
      %select_n3A_3780 = arith.select %lt3A_8, %gather3A_3769, %gather3A_3779 : vector<16xi1>, vector<16xi32>
      %mul3A_3781 = arith.constant 8 : i32
      %mul3A_3782 = vector.broadcast %mul3A_3781 : i32 to vector<16xi32>
      %mul3A_3783 = arith.muli %select_n3A_3759, %mul3A_3782 : vector<16xi32>
      %add3A_3784 = arith.addi %mul3A_3783, %select_n3A_3780 : vector<16xi32>
      %swap3A_3785 = arith.constant 0 : i32
      %swap3A_3786 = arith.index_cast %swap3A_3785 : i32 to index
      %swap3A_3787 = arith.constant 32 : index
      %swap3A_3788 = tpu.vector_load %arg7[%swap3A_3786, %swap3A_3787] {strides = array<i32>} : memref<4x80xi32, #tpu.memory_space<vmem>>, vector<1x16xi32>,
      %swap3A_3789 = vector.shape_cast %swap3A_3788 : vector<1x16xi32> to vector<16xi32>
      %swap3A_3790 = vector.shape_cast %add3A_3784 : vector<16xi32> to vector<1x16xi32>
      tpu.vector_store %arg7[%swap3A_3786, %swap3A_3787], %swap3A_3790 {strides = array<i32>} : memref<4x80xi32, #tpu.memory_space<vmem>>, vector<1x16xi32>,
      %add3A_3791 = arith.constant 96 : i32
      %add3A_3792 = arith.addi %mul3A_3598, %add3A_3791 : i32
      %get3A_3793 = arith.index_cast %add3A_3792 : i32 to index
      %get3A_3794 = tpu.vector_load %arg6[%get3A_3793] {strides = array<i32>} : memref<6400xi32, #tpu.memory_space<vmem>>, vector<16xi32>,
      %get3A_3795 = vector.shape_cast %get3A_3794 : vector<16xi32> to vector<16xi32>
      %add3A_3796 = arith.constant 96 : i32
      %add3A_3797 = arith.addi %mul3A_3598, %add3A_3796 : i32
      %add3A_3798 = arith.constant 16 : i32
      %add3A_3799 = arith.addi %add3A_3797, %add3A_3798 : i32
      %get3A_3800 = arith.index_cast %add3A_3799 : i32 to index
      %get3A_3801 = tpu.vector_load %arg6[%get3A_3800] {strides = array<i32>} : memref<6400xi32, #tpu.memory_space<vmem>>, vector<16xi32>,
      %get3A_3802 = vector.shape_cast %get3A_3801 : vector<16xi32> to vector<16xi32>
      %lt3A_3803 = arith.constant 0 : i32
      %lt3A_3804 = vector.broadcast %lt3A_3803 : i32 to vector<16xi32>
      %lt3A_3805 = arith.cmpi slt, %select_n3A_31, %lt3A_3804 : vector<16xi32>
      %add3A_3806 = arith.constant 16 : i32
      %add3A_3807 = vector.broadcast %add3A_3806 : i32 to vector<16xi32>
      %add3A_3808 = arith.addi %select_n3A_31, %add3A_3807 : vector<16xi32>
      %select_n3A_3809 = arith.select %lt3A_3805, %add3A_3808, %select_n3A_31 : vector<16xi1>, vector<16xi32>
      %broadcast_in_dim3A_3810 = vector.shape_cast %select_n3A_3809 : vector<16xi32> to vector<16x1xi32>
      %gather3A_3811 = vector.shape_cast %broadcast_in_dim3A_3810 : vector<16x1xi32> to vector<16xi32>
      %gather3A_3812 = tpu.dynamic_gather %get3A_3795[%gather3A_3811] in [0] : vector<16xi32>, vector<16xi32> -> vector<16xi32>
      %lt3A_3813 = arith.constant 0 : i32
      %lt3A_3814 = vector.broadcast %lt3A_3813 : i32 to vector<16xi32>
      %lt3A_3815 = arith.cmpi slt, %select_n3A_31, %lt3A_3814 : vector<16xi32>
      %add3A_3816 = arith.constant 16 : i32
      %add3A_3817 = vector.broadcast %add3A_3816 : i32 to vector<16xi32>
      %add3A_3818 = arith.addi %select_n3A_31, %add3A_3817 : vector<16xi32>
      %select_n3A_3819 = arith.select %lt3A_3815, %add3A_3818, %select_n3A_31 : vector<16xi1>, vector<16xi32>
      %broadcast_in_dim3A_3820 = vector.shape_cast %select_n3A_3819 : vector<16xi32> to vector<16x1xi32>
      %gather3A_3821 = vector.shape_cast %broadcast_in_dim3A_3820 : vector<16x1xi32> to vector<16xi32>
      %gather3A_3822 = tpu.dynamic_gather %get3A_3802[%gather3A_3821] in [0] : vector<16xi32>, vector<16xi32> -> vector<16xi32>
      %select_n3A_3823 = arith.select %lt3A_8, %gather3A_3812, %gather3A_3822 : vector<16xi1>, vector<16xi32>
      %lt3A_3824 = arith.constant 0 : i32
      %lt3A_3825 = vector.broadcast %lt3A_3824 : i32 to vector<16xi32>
      %lt3A_3826 = arith.cmpi slt, %add3A_34, %lt3A_3825 : vector<16xi32>
      %add3A_3827 = arith.constant 16 : i32
      %add3A_3828 = vector.broadcast %add3A_3827 : i32 to vector<16xi32>
      %add3A_3829 = arith.addi %add3A_34, %add3A_3828 : vector<16xi32>
      %select_n3A_3830 = arith.select %lt3A_3826, %add3A_3829, %add3A_34 : vector<16xi1>, vector<16xi32>
      %broadcast_in_dim3A_3831 = vector.shape_cast %select_n3A_3830 : vector<16xi32> to vector<16x1xi32>
      %gather3A_3832 = vector.shape_cast %broadcast_in_dim3A_3831 : vector<16x1xi32> to vector<16xi32>
      %gather3A_3833 = tpu.dynamic_gather %get3A_3795[%gather3A_3832] in [0] : vector<16xi32>, vector<16xi32> -> vector<16xi32>
      %lt3A_3834 = arith.constant 0 : i32
      %lt3A_3835 = vector.broadcast %lt3A_3834 : i32 to vector<16xi32>
      %lt3A_3836 = arith.cmpi slt, %add3A_34, %lt3A_3835 : vector<16xi32>
      %add3A_3837 = arith.constant 16 : i32
      %add3A_3838 = vector.broadcast %add3A_3837 : i32 to vector<16xi32>
      %add3A_3839 = arith.addi %add3A_34, %add3A_3838 : vector<16xi32>
      %select_n3A_3840 = arith.select %lt3A_3836, %add3A_3839, %add3A_34 : vector<16xi1>, vector<16xi32>
      %broadcast_in_dim3A_3841 = vector.shape_cast %select_n3A_3840 : vector<16xi32> to vector<16x1xi32>
      %gather3A_3842 = vector.shape_cast %broadcast_in_dim3A_3841 : vector<16x1xi32> to vector<16xi32>
      %gather3A_3843 = tpu.dynamic_gather %get3A_3802[%gather3A_3842] in [0] : vector<16xi32>, vector<16xi32> -> vector<16xi32>
      %select_n3A_3844 = arith.select %lt3A_8, %gather3A_3833, %gather3A_3843 : vector<16xi1>, vector<16xi32>
      %mul3A_3845 = arith.constant 8 : i32
      %mul3A_3846 = vector.broadcast %mul3A_3845 : i32 to vector<16xi32>
      %mul3A_3847 = arith.muli %select_n3A_3823, %mul3A_3846 : vector<16xi32>
      %add3A_3848 = arith.addi %mul3A_3847, %select_n3A_3844 : vector<16xi32>
      %swap3A_3849 = arith.constant 0 : i32
      %swap3A_3850 = arith.index_cast %swap3A_3849 : i32 to index
      %swap3A_3851 = arith.constant 48 : index
      %swap3A_3852 = tpu.vector_load %arg7[%swap3A_3850, %swap3A_3851] {strides = array<i32>} : memref<4x80xi32, #tpu.memory_space<vmem>>, vector<1x16xi32>,
      %swap3A_3853 = vector.shape_cast %swap3A_3852 : vector<1x16xi32> to vector<16xi32>
      %swap3A_3854 = vector.shape_cast %add3A_3848 : vector<16xi32> to vector<1x16xi32>
      tpu.vector_store %arg7[%swap3A_3850, %swap3A_3851], %swap3A_3854 {strides = array<i32>} : memref<4x80xi32, #tpu.memory_space<vmem>>, vector<1x16xi32>,
      %add3A_3855 = arith.constant 128 : i32
      %add3A_3856 = arith.addi %mul3A_3598, %add3A_3855 : i32
      %get3A_3857 = arith.index_cast %add3A_3856 : i32 to index
      %get3A_3858 = tpu.vector_load %arg6[%get3A_3857] {strides = array<i32>} : memref<6400xi32, #tpu.memory_space<vmem>>, vector<16xi32>,
      %get3A_3859 = vector.shape_cast %get3A_3858 : vector<16xi32> to vector<16xi32>
      %add3A_3860 = arith.constant 128 : i32
      %add3A_3861 = arith.addi %mul3A_3598, %add3A_3860 : i32
      %add3A_3862 = arith.constant 16 : i32
      %add3A_3863 = arith.addi %add3A_3861, %add3A_3862 : i32
      %get3A_3864 = arith.index_cast %add3A_3863 : i32 to index
      %get3A_3865 = tpu.vector_load %arg6[%get3A_3864] {strides = array<i32>} : memref<6400xi32, #tpu.memory_space<vmem>>, vector<16xi32>,
      %get3A_3866 = vector.shape_cast %get3A_3865 : vector<16xi32> to vector<16xi32>
      %lt3A_3867 = arith.constant 0 : i32
      %lt3A_3868 = vector.broadcast %lt3A_3867 : i32 to vector<16xi32>
      %lt3A_3869 = arith.cmpi slt, %select_n3A_31, %lt3A_3868 : vector<16xi32>
      %add3A_3870 = arith.constant 16 : i32
      %add3A_3871 = vector.broadcast %add3A_3870 : i32 to vector<16xi32>
      %add3A_3872 = arith.addi %select_n3A_31, %add3A_3871 : vector<16xi32>
      %select_n3A_3873 = arith.select %lt3A_3869, %add3A_3872, %select_n3A_31 : vector<16xi1>, vector<16xi32>
      %broadcast_in_dim3A_3874 = vector.shape_cast %select_n3A_3873 : vector<16xi32> to vector<16x1xi32>
      %gather3A_3875 = vector.shape_cast %broadcast_in_dim3A_3874 : vector<16x1xi32> to vector<16xi32>
      %gather3A_3876 = tpu.dynamic_gather %get3A_3859[%gather3A_3875] in [0] : vector<16xi32>, vector<16xi32> -> vector<16xi32>
      %lt3A_3877 = arith.constant 0 : i32
      %lt3A_3878 = vector.broadcast %lt3A_3877 : i32 to vector<16xi32>
      %lt3A_3879 = arith.cmpi slt, %select_n3A_31, %lt3A_3878 : vector<16xi32>
      %add3A_3880 = arith.constant 16 : i32
      %add3A_3881 = vector.broadcast %add3A_3880 : i32 to vector<16xi32>
      %add3A_3882 = arith.addi %select_n3A_31, %add3A_3881 : vector<16xi32>
      %select_n3A_3883 = arith.select %lt3A_3879, %add3A_3882, %select_n3A_31 : vector<16xi1>, vector<16xi32>
      %broadcast_in_dim3A_3884 = vector.shape_cast %select_n3A_3883 : vector<16xi32> to vector<16x1xi32>
      %gather3A_3885 = vector.shape_cast %broadcast_in_dim3A_3884 : vector<16x1xi32> to vector<16xi32>
      %gather3A_3886 = tpu.dynamic_gather %get3A_3866[%gather3A_3885] in [0] : vector<16xi32>, vector<16xi32> -> vector<16xi32>
      %select_n3A_3887 = arith.select %lt3A_8, %gather3A_3876, %gather3A_3886 : vector<16xi1>, vector<16xi32>
      %lt3A_3888 = arith.constant 0 : i32
      %lt3A_3889 = vector.broadcast %lt3A_3888 : i32 to vector<16xi32>
      %lt3A_3890 = arith.cmpi slt, %add3A_34, %lt3A_3889 : vector<16xi32>
      %add3A_3891 = arith.constant 16 : i32
      %add3A_3892 = vector.broadcast %add3A_3891 : i32 to vector<16xi32>
      %add3A_3893 = arith.addi %add3A_34, %add3A_3892 : vector<16xi32>
      %select_n3A_3894 = arith.select %lt3A_3890, %add3A_3893, %add3A_34 : vector<16xi1>, vector<16xi32>
      %broadcast_in_dim3A_3895 = vector.shape_cast %select_n3A_3894 : vector<16xi32> to vector<16x1xi32>
      %gather3A_3896 = vector.shape_cast %broadcast_in_dim3A_3895 : vector<16x1xi32> to vector<16xi32>
      %gather3A_3897 = tpu.dynamic_gather %get3A_3859[%gather3A_3896] in [0] : vector<16xi32>, vector<16xi32> -> vector<16xi32>
      %lt3A_3898 = arith.constant 0 : i32
      %lt3A_3899 = vector.broadcast %lt3A_3898 : i32 to vector<16xi32>
      %lt3A_3900 = arith.cmpi slt, %add3A_34, %lt3A_3899 : vector<16xi32>
      %add3A_3901 = arith.constant 16 : i32
      %add3A_3902 = vector.broadcast %add3A_3901 : i32 to vector<16xi32>
      %add3A_3903 = arith.addi %add3A_34, %add3A_3902 : vector<16xi32>
      %select_n3A_3904 = arith.select %lt3A_3900, %add3A_3903, %add3A_34 : vector<16xi1>, vector<16xi32>
      %broadcast_in_dim3A_3905 = vector.shape_cast %select_n3A_3904 : vector<16xi32> to vector<16x1xi32>
      %gather3A_3906 = vector.shape_cast %broadcast_in_dim3A_3905 : vector<16x1xi32> to vector<16xi32>
      %gather3A_3907 = tpu.dynamic_gather %get3A_3866[%gather3A_3906] in [0] : vector<16xi32>, vector<16xi32> -> vector<16xi32>
      %select_n3A_3908 = arith.select %lt3A_8, %gather3A_3897, %gather3A_3907 : vector<16xi1>, vector<16xi32>
      %mul3A_3909 = arith.constant 8 : i32
      %mul3A_3910 = vector.broadcast %mul3A_3909 : i32 to vector<16xi32>
      %mul3A_3911 = arith.muli %select_n3A_3887, %mul3A_3910 : vector<16xi32>
      %add3A_3912 = arith.addi %mul3A_3911, %select_n3A_3908 : vector<16xi32>
      %swap3A_3913 = arith.constant 0 : i32
      %swap3A_3914 = arith.index_cast %swap3A_3913 : i32 to index
      %swap3A_3915 = arith.constant 64 : index
      %swap3A_3916 = tpu.vector_load %arg7[%swap3A_3914, %swap3A_3915] {strides = array<i32>} : memref<4x80xi32, #tpu.memory_space<vmem>>, vector<1x16xi32>,
      %swap3A_3917 = vector.shape_cast %swap3A_3916 : vector<1x16xi32> to vector<16xi32>
      %swap3A_3918 = vector.shape_cast %add3A_3912 : vector<16xi32> to vector<1x16xi32>
      tpu.vector_store %arg7[%swap3A_3914, %swap3A_3915], %swap3A_3918 {strides = array<i32>} : memref<4x80xi32, #tpu.memory_space<vmem>>, vector<1x16xi32>,
      %dma_start3A_3919 = arith.constant 0 : i32
      %dma_start3A_3920 = arith.constant 0 : i32
      %dma_start3A_3921 = arith.constant 0 : i32
      %dma_start3A_3922 = arith.constant 0 : i32
      %dma_start3A_3923 = tpu.memref_slice %arg8[%dma_start3A_3920, %dma_start3A_3921, %dma_start3A_3922] : memref<4x80x128xf32, #tpu.memory_space<vmem>> -> memref<1x80x128xf32, #tpu.memory_space<vmem>>
      %dma_start3A_3924 = tpu.memref_squeeze %dma_start3A_3923 : memref<1x80x128xf32, #tpu.memory_space<vmem>> -> memref<80x128xf32, #tpu.memory_space<vmem>>
      %dma_start3A_3925 = arith.constant 0 : i32
      %dma_start3A_3926 = tpu.memref_slice %arg7[%dma_start3A_3919, %dma_start3A_3925] : memref<4x80xi32, #tpu.memory_space<vmem>> -> memref<1x80xi32, #tpu.memory_space<vmem>>
      %dma_start3A_3927 = tpu.memref_squeeze %dma_start3A_3926 : memref<1x80xi32, #tpu.memory_space<vmem>> -> memref<80xi32, #tpu.memory_space<vmem>>
      %dma_start3A_3928 = arith.constant 0 : i32
      %dma_start3A_3929 = arith.constant 0 : i32
      %dma_start3A_3930 = tpu.memref_slice %arg9[%arg1, %dma_start3A_3928, %dma_start3A_3929] : memref<16x64x128xf32, #tpu.memory_space<vmem_shared>> -> memref<1x64x128xf32, #tpu.memory_space<vmem_shared>>
      %dma_start3A_3931 = tpu.memref_squeeze %dma_start3A_3930 : memref<1x64x128xf32, #tpu.memory_space<vmem_shared>> -> memref<64x128xf32, #tpu.memory_space<vmem_shared>>
      %dma_start3A_3932 = arith.constant 0 : i32
      %dma_start3A_3933 = arith.constant 0 : i32
      %dma_start3A_3934 = tpu.memref_slice %dma_start3A_3931[%dma_start3A_3932, %dma_start3A_3933] : memref<64x128xf32, #tpu.memory_space<vmem_shared>> -> memref<64x128xf32, #tpu.memory_space<vmem_shared>>
      tpu.enqueue_indirect_dma source(%dma_start3A_3934 : memref<64x128xf32, #tpu.memory_space<vmem_shared>>) target(%dma_start3A_3924 : memref<80x128xf32, #tpu.memory_space<vmem>>) offsets(%dma_start3A_3927 : memref<80xi32, #tpu.memory_space<vmem>>) semaphore(%arg10 : memref<!tpu.dma_semaphore, #tpu.memory_space<semaphore_mem>>)
      %dma_wait3A_3935 = arith.constant 2 : i32
      %dma_wait3A_3936 = arith.constant 0 : i32
      %dma_wait3A_3937 = arith.constant 0 : i32
      %dma_wait3A_3938 = tpu.memref_slice %arg8[%dma_wait3A_3935, %dma_wait3A_3936, %dma_wait3A_3937] : memref<4x80x128xf32, #tpu.memory_space<vmem>> -> memref<1x80x128xf32, #tpu.memory_space<vmem>>
      %dma_wait3A_3939 = tpu.memref_squeeze %dma_wait3A_3938 : memref<1x80x128xf32, #tpu.memory_space<vmem>> -> memref<80x128xf32, #tpu.memory_space<vmem>>
      %dma_wait3A_3940 = arith.constant 0 : i32
      %dma_wait3A_3941 = arith.constant 0 : i32
      %dma_wait3A_3942 = tpu.memref_slice %arg8[%dma_wait3A_3935, %dma_wait3A_3940, %dma_wait3A_3941] : memref<4x80x128xf32, #tpu.memory_space<vmem>> -> memref<1x80x128xf32, #tpu.memory_space<vmem>>
      %dma_wait3A_3943 = tpu.memref_squeeze %dma_wait3A_3942 : memref<1x80x128xf32, #tpu.memory_space<vmem>> -> memref<80x128xf32, #tpu.memory_space<vmem>>
      tpu.wait_dma2 semaphore(%arg12 : memref<!tpu.dma_semaphore, #tpu.memory_space<semaphore_mem>>) src(%arg4 : memref<80x128xf32, #tpu.memory_space<hbm>>) dst(%dma_wait3A_3943 : memref<80x128xf32, #tpu.memory_space<vmem>>)
      %mul3A_3944 = arith.constant 80 : i32
      %mul3A_3945 = arith.muli %add3A_3579, %mul3A_3944 : i32
      %add3A_3946 = arith.addi %mul3A_6, %mul3A_3945 : i32
      %multiple_of3A_3947 = tpu.assume_multiple %add3A_3946, 80 : i32
      %dma_start3A_3948 = arith.constant 2 : i32
      %dma_start3A_3949 = arith.constant 0 : i32
      %dma_start3A_3950 = arith.constant 0 : i32
      %dma_start3A_3951 = tpu.memref_slice %arg8[%dma_start3A_3948, %dma_start3A_3949, %dma_start3A_3950] : memref<4x80x128xf32, #tpu.memory_space<vmem>> -> memref<1x80x128xf32, #tpu.memory_space<vmem>>
      %dma_start3A_3952 = tpu.memref_squeeze %dma_start3A_3951 : memref<1x80x128xf32, #tpu.memory_space<vmem>> -> memref<80x128xf32, #tpu.memory_space<vmem>>
      %dma_start3A_3953 = arith.constant 0 : i32
      %dma_start3A_3954 = tpu.memref_slice %arg5[%multiple_of3A_3947, %dma_start3A_3953] : memref<102400x128xf32, #tpu.memory_space<hbm>> -> memref<80x128xf32, #tpu.memory_space<hbm>>
      %dma_start3A_3955 = arith.constant 0 : i32
      %dma_start3A_3956 = tpu.memref_slice %arg5[%multiple_of3A_3947, %dma_start3A_3955] : memref<102400x128xf32, #tpu.memory_space<hbm>> -> memref<80x128xf32, #tpu.memory_space<hbm>>
      %dma_start3A_3957 = arith.constant 0 : i32
      %dma_start3A_3958 = arith.constant 0 : i32
      %dma_start3A_3959 = tpu.memref_slice %arg8[%dma_start3A_3948, %dma_start3A_3957, %dma_start3A_3958] : memref<4x80x128xf32, #tpu.memory_space<vmem>> -> memref<1x80x128xf32, #tpu.memory_space<vmem>>
      %dma_start3A_3960 = tpu.memref_squeeze %dma_start3A_3959 : memref<1x80x128xf32, #tpu.memory_space<vmem>> -> memref<80x128xf32, #tpu.memory_space<vmem>>
      tpu.enqueue_dma source(%dma_start3A_3960 : memref<80x128xf32, #tpu.memory_space<vmem>>) target(%dma_start3A_3956 : memref<80x128xf32, #tpu.memory_space<hbm>>) target_semaphore(%arg16 : memref<!tpu.dma_semaphore, #tpu.memory_space<semaphore_mem>>)
      %mul3A_3961 = arith.constant 4 : i32
      %mul3A_3962 = arith.muli %scan3A_2805, %mul3A_3961 : i32
      %add3A_3963 = arith.constant 3 : i32
      %add3A_3964 = arith.addi %mul3A_3962, %add3A_3963 : i32
      %dma_wait3A_3965 = arith.constant 1 : i32
      %dma_wait3A_3966 = arith.constant 0 : i32
      %dma_wait3A_3967 = arith.constant 0 : i32
      %dma_wait3A_3968 = tpu.memref_slice %arg8[%dma_wait3A_3965, %dma_wait3A_3966, %dma_wait3A_3967] : memref<4x80x128xf32, #tpu.memory_space<vmem>> -> memref<1x80x128xf32, #tpu.memory_space<vmem>>
      %dma_wait3A_3969 = tpu.memref_squeeze %dma_wait3A_3968 : memref<1x80x128xf32, #tpu.memory_space<vmem>> -> memref<80x128xf32, #tpu.memory_space<vmem>>
      %dma_wait3A_3970 = arith.constant 0 : i32
      %dma_wait3A_3971 = arith.constant 0 : i32
      %dma_wait3A_3972 = tpu.memref_slice %arg5[%dma_wait3A_3970, %dma_wait3A_3971] : memref<102400x128xf32, #tpu.memory_space<hbm>> -> memref<80x128xf32, #tpu.memory_space<hbm>>
      %dma_wait3A_3973 = arith.constant 0 : i32
      %dma_wait3A_3974 = arith.constant 0 : i32
      %dma_wait3A_3975 = tpu.memref_slice %arg5[%dma_wait3A_3973, %dma_wait3A_3974] : memref<102400x128xf32, #tpu.memory_space<hbm>> -> memref<80x128xf32, #tpu.memory_space<hbm>>
      %dma_wait3A_3976 = arith.constant 0 : i32
      %dma_wait3A_3977 = arith.constant 0 : i32
      %dma_wait3A_3978 = tpu.memref_slice %arg8[%dma_wait3A_3965, %dma_wait3A_3976, %dma_wait3A_3977] : memref<4x80x128xf32, #tpu.memory_space<vmem>> -> memref<1x80x128xf32, #tpu.memory_space<vmem>>
      %dma_wait3A_3979 = tpu.memref_squeeze %dma_wait3A_3978 : memref<1x80x128xf32, #tpu.memory_space<vmem>> -> memref<80x128xf32, #tpu.memory_space<vmem>>
      tpu.wait_dma2 semaphore(%arg15 : memref<!tpu.dma_semaphore, #tpu.memory_space<semaphore_mem>>) src(%dma_wait3A_3979 : memref<80x128xf32, #tpu.memory_space<vmem>>) dst(%dma_wait3A_3975 : memref<80x128xf32, #tpu.memory_space<hbm>>)
      %add3A_3980 = arith.constant 2 : i32
      %add3A_3981 = arith.addi %add3A_3964, %add3A_3980 : i32
      %mul3A_3982 = arith.constant 160 : i32
      %mul3A_3983 = arith.muli %add3A_3981, %mul3A_3982 : i32
      %add3A_3984 = arith.constant 0 : i32
      %add3A_3985 = arith.addi %mul3A_3983, %add3A_3984 : i32
      %get3A_3986 = arith.index_cast %add3A_3985 : i32 to index
      %get3A_3987 = tpu.vector_load %arg6[%get3A_3986] {strides = array<i32>} : memref<6400xi32, #tpu.memory_space<vmem>>, vector<16xi32>,
      %get3A_3988 = vector.shape_cast %get3A_3987 : vector<16xi32> to vector<16xi32>
      %add3A_3989 = arith.constant 0 : i32
      %add3A_3990 = arith.addi %mul3A_3983, %add3A_3989 : i32
      %add3A_3991 = arith.constant 16 : i32
      %add3A_3992 = arith.addi %add3A_3990, %add3A_3991 : i32
      %get3A_3993 = arith.index_cast %add3A_3992 : i32 to index
      %get3A_3994 = tpu.vector_load %arg6[%get3A_3993] {strides = array<i32>} : memref<6400xi32, #tpu.memory_space<vmem>>, vector<16xi32>,
      %get3A_3995 = vector.shape_cast %get3A_3994 : vector<16xi32> to vector<16xi32>
      %lt3A_3996 = arith.constant 0 : i32
      %lt3A_3997 = vector.broadcast %lt3A_3996 : i32 to vector<16xi32>
      %lt3A_3998 = arith.cmpi slt, %select_n3A_31, %lt3A_3997 : vector<16xi32>
      %add3A_3999 = arith.constant 16 : i32
      %add3A_4000 = vector.broadcast %add3A_3999 : i32 to vector<16xi32>
      %add3A_4001 = arith.addi %select_n3A_31, %add3A_4000 : vector<16xi32>
      %select_n3A_4002 = arith.select %lt3A_3998, %add3A_4001, %select_n3A_31 : vector<16xi1>, vector<16xi32>
      %broadcast_in_dim3A_4003 = vector.shape_cast %select_n3A_4002 : vector<16xi32> to vector<16x1xi32>
      %gather3A_4004 = vector.shape_cast %broadcast_in_dim3A_4003 : vector<16x1xi32> to vector<16xi32>
      %gather3A_4005 = tpu.dynamic_gather %get3A_3988[%gather3A_4004] in [0] : vector<16xi32>, vector<16xi32> -> vector<16xi32>
      %lt3A_4006 = arith.constant 0 : i32
      %lt3A_4007 = vector.broadcast %lt3A_4006 : i32 to vector<16xi32>
      %lt3A_4008 = arith.cmpi slt, %select_n3A_31, %lt3A_4007 : vector<16xi32>
      %add3A_4009 = arith.constant 16 : i32
      %add3A_4010 = vector.broadcast %add3A_4009 : i32 to vector<16xi32>
      %add3A_4011 = arith.addi %select_n3A_31, %add3A_4010 : vector<16xi32>
      %select_n3A_4012 = arith.select %lt3A_4008, %add3A_4011, %select_n3A_31 : vector<16xi1>, vector<16xi32>
      %broadcast_in_dim3A_4013 = vector.shape_cast %select_n3A_4012 : vector<16xi32> to vector<16x1xi32>
      %gather3A_4014 = vector.shape_cast %broadcast_in_dim3A_4013 : vector<16x1xi32> to vector<16xi32>
      %gather3A_4015 = tpu.dynamic_gather %get3A_3995[%gather3A_4014] in [0] : vector<16xi32>, vector<16xi32> -> vector<16xi32>
      %select_n3A_4016 = arith.select %lt3A_8, %gather3A_4005, %gather3A_4015 : vector<16xi1>, vector<16xi32>
      %lt3A_4017 = arith.constant 0 : i32
      %lt3A_4018 = vector.broadcast %lt3A_4017 : i32 to vector<16xi32>
      %lt3A_4019 = arith.cmpi slt, %add3A_34, %lt3A_4018 : vector<16xi32>
      %add3A_4020 = arith.constant 16 : i32
      %add3A_4021 = vector.broadcast %add3A_4020 : i32 to vector<16xi32>
      %add3A_4022 = arith.addi %add3A_34, %add3A_4021 : vector<16xi32>
      %select_n3A_4023 = arith.select %lt3A_4019, %add3A_4022, %add3A_34 : vector<16xi1>, vector<16xi32>
      %broadcast_in_dim3A_4024 = vector.shape_cast %select_n3A_4023 : vector<16xi32> to vector<16x1xi32>
      %gather3A_4025 = vector.shape_cast %broadcast_in_dim3A_4024 : vector<16x1xi32> to vector<16xi32>
      %gather3A_4026 = tpu.dynamic_gather %get3A_3988[%gather3A_4025] in [0] : vector<16xi32>, vector<16xi32> -> vector<16xi32>
      %lt3A_4027 = arith.constant 0 : i32
      %lt3A_4028 = vector.broadcast %lt3A_4027 : i32 to vector<16xi32>
      %lt3A_4029 = arith.cmpi slt, %add3A_34, %lt3A_4028 : vector<16xi32>
      %add3A_4030 = arith.constant 16 : i32
      %add3A_4031 = vector.broadcast %add3A_4030 : i32 to vector<16xi32>
      %add3A_4032 = arith.addi %add3A_34, %add3A_4031 : vector<16xi32>
      %select_n3A_4033 = arith.select %lt3A_4029, %add3A_4032, %add3A_34 : vector<16xi1>, vector<16xi32>
      %broadcast_in_dim3A_4034 = vector.shape_cast %select_n3A_4033 : vector<16xi32> to vector<16x1xi32>
      %gather3A_4035 = vector.shape_cast %broadcast_in_dim3A_4034 : vector<16x1xi32> to vector<16xi32>
      %gather3A_4036 = tpu.dynamic_gather %get3A_3995[%gather3A_4035] in [0] : vector<16xi32>, vector<16xi32> -> vector<16xi32>
      %select_n3A_4037 = arith.select %lt3A_8, %gather3A_4026, %gather3A_4036 : vector<16xi1>, vector<16xi32>
      %mul3A_4038 = arith.constant 8 : i32
      %mul3A_4039 = vector.broadcast %mul3A_4038 : i32 to vector<16xi32>
      %mul3A_4040 = arith.muli %select_n3A_4016, %mul3A_4039 : vector<16xi32>
      %add3A_4041 = arith.addi %mul3A_4040, %select_n3A_4037 : vector<16xi32>
      %swap3A_4042 = arith.constant 1 : i32
      %swap3A_4043 = arith.index_cast %swap3A_4042 : i32 to index
      %swap3A_4044 = arith.constant 0 : index
      %swap3A_4045 = tpu.vector_load %arg7[%swap3A_4043, %swap3A_4044] {strides = array<i32>} : memref<4x80xi32, #tpu.memory_space<vmem>>, vector<1x16xi32>,
      %swap3A_4046 = vector.shape_cast %swap3A_4045 : vector<1x16xi32> to vector<16xi32>
      %swap3A_4047 = vector.shape_cast %add3A_4041 : vector<16xi32> to vector<1x16xi32>
      tpu.vector_store %arg7[%swap3A_4043, %swap3A_4044], %swap3A_4047 {strides = array<i32>} : memref<4x80xi32, #tpu.memory_space<vmem>>, vector<1x16xi32>,
      %add3A_4048 = arith.constant 32 : i32
      %add3A_4049 = arith.addi %mul3A_3983, %add3A_4048 : i32
      %get3A_4050 = arith.index_cast %add3A_4049 : i32 to index
      %get3A_4051 = tpu.vector_load %arg6[%get3A_4050] {strides = array<i32>} : memref<6400xi32, #tpu.memory_space<vmem>>, vector<16xi32>,
      %get3A_4052 = vector.shape_cast %get3A_4051 : vector<16xi32> to vector<16xi32>
      %add3A_4053 = arith.constant 32 : i32
      %add3A_4054 = arith.addi %mul3A_3983, %add3A_4053 : i32
      %add3A_4055 = arith.constant 16 : i32
      %add3A_4056 = arith.addi %add3A_4054, %add3A_4055 : i32
      %get3A_4057 = arith.index_cast %add3A_4056 : i32 to index
      %get3A_4058 = tpu.vector_load %arg6[%get3A_4057] {strides = array<i32>} : memref<6400xi32, #tpu.memory_space<vmem>>, vector<16xi32>,
      %get3A_4059 = vector.shape_cast %get3A_4058 : vector<16xi32> to vector<16xi32>
      %lt3A_4060 = arith.constant 0 : i32
      %lt3A_4061 = vector.broadcast %lt3A_4060 : i32 to vector<16xi32>
      %lt3A_4062 = arith.cmpi slt, %select_n3A_31, %lt3A_4061 : vector<16xi32>
      %add3A_4063 = arith.constant 16 : i32
      %add3A_4064 = vector.broadcast %add3A_4063 : i32 to vector<16xi32>
      %add3A_4065 = arith.addi %select_n3A_31, %add3A_4064 : vector<16xi32>
      %select_n3A_4066 = arith.select %lt3A_4062, %add3A_4065, %select_n3A_31 : vector<16xi1>, vector<16xi32>
      %broadcast_in_dim3A_4067 = vector.shape_cast %select_n3A_4066 : vector<16xi32> to vector<16x1xi32>
      %gather3A_4068 = vector.shape_cast %broadcast_in_dim3A_4067 : vector<16x1xi32> to vector<16xi32>
      %gather3A_4069 = tpu.dynamic_gather %get3A_4052[%gather3A_4068] in [0] : vector<16xi32>, vector<16xi32> -> vector<16xi32>
      %lt3A_4070 = arith.constant 0 : i32
      %lt3A_4071 = vector.broadcast %lt3A_4070 : i32 to vector<16xi32>
      %lt3A_4072 = arith.cmpi slt, %select_n3A_31, %lt3A_4071 : vector<16xi32>
      %add3A_4073 = arith.constant 16 : i32
      %add3A_4074 = vector.broadcast %add3A_4073 : i32 to vector<16xi32>
      %add3A_4075 = arith.addi %select_n3A_31, %add3A_4074 : vector<16xi32>
      %select_n3A_4076 = arith.select %lt3A_4072, %add3A_4075, %select_n3A_31 : vector<16xi1>, vector<16xi32>
      %broadcast_in_dim3A_4077 = vector.shape_cast %select_n3A_4076 : vector<16xi32> to vector<16x1xi32>
      %gather3A_4078 = vector.shape_cast %broadcast_in_dim3A_4077 : vector<16x1xi32> to vector<16xi32>
      %gather3A_4079 = tpu.dynamic_gather %get3A_4059[%gather3A_4078] in [0] : vector<16xi32>, vector<16xi32> -> vector<16xi32>
      %select_n3A_4080 = arith.select %lt3A_8, %gather3A_4069, %gather3A_4079 : vector<16xi1>, vector<16xi32>
      %lt3A_4081 = arith.constant 0 : i32
      %lt3A_4082 = vector.broadcast %lt3A_4081 : i32 to vector<16xi32>
      %lt3A_4083 = arith.cmpi slt, %add3A_34, %lt3A_4082 : vector<16xi32>
      %add3A_4084 = arith.constant 16 : i32
      %add3A_4085 = vector.broadcast %add3A_4084 : i32 to vector<16xi32>
      %add3A_4086 = arith.addi %add3A_34, %add3A_4085 : vector<16xi32>
      %select_n3A_4087 = arith.select %lt3A_4083, %add3A_4086, %add3A_34 : vector<16xi1>, vector<16xi32>
      %broadcast_in_dim3A_4088 = vector.shape_cast %select_n3A_4087 : vector<16xi32> to vector<16x1xi32>
      %gather3A_4089 = vector.shape_cast %broadcast_in_dim3A_4088 : vector<16x1xi32> to vector<16xi32>
      %gather3A_4090 = tpu.dynamic_gather %get3A_4052[%gather3A_4089] in [0] : vector<16xi32>, vector<16xi32> -> vector<16xi32>
      %lt3A_4091 = arith.constant 0 : i32
      %lt3A_4092 = vector.broadcast %lt3A_4091 : i32 to vector<16xi32>
      %lt3A_4093 = arith.cmpi slt, %add3A_34, %lt3A_4092 : vector<16xi32>
      %add3A_4094 = arith.constant 16 : i32
      %add3A_4095 = vector.broadcast %add3A_4094 : i32 to vector<16xi32>
      %add3A_4096 = arith.addi %add3A_34, %add3A_4095 : vector<16xi32>
      %select_n3A_4097 = arith.select %lt3A_4093, %add3A_4096, %add3A_34 : vector<16xi1>, vector<16xi32>
      %broadcast_in_dim3A_4098 = vector.shape_cast %select_n3A_4097 : vector<16xi32> to vector<16x1xi32>
      %gather3A_4099 = vector.shape_cast %broadcast_in_dim3A_4098 : vector<16x1xi32> to vector<16xi32>
      %gather3A_4100 = tpu.dynamic_gather %get3A_4059[%gather3A_4099] in [0] : vector<16xi32>, vector<16xi32> -> vector<16xi32>
      %select_n3A_4101 = arith.select %lt3A_8, %gather3A_4090, %gather3A_4100 : vector<16xi1>, vector<16xi32>
      %mul3A_4102 = arith.constant 8 : i32
      %mul3A_4103 = vector.broadcast %mul3A_4102 : i32 to vector<16xi32>
      %mul3A_4104 = arith.muli %select_n3A_4080, %mul3A_4103 : vector<16xi32>
      %add3A_4105 = arith.addi %mul3A_4104, %select_n3A_4101 : vector<16xi32>
      %swap3A_4106 = arith.constant 1 : i32
      %swap3A_4107 = arith.index_cast %swap3A_4106 : i32 to index
      %swap3A_4108 = arith.constant 16 : index
      %swap3A_4109 = tpu.vector_load %arg7[%swap3A_4107, %swap3A_4108] {strides = array<i32>} : memref<4x80xi32, #tpu.memory_space<vmem>>, vector<1x16xi32>,
      %swap3A_4110 = vector.shape_cast %swap3A_4109 : vector<1x16xi32> to vector<16xi32>
      %swap3A_4111 = vector.shape_cast %add3A_4105 : vector<16xi32> to vector<1x16xi32>
      tpu.vector_store %arg7[%swap3A_4107, %swap3A_4108], %swap3A_4111 {strides = array<i32>} : memref<4x80xi32, #tpu.memory_space<vmem>>, vector<1x16xi32>,
      %add3A_4112 = arith.constant 64 : i32
      %add3A_4113 = arith.addi %mul3A_3983, %add3A_4112 : i32
      %get3A_4114 = arith.index_cast %add3A_4113 : i32 to index
      %get3A_4115 = tpu.vector_load %arg6[%get3A_4114] {strides = array<i32>} : memref<6400xi32, #tpu.memory_space<vmem>>, vector<16xi32>,
      %get3A_4116 = vector.shape_cast %get3A_4115 : vector<16xi32> to vector<16xi32>
      %add3A_4117 = arith.constant 64 : i32
      %add3A_4118 = arith.addi %mul3A_3983, %add3A_4117 : i32
      %add3A_4119 = arith.constant 16 : i32
      %add3A_4120 = arith.addi %add3A_4118, %add3A_4119 : i32
      %get3A_4121 = arith.index_cast %add3A_4120 : i32 to index
      %get3A_4122 = tpu.vector_load %arg6[%get3A_4121] {strides = array<i32>} : memref<6400xi32, #tpu.memory_space<vmem>>, vector<16xi32>,
      %get3A_4123 = vector.shape_cast %get3A_4122 : vector<16xi32> to vector<16xi32>
      %lt3A_4124 = arith.constant 0 : i32
      %lt3A_4125 = vector.broadcast %lt3A_4124 : i32 to vector<16xi32>
      %lt3A_4126 = arith.cmpi slt, %select_n3A_31, %lt3A_4125 : vector<16xi32>
      %add3A_4127 = arith.constant 16 : i32
      %add3A_4128 = vector.broadcast %add3A_4127 : i32 to vector<16xi32>
      %add3A_4129 = arith.addi %select_n3A_31, %add3A_4128 : vector<16xi32>
      %select_n3A_4130 = arith.select %lt3A_4126, %add3A_4129, %select_n3A_31 : vector<16xi1>, vector<16xi32>
      %broadcast_in_dim3A_4131 = vector.shape_cast %select_n3A_4130 : vector<16xi32> to vector<16x1xi32>
      %gather3A_4132 = vector.shape_cast %broadcast_in_dim3A_4131 : vector<16x1xi32> to vector<16xi32>
      %gather3A_4133 = tpu.dynamic_gather %get3A_4116[%gather3A_4132] in [0] : vector<16xi32>, vector<16xi32> -> vector<16xi32>
      %lt3A_4134 = arith.constant 0 : i32
      %lt3A_4135 = vector.broadcast %lt3A_4134 : i32 to vector<16xi32>
      %lt3A_4136 = arith.cmpi slt, %select_n3A_31, %lt3A_4135 : vector<16xi32>
      %add3A_4137 = arith.constant 16 : i32
      %add3A_4138 = vector.broadcast %add3A_4137 : i32 to vector<16xi32>
      %add3A_4139 = arith.addi %select_n3A_31, %add3A_4138 : vector<16xi32>
      %select_n3A_4140 = arith.select %lt3A_4136, %add3A_4139, %select_n3A_31 : vector<16xi1>, vector<16xi32>
      %broadcast_in_dim3A_4141 = vector.shape_cast %select_n3A_4140 : vector<16xi32> to vector<16x1xi32>
      %gather3A_4142 = vector.shape_cast %broadcast_in_dim3A_4141 : vector<16x1xi32> to vector<16xi32>
      %gather3A_4143 = tpu.dynamic_gather %get3A_4123[%gather3A_4142] in [0] : vector<16xi32>, vector<16xi32> -> vector<16xi32>
      %select_n3A_4144 = arith.select %lt3A_8, %gather3A_4133, %gather3A_4143 : vector<16xi1>, vector<16xi32>
      %lt3A_4145 = arith.constant 0 : i32
      %lt3A_4146 = vector.broadcast %lt3A_4145 : i32 to vector<16xi32>
      %lt3A_4147 = arith.cmpi slt, %add3A_34, %lt3A_4146 : vector<16xi32>
      %add3A_4148 = arith.constant 16 : i32
      %add3A_4149 = vector.broadcast %add3A_4148 : i32 to vector<16xi32>
      %add3A_4150 = arith.addi %add3A_34, %add3A_4149 : vector<16xi32>
      %select_n3A_4151 = arith.select %lt3A_4147, %add3A_4150, %add3A_34 : vector<16xi1>, vector<16xi32>
      %broadcast_in_dim3A_4152 = vector.shape_cast %select_n3A_4151 : vector<16xi32> to vector<16x1xi32>
      %gather3A_4153 = vector.shape_cast %broadcast_in_dim3A_4152 : vector<16x1xi32> to vector<16xi32>
      %gather3A_4154 = tpu.dynamic_gather %get3A_4116[%gather3A_4153] in [0] : vector<16xi32>, vector<16xi32> -> vector<16xi32>
      %lt3A_4155 = arith.constant 0 : i32
      %lt3A_4156 = vector.broadcast %lt3A_4155 : i32 to vector<16xi32>
      %lt3A_4157 = arith.cmpi slt, %add3A_34, %lt3A_4156 : vector<16xi32>
      %add3A_4158 = arith.constant 16 : i32
      %add3A_4159 = vector.broadcast %add3A_4158 : i32 to vector<16xi32>
      %add3A_4160 = arith.addi %add3A_34, %add3A_4159 : vector<16xi32>
      %select_n3A_4161 = arith.select %lt3A_4157, %add3A_4160, %add3A_34 : vector<16xi1>, vector<16xi32>
      %broadcast_in_dim3A_4162 = vector.shape_cast %select_n3A_4161 : vector<16xi32> to vector<16x1xi32>
      %gather3A_4163 = vector.shape_cast %broadcast_in_dim3A_4162 : vector<16x1xi32> to vector<16xi32>
      %gather3A_4164 = tpu.dynamic_gather %get3A_4123[%gather3A_4163] in [0] : vector<16xi32>, vector<16xi32> -> vector<16xi32>
      %select_n3A_4165 = arith.select %lt3A_8, %gather3A_4154, %gather3A_4164 : vector<16xi1>, vector<16xi32>
      %mul3A_4166 = arith.constant 8 : i32
      %mul3A_4167 = vector.broadcast %mul3A_4166 : i32 to vector<16xi32>
      %mul3A_4168 = arith.muli %select_n3A_4144, %mul3A_4167 : vector<16xi32>
      %add3A_4169 = arith.addi %mul3A_4168, %select_n3A_4165 : vector<16xi32>
      %swap3A_4170 = arith.constant 1 : i32
      %swap3A_4171 = arith.index_cast %swap3A_4170 : i32 to index
      %swap3A_4172 = arith.constant 32 : index
      %swap3A_4173 = tpu.vector_load %arg7[%swap3A_4171, %swap3A_4172] {strides = array<i32>} : memref<4x80xi32, #tpu.memory_space<vmem>>, vector<1x16xi32>,
      %swap3A_4174 = vector.shape_cast %swap3A_4173 : vector<1x16xi32> to vector<16xi32>
      %swap3A_4175 = vector.shape_cast %add3A_4169 : vector<16xi32> to vector<1x16xi32>
      tpu.vector_store %arg7[%swap3A_4171, %swap3A_4172], %swap3A_4175 {strides = array<i32>} : memref<4x80xi32, #tpu.memory_space<vmem>>, vector<1x16xi32>,
      %add3A_4176 = arith.constant 96 : i32
      %add3A_4177 = arith.addi %mul3A_3983, %add3A_4176 : i32
      %get3A_4178 = arith.index_cast %add3A_4177 : i32 to index
      %get3A_4179 = tpu.vector_load %arg6[%get3A_4178] {strides = array<i32>} : memref<6400xi32, #tpu.memory_space<vmem>>, vector<16xi32>,
      %get3A_4180 = vector.shape_cast %get3A_4179 : vector<16xi32> to vector<16xi32>
      %add3A_4181 = arith.constant 96 : i32
      %add3A_4182 = arith.addi %mul3A_3983, %add3A_4181 : i32
      %add3A_4183 = arith.constant 16 : i32
      %add3A_4184 = arith.addi %add3A_4182, %add3A_4183 : i32
      %get3A_4185 = arith.index_cast %add3A_4184 : i32 to index
      %get3A_4186 = tpu.vector_load %arg6[%get3A_4185] {strides = array<i32>} : memref<6400xi32, #tpu.memory_space<vmem>>, vector<16xi32>,
      %get3A_4187 = vector.shape_cast %get3A_4186 : vector<16xi32> to vector<16xi32>
      %lt3A_4188 = arith.constant 0 : i32
      %lt3A_4189 = vector.broadcast %lt3A_4188 : i32 to vector<16xi32>
      %lt3A_4190 = arith.cmpi slt, %select_n3A_31, %lt3A_4189 : vector<16xi32>
      %add3A_4191 = arith.constant 16 : i32
      %add3A_4192 = vector.broadcast %add3A_4191 : i32 to vector<16xi32>
      %add3A_4193 = arith.addi %select_n3A_31, %add3A_4192 : vector<16xi32>
      %select_n3A_4194 = arith.select %lt3A_4190, %add3A_4193, %select_n3A_31 : vector<16xi1>, vector<16xi32>
      %broadcast_in_dim3A_4195 = vector.shape_cast %select_n3A_4194 : vector<16xi32> to vector<16x1xi32>
      %gather3A_4196 = vector.shape_cast %broadcast_in_dim3A_4195 : vector<16x1xi32> to vector<16xi32>
      %gather3A_4197 = tpu.dynamic_gather %get3A_4180[%gather3A_4196] in [0] : vector<16xi32>, vector<16xi32> -> vector<16xi32>
      %lt3A_4198 = arith.constant 0 : i32
      %lt3A_4199 = vector.broadcast %lt3A_4198 : i32 to vector<16xi32>
      %lt3A_4200 = arith.cmpi slt, %select_n3A_31, %lt3A_4199 : vector<16xi32>
      %add3A_4201 = arith.constant 16 : i32
      %add3A_4202 = vector.broadcast %add3A_4201 : i32 to vector<16xi32>
      %add3A_4203 = arith.addi %select_n3A_31, %add3A_4202 : vector<16xi32>
      %select_n3A_4204 = arith.select %lt3A_4200, %add3A_4203, %select_n3A_31 : vector<16xi1>, vector<16xi32>
      %broadcast_in_dim3A_4205 = vector.shape_cast %select_n3A_4204 : vector<16xi32> to vector<16x1xi32>
      %gather3A_4206 = vector.shape_cast %broadcast_in_dim3A_4205 : vector<16x1xi32> to vector<16xi32>
      %gather3A_4207 = tpu.dynamic_gather %get3A_4187[%gather3A_4206] in [0] : vector<16xi32>, vector<16xi32> -> vector<16xi32>
      %select_n3A_4208 = arith.select %lt3A_8, %gather3A_4197, %gather3A_4207 : vector<16xi1>, vector<16xi32>
      %lt3A_4209 = arith.constant 0 : i32
      %lt3A_4210 = vector.broadcast %lt3A_4209 : i32 to vector<16xi32>
      %lt3A_4211 = arith.cmpi slt, %add3A_34, %lt3A_4210 : vector<16xi32>
      %add3A_4212 = arith.constant 16 : i32
      %add3A_4213 = vector.broadcast %add3A_4212 : i32 to vector<16xi32>
      %add3A_4214 = arith.addi %add3A_34, %add3A_4213 : vector<16xi32>
      %select_n3A_4215 = arith.select %lt3A_4211, %add3A_4214, %add3A_34 : vector<16xi1>, vector<16xi32>
      %broadcast_in_dim3A_4216 = vector.shape_cast %select_n3A_4215 : vector<16xi32> to vector<16x1xi32>
      %gather3A_4217 = vector.shape_cast %broadcast_in_dim3A_4216 : vector<16x1xi32> to vector<16xi32>
      %gather3A_4218 = tpu.dynamic_gather %get3A_4180[%gather3A_4217] in [0] : vector<16xi32>, vector<16xi32> -> vector<16xi32>
      %lt3A_4219 = arith.constant 0 : i32
      %lt3A_4220 = vector.broadcast %lt3A_4219 : i32 to vector<16xi32>
      %lt3A_4221 = arith.cmpi slt, %add3A_34, %lt3A_4220 : vector<16xi32>
      %add3A_4222 = arith.constant 16 : i32
      %add3A_4223 = vector.broadcast %add3A_4222 : i32 to vector<16xi32>
      %add3A_4224 = arith.addi %add3A_34, %add3A_4223 : vector<16xi32>
      %select_n3A_4225 = arith.select %lt3A_4221, %add3A_4224, %add3A_34 : vector<16xi1>, vector<16xi32>
      %broadcast_in_dim3A_4226 = vector.shape_cast %select_n3A_4225 : vector<16xi32> to vector<16x1xi32>
      %gather3A_4227 = vector.shape_cast %broadcast_in_dim3A_4226 : vector<16x1xi32> to vector<16xi32>
      %gather3A_4228 = tpu.dynamic_gather %get3A_4187[%gather3A_4227] in [0] : vector<16xi32>, vector<16xi32> -> vector<16xi32>
      %select_n3A_4229 = arith.select %lt3A_8, %gather3A_4218, %gather3A_4228 : vector<16xi1>, vector<16xi32>
      %mul3A_4230 = arith.constant 8 : i32
      %mul3A_4231 = vector.broadcast %mul3A_4230 : i32 to vector<16xi32>
      %mul3A_4232 = arith.muli %select_n3A_4208, %mul3A_4231 : vector<16xi32>
      %add3A_4233 = arith.addi %mul3A_4232, %select_n3A_4229 : vector<16xi32>
      %swap3A_4234 = arith.constant 1 : i32
      %swap3A_4235 = arith.index_cast %swap3A_4234 : i32 to index
      %swap3A_4236 = arith.constant 48 : index
      %swap3A_4237 = tpu.vector_load %arg7[%swap3A_4235, %swap3A_4236] {strides = array<i32>} : memref<4x80xi32, #tpu.memory_space<vmem>>, vector<1x16xi32>,
      %swap3A_4238 = vector.shape_cast %swap3A_4237 : vector<1x16xi32> to vector<16xi32>
      %swap3A_4239 = vector.shape_cast %add3A_4233 : vector<16xi32> to vector<1x16xi32>
      tpu.vector_store %arg7[%swap3A_4235, %swap3A_4236], %swap3A_4239 {strides = array<i32>} : memref<4x80xi32, #tpu.memory_space<vmem>>, vector<1x16xi32>,
      %add3A_4240 = arith.constant 128 : i32
      %add3A_4241 = arith.addi %mul3A_3983, %add3A_4240 : i32
      %get3A_4242 = arith.index_cast %add3A_4241 : i32 to index
      %get3A_4243 = tpu.vector_load %arg6[%get3A_4242] {strides = array<i32>} : memref<6400xi32, #tpu.memory_space<vmem>>, vector<16xi32>,
      %get3A_4244 = vector.shape_cast %get3A_4243 : vector<16xi32> to vector<16xi32>
      %add3A_4245 = arith.constant 128 : i32
      %add3A_4246 = arith.addi %mul3A_3983, %add3A_4245 : i32
      %add3A_4247 = arith.constant 16 : i32
      %add3A_4248 = arith.addi %add3A_4246, %add3A_4247 : i32
      %get3A_4249 = arith.index_cast %add3A_4248 : i32 to index
      %get3A_4250 = tpu.vector_load %arg6[%get3A_4249] {strides = array<i32>} : memref<6400xi32, #tpu.memory_space<vmem>>, vector<16xi32>,
      %get3A_4251 = vector.shape_cast %get3A_4250 : vector<16xi32> to vector<16xi32>
      %lt3A_4252 = arith.constant 0 : i32
      %lt3A_4253 = vector.broadcast %lt3A_4252 : i32 to vector<16xi32>
      %lt3A_4254 = arith.cmpi slt, %select_n3A_31, %lt3A_4253 : vector<16xi32>
      %add3A_4255 = arith.constant 16 : i32
      %add3A_4256 = vector.broadcast %add3A_4255 : i32 to vector<16xi32>
      %add3A_4257 = arith.addi %select_n3A_31, %add3A_4256 : vector<16xi32>
      %select_n3A_4258 = arith.select %lt3A_4254, %add3A_4257, %select_n3A_31 : vector<16xi1>, vector<16xi32>
      %broadcast_in_dim3A_4259 = vector.shape_cast %select_n3A_4258 : vector<16xi32> to vector<16x1xi32>
      %gather3A_4260 = vector.shape_cast %broadcast_in_dim3A_4259 : vector<16x1xi32> to vector<16xi32>
      %gather3A_4261 = tpu.dynamic_gather %get3A_4244[%gather3A_4260] in [0] : vector<16xi32>, vector<16xi32> -> vector<16xi32>
      %lt3A_4262 = arith.constant 0 : i32
      %lt3A_4263 = vector.broadcast %lt3A_4262 : i32 to vector<16xi32>
      %lt3A_4264 = arith.cmpi slt, %select_n3A_31, %lt3A_4263 : vector<16xi32>
      %add3A_4265 = arith.constant 16 : i32
      %add3A_4266 = vector.broadcast %add3A_4265 : i32 to vector<16xi32>
      %add3A_4267 = arith.addi %select_n3A_31, %add3A_4266 : vector<16xi32>
      %select_n3A_4268 = arith.select %lt3A_4264, %add3A_4267, %select_n3A_31 : vector<16xi1>, vector<16xi32>
      %broadcast_in_dim3A_4269 = vector.shape_cast %select_n3A_4268 : vector<16xi32> to vector<16x1xi32>
      %gather3A_4270 = vector.shape_cast %broadcast_in_dim3A_4269 : vector<16x1xi32> to vector<16xi32>
      %gather3A_4271 = tpu.dynamic_gather %get3A_4251[%gather3A_4270] in [0] : vector<16xi32>, vector<16xi32> -> vector<16xi32>
      %select_n3A_4272 = arith.select %lt3A_8, %gather3A_4261, %gather3A_4271 : vector<16xi1>, vector<16xi32>
      %lt3A_4273 = arith.constant 0 : i32
      %lt3A_4274 = vector.broadcast %lt3A_4273 : i32 to vector<16xi32>
      %lt3A_4275 = arith.cmpi slt, %add3A_34, %lt3A_4274 : vector<16xi32>
      %add3A_4276 = arith.constant 16 : i32
      %add3A_4277 = vector.broadcast %add3A_4276 : i32 to vector<16xi32>
      %add3A_4278 = arith.addi %add3A_34, %add3A_4277 : vector<16xi32>
      %select_n3A_4279 = arith.select %lt3A_4275, %add3A_4278, %add3A_34 : vector<16xi1>, vector<16xi32>
      %broadcast_in_dim3A_4280 = vector.shape_cast %select_n3A_4279 : vector<16xi32> to vector<16x1xi32>
      %gather3A_4281 = vector.shape_cast %broadcast_in_dim3A_4280 : vector<16x1xi32> to vector<16xi32>
      %gather3A_4282 = tpu.dynamic_gather %get3A_4244[%gather3A_4281] in [0] : vector<16xi32>, vector<16xi32> -> vector<16xi32>
      %lt3A_4283 = arith.constant 0 : i32
      %lt3A_4284 = vector.broadcast %lt3A_4283 : i32 to vector<16xi32>
      %lt3A_4285 = arith.cmpi slt, %add3A_34, %lt3A_4284 : vector<16xi32>
      %add3A_4286 = arith.constant 16 : i32
      %add3A_4287 = vector.broadcast %add3A_4286 : i32 to vector<16xi32>
      %add3A_4288 = arith.addi %add3A_34, %add3A_4287 : vector<16xi32>
      %select_n3A_4289 = arith.select %lt3A_4285, %add3A_4288, %add3A_34 : vector<16xi1>, vector<16xi32>
      %broadcast_in_dim3A_4290 = vector.shape_cast %select_n3A_4289 : vector<16xi32> to vector<16x1xi32>
      %gather3A_4291 = vector.shape_cast %broadcast_in_dim3A_4290 : vector<16x1xi32> to vector<16xi32>
      %gather3A_4292 = tpu.dynamic_gather %get3A_4251[%gather3A_4291] in [0] : vector<16xi32>, vector<16xi32> -> vector<16xi32>
      %select_n3A_4293 = arith.select %lt3A_8, %gather3A_4282, %gather3A_4292 : vector<16xi1>, vector<16xi32>
      %mul3A_4294 = arith.constant 8 : i32
      %mul3A_4295 = vector.broadcast %mul3A_4294 : i32 to vector<16xi32>
      %mul3A_4296 = arith.muli %select_n3A_4272, %mul3A_4295 : vector<16xi32>
      %add3A_4297 = arith.addi %mul3A_4296, %select_n3A_4293 : vector<16xi32>
      %swap3A_4298 = arith.constant 1 : i32
      %swap3A_4299 = arith.index_cast %swap3A_4298 : i32 to index
      %swap3A_4300 = arith.constant 64 : index
      %swap3A_4301 = tpu.vector_load %arg7[%swap3A_4299, %swap3A_4300] {strides = array<i32>} : memref<4x80xi32, #tpu.memory_space<vmem>>, vector<1x16xi32>,
      %swap3A_4302 = vector.shape_cast %swap3A_4301 : vector<1x16xi32> to vector<16xi32>
      %swap3A_4303 = vector.shape_cast %add3A_4297 : vector<16xi32> to vector<1x16xi32>
      tpu.vector_store %arg7[%swap3A_4299, %swap3A_4300], %swap3A_4303 {strides = array<i32>} : memref<4x80xi32, #tpu.memory_space<vmem>>, vector<1x16xi32>,
      %dma_start3A_4304 = arith.constant 1 : i32
      %dma_start3A_4305 = arith.constant 1 : i32
      %dma_start3A_4306 = arith.constant 0 : i32
      %dma_start3A_4307 = arith.constant 0 : i32
      %dma_start3A_4308 = tpu.memref_slice %arg8[%dma_start3A_4305, %dma_start3A_4306, %dma_start3A_4307] : memref<4x80x128xf32, #tpu.memory_space<vmem>> -> memref<1x80x128xf32, #tpu.memory_space<vmem>>
      %dma_start3A_4309 = tpu.memref_squeeze %dma_start3A_4308 : memref<1x80x128xf32, #tpu.memory_space<vmem>> -> memref<80x128xf32, #tpu.memory_space<vmem>>
      %dma_start3A_4310 = arith.constant 0 : i32
      %dma_start3A_4311 = tpu.memref_slice %arg7[%dma_start3A_4304, %dma_start3A_4310] : memref<4x80xi32, #tpu.memory_space<vmem>> -> memref<1x80xi32, #tpu.memory_space<vmem>>
      %dma_start3A_4312 = tpu.memref_squeeze %dma_start3A_4311 : memref<1x80xi32, #tpu.memory_space<vmem>> -> memref<80xi32, #tpu.memory_space<vmem>>
      %dma_start3A_4313 = arith.constant 0 : i32
      %dma_start3A_4314 = arith.constant 0 : i32
      %dma_start3A_4315 = tpu.memref_slice %arg9[%arg1, %dma_start3A_4313, %dma_start3A_4314] : memref<16x64x128xf32, #tpu.memory_space<vmem_shared>> -> memref<1x64x128xf32, #tpu.memory_space<vmem_shared>>
      %dma_start3A_4316 = tpu.memref_squeeze %dma_start3A_4315 : memref<1x64x128xf32, #tpu.memory_space<vmem_shared>> -> memref<64x128xf32, #tpu.memory_space<vmem_shared>>
      %dma_start3A_4317 = arith.constant 0 : i32
      %dma_start3A_4318 = arith.constant 0 : i32
      %dma_start3A_4319 = tpu.memref_slice %dma_start3A_4316[%dma_start3A_4317, %dma_start3A_4318] : memref<64x128xf32, #tpu.memory_space<vmem_shared>> -> memref<64x128xf32, #tpu.memory_space<vmem_shared>>
      tpu.enqueue_indirect_dma source(%dma_start3A_4319 : memref<64x128xf32, #tpu.memory_space<vmem_shared>>) target(%dma_start3A_4309 : memref<80x128xf32, #tpu.memory_space<vmem>>) offsets(%dma_start3A_4312 : memref<80xi32, #tpu.memory_space<vmem>>) semaphore(%arg11 : memref<!tpu.dma_semaphore, #tpu.memory_space<semaphore_mem>>)
      %dma_wait3A_4320 = arith.constant 3 : i32
      %dma_wait3A_4321 = arith.constant 0 : i32
      %dma_wait3A_4322 = arith.constant 0 : i32
      %dma_wait3A_4323 = tpu.memref_slice %arg8[%dma_wait3A_4320, %dma_wait3A_4321, %dma_wait3A_4322] : memref<4x80x128xf32, #tpu.memory_space<vmem>> -> memref<1x80x128xf32, #tpu.memory_space<vmem>>
      %dma_wait3A_4324 = tpu.memref_squeeze %dma_wait3A_4323 : memref<1x80x128xf32, #tpu.memory_space<vmem>> -> memref<80x128xf32, #tpu.memory_space<vmem>>
      %dma_wait3A_4325 = arith.constant 0 : i32
      %dma_wait3A_4326 = arith.constant 0 : i32
      %dma_wait3A_4327 = tpu.memref_slice %arg8[%dma_wait3A_4320, %dma_wait3A_4325, %dma_wait3A_4326] : memref<4x80x128xf32, #tpu.memory_space<vmem>> -> memref<1x80x128xf32, #tpu.memory_space<vmem>>
      %dma_wait3A_4328 = tpu.memref_squeeze %dma_wait3A_4327 : memref<1x80x128xf32, #tpu.memory_space<vmem>> -> memref<80x128xf32, #tpu.memory_space<vmem>>
      tpu.wait_dma2 semaphore(%arg13 : memref<!tpu.dma_semaphore, #tpu.memory_space<semaphore_mem>>) src(%arg4 : memref<80x128xf32, #tpu.memory_space<hbm>>) dst(%dma_wait3A_4328 : memref<80x128xf32, #tpu.memory_space<vmem>>)
      %mul3A_4329 = arith.constant 80 : i32
      %mul3A_4330 = arith.muli %add3A_3964, %mul3A_4329 : i32
      %add3A_4331 = arith.addi %mul3A_6, %mul3A_4330 : i32
      %multiple_of3A_4332 = tpu.assume_multiple %add3A_4331, 80 : i32
      %dma_start3A_4333 = arith.constant 3 : i32
      %dma_start3A_4334 = arith.constant 0 : i32
      %dma_start3A_4335 = arith.constant 0 : i32
      %dma_start3A_4336 = tpu.memref_slice %arg8[%dma_start3A_4333, %dma_start3A_4334, %dma_start3A_4335] : memref<4x80x128xf32, #tpu.memory_space<vmem>> -> memref<1x80x128xf32, #tpu.memory_space<vmem>>
      %dma_start3A_4337 = tpu.memref_squeeze %dma_start3A_4336 : memref<1x80x128xf32, #tpu.memory_space<vmem>> -> memref<80x128xf32, #tpu.memory_space<vmem>>
      %dma_start3A_4338 = arith.constant 0 : i32
      %dma_start3A_4339 = tpu.memref_slice %arg5[%multiple_of3A_4332, %dma_start3A_4338] : memref<102400x128xf32, #tpu.memory_space<hbm>> -> memref<80x128xf32, #tpu.memory_space<hbm>>
      %dma_start3A_4340 = arith.constant 0 : i32
      %dma_start3A_4341 = tpu.memref_slice %arg5[%multiple_of3A_4332, %dma_start3A_4340] : memref<102400x128xf32, #tpu.memory_space<hbm>> -> memref<80x128xf32, #tpu.memory_space<hbm>>
      %dma_start3A_4342 = arith.constant 0 : i32
      %dma_start3A_4343 = arith.constant 0 : i32
      %dma_start3A_4344 = tpu.memref_slice %arg8[%dma_start3A_4333, %dma_start3A_4342, %dma_start3A_4343] : memref<4x80x128xf32, #tpu.memory_space<vmem>> -> memref<1x80x128xf32, #tpu.memory_space<vmem>>
      %dma_start3A_4345 = tpu.memref_squeeze %dma_start3A_4344 : memref<1x80x128xf32, #tpu.memory_space<vmem>> -> memref<80x128xf32, #tpu.memory_space<vmem>>
      tpu.enqueue_dma source(%dma_start3A_4345 : memref<80x128xf32, #tpu.memory_space<vmem>>) target(%dma_start3A_4341 : memref<80x128xf32, #tpu.memory_space<hbm>>) target_semaphore(%arg17 : memref<!tpu.dma_semaphore, #tpu.memory_space<semaphore_mem>>)
    }
    %scan3A_2002 = arith.constant 8 : i32
    %dma_wait3A_2003 = arith.constant 2 : i32
    %dma_wait3A_2004 = arith.constant 0 : i32
    %dma_wait3A_2005 = arith.constant 0 : i32
    %dma_wait3A_2006 = tpu.memref_slice %arg8[%dma_wait3A_2003, %dma_wait3A_2004, %dma_wait3A_2005] : memref<4x80x128xf32, #tpu.memory_space<vmem>> -> memref<1x80x128xf32, #tpu.memory_space<vmem>>
    %dma_wait3A_2007 = tpu.memref_squeeze %dma_wait3A_2006 : memref<1x80x128xf32, #tpu.memory_space<vmem>> -> memref<80x128xf32, #tpu.memory_space<vmem>>
    %dma_wait3A_2008 = arith.constant 0 : i32
    %dma_wait3A_2009 = arith.constant 0 : i32
    %dma_wait3A_2010 = tpu.memref_slice %arg5[%dma_wait3A_2008, %dma_wait3A_2009] : memref<102400x128xf32, #tpu.memory_space<hbm>> -> memref<80x128xf32, #tpu.memory_space<hbm>>
    %dma_wait3A_2011 = arith.constant 0 : i32
    %dma_wait3A_2012 = arith.constant 0 : i32
    %dma_wait3A_2013 = tpu.memref_slice %arg5[%dma_wait3A_2011, %dma_wait3A_2012] : memref<102400x128xf32, #tpu.memory_space<hbm>> -> memref<80x128xf32, #tpu.memory_space<hbm>>
    %dma_wait3A_2014 = arith.constant 0 : i32
    %dma_wait3A_2015 = arith.constant 0 : i32
    %dma_wait3A_2016 = tpu.memref_slice %arg8[%dma_wait3A_2003, %dma_wait3A_2014, %dma_wait3A_2015] : memref<4x80x128xf32, #tpu.memory_space<vmem>> -> memref<1x80x128xf32, #tpu.memory_space<vmem>>
    %dma_wait3A_2017 = tpu.memref_squeeze %dma_wait3A_2016 : memref<1x80x128xf32, #tpu.memory_space<vmem>> -> memref<80x128xf32, #tpu.memory_space<vmem>>
    tpu.wait_dma2 semaphore(%arg16 : memref<!tpu.dma_semaphore, #tpu.memory_space<semaphore_mem>>) src(%dma_wait3A_2017 : memref<80x128xf32, #tpu.memory_space<vmem>>) dst(%dma_wait3A_2013 : memref<80x128xf32, #tpu.memory_space<hbm>>)
    %get3A_2018 = arith.constant 6080 : index
    %get3A_2019 = tpu.vector_load %arg6[%get3A_2018] {strides = array<i32>} : memref<6400xi32, #tpu.memory_space<vmem>>, vector<16xi32>,
    %get3A_2020 = vector.shape_cast %get3A_2019 : vector<16xi32> to vector<16xi32>
    %get3A_2021 = arith.constant 6096 : index
    %get3A_2022 = tpu.vector_load %arg6[%get3A_2021] {strides = array<i32>} : memref<6400xi32, #tpu.memory_space<vmem>>, vector<16xi32>,
    %get3A_2023 = vector.shape_cast %get3A_2022 : vector<16xi32> to vector<16xi32>
    %lt3A_2024 = arith.constant 0 : i32
    %lt3A_2025 = vector.broadcast %lt3A_2024 : i32 to vector<16xi32>
    %lt3A_2026 = arith.cmpi slt, %select_n3A_31, %lt3A_2025 : vector<16xi32>
    %add3A_2027 = arith.constant 16 : i32
    %add3A_2028 = vector.broadcast %add3A_2027 : i32 to vector<16xi32>
    %add3A_2029 = arith.addi %select_n3A_31, %add3A_2028 : vector<16xi32>
    %select_n3A_2030 = arith.select %lt3A_2026, %add3A_2029, %select_n3A_31 : vector<16xi1>, vector<16xi32>
    %broadcast_in_dim3A_2031 = vector.shape_cast %select_n3A_2030 : vector<16xi32> to vector<16x1xi32>
    %gather3A_2032 = vector.shape_cast %broadcast_in_dim3A_2031 : vector<16x1xi32> to vector<16xi32>
    %gather3A_2033 = tpu.dynamic_gather %get3A_2020[%gather3A_2032] in [0] : vector<16xi32>, vector<16xi32> -> vector<16xi32>
    %lt3A_2034 = arith.constant 0 : i32
    %lt3A_2035 = vector.broadcast %lt3A_2034 : i32 to vector<16xi32>
    %lt3A_2036 = arith.cmpi slt, %select_n3A_31, %lt3A_2035 : vector<16xi32>
    %add3A_2037 = arith.constant 16 : i32
    %add3A_2038 = vector.broadcast %add3A_2037 : i32 to vector<16xi32>
    %add3A_2039 = arith.addi %select_n3A_31, %add3A_2038 : vector<16xi32>
    %select_n3A_2040 = arith.select %lt3A_2036, %add3A_2039, %select_n3A_31 : vector<16xi1>, vector<16xi32>
    %broadcast_in_dim3A_2041 = vector.shape_cast %select_n3A_2040 : vector<16xi32> to vector<16x1xi32>
    %gather3A_2042 = vector.shape_cast %broadcast_in_dim3A_2041 : vector<16x1xi32> to vector<16xi32>
    %gather3A_2043 = tpu.dynamic_gather %get3A_2023[%gather3A_2042] in [0] : vector<16xi32>, vector<16xi32> -> vector<16xi32>
    %select_n3A_2044 = arith.select %lt3A_8, %gather3A_2033, %gather3A_2043 : vector<16xi1>, vector<16xi32>
    %lt3A_2045 = arith.constant 0 : i32
    %lt3A_2046 = vector.broadcast %lt3A_2045 : i32 to vector<16xi32>
    %lt3A_2047 = arith.cmpi slt, %add3A_34, %lt3A_2046 : vector<16xi32>
    %add3A_2048 = arith.constant 16 : i32
    %add3A_2049 = vector.broadcast %add3A_2048 : i32 to vector<16xi32>
    %add3A_2050 = arith.addi %add3A_34, %add3A_2049 : vector<16xi32>
    %select_n3A_2051 = arith.select %lt3A_2047, %add3A_2050, %add3A_34 : vector<16xi1>, vector<16xi32>
    %broadcast_in_dim3A_2052 = vector.shape_cast %select_n3A_2051 : vector<16xi32> to vector<16x1xi32>
    %gather3A_2053 = vector.shape_cast %broadcast_in_dim3A_2052 : vector<16x1xi32> to vector<16xi32>
    %gather3A_2054 = tpu.dynamic_gather %get3A_2020[%gather3A_2053] in [0] : vector<16xi32>, vector<16xi32> -> vector<16xi32>
    %lt3A_2055 = arith.constant 0 : i32
    %lt3A_2056 = vector.broadcast %lt3A_2055 : i32 to vector<16xi32>
    %lt3A_2057 = arith.cmpi slt, %add3A_34, %lt3A_2056 : vector<16xi32>
    %add3A_2058 = arith.constant 16 : i32
    %add3A_2059 = vector.broadcast %add3A_2058 : i32 to vector<16xi32>
    %add3A_2060 = arith.addi %add3A_34, %add3A_2059 : vector<16xi32>
    %select_n3A_2061 = arith.select %lt3A_2057, %add3A_2060, %add3A_34 : vector<16xi1>, vector<16xi32>
    %broadcast_in_dim3A_2062 = vector.shape_cast %select_n3A_2061 : vector<16xi32> to vector<16x1xi32>
    %gather3A_2063 = vector.shape_cast %broadcast_in_dim3A_2062 : vector<16x1xi32> to vector<16xi32>
    %gather3A_2064 = tpu.dynamic_gather %get3A_2023[%gather3A_2063] in [0] : vector<16xi32>, vector<16xi32> -> vector<16xi32>
    %select_n3A_2065 = arith.select %lt3A_8, %gather3A_2054, %gather3A_2064 : vector<16xi1>, vector<16xi32>
    %mul3A_2066 = arith.constant 8 : i32
    %mul3A_2067 = vector.broadcast %mul3A_2066 : i32 to vector<16xi32>
    %mul3A_2068 = arith.muli %select_n3A_2044, %mul3A_2067 : vector<16xi32>
    %add3A_2069 = arith.addi %mul3A_2068, %select_n3A_2065 : vector<16xi32>
    %swap3A_2070 = arith.constant 2 : i32
    %swap3A_2071 = arith.index_cast %swap3A_2070 : i32 to index
    %swap3A_2072 = arith.constant 0 : index
    %swap3A_2073 = tpu.vector_load %arg7[%swap3A_2071, %swap3A_2072] {strides = array<i32>} : memref<4x80xi32, #tpu.memory_space<vmem>>, vector<1x16xi32>,
    %swap3A_2074 = vector.shape_cast %swap3A_2073 : vector<1x16xi32> to vector<16xi32>
    %swap3A_2075 = vector.shape_cast %add3A_2069 : vector<16xi32> to vector<1x16xi32>
    tpu.vector_store %arg7[%swap3A_2071, %swap3A_2072], %swap3A_2075 {strides = array<i32>} : memref<4x80xi32, #tpu.memory_space<vmem>>, vector<1x16xi32>,
    %get3A_2076 = arith.constant 6112 : index
    %get3A_2077 = tpu.vector_load %arg6[%get3A_2076] {strides = array<i32>} : memref<6400xi32, #tpu.memory_space<vmem>>, vector<16xi32>,
    %get3A_2078 = vector.shape_cast %get3A_2077 : vector<16xi32> to vector<16xi32>
    %get3A_2079 = arith.constant 6128 : index
    %get3A_2080 = tpu.vector_load %arg6[%get3A_2079] {strides = array<i32>} : memref<6400xi32, #tpu.memory_space<vmem>>, vector<16xi32>,
    %get3A_2081 = vector.shape_cast %get3A_2080 : vector<16xi32> to vector<16xi32>
    %lt3A_2082 = arith.constant 0 : i32
    %lt3A_2083 = vector.broadcast %lt3A_2082 : i32 to vector<16xi32>
    %lt3A_2084 = arith.cmpi slt, %select_n3A_31, %lt3A_2083 : vector<16xi32>
    %add3A_2085 = arith.constant 16 : i32
    %add3A_2086 = vector.broadcast %add3A_2085 : i32 to vector<16xi32>
    %add3A_2087 = arith.addi %select_n3A_31, %add3A_2086 : vector<16xi32>
    %select_n3A_2088 = arith.select %lt3A_2084, %add3A_2087, %select_n3A_31 : vector<16xi1>, vector<16xi32>
    %broadcast_in_dim3A_2089 = vector.shape_cast %select_n3A_2088 : vector<16xi32> to vector<16x1xi32>
    %gather3A_2090 = vector.shape_cast %broadcast_in_dim3A_2089 : vector<16x1xi32> to vector<16xi32>
    %gather3A_2091 = tpu.dynamic_gather %get3A_2078[%gather3A_2090] in [0] : vector<16xi32>, vector<16xi32> -> vector<16xi32>
    %lt3A_2092 = arith.constant 0 : i32
    %lt3A_2093 = vector.broadcast %lt3A_2092 : i32 to vector<16xi32>
    %lt3A_2094 = arith.cmpi slt, %select_n3A_31, %lt3A_2093 : vector<16xi32>
    %add3A_2095 = arith.constant 16 : i32
    %add3A_2096 = vector.broadcast %add3A_2095 : i32 to vector<16xi32>
    %add3A_2097 = arith.addi %select_n3A_31, %add3A_2096 : vector<16xi32>
    %select_n3A_2098 = arith.select %lt3A_2094, %add3A_2097, %select_n3A_31 : vector<16xi1>, vector<16xi32>
    %broadcast_in_dim3A_2099 = vector.shape_cast %select_n3A_2098 : vector<16xi32> to vector<16x1xi32>
    %gather3A_2100 = vector.shape_cast %broadcast_in_dim3A_2099 : vector<16x1xi32> to vector<16xi32>
    %gather3A_2101 = tpu.dynamic_gather %get3A_2081[%gather3A_2100] in [0] : vector<16xi32>, vector<16xi32> -> vector<16xi32>
    %select_n3A_2102 = arith.select %lt3A_8, %gather3A_2091, %gather3A_2101 : vector<16xi1>, vector<16xi32>
    %lt3A_2103 = arith.constant 0 : i32
    %lt3A_2104 = vector.broadcast %lt3A_2103 : i32 to vector<16xi32>
    %lt3A_2105 = arith.cmpi slt, %add3A_34, %lt3A_2104 : vector<16xi32>
    %add3A_2106 = arith.constant 16 : i32
    %add3A_2107 = vector.broadcast %add3A_2106 : i32 to vector<16xi32>
    %add3A_2108 = arith.addi %add3A_34, %add3A_2107 : vector<16xi32>
    %select_n3A_2109 = arith.select %lt3A_2105, %add3A_2108, %add3A_34 : vector<16xi1>, vector<16xi32>
    %broadcast_in_dim3A_2110 = vector.shape_cast %select_n3A_2109 : vector<16xi32> to vector<16x1xi32>
    %gather3A_2111 = vector.shape_cast %broadcast_in_dim3A_2110 : vector<16x1xi32> to vector<16xi32>
    %gather3A_2112 = tpu.dynamic_gather %get3A_2078[%gather3A_2111] in [0] : vector<16xi32>, vector<16xi32> -> vector<16xi32>
    %lt3A_2113 = arith.constant 0 : i32
    %lt3A_2114 = vector.broadcast %lt3A_2113 : i32 to vector<16xi32>
    %lt3A_2115 = arith.cmpi slt, %add3A_34, %lt3A_2114 : vector<16xi32>
    %add3A_2116 = arith.constant 16 : i32
    %add3A_2117 = vector.broadcast %add3A_2116 : i32 to vector<16xi32>
    %add3A_2118 = arith.addi %add3A_34, %add3A_2117 : vector<16xi32>
    %select_n3A_2119 = arith.select %lt3A_2115, %add3A_2118, %add3A_34 : vector<16xi1>, vector<16xi32>
    %broadcast_in_dim3A_2120 = vector.shape_cast %select_n3A_2119 : vector<16xi32> to vector<16x1xi32>
    %gather3A_2121 = vector.shape_cast %broadcast_in_dim3A_2120 : vector<16x1xi32> to vector<16xi32>
    %gather3A_2122 = tpu.dynamic_gather %get3A_2081[%gather3A_2121] in [0] : vector<16xi32>, vector<16xi32> -> vector<16xi32>
    %select_n3A_2123 = arith.select %lt3A_8, %gather3A_2112, %gather3A_2122 : vector<16xi1>, vector<16xi32>
    %mul3A_2124 = arith.constant 8 : i32
    %mul3A_2125 = vector.broadcast %mul3A_2124 : i32 to vector<16xi32>
    %mul3A_2126 = arith.muli %select_n3A_2102, %mul3A_2125 : vector<16xi32>
    %add3A_2127 = arith.addi %mul3A_2126, %select_n3A_2123 : vector<16xi32>
    %swap3A_2128 = arith.constant 2 : i32
    %swap3A_2129 = arith.index_cast %swap3A_2128 : i32 to index
    %swap3A_2130 = arith.constant 16 : index
    %swap3A_2131 = tpu.vector_load %arg7[%swap3A_2129, %swap3A_2130] {strides = array<i32>} : memref<4x80xi32, #tpu.memory_space<vmem>>, vector<1x16xi32>,
    %swap3A_2132 = vector.shape_cast %swap3A_2131 : vector<1x16xi32> to vector<16xi32>
    %swap3A_2133 = vector.shape_cast %add3A_2127 : vector<16xi32> to vector<1x16xi32>
    tpu.vector_store %arg7[%swap3A_2129, %swap3A_2130], %swap3A_2133 {strides = array<i32>} : memref<4x80xi32, #tpu.memory_space<vmem>>, vector<1x16xi32>,
    %get3A_2134 = arith.constant 6144 : index
    %get3A_2135 = tpu.vector_load %arg6[%get3A_2134] {strides = array<i32>} : memref<6400xi32, #tpu.memory_space<vmem>>, vector<16xi32>,
    %get3A_2136 = vector.shape_cast %get3A_2135 : vector<16xi32> to vector<16xi32>
    %get3A_2137 = arith.constant 6160 : index
    %get3A_2138 = tpu.vector_load %arg6[%get3A_2137] {strides = array<i32>} : memref<6400xi32, #tpu.memory_space<vmem>>, vector<16xi32>,
    %get3A_2139 = vector.shape_cast %get3A_2138 : vector<16xi32> to vector<16xi32>
    %lt3A_2140 = arith.constant 0 : i32
    %lt3A_2141 = vector.broadcast %lt3A_2140 : i32 to vector<16xi32>
    %lt3A_2142 = arith.cmpi slt, %select_n3A_31, %lt3A_2141 : vector<16xi32>
    %add3A_2143 = arith.constant 16 : i32
    %add3A_2144 = vector.broadcast %add3A_2143 : i32 to vector<16xi32>
    %add3A_2145 = arith.addi %select_n3A_31, %add3A_2144 : vector<16xi32>
    %select_n3A_2146 = arith.select %lt3A_2142, %add3A_2145, %select_n3A_31 : vector<16xi1>, vector<16xi32>
    %broadcast_in_dim3A_2147 = vector.shape_cast %select_n3A_2146 : vector<16xi32> to vector<16x1xi32>
    %gather3A_2148 = vector.shape_cast %broadcast_in_dim3A_2147 : vector<16x1xi32> to vector<16xi32>
    %gather3A_2149 = tpu.dynamic_gather %get3A_2136[%gather3A_2148] in [0] : vector<16xi32>, vector<16xi32> -> vector<16xi32>
    %lt3A_2150 = arith.constant 0 : i32
    %lt3A_2151 = vector.broadcast %lt3A_2150 : i32 to vector<16xi32>
    %lt3A_2152 = arith.cmpi slt, %select_n3A_31, %lt3A_2151 : vector<16xi32>
    %add3A_2153 = arith.constant 16 : i32
    %add3A_2154 = vector.broadcast %add3A_2153 : i32 to vector<16xi32>
    %add3A_2155 = arith.addi %select_n3A_31, %add3A_2154 : vector<16xi32>
    %select_n3A_2156 = arith.select %lt3A_2152, %add3A_2155, %select_n3A_31 : vector<16xi1>, vector<16xi32>
    %broadcast_in_dim3A_2157 = vector.shape_cast %select_n3A_2156 : vector<16xi32> to vector<16x1xi32>
    %gather3A_2158 = vector.shape_cast %broadcast_in_dim3A_2157 : vector<16x1xi32> to vector<16xi32>
    %gather3A_2159 = tpu.dynamic_gather %get3A_2139[%gather3A_2158] in [0] : vector<16xi32>, vector<16xi32> -> vector<16xi32>
    %select_n3A_2160 = arith.select %lt3A_8, %gather3A_2149, %gather3A_2159 : vector<16xi1>, vector<16xi32>
    %lt3A_2161 = arith.constant 0 : i32
    %lt3A_2162 = vector.broadcast %lt3A_2161 : i32 to vector<16xi32>
    %lt3A_2163 = arith.cmpi slt, %add3A_34, %lt3A_2162 : vector<16xi32>
    %add3A_2164 = arith.constant 16 : i32
    %add3A_2165 = vector.broadcast %add3A_2164 : i32 to vector<16xi32>
    %add3A_2166 = arith.addi %add3A_34, %add3A_2165 : vector<16xi32>
    %select_n3A_2167 = arith.select %lt3A_2163, %add3A_2166, %add3A_34 : vector<16xi1>, vector<16xi32>
    %broadcast_in_dim3A_2168 = vector.shape_cast %select_n3A_2167 : vector<16xi32> to vector<16x1xi32>
    %gather3A_2169 = vector.shape_cast %broadcast_in_dim3A_2168 : vector<16x1xi32> to vector<16xi32>
    %gather3A_2170 = tpu.dynamic_gather %get3A_2136[%gather3A_2169] in [0] : vector<16xi32>, vector<16xi32> -> vector<16xi32>
    %lt3A_2171 = arith.constant 0 : i32
    %lt3A_2172 = vector.broadcast %lt3A_2171 : i32 to vector<16xi32>
    %lt3A_2173 = arith.cmpi slt, %add3A_34, %lt3A_2172 : vector<16xi32>
    %add3A_2174 = arith.constant 16 : i32
    %add3A_2175 = vector.broadcast %add3A_2174 : i32 to vector<16xi32>
    %add3A_2176 = arith.addi %add3A_34, %add3A_2175 : vector<16xi32>
    %select_n3A_2177 = arith.select %lt3A_2173, %add3A_2176, %add3A_34 : vector<16xi1>, vector<16xi32>
    %broadcast_in_dim3A_2178 = vector.shape_cast %select_n3A_2177 : vector<16xi32> to vector<16x1xi32>
    %gather3A_2179 = vector.shape_cast %broadcast_in_dim3A_2178 : vector<16x1xi32> to vector<16xi32>
    %gather3A_2180 = tpu.dynamic_gather %get3A_2139[%gather3A_2179] in [0] : vector<16xi32>, vector<16xi32> -> vector<16xi32>
    %select_n3A_2181 = arith.select %lt3A_8, %gather3A_2170, %gather3A_2180 : vector<16xi1>, vector<16xi32>
    %mul3A_2182 = arith.constant 8 : i32
    %mul3A_2183 = vector.broadcast %mul3A_2182 : i32 to vector<16xi32>
    %mul3A_2184 = arith.muli %select_n3A_2160, %mul3A_2183 : vector<16xi32>
    %add3A_2185 = arith.addi %mul3A_2184, %select_n3A_2181 : vector<16xi32>
    %swap3A_2186 = arith.constant 2 : i32
    %swap3A_2187 = arith.index_cast %swap3A_2186 : i32 to index
    %swap3A_2188 = arith.constant 32 : index
    %swap3A_2189 = tpu.vector_load %arg7[%swap3A_2187, %swap3A_2188] {strides = array<i32>} : memref<4x80xi32, #tpu.memory_space<vmem>>, vector<1x16xi32>,
    %swap3A_2190 = vector.shape_cast %swap3A_2189 : vector<1x16xi32> to vector<16xi32>
    %swap3A_2191 = vector.shape_cast %add3A_2185 : vector<16xi32> to vector<1x16xi32>
    tpu.vector_store %arg7[%swap3A_2187, %swap3A_2188], %swap3A_2191 {strides = array<i32>} : memref<4x80xi32, #tpu.memory_space<vmem>>, vector<1x16xi32>,
    %get3A_2192 = arith.constant 6176 : index
    %get3A_2193 = tpu.vector_load %arg6[%get3A_2192] {strides = array<i32>} : memref<6400xi32, #tpu.memory_space<vmem>>, vector<16xi32>,
    %get3A_2194 = vector.shape_cast %get3A_2193 : vector<16xi32> to vector<16xi32>
    %get3A_2195 = arith.constant 6192 : index
    %get3A_2196 = tpu.vector_load %arg6[%get3A_2195] {strides = array<i32>} : memref<6400xi32, #tpu.memory_space<vmem>>, vector<16xi32>,
    %get3A_2197 = vector.shape_cast %get3A_2196 : vector<16xi32> to vector<16xi32>
    %lt3A_2198 = arith.constant 0 : i32
    %lt3A_2199 = vector.broadcast %lt3A_2198 : i32 to vector<16xi32>
    %lt3A_2200 = arith.cmpi slt, %select_n3A_31, %lt3A_2199 : vector<16xi32>
    %add3A_2201 = arith.constant 16 : i32
    %add3A_2202 = vector.broadcast %add3A_2201 : i32 to vector<16xi32>
    %add3A_2203 = arith.addi %select_n3A_31, %add3A_2202 : vector<16xi32>
    %select_n3A_2204 = arith.select %lt3A_2200, %add3A_2203, %select_n3A_31 : vector<16xi1>, vector<16xi32>
    %broadcast_in_dim3A_2205 = vector.shape_cast %select_n3A_2204 : vector<16xi32> to vector<16x1xi32>
    %gather3A_2206 = vector.shape_cast %broadcast_in_dim3A_2205 : vector<16x1xi32> to vector<16xi32>
    %gather3A_2207 = tpu.dynamic_gather %get3A_2194[%gather3A_2206] in [0] : vector<16xi32>, vector<16xi32> -> vector<16xi32>
    %lt3A_2208 = arith.constant 0 : i32
    %lt3A_2209 = vector.broadcast %lt3A_2208 : i32 to vector<16xi32>
    %lt3A_2210 = arith.cmpi slt, %select_n3A_31, %lt3A_2209 : vector<16xi32>
    %add3A_2211 = arith.constant 16 : i32
    %add3A_2212 = vector.broadcast %add3A_2211 : i32 to vector<16xi32>
    %add3A_2213 = arith.addi %select_n3A_31, %add3A_2212 : vector<16xi32>
    %select_n3A_2214 = arith.select %lt3A_2210, %add3A_2213, %select_n3A_31 : vector<16xi1>, vector<16xi32>
    %broadcast_in_dim3A_2215 = vector.shape_cast %select_n3A_2214 : vector<16xi32> to vector<16x1xi32>
    %gather3A_2216 = vector.shape_cast %broadcast_in_dim3A_2215 : vector<16x1xi32> to vector<16xi32>
    %gather3A_2217 = tpu.dynamic_gather %get3A_2197[%gather3A_2216] in [0] : vector<16xi32>, vector<16xi32> -> vector<16xi32>
    %select_n3A_2218 = arith.select %lt3A_8, %gather3A_2207, %gather3A_2217 : vector<16xi1>, vector<16xi32>
    %lt3A_2219 = arith.constant 0 : i32
    %lt3A_2220 = vector.broadcast %lt3A_2219 : i32 to vector<16xi32>
    %lt3A_2221 = arith.cmpi slt, %add3A_34, %lt3A_2220 : vector<16xi32>
    %add3A_2222 = arith.constant 16 : i32
    %add3A_2223 = vector.broadcast %add3A_2222 : i32 to vector<16xi32>
    %add3A_2224 = arith.addi %add3A_34, %add3A_2223 : vector<16xi32>
    %select_n3A_2225 = arith.select %lt3A_2221, %add3A_2224, %add3A_34 : vector<16xi1>, vector<16xi32>
    %broadcast_in_dim3A_2226 = vector.shape_cast %select_n3A_2225 : vector<16xi32> to vector<16x1xi32>
    %gather3A_2227 = vector.shape_cast %broadcast_in_dim3A_2226 : vector<16x1xi32> to vector<16xi32>
    %gather3A_2228 = tpu.dynamic_gather %get3A_2194[%gather3A_2227] in [0] : vector<16xi32>, vector<16xi32> -> vector<16xi32>
    %lt3A_2229 = arith.constant 0 : i32
    %lt3A_2230 = vector.broadcast %lt3A_2229 : i32 to vector<16xi32>
    %lt3A_2231 = arith.cmpi slt, %add3A_34, %lt3A_2230 : vector<16xi32>
    %add3A_2232 = arith.constant 16 : i32
    %add3A_2233 = vector.broadcast %add3A_2232 : i32 to vector<16xi32>
    %add3A_2234 = arith.addi %add3A_34, %add3A_2233 : vector<16xi32>
    %select_n3A_2235 = arith.select %lt3A_2231, %add3A_2234, %add3A_34 : vector<16xi1>, vector<16xi32>
    %broadcast_in_dim3A_2236 = vector.shape_cast %select_n3A_2235 : vector<16xi32> to vector<16x1xi32>
    %gather3A_2237 = vector.shape_cast %broadcast_in_dim3A_2236 : vector<16x1xi32> to vector<16xi32>
    %gather3A_2238 = tpu.dynamic_gather %get3A_2197[%gather3A_2237] in [0] : vector<16xi32>, vector<16xi32> -> vector<16xi32>
    %select_n3A_2239 = arith.select %lt3A_8, %gather3A_2228, %gather3A_2238 : vector<16xi1>, vector<16xi32>
    %mul3A_2240 = arith.constant 8 : i32
    %mul3A_2241 = vector.broadcast %mul3A_2240 : i32 to vector<16xi32>
    %mul3A_2242 = arith.muli %select_n3A_2218, %mul3A_2241 : vector<16xi32>
    %add3A_2243 = arith.addi %mul3A_2242, %select_n3A_2239 : vector<16xi32>
    %swap3A_2244 = arith.constant 2 : i32
    %swap3A_2245 = arith.index_cast %swap3A_2244 : i32 to index
    %swap3A_2246 = arith.constant 48 : index
    %swap3A_2247 = tpu.vector_load %arg7[%swap3A_2245, %swap3A_2246] {strides = array<i32>} : memref<4x80xi32, #tpu.memory_space<vmem>>, vector<1x16xi32>,
    %swap3A_2248 = vector.shape_cast %swap3A_2247 : vector<1x16xi32> to vector<16xi32>
    %swap3A_2249 = vector.shape_cast %add3A_2243 : vector<16xi32> to vector<1x16xi32>
    tpu.vector_store %arg7[%swap3A_2245, %swap3A_2246], %swap3A_2249 {strides = array<i32>} : memref<4x80xi32, #tpu.memory_space<vmem>>, vector<1x16xi32>,
    %get3A_2250 = arith.constant 6208 : index
    %get3A_2251 = tpu.vector_load %arg6[%get3A_2250] {strides = array<i32>} : memref<6400xi32, #tpu.memory_space<vmem>>, vector<16xi32>,
    %get3A_2252 = vector.shape_cast %get3A_2251 : vector<16xi32> to vector<16xi32>
    %get3A_2253 = arith.constant 6224 : index
    %get3A_2254 = tpu.vector_load %arg6[%get3A_2253] {strides = array<i32>} : memref<6400xi32, #tpu.memory_space<vmem>>, vector<16xi32>,
    %get3A_2255 = vector.shape_cast %get3A_2254 : vector<16xi32> to vector<16xi32>
    %lt3A_2256 = arith.constant 0 : i32
    %lt3A_2257 = vector.broadcast %lt3A_2256 : i32 to vector<16xi32>
    %lt3A_2258 = arith.cmpi slt, %select_n3A_31, %lt3A_2257 : vector<16xi32>
    %add3A_2259 = arith.constant 16 : i32
    %add3A_2260 = vector.broadcast %add3A_2259 : i32 to vector<16xi32>
    %add3A_2261 = arith.addi %select_n3A_31, %add3A_2260 : vector<16xi32>
    %select_n3A_2262 = arith.select %lt3A_2258, %add3A_2261, %select_n3A_31 : vector<16xi1>, vector<16xi32>
    %broadcast_in_dim3A_2263 = vector.shape_cast %select_n3A_2262 : vector<16xi32> to vector<16x1xi32>
    %gather3A_2264 = vector.shape_cast %broadcast_in_dim3A_2263 : vector<16x1xi32> to vector<16xi32>
    %gather3A_2265 = tpu.dynamic_gather %get3A_2252[%gather3A_2264] in [0] : vector<16xi32>, vector<16xi32> -> vector<16xi32>
    %lt3A_2266 = arith.constant 0 : i32
    %lt3A_2267 = vector.broadcast %lt3A_2266 : i32 to vector<16xi32>
    %lt3A_2268 = arith.cmpi slt, %select_n3A_31, %lt3A_2267 : vector<16xi32>
    %add3A_2269 = arith.constant 16 : i32
    %add3A_2270 = vector.broadcast %add3A_2269 : i32 to vector<16xi32>
    %add3A_2271 = arith.addi %select_n3A_31, %add3A_2270 : vector<16xi32>
    %select_n3A_2272 = arith.select %lt3A_2268, %add3A_2271, %select_n3A_31 : vector<16xi1>, vector<16xi32>
    %broadcast_in_dim3A_2273 = vector.shape_cast %select_n3A_2272 : vector<16xi32> to vector<16x1xi32>
    %gather3A_2274 = vector.shape_cast %broadcast_in_dim3A_2273 : vector<16x1xi32> to vector<16xi32>
    %gather3A_2275 = tpu.dynamic_gather %get3A_2255[%gather3A_2274] in [0] : vector<16xi32>, vector<16xi32> -> vector<16xi32>
    %select_n3A_2276 = arith.select %lt3A_8, %gather3A_2265, %gather3A_2275 : vector<16xi1>, vector<16xi32>
    %lt3A_2277 = arith.constant 0 : i32
    %lt3A_2278 = vector.broadcast %lt3A_2277 : i32 to vector<16xi32>
    %lt3A_2279 = arith.cmpi slt, %add3A_34, %lt3A_2278 : vector<16xi32>
    %add3A_2280 = arith.constant 16 : i32
    %add3A_2281 = vector.broadcast %add3A_2280 : i32 to vector<16xi32>
    %add3A_2282 = arith.addi %add3A_34, %add3A_2281 : vector<16xi32>
    %select_n3A_2283 = arith.select %lt3A_2279, %add3A_2282, %add3A_34 : vector<16xi1>, vector<16xi32>
    %broadcast_in_dim3A_2284 = vector.shape_cast %select_n3A_2283 : vector<16xi32> to vector<16x1xi32>
    %gather3A_2285 = vector.shape_cast %broadcast_in_dim3A_2284 : vector<16x1xi32> to vector<16xi32>
    %gather3A_2286 = tpu.dynamic_gather %get3A_2252[%gather3A_2285] in [0] : vector<16xi32>, vector<16xi32> -> vector<16xi32>
    %lt3A_2287 = arith.constant 0 : i32
    %lt3A_2288 = vector.broadcast %lt3A_2287 : i32 to vector<16xi32>
    %lt3A_2289 = arith.cmpi slt, %add3A_34, %lt3A_2288 : vector<16xi32>
    %add3A_2290 = arith.constant 16 : i32
    %add3A_2291 = vector.broadcast %add3A_2290 : i32 to vector<16xi32>
    %add3A_2292 = arith.addi %add3A_34, %add3A_2291 : vector<16xi32>
    %select_n3A_2293 = arith.select %lt3A_2289, %add3A_2292, %add3A_34 : vector<16xi1>, vector<16xi32>
    %broadcast_in_dim3A_2294 = vector.shape_cast %select_n3A_2293 : vector<16xi32> to vector<16x1xi32>
    %gather3A_2295 = vector.shape_cast %broadcast_in_dim3A_2294 : vector<16x1xi32> to vector<16xi32>
    %gather3A_2296 = tpu.dynamic_gather %get3A_2255[%gather3A_2295] in [0] : vector<16xi32>, vector<16xi32> -> vector<16xi32>
    %select_n3A_2297 = arith.select %lt3A_8, %gather3A_2286, %gather3A_2296 : vector<16xi1>, vector<16xi32>
    %mul3A_2298 = arith.constant 8 : i32
    %mul3A_2299 = vector.broadcast %mul3A_2298 : i32 to vector<16xi32>
    %mul3A_2300 = arith.muli %select_n3A_2276, %mul3A_2299 : vector<16xi32>
    %add3A_2301 = arith.addi %mul3A_2300, %select_n3A_2297 : vector<16xi32>
    %swap3A_2302 = arith.constant 2 : i32
    %swap3A_2303 = arith.index_cast %swap3A_2302 : i32 to index
    %swap3A_2304 = arith.constant 64 : index
    %swap3A_2305 = tpu.vector_load %arg7[%swap3A_2303, %swap3A_2304] {strides = array<i32>} : memref<4x80xi32, #tpu.memory_space<vmem>>, vector<1x16xi32>,
    %swap3A_2306 = vector.shape_cast %swap3A_2305 : vector<1x16xi32> to vector<16xi32>
    %swap3A_2307 = vector.shape_cast %add3A_2301 : vector<16xi32> to vector<1x16xi32>
    tpu.vector_store %arg7[%swap3A_2303, %swap3A_2304], %swap3A_2307 {strides = array<i32>} : memref<4x80xi32, #tpu.memory_space<vmem>>, vector<1x16xi32>,
    %dma_start3A_2308 = arith.constant 2 : i32
    %dma_start3A_2309 = arith.constant 2 : i32
    %dma_start3A_2310 = arith.constant 0 : i32
    %dma_start3A_2311 = arith.constant 0 : i32
    %dma_start3A_2312 = tpu.memref_slice %arg8[%dma_start3A_2309, %dma_start3A_2310, %dma_start3A_2311] : memref<4x80x128xf32, #tpu.memory_space<vmem>> -> memref<1x80x128xf32, #tpu.memory_space<vmem>>
    %dma_start3A_2313 = tpu.memref_squeeze %dma_start3A_2312 : memref<1x80x128xf32, #tpu.memory_space<vmem>> -> memref<80x128xf32, #tpu.memory_space<vmem>>
    %dma_start3A_2314 = arith.constant 0 : i32
    %dma_start3A_2315 = tpu.memref_slice %arg7[%dma_start3A_2308, %dma_start3A_2314] : memref<4x80xi32, #tpu.memory_space<vmem>> -> memref<1x80xi32, #tpu.memory_space<vmem>>
    %dma_start3A_2316 = tpu.memref_squeeze %dma_start3A_2315 : memref<1x80xi32, #tpu.memory_space<vmem>> -> memref<80xi32, #tpu.memory_space<vmem>>
    %dma_start3A_2317 = arith.constant 0 : i32
    %dma_start3A_2318 = arith.constant 0 : i32
    %dma_start3A_2319 = tpu.memref_slice %arg9[%arg1, %dma_start3A_2317, %dma_start3A_2318] : memref<16x64x128xf32, #tpu.memory_space<vmem_shared>> -> memref<1x64x128xf32, #tpu.memory_space<vmem_shared>>
    %dma_start3A_2320 = tpu.memref_squeeze %dma_start3A_2319 : memref<1x64x128xf32, #tpu.memory_space<vmem_shared>> -> memref<64x128xf32, #tpu.memory_space<vmem_shared>>
    %dma_start3A_2321 = arith.constant 0 : i32
    %dma_start3A_2322 = arith.constant 0 : i32
    %dma_start3A_2323 = tpu.memref_slice %dma_start3A_2320[%dma_start3A_2321, %dma_start3A_2322] : memref<64x128xf32, #tpu.memory_space<vmem_shared>> -> memref<64x128xf32, #tpu.memory_space<vmem_shared>>
    tpu.enqueue_indirect_dma source(%dma_start3A_2323 : memref<64x128xf32, #tpu.memory_space<vmem_shared>>) target(%dma_start3A_2313 : memref<80x128xf32, #tpu.memory_space<vmem>>) offsets(%dma_start3A_2316 : memref<80xi32, #tpu.memory_space<vmem>>) semaphore(%arg12 : memref<!tpu.dma_semaphore, #tpu.memory_space<semaphore_mem>>)
    %dma_wait3A_2324 = arith.constant 0 : i32
    %dma_wait3A_2325 = arith.constant 0 : i32
    %dma_wait3A_2326 = arith.constant 0 : i32
    %dma_wait3A_2327 = tpu.memref_slice %arg8[%dma_wait3A_2324, %dma_wait3A_2325, %dma_wait3A_2326] : memref<4x80x128xf32, #tpu.memory_space<vmem>> -> memref<1x80x128xf32, #tpu.memory_space<vmem>>
    %dma_wait3A_2328 = tpu.memref_squeeze %dma_wait3A_2327 : memref<1x80x128xf32, #tpu.memory_space<vmem>> -> memref<80x128xf32, #tpu.memory_space<vmem>>
    %dma_wait3A_2329 = arith.constant 0 : i32
    %dma_wait3A_2330 = arith.constant 0 : i32
    %dma_wait3A_2331 = tpu.memref_slice %arg8[%dma_wait3A_2324, %dma_wait3A_2329, %dma_wait3A_2330] : memref<4x80x128xf32, #tpu.memory_space<vmem>> -> memref<1x80x128xf32, #tpu.memory_space<vmem>>
    %dma_wait3A_2332 = tpu.memref_squeeze %dma_wait3A_2331 : memref<1x80x128xf32, #tpu.memory_space<vmem>> -> memref<80x128xf32, #tpu.memory_space<vmem>>
    tpu.wait_dma2 semaphore(%arg10 : memref<!tpu.dma_semaphore, #tpu.memory_space<semaphore_mem>>) src(%arg4 : memref<80x128xf32, #tpu.memory_space<hbm>>) dst(%dma_wait3A_2332 : memref<80x128xf32, #tpu.memory_space<vmem>>)
    %add3A_2333 = arith.constant 2880 : i32
    %add3A_2334 = arith.addi %mul3A_6, %add3A_2333 : i32
    %multiple_of3A_2335 = tpu.assume_multiple %add3A_2334, 80 : i32
    %dma_start3A_2336 = arith.constant 0 : i32
    %dma_start3A_2337 = arith.constant 0 : i32
    %dma_start3A_2338 = arith.constant 0 : i32
    %dma_start3A_2339 = tpu.memref_slice %arg8[%dma_start3A_2336, %dma_start3A_2337, %dma_start3A_2338] : memref<4x80x128xf32, #tpu.memory_space<vmem>> -> memref<1x80x128xf32, #tpu.memory_space<vmem>>
    %dma_start3A_2340 = tpu.memref_squeeze %dma_start3A_2339 : memref<1x80x128xf32, #tpu.memory_space<vmem>> -> memref<80x128xf32, #tpu.memory_space<vmem>>
    %dma_start3A_2341 = arith.constant 0 : i32
    %dma_start3A_2342 = tpu.memref_slice %arg5[%multiple_of3A_2335, %dma_start3A_2341] : memref<102400x128xf32, #tpu.memory_space<hbm>> -> memref<80x128xf32, #tpu.memory_space<hbm>>
    %dma_start3A_2343 = arith.constant 0 : i32
    %dma_start3A_2344 = tpu.memref_slice %arg5[%multiple_of3A_2335, %dma_start3A_2343] : memref<102400x128xf32, #tpu.memory_space<hbm>> -> memref<80x128xf32, #tpu.memory_space<hbm>>
    %dma_start3A_2345 = arith.constant 0 : i32
    %dma_start3A_2346 = arith.constant 0 : i32
    %dma_start3A_2347 = tpu.memref_slice %arg8[%dma_start3A_2336, %dma_start3A_2345, %dma_start3A_2346] : memref<4x80x128xf32, #tpu.memory_space<vmem>> -> memref<1x80x128xf32, #tpu.memory_space<vmem>>
    %dma_start3A_2348 = tpu.memref_squeeze %dma_start3A_2347 : memref<1x80x128xf32, #tpu.memory_space<vmem>> -> memref<80x128xf32, #tpu.memory_space<vmem>>
    tpu.enqueue_dma source(%dma_start3A_2348 : memref<80x128xf32, #tpu.memory_space<vmem>>) target(%dma_start3A_2344 : memref<80x128xf32, #tpu.memory_space<hbm>>) target_semaphore(%arg14 : memref<!tpu.dma_semaphore, #tpu.memory_space<semaphore_mem>>)
    %dma_wait3A_2349 = arith.constant 3 : i32
    %dma_wait3A_2350 = arith.constant 0 : i32
    %dma_wait3A_2351 = arith.constant 0 : i32
    %dma_wait3A_2352 = tpu.memref_slice %arg8[%dma_wait3A_2349, %dma_wait3A_2350, %dma_wait3A_2351] : memref<4x80x128xf32, #tpu.memory_space<vmem>> -> memref<1x80x128xf32, #tpu.memory_space<vmem>>
    %dma_wait3A_2353 = tpu.memref_squeeze %dma_wait3A_2352 : memref<1x80x128xf32, #tpu.memory_space<vmem>> -> memref<80x128xf32, #tpu.memory_space<vmem>>
    %dma_wait3A_2354 = arith.constant 0 : i32
    %dma_wait3A_2355 = arith.constant 0 : i32
    %dma_wait3A_2356 = tpu.memref_slice %arg5[%dma_wait3A_2354, %dma_wait3A_2355] : memref<102400x128xf32, #tpu.memory_space<hbm>> -> memref<80x128xf32, #tpu.memory_space<hbm>>
    %dma_wait3A_2357 = arith.constant 0 : i32
    %dma_wait3A_2358 = arith.constant 0 : i32
    %dma_wait3A_2359 = tpu.memref_slice %arg5[%dma_wait3A_2357, %dma_wait3A_2358] : memref<102400x128xf32, #tpu.memory_space<hbm>> -> memref<80x128xf32, #tpu.memory_space<hbm>>
    %dma_wait3A_2360 = arith.constant 0 : i32
    %dma_wait3A_2361 = arith.constant 0 : i32
    %dma_wait3A_2362 = tpu.memref_slice %arg8[%dma_wait3A_2349, %dma_wait3A_2360, %dma_wait3A_2361] : memref<4x80x128xf32, #tpu.memory_space<vmem>> -> memref<1x80x128xf32, #tpu.memory_space<vmem>>
    %dma_wait3A_2363 = tpu.memref_squeeze %dma_wait3A_2362 : memref<1x80x128xf32, #tpu.memory_space<vmem>> -> memref<80x128xf32, #tpu.memory_space<vmem>>
    tpu.wait_dma2 semaphore(%arg17 : memref<!tpu.dma_semaphore, #tpu.memory_space<semaphore_mem>>) src(%dma_wait3A_2363 : memref<80x128xf32, #tpu.memory_space<vmem>>) dst(%dma_wait3A_2359 : memref<80x128xf32, #tpu.memory_space<hbm>>)
    %get3A_2364 = arith.constant 6240 : index
    %get3A_2365 = tpu.vector_load %arg6[%get3A_2364] {strides = array<i32>} : memref<6400xi32, #tpu.memory_space<vmem>>, vector<16xi32>,
    %get3A_2366 = vector.shape_cast %get3A_2365 : vector<16xi32> to vector<16xi32>
    %get3A_2367 = arith.constant 6256 : index
    %get3A_2368 = tpu.vector_load %arg6[%get3A_2367] {strides = array<i32>} : memref<6400xi32, #tpu.memory_space<vmem>>, vector<16xi32>,
    %get3A_2369 = vector.shape_cast %get3A_2368 : vector<16xi32> to vector<16xi32>
    %lt3A_2370 = arith.constant 0 : i32
    %lt3A_2371 = vector.broadcast %lt3A_2370 : i32 to vector<16xi32>
    %lt3A_2372 = arith.cmpi slt, %select_n3A_31, %lt3A_2371 : vector<16xi32>
    %add3A_2373 = arith.constant 16 : i32
    %add3A_2374 = vector.broadcast %add3A_2373 : i32 to vector<16xi32>
    %add3A_2375 = arith.addi %select_n3A_31, %add3A_2374 : vector<16xi32>
    %select_n3A_2376 = arith.select %lt3A_2372, %add3A_2375, %select_n3A_31 : vector<16xi1>, vector<16xi32>
    %broadcast_in_dim3A_2377 = vector.shape_cast %select_n3A_2376 : vector<16xi32> to vector<16x1xi32>
    %gather3A_2378 = vector.shape_cast %broadcast_in_dim3A_2377 : vector<16x1xi32> to vector<16xi32>
    %gather3A_2379 = tpu.dynamic_gather %get3A_2366[%gather3A_2378] in [0] : vector<16xi32>, vector<16xi32> -> vector<16xi32>
    %lt3A_2380 = arith.constant 0 : i32
    %lt3A_2381 = vector.broadcast %lt3A_2380 : i32 to vector<16xi32>
    %lt3A_2382 = arith.cmpi slt, %select_n3A_31, %lt3A_2381 : vector<16xi32>
    %add3A_2383 = arith.constant 16 : i32
    %add3A_2384 = vector.broadcast %add3A_2383 : i32 to vector<16xi32>
    %add3A_2385 = arith.addi %select_n3A_31, %add3A_2384 : vector<16xi32>
    %select_n3A_2386 = arith.select %lt3A_2382, %add3A_2385, %select_n3A_31 : vector<16xi1>, vector<16xi32>
    %broadcast_in_dim3A_2387 = vector.shape_cast %select_n3A_2386 : vector<16xi32> to vector<16x1xi32>
    %gather3A_2388 = vector.shape_cast %broadcast_in_dim3A_2387 : vector<16x1xi32> to vector<16xi32>
    %gather3A_2389 = tpu.dynamic_gather %get3A_2369[%gather3A_2388] in [0] : vector<16xi32>, vector<16xi32> -> vector<16xi32>
    %select_n3A_2390 = arith.select %lt3A_8, %gather3A_2379, %gather3A_2389 : vector<16xi1>, vector<16xi32>
    %lt3A_2391 = arith.constant 0 : i32
    %lt3A_2392 = vector.broadcast %lt3A_2391 : i32 to vector<16xi32>
    %lt3A_2393 = arith.cmpi slt, %add3A_34, %lt3A_2392 : vector<16xi32>
    %add3A_2394 = arith.constant 16 : i32
    %add3A_2395 = vector.broadcast %add3A_2394 : i32 to vector<16xi32>
    %add3A_2396 = arith.addi %add3A_34, %add3A_2395 : vector<16xi32>
    %select_n3A_2397 = arith.select %lt3A_2393, %add3A_2396, %add3A_34 : vector<16xi1>, vector<16xi32>
    %broadcast_in_dim3A_2398 = vector.shape_cast %select_n3A_2397 : vector<16xi32> to vector<16x1xi32>
    %gather3A_2399 = vector.shape_cast %broadcast_in_dim3A_2398 : vector<16x1xi32> to vector<16xi32>
    %gather3A_2400 = tpu.dynamic_gather %get3A_2366[%gather3A_2399] in [0] : vector<16xi32>, vector<16xi32> -> vector<16xi32>
    %lt3A_2401 = arith.constant 0 : i32
    %lt3A_2402 = vector.broadcast %lt3A_2401 : i32 to vector<16xi32>
    %lt3A_2403 = arith.cmpi slt, %add3A_34, %lt3A_2402 : vector<16xi32>
    %add3A_2404 = arith.constant 16 : i32
    %add3A_2405 = vector.broadcast %add3A_2404 : i32 to vector<16xi32>
    %add3A_2406 = arith.addi %add3A_34, %add3A_2405 : vector<16xi32>
    %select_n3A_2407 = arith.select %lt3A_2403, %add3A_2406, %add3A_34 : vector<16xi1>, vector<16xi32>
    %broadcast_in_dim3A_2408 = vector.shape_cast %select_n3A_2407 : vector<16xi32> to vector<16x1xi32>
    %gather3A_2409 = vector.shape_cast %broadcast_in_dim3A_2408 : vector<16x1xi32> to vector<16xi32>
    %gather3A_2410 = tpu.dynamic_gather %get3A_2369[%gather3A_2409] in [0] : vector<16xi32>, vector<16xi32> -> vector<16xi32>
    %select_n3A_2411 = arith.select %lt3A_8, %gather3A_2400, %gather3A_2410 : vector<16xi1>, vector<16xi32>
    %mul3A_2412 = arith.constant 8 : i32
    %mul3A_2413 = vector.broadcast %mul3A_2412 : i32 to vector<16xi32>
    %mul3A_2414 = arith.muli %select_n3A_2390, %mul3A_2413 : vector<16xi32>
    %add3A_2415 = arith.addi %mul3A_2414, %select_n3A_2411 : vector<16xi32>
    %swap3A_2416 = arith.constant 3 : i32
    %swap3A_2417 = arith.index_cast %swap3A_2416 : i32 to index
    %swap3A_2418 = arith.constant 0 : index
    %swap3A_2419 = tpu.vector_load %arg7[%swap3A_2417, %swap3A_2418] {strides = array<i32>} : memref<4x80xi32, #tpu.memory_space<vmem>>, vector<1x16xi32>,
    %swap3A_2420 = vector.shape_cast %swap3A_2419 : vector<1x16xi32> to vector<16xi32>
    %swap3A_2421 = vector.shape_cast %add3A_2415 : vector<16xi32> to vector<1x16xi32>
    tpu.vector_store %arg7[%swap3A_2417, %swap3A_2418], %swap3A_2421 {strides = array<i32>} : memref<4x80xi32, #tpu.memory_space<vmem>>, vector<1x16xi32>,
    %get3A_2422 = arith.constant 6272 : index
    %get3A_2423 = tpu.vector_load %arg6[%get3A_2422] {strides = array<i32>} : memref<6400xi32, #tpu.memory_space<vmem>>, vector<16xi32>,
    %get3A_2424 = vector.shape_cast %get3A_2423 : vector<16xi32> to vector<16xi32>
    %get3A_2425 = arith.constant 6288 : index
    %get3A_2426 = tpu.vector_load %arg6[%get3A_2425] {strides = array<i32>} : memref<6400xi32, #tpu.memory_space<vmem>>, vector<16xi32>,
    %get3A_2427 = vector.shape_cast %get3A_2426 : vector<16xi32> to vector<16xi32>
    %lt3A_2428 = arith.constant 0 : i32
    %lt3A_2429 = vector.broadcast %lt3A_2428 : i32 to vector<16xi32>
    %lt3A_2430 = arith.cmpi slt, %select_n3A_31, %lt3A_2429 : vector<16xi32>
    %add3A_2431 = arith.constant 16 : i32
    %add3A_2432 = vector.broadcast %add3A_2431 : i32 to vector<16xi32>
    %add3A_2433 = arith.addi %select_n3A_31, %add3A_2432 : vector<16xi32>
    %select_n3A_2434 = arith.select %lt3A_2430, %add3A_2433, %select_n3A_31 : vector<16xi1>, vector<16xi32>
    %broadcast_in_dim3A_2435 = vector.shape_cast %select_n3A_2434 : vector<16xi32> to vector<16x1xi32>
    %gather3A_2436 = vector.shape_cast %broadcast_in_dim3A_2435 : vector<16x1xi32> to vector<16xi32>
    %gather3A_2437 = tpu.dynamic_gather %get3A_2424[%gather3A_2436] in [0] : vector<16xi32>, vector<16xi32> -> vector<16xi32>
    %lt3A_2438 = arith.constant 0 : i32
    %lt3A_2439 = vector.broadcast %lt3A_2438 : i32 to vector<16xi32>
    %lt3A_2440 = arith.cmpi slt, %select_n3A_31, %lt3A_2439 : vector<16xi32>
    %add3A_2441 = arith.constant 16 : i32
    %add3A_2442 = vector.broadcast %add3A_2441 : i32 to vector<16xi32>
    %add3A_2443 = arith.addi %select_n3A_31, %add3A_2442 : vector<16xi32>
    %select_n3A_2444 = arith.select %lt3A_2440, %add3A_2443, %select_n3A_31 : vector<16xi1>, vector<16xi32>
    %broadcast_in_dim3A_2445 = vector.shape_cast %select_n3A_2444 : vector<16xi32> to vector<16x1xi32>
    %gather3A_2446 = vector.shape_cast %broadcast_in_dim3A_2445 : vector<16x1xi32> to vector<16xi32>
    %gather3A_2447 = tpu.dynamic_gather %get3A_2427[%gather3A_2446] in [0] : vector<16xi32>, vector<16xi32> -> vector<16xi32>
    %select_n3A_2448 = arith.select %lt3A_8, %gather3A_2437, %gather3A_2447 : vector<16xi1>, vector<16xi32>
    %lt3A_2449 = arith.constant 0 : i32
    %lt3A_2450 = vector.broadcast %lt3A_2449 : i32 to vector<16xi32>
    %lt3A_2451 = arith.cmpi slt, %add3A_34, %lt3A_2450 : vector<16xi32>
    %add3A_2452 = arith.constant 16 : i32
    %add3A_2453 = vector.broadcast %add3A_2452 : i32 to vector<16xi32>
    %add3A_2454 = arith.addi %add3A_34, %add3A_2453 : vector<16xi32>
    %select_n3A_2455 = arith.select %lt3A_2451, %add3A_2454, %add3A_34 : vector<16xi1>, vector<16xi32>
    %broadcast_in_dim3A_2456 = vector.shape_cast %select_n3A_2455 : vector<16xi32> to vector<16x1xi32>
    %gather3A_2457 = vector.shape_cast %broadcast_in_dim3A_2456 : vector<16x1xi32> to vector<16xi32>
    %gather3A_2458 = tpu.dynamic_gather %get3A_2424[%gather3A_2457] in [0] : vector<16xi32>, vector<16xi32> -> vector<16xi32>
    %lt3A_2459 = arith.constant 0 : i32
    %lt3A_2460 = vector.broadcast %lt3A_2459 : i32 to vector<16xi32>
    %lt3A_2461 = arith.cmpi slt, %add3A_34, %lt3A_2460 : vector<16xi32>
    %add3A_2462 = arith.constant 16 : i32
    %add3A_2463 = vector.broadcast %add3A_2462 : i32 to vector<16xi32>
    %add3A_2464 = arith.addi %add3A_34, %add3A_2463 : vector<16xi32>
    %select_n3A_2465 = arith.select %lt3A_2461, %add3A_2464, %add3A_34 : vector<16xi1>, vector<16xi32>
    %broadcast_in_dim3A_2466 = vector.shape_cast %select_n3A_2465 : vector<16xi32> to vector<16x1xi32>
    %gather3A_2467 = vector.shape_cast %broadcast_in_dim3A_2466 : vector<16x1xi32> to vector<16xi32>
    %gather3A_2468 = tpu.dynamic_gather %get3A_2427[%gather3A_2467] in [0] : vector<16xi32>, vector<16xi32> -> vector<16xi32>
    %select_n3A_2469 = arith.select %lt3A_8, %gather3A_2458, %gather3A_2468 : vector<16xi1>, vector<16xi32>
    %mul3A_2470 = arith.constant 8 : i32
    %mul3A_2471 = vector.broadcast %mul3A_2470 : i32 to vector<16xi32>
    %mul3A_2472 = arith.muli %select_n3A_2448, %mul3A_2471 : vector<16xi32>
    %add3A_2473 = arith.addi %mul3A_2472, %select_n3A_2469 : vector<16xi32>
    %swap3A_2474 = arith.constant 3 : i32
    %swap3A_2475 = arith.index_cast %swap3A_2474 : i32 to index
    %swap3A_2476 = arith.constant 16 : index
    %swap3A_2477 = tpu.vector_load %arg7[%swap3A_2475, %swap3A_2476] {strides = array<i32>} : memref<4x80xi32, #tpu.memory_space<vmem>>, vector<1x16xi32>,
    %swap3A_2478 = vector.shape_cast %swap3A_2477 : vector<1x16xi32> to vector<16xi32>
    %swap3A_2479 = vector.shape_cast %add3A_2473 : vector<16xi32> to vector<1x16xi32>
    tpu.vector_store %arg7[%swap3A_2475, %swap3A_2476], %swap3A_2479 {strides = array<i32>} : memref<4x80xi32, #tpu.memory_space<vmem>>, vector<1x16xi32>,
    %get3A_2480 = arith.constant 6304 : index
    %get3A_2481 = tpu.vector_load %arg6[%get3A_2480] {strides = array<i32>} : memref<6400xi32, #tpu.memory_space<vmem>>, vector<16xi32>,
    %get3A_2482 = vector.shape_cast %get3A_2481 : vector<16xi32> to vector<16xi32>
    %get3A_2483 = arith.constant 6320 : index
    %get3A_2484 = tpu.vector_load %arg6[%get3A_2483] {strides = array<i32>} : memref<6400xi32, #tpu.memory_space<vmem>>, vector<16xi32>,
    %get3A_2485 = vector.shape_cast %get3A_2484 : vector<16xi32> to vector<16xi32>
    %lt3A_2486 = arith.constant 0 : i32
    %lt3A_2487 = vector.broadcast %lt3A_2486 : i32 to vector<16xi32>
    %lt3A_2488 = arith.cmpi slt, %select_n3A_31, %lt3A_2487 : vector<16xi32>
    %add3A_2489 = arith.constant 16 : i32
    %add3A_2490 = vector.broadcast %add3A_2489 : i32 to vector<16xi32>
    %add3A_2491 = arith.addi %select_n3A_31, %add3A_2490 : vector<16xi32>
    %select_n3A_2492 = arith.select %lt3A_2488, %add3A_2491, %select_n3A_31 : vector<16xi1>, vector<16xi32>
    %broadcast_in_dim3A_2493 = vector.shape_cast %select_n3A_2492 : vector<16xi32> to vector<16x1xi32>
    %gather3A_2494 = vector.shape_cast %broadcast_in_dim3A_2493 : vector<16x1xi32> to vector<16xi32>
    %gather3A_2495 = tpu.dynamic_gather %get3A_2482[%gather3A_2494] in [0] : vector<16xi32>, vector<16xi32> -> vector<16xi32>
    %lt3A_2496 = arith.constant 0 : i32
    %lt3A_2497 = vector.broadcast %lt3A_2496 : i32 to vector<16xi32>
    %lt3A_2498 = arith.cmpi slt, %select_n3A_31, %lt3A_2497 : vector<16xi32>
    %add3A_2499 = arith.constant 16 : i32
    %add3A_2500 = vector.broadcast %add3A_2499 : i32 to vector<16xi32>
    %add3A_2501 = arith.addi %select_n3A_31, %add3A_2500 : vector<16xi32>
    %select_n3A_2502 = arith.select %lt3A_2498, %add3A_2501, %select_n3A_31 : vector<16xi1>, vector<16xi32>
    %broadcast_in_dim3A_2503 = vector.shape_cast %select_n3A_2502 : vector<16xi32> to vector<16x1xi32>
    %gather3A_2504 = vector.shape_cast %broadcast_in_dim3A_2503 : vector<16x1xi32> to vector<16xi32>
    %gather3A_2505 = tpu.dynamic_gather %get3A_2485[%gather3A_2504] in [0] : vector<16xi32>, vector<16xi32> -> vector<16xi32>
    %select_n3A_2506 = arith.select %lt3A_8, %gather3A_2495, %gather3A_2505 : vector<16xi1>, vector<16xi32>
    %lt3A_2507 = arith.constant 0 : i32
    %lt3A_2508 = vector.broadcast %lt3A_2507 : i32 to vector<16xi32>
    %lt3A_2509 = arith.cmpi slt, %add3A_34, %lt3A_2508 : vector<16xi32>
    %add3A_2510 = arith.constant 16 : i32
    %add3A_2511 = vector.broadcast %add3A_2510 : i32 to vector<16xi32>
    %add3A_2512 = arith.addi %add3A_34, %add3A_2511 : vector<16xi32>
    %select_n3A_2513 = arith.select %lt3A_2509, %add3A_2512, %add3A_34 : vector<16xi1>, vector<16xi32>
    %broadcast_in_dim3A_2514 = vector.shape_cast %select_n3A_2513 : vector<16xi32> to vector<16x1xi32>
    %gather3A_2515 = vector.shape_cast %broadcast_in_dim3A_2514 : vector<16x1xi32> to vector<16xi32>
    %gather3A_2516 = tpu.dynamic_gather %get3A_2482[%gather3A_2515] in [0] : vector<16xi32>, vector<16xi32> -> vector<16xi32>
    %lt3A_2517 = arith.constant 0 : i32
    %lt3A_2518 = vector.broadcast %lt3A_2517 : i32 to vector<16xi32>
    %lt3A_2519 = arith.cmpi slt, %add3A_34, %lt3A_2518 : vector<16xi32>
    %add3A_2520 = arith.constant 16 : i32
    %add3A_2521 = vector.broadcast %add3A_2520 : i32 to vector<16xi32>
    %add3A_2522 = arith.addi %add3A_34, %add3A_2521 : vector<16xi32>
    %select_n3A_2523 = arith.select %lt3A_2519, %add3A_2522, %add3A_34 : vector<16xi1>, vector<16xi32>
    %broadcast_in_dim3A_2524 = vector.shape_cast %select_n3A_2523 : vector<16xi32> to vector<16x1xi32>
    %gather3A_2525 = vector.shape_cast %broadcast_in_dim3A_2524 : vector<16x1xi32> to vector<16xi32>
    %gather3A_2526 = tpu.dynamic_gather %get3A_2485[%gather3A_2525] in [0] : vector<16xi32>, vector<16xi32> -> vector<16xi32>
    %select_n3A_2527 = arith.select %lt3A_8, %gather3A_2516, %gather3A_2526 : vector<16xi1>, vector<16xi32>
    %mul3A_2528 = arith.constant 8 : i32
    %mul3A_2529 = vector.broadcast %mul3A_2528 : i32 to vector<16xi32>
    %mul3A_2530 = arith.muli %select_n3A_2506, %mul3A_2529 : vector<16xi32>
    %add3A_2531 = arith.addi %mul3A_2530, %select_n3A_2527 : vector<16xi32>
    %swap3A_2532 = arith.constant 3 : i32
    %swap3A_2533 = arith.index_cast %swap3A_2532 : i32 to index
    %swap3A_2534 = arith.constant 32 : index
    %swap3A_2535 = tpu.vector_load %arg7[%swap3A_2533, %swap3A_2534] {strides = array<i32>} : memref<4x80xi32, #tpu.memory_space<vmem>>, vector<1x16xi32>,
    %swap3A_2536 = vector.shape_cast %swap3A_2535 : vector<1x16xi32> to vector<16xi32>
    %swap3A_2537 = vector.shape_cast %add3A_2531 : vector<16xi32> to vector<1x16xi32>
    tpu.vector_store %arg7[%swap3A_2533, %swap3A_2534], %swap3A_2537 {strides = array<i32>} : memref<4x80xi32, #tpu.memory_space<vmem>>, vector<1x16xi32>,
    %get3A_2538 = arith.constant 6336 : index
    %get3A_2539 = tpu.vector_load %arg6[%get3A_2538] {strides = array<i32>} : memref<6400xi32, #tpu.memory_space<vmem>>, vector<16xi32>,
    %get3A_2540 = vector.shape_cast %get3A_2539 : vector<16xi32> to vector<16xi32>
    %get3A_2541 = arith.constant 6352 : index
    %get3A_2542 = tpu.vector_load %arg6[%get3A_2541] {strides = array<i32>} : memref<6400xi32, #tpu.memory_space<vmem>>, vector<16xi32>,
    %get3A_2543 = vector.shape_cast %get3A_2542 : vector<16xi32> to vector<16xi32>
    %lt3A_2544 = arith.constant 0 : i32
    %lt3A_2545 = vector.broadcast %lt3A_2544 : i32 to vector<16xi32>
    %lt3A_2546 = arith.cmpi slt, %select_n3A_31, %lt3A_2545 : vector<16xi32>
    %add3A_2547 = arith.constant 16 : i32
    %add3A_2548 = vector.broadcast %add3A_2547 : i32 to vector<16xi32>
    %add3A_2549 = arith.addi %select_n3A_31, %add3A_2548 : vector<16xi32>
    %select_n3A_2550 = arith.select %lt3A_2546, %add3A_2549, %select_n3A_31 : vector<16xi1>, vector<16xi32>
    %broadcast_in_dim3A_2551 = vector.shape_cast %select_n3A_2550 : vector<16xi32> to vector<16x1xi32>
    %gather3A_2552 = vector.shape_cast %broadcast_in_dim3A_2551 : vector<16x1xi32> to vector<16xi32>
    %gather3A_2553 = tpu.dynamic_gather %get3A_2540[%gather3A_2552] in [0] : vector<16xi32>, vector<16xi32> -> vector<16xi32>
    %lt3A_2554 = arith.constant 0 : i32
    %lt3A_2555 = vector.broadcast %lt3A_2554 : i32 to vector<16xi32>
    %lt3A_2556 = arith.cmpi slt, %select_n3A_31, %lt3A_2555 : vector<16xi32>
    %add3A_2557 = arith.constant 16 : i32
    %add3A_2558 = vector.broadcast %add3A_2557 : i32 to vector<16xi32>
    %add3A_2559 = arith.addi %select_n3A_31, %add3A_2558 : vector<16xi32>
    %select_n3A_2560 = arith.select %lt3A_2556, %add3A_2559, %select_n3A_31 : vector<16xi1>, vector<16xi32>
    %broadcast_in_dim3A_2561 = vector.shape_cast %select_n3A_2560 : vector<16xi32> to vector<16x1xi32>
    %gather3A_2562 = vector.shape_cast %broadcast_in_dim3A_2561 : vector<16x1xi32> to vector<16xi32>
    %gather3A_2563 = tpu.dynamic_gather %get3A_2543[%gather3A_2562] in [0] : vector<16xi32>, vector<16xi32> -> vector<16xi32>
    %select_n3A_2564 = arith.select %lt3A_8, %gather3A_2553, %gather3A_2563 : vector<16xi1>, vector<16xi32>
    %lt3A_2565 = arith.constant 0 : i32
    %lt3A_2566 = vector.broadcast %lt3A_2565 : i32 to vector<16xi32>
    %lt3A_2567 = arith.cmpi slt, %add3A_34, %lt3A_2566 : vector<16xi32>
    %add3A_2568 = arith.constant 16 : i32
    %add3A_2569 = vector.broadcast %add3A_2568 : i32 to vector<16xi32>
    %add3A_2570 = arith.addi %add3A_34, %add3A_2569 : vector<16xi32>
    %select_n3A_2571 = arith.select %lt3A_2567, %add3A_2570, %add3A_34 : vector<16xi1>, vector<16xi32>
    %broadcast_in_dim3A_2572 = vector.shape_cast %select_n3A_2571 : vector<16xi32> to vector<16x1xi32>
    %gather3A_2573 = vector.shape_cast %broadcast_in_dim3A_2572 : vector<16x1xi32> to vector<16xi32>
    %gather3A_2574 = tpu.dynamic_gather %get3A_2540[%gather3A_2573] in [0] : vector<16xi32>, vector<16xi32> -> vector<16xi32>
    %lt3A_2575 = arith.constant 0 : i32
    %lt3A_2576 = vector.broadcast %lt3A_2575 : i32 to vector<16xi32>
    %lt3A_2577 = arith.cmpi slt, %add3A_34, %lt3A_2576 : vector<16xi32>
    %add3A_2578 = arith.constant 16 : i32
    %add3A_2579 = vector.broadcast %add3A_2578 : i32 to vector<16xi32>
    %add3A_2580 = arith.addi %add3A_34, %add3A_2579 : vector<16xi32>
    %select_n3A_2581 = arith.select %lt3A_2577, %add3A_2580, %add3A_34 : vector<16xi1>, vector<16xi32>
    %broadcast_in_dim3A_2582 = vector.shape_cast %select_n3A_2581 : vector<16xi32> to vector<16x1xi32>
    %gather3A_2583 = vector.shape_cast %broadcast_in_dim3A_2582 : vector<16x1xi32> to vector<16xi32>
    %gather3A_2584 = tpu.dynamic_gather %get3A_2543[%gather3A_2583] in [0] : vector<16xi32>, vector<16xi32> -> vector<16xi32>
    %select_n3A_2585 = arith.select %lt3A_8, %gather3A_2574, %gather3A_2584 : vector<16xi1>, vector<16xi32>
    %mul3A_2586 = arith.constant 8 : i32
    %mul3A_2587 = vector.broadcast %mul3A_2586 : i32 to vector<16xi32>
    %mul3A_2588 = arith.muli %select_n3A_2564, %mul3A_2587 : vector<16xi32>
    %add3A_2589 = arith.addi %mul3A_2588, %select_n3A_2585 : vector<16xi32>
    %swap3A_2590 = arith.constant 3 : i32
    %swap3A_2591 = arith.index_cast %swap3A_2590 : i32 to index
    %swap3A_2592 = arith.constant 48 : index
    %swap3A_2593 = tpu.vector_load %arg7[%swap3A_2591, %swap3A_2592] {strides = array<i32>} : memref<4x80xi32, #tpu.memory_space<vmem>>, vector<1x16xi32>,
    %swap3A_2594 = vector.shape_cast %swap3A_2593 : vector<1x16xi32> to vector<16xi32>
    %swap3A_2595 = vector.shape_cast %add3A_2589 : vector<16xi32> to vector<1x16xi32>
    tpu.vector_store %arg7[%swap3A_2591, %swap3A_2592], %swap3A_2595 {strides = array<i32>} : memref<4x80xi32, #tpu.memory_space<vmem>>, vector<1x16xi32>,
    %get3A_2596 = arith.constant 6368 : index
    %get3A_2597 = tpu.vector_load %arg6[%get3A_2596] {strides = array<i32>} : memref<6400xi32, #tpu.memory_space<vmem>>, vector<16xi32>,
    %get3A_2598 = vector.shape_cast %get3A_2597 : vector<16xi32> to vector<16xi32>
    %get3A_2599 = arith.constant 6384 : index
    %get3A_2600 = tpu.vector_load %arg6[%get3A_2599] {strides = array<i32>} : memref<6400xi32, #tpu.memory_space<vmem>>, vector<16xi32>,
    %get3A_2601 = vector.shape_cast %get3A_2600 : vector<16xi32> to vector<16xi32>
    %lt3A_2602 = arith.constant 0 : i32
    %lt3A_2603 = vector.broadcast %lt3A_2602 : i32 to vector<16xi32>
    %lt3A_2604 = arith.cmpi slt, %select_n3A_31, %lt3A_2603 : vector<16xi32>
    %add3A_2605 = arith.constant 16 : i32
    %add3A_2606 = vector.broadcast %add3A_2605 : i32 to vector<16xi32>
    %add3A_2607 = arith.addi %select_n3A_31, %add3A_2606 : vector<16xi32>
    %select_n3A_2608 = arith.select %lt3A_2604, %add3A_2607, %select_n3A_31 : vector<16xi1>, vector<16xi32>
    %broadcast_in_dim3A_2609 = vector.shape_cast %select_n3A_2608 : vector<16xi32> to vector<16x1xi32>
    %gather3A_2610 = vector.shape_cast %broadcast_in_dim3A_2609 : vector<16x1xi32> to vector<16xi32>
    %gather3A_2611 = tpu.dynamic_gather %get3A_2598[%gather3A_2610] in [0] : vector<16xi32>, vector<16xi32> -> vector<16xi32>
    %lt3A_2612 = arith.constant 0 : i32
    %lt3A_2613 = vector.broadcast %lt3A_2612 : i32 to vector<16xi32>
    %lt3A_2614 = arith.cmpi slt, %select_n3A_31, %lt3A_2613 : vector<16xi32>
    %add3A_2615 = arith.constant 16 : i32
    %add3A_2616 = vector.broadcast %add3A_2615 : i32 to vector<16xi32>
    %add3A_2617 = arith.addi %select_n3A_31, %add3A_2616 : vector<16xi32>
    %select_n3A_2618 = arith.select %lt3A_2614, %add3A_2617, %select_n3A_31 : vector<16xi1>, vector<16xi32>
    %broadcast_in_dim3A_2619 = vector.shape_cast %select_n3A_2618 : vector<16xi32> to vector<16x1xi32>
    %gather3A_2620 = vector.shape_cast %broadcast_in_dim3A_2619 : vector<16x1xi32> to vector<16xi32>
    %gather3A_2621 = tpu.dynamic_gather %get3A_2601[%gather3A_2620] in [0] : vector<16xi32>, vector<16xi32> -> vector<16xi32>
    %select_n3A_2622 = arith.select %lt3A_8, %gather3A_2611, %gather3A_2621 : vector<16xi1>, vector<16xi32>
    %lt3A_2623 = arith.constant 0 : i32
    %lt3A_2624 = vector.broadcast %lt3A_2623 : i32 to vector<16xi32>
    %lt3A_2625 = arith.cmpi slt, %add3A_34, %lt3A_2624 : vector<16xi32>
    %add3A_2626 = arith.constant 16 : i32
    %add3A_2627 = vector.broadcast %add3A_2626 : i32 to vector<16xi32>
    %add3A_2628 = arith.addi %add3A_34, %add3A_2627 : vector<16xi32>
    %select_n3A_2629 = arith.select %lt3A_2625, %add3A_2628, %add3A_34 : vector<16xi1>, vector<16xi32>
    %broadcast_in_dim3A_2630 = vector.shape_cast %select_n3A_2629 : vector<16xi32> to vector<16x1xi32>
    %gather3A_2631 = vector.shape_cast %broadcast_in_dim3A_2630 : vector<16x1xi32> to vector<16xi32>
    %gather3A_2632 = tpu.dynamic_gather %get3A_2598[%gather3A_2631] in [0] : vector<16xi32>, vector<16xi32> -> vector<16xi32>
    %lt3A_2633 = arith.constant 0 : i32
    %lt3A_2634 = vector.broadcast %lt3A_2633 : i32 to vector<16xi32>
    %lt3A_2635 = arith.cmpi slt, %add3A_34, %lt3A_2634 : vector<16xi32>
    %add3A_2636 = arith.constant 16 : i32
    %add3A_2637 = vector.broadcast %add3A_2636 : i32 to vector<16xi32>
    %add3A_2638 = arith.addi %add3A_34, %add3A_2637 : vector<16xi32>
    %select_n3A_2639 = arith.select %lt3A_2635, %add3A_2638, %add3A_34 : vector<16xi1>, vector<16xi32>
    %broadcast_in_dim3A_2640 = vector.shape_cast %select_n3A_2639 : vector<16xi32> to vector<16x1xi32>
    %gather3A_2641 = vector.shape_cast %broadcast_in_dim3A_2640 : vector<16x1xi32> to vector<16xi32>
    %gather3A_2642 = tpu.dynamic_gather %get3A_2601[%gather3A_2641] in [0] : vector<16xi32>, vector<16xi32> -> vector<16xi32>
    %select_n3A_2643 = arith.select %lt3A_8, %gather3A_2632, %gather3A_2642 : vector<16xi1>, vector<16xi32>
    %mul3A_2644 = arith.constant 8 : i32
    %mul3A_2645 = vector.broadcast %mul3A_2644 : i32 to vector<16xi32>
    %mul3A_2646 = arith.muli %select_n3A_2622, %mul3A_2645 : vector<16xi32>
    %add3A_2647 = arith.addi %mul3A_2646, %select_n3A_2643 : vector<16xi32>
    %swap3A_2648 = arith.constant 3 : i32
    %swap3A_2649 = arith.index_cast %swap3A_2648 : i32 to index
    %swap3A_2650 = arith.constant 64 : index
    %swap3A_2651 = tpu.vector_load %arg7[%swap3A_2649, %swap3A_2650] {strides = array<i32>} : memref<4x80xi32, #tpu.memory_space<vmem>>, vector<1x16xi32>,
    %swap3A_2652 = vector.shape_cast %swap3A_2651 : vector<1x16xi32> to vector<16xi32>
    %swap3A_2653 = vector.shape_cast %add3A_2647 : vector<16xi32> to vector<1x16xi32>
    tpu.vector_store %arg7[%swap3A_2649, %swap3A_2650], %swap3A_2653 {strides = array<i32>} : memref<4x80xi32, #tpu.memory_space<vmem>>, vector<1x16xi32>,
    %dma_start3A_2654 = arith.constant 3 : i32
    %dma_start3A_2655 = arith.constant 3 : i32
    %dma_start3A_2656 = arith.constant 0 : i32
    %dma_start3A_2657 = arith.constant 0 : i32
    %dma_start3A_2658 = tpu.memref_slice %arg8[%dma_start3A_2655, %dma_start3A_2656, %dma_start3A_2657] : memref<4x80x128xf32, #tpu.memory_space<vmem>> -> memref<1x80x128xf32, #tpu.memory_space<vmem>>
    %dma_start3A_2659 = tpu.memref_squeeze %dma_start3A_2658 : memref<1x80x128xf32, #tpu.memory_space<vmem>> -> memref<80x128xf32, #tpu.memory_space<vmem>>
    %dma_start3A_2660 = arith.constant 0 : i32
    %dma_start3A_2661 = tpu.memref_slice %arg7[%dma_start3A_2654, %dma_start3A_2660] : memref<4x80xi32, #tpu.memory_space<vmem>> -> memref<1x80xi32, #tpu.memory_space<vmem>>
    %dma_start3A_2662 = tpu.memref_squeeze %dma_start3A_2661 : memref<1x80xi32, #tpu.memory_space<vmem>> -> memref<80xi32, #tpu.memory_space<vmem>>
    %dma_start3A_2663 = arith.constant 0 : i32
    %dma_start3A_2664 = arith.constant 0 : i32
    %dma_start3A_2665 = tpu.memref_slice %arg9[%arg1, %dma_start3A_2663, %dma_start3A_2664] : memref<16x64x128xf32, #tpu.memory_space<vmem_shared>> -> memref<1x64x128xf32, #tpu.memory_space<vmem_shared>>
    %dma_start3A_2666 = tpu.memref_squeeze %dma_start3A_2665 : memref<1x64x128xf32, #tpu.memory_space<vmem_shared>> -> memref<64x128xf32, #tpu.memory_space<vmem_shared>>
    %dma_start3A_2667 = arith.constant 0 : i32
    %dma_start3A_2668 = arith.constant 0 : i32
    %dma_start3A_2669 = tpu.memref_slice %dma_start3A_2666[%dma_start3A_2667, %dma_start3A_2668] : memref<64x128xf32, #tpu.memory_space<vmem_shared>> -> memref<64x128xf32, #tpu.memory_space<vmem_shared>>
    tpu.enqueue_indirect_dma source(%dma_start3A_2669 : memref<64x128xf32, #tpu.memory_space<vmem_shared>>) target(%dma_start3A_2659 : memref<80x128xf32, #tpu.memory_space<vmem>>) offsets(%dma_start3A_2662 : memref<80xi32, #tpu.memory_space<vmem>>) semaphore(%arg13 : memref<!tpu.dma_semaphore, #tpu.memory_space<semaphore_mem>>)
    %dma_wait3A_2670 = arith.constant 1 : i32
    %dma_wait3A_2671 = arith.constant 0 : i32
    %dma_wait3A_2672 = arith.constant 0 : i32
    %dma_wait3A_2673 = tpu.memref_slice %arg8[%dma_wait3A_2670, %dma_wait3A_2671, %dma_wait3A_2672] : memref<4x80x128xf32, #tpu.memory_space<vmem>> -> memref<1x80x128xf32, #tpu.memory_space<vmem>>
    %dma_wait3A_2674 = tpu.memref_squeeze %dma_wait3A_2673 : memref<1x80x128xf32, #tpu.memory_space<vmem>> -> memref<80x128xf32, #tpu.memory_space<vmem>>
    %dma_wait3A_2675 = arith.constant 0 : i32
    %dma_wait3A_2676 = arith.constant 0 : i32
    %dma_wait3A_2677 = tpu.memref_slice %arg8[%dma_wait3A_2670, %dma_wait3A_2675, %dma_wait3A_2676] : memref<4x80x128xf32, #tpu.memory_space<vmem>> -> memref<1x80x128xf32, #tpu.memory_space<vmem>>
    %dma_wait3A_2678 = tpu.memref_squeeze %dma_wait3A_2677 : memref<1x80x128xf32, #tpu.memory_space<vmem>> -> memref<80x128xf32, #tpu.memory_space<vmem>>
    tpu.wait_dma2 semaphore(%arg11 : memref<!tpu.dma_semaphore, #tpu.memory_space<semaphore_mem>>) src(%arg4 : memref<80x128xf32, #tpu.memory_space<hbm>>) dst(%dma_wait3A_2678 : memref<80x128xf32, #tpu.memory_space<vmem>>)
    %add3A_2679 = arith.constant 2960 : i32
    %add3A_2680 = arith.addi %mul3A_6, %add3A_2679 : i32
    %multiple_of3A_2681 = tpu.assume_multiple %add3A_2680, 80 : i32
    %dma_start3A_2682 = arith.constant 1 : i32
    %dma_start3A_2683 = arith.constant 0 : i32
    %dma_start3A_2684 = arith.constant 0 : i32
    %dma_start3A_2685 = tpu.memref_slice %arg8[%dma_start3A_2682, %dma_start3A_2683, %dma_start3A_2684] : memref<4x80x128xf32, #tpu.memory_space<vmem>> -> memref<1x80x128xf32, #tpu.memory_space<vmem>>
    %dma_start3A_2686 = tpu.memref_squeeze %dma_start3A_2685 : memref<1x80x128xf32, #tpu.memory_space<vmem>> -> memref<80x128xf32, #tpu.memory_space<vmem>>
    %dma_start3A_2687 = arith.constant 0 : i32
    %dma_start3A_2688 = tpu.memref_slice %arg5[%multiple_of3A_2681, %dma_start3A_2687] : memref<102400x128xf32, #tpu.memory_space<hbm>> -> memref<80x128xf32, #tpu.memory_space<hbm>>
    %dma_start3A_2689 = arith.constant 0 : i32
    %dma_start3A_2690 = tpu.memref_slice %arg5[%multiple_of3A_2681, %dma_start3A_2689] : memref<102400x128xf32, #tpu.memory_space<hbm>> -> memref<80x128xf32, #tpu.memory_space<hbm>>
    %dma_start3A_2691 = arith.constant 0 : i32
    %dma_start3A_2692 = arith.constant 0 : i32
    %dma_start3A_2693 = tpu.memref_slice %arg8[%dma_start3A_2682, %dma_start3A_2691, %dma_start3A_2692] : memref<4x80x128xf32, #tpu.memory_space<vmem>> -> memref<1x80x128xf32, #tpu.memory_space<vmem>>
    %dma_start3A_2694 = tpu.memref_squeeze %dma_start3A_2693 : memref<1x80x128xf32, #tpu.memory_space<vmem>> -> memref<80x128xf32, #tpu.memory_space<vmem>>
    tpu.enqueue_dma source(%dma_start3A_2694 : memref<80x128xf32, #tpu.memory_space<vmem>>) target(%dma_start3A_2690 : memref<80x128xf32, #tpu.memory_space<hbm>>) target_semaphore(%arg15 : memref<!tpu.dma_semaphore, #tpu.memory_space<semaphore_mem>>)
    %dma_wait3A_2695 = arith.constant 2 : i32
    %dma_wait3A_2696 = arith.constant 0 : i32
    %dma_wait3A_2697 = arith.constant 0 : i32
    %dma_wait3A_2698 = tpu.memref_slice %arg8[%dma_wait3A_2695, %dma_wait3A_2696, %dma_wait3A_2697] : memref<4x80x128xf32, #tpu.memory_space<vmem>> -> memref<1x80x128xf32, #tpu.memory_space<vmem>>
    %dma_wait3A_2699 = tpu.memref_squeeze %dma_wait3A_2698 : memref<1x80x128xf32, #tpu.memory_space<vmem>> -> memref<80x128xf32, #tpu.memory_space<vmem>>
    %dma_wait3A_2700 = arith.constant 0 : i32
    %dma_wait3A_2701 = arith.constant 0 : i32
    %dma_wait3A_2702 = tpu.memref_slice %arg8[%dma_wait3A_2695, %dma_wait3A_2700, %dma_wait3A_2701] : memref<4x80x128xf32, #tpu.memory_space<vmem>> -> memref<1x80x128xf32, #tpu.memory_space<vmem>>
    %dma_wait3A_2703 = tpu.memref_squeeze %dma_wait3A_2702 : memref<1x80x128xf32, #tpu.memory_space<vmem>> -> memref<80x128xf32, #tpu.memory_space<vmem>>
    tpu.wait_dma2 semaphore(%arg12 : memref<!tpu.dma_semaphore, #tpu.memory_space<semaphore_mem>>) src(%arg4 : memref<80x128xf32, #tpu.memory_space<hbm>>) dst(%dma_wait3A_2703 : memref<80x128xf32, #tpu.memory_space<vmem>>)
    %add3A_2704 = arith.constant 3040 : i32
    %add3A_2705 = arith.addi %mul3A_6, %add3A_2704 : i32
    %multiple_of3A_2706 = tpu.assume_multiple %add3A_2705, 80 : i32
    %dma_start3A_2707 = arith.constant 2 : i32
    %dma_start3A_2708 = arith.constant 0 : i32
    %dma_start3A_2709 = arith.constant 0 : i32
    %dma_start3A_2710 = tpu.memref_slice %arg8[%dma_start3A_2707, %dma_start3A_2708, %dma_start3A_2709] : memref<4x80x128xf32, #tpu.memory_space<vmem>> -> memref<1x80x128xf32, #tpu.memory_space<vmem>>
    %dma_start3A_2711 = tpu.memref_squeeze %dma_start3A_2710 : memref<1x80x128xf32, #tpu.memory_space<vmem>> -> memref<80x128xf32, #tpu.memory_space<vmem>>
    %dma_start3A_2712 = arith.constant 0 : i32
    %dma_start3A_2713 = tpu.memref_slice %arg5[%multiple_of3A_2706, %dma_start3A_2712] : memref<102400x128xf32, #tpu.memory_space<hbm>> -> memref<80x128xf32, #tpu.memory_space<hbm>>
    %dma_start3A_2714 = arith.constant 0 : i32
    %dma_start3A_2715 = tpu.memref_slice %arg5[%multiple_of3A_2706, %dma_start3A_2714] : memref<102400x128xf32, #tpu.memory_space<hbm>> -> memref<80x128xf32, #tpu.memory_space<hbm>>
    %dma_start3A_2716 = arith.constant 0 : i32
    %dma_start3A_2717 = arith.constant 0 : i32
    %dma_start3A_2718 = tpu.memref_slice %arg8[%dma_start3A_2707, %dma_start3A_2716, %dma_start3A_2717] : memref<4x80x128xf32, #tpu.memory_space<vmem>> -> memref<1x80x128xf32, #tpu.memory_space<vmem>>
    %dma_start3A_2719 = tpu.memref_squeeze %dma_start3A_2718 : memref<1x80x128xf32, #tpu.memory_space<vmem>> -> memref<80x128xf32, #tpu.memory_space<vmem>>
    tpu.enqueue_dma source(%dma_start3A_2719 : memref<80x128xf32, #tpu.memory_space<vmem>>) target(%dma_start3A_2715 : memref<80x128xf32, #tpu.memory_space<hbm>>) target_semaphore(%arg16 : memref<!tpu.dma_semaphore, #tpu.memory_space<semaphore_mem>>)
    %dma_wait3A_2720 = arith.constant 3 : i32
    %dma_wait3A_2721 = arith.constant 0 : i32
    %dma_wait3A_2722 = arith.constant 0 : i32
    %dma_wait3A_2723 = tpu.memref_slice %arg8[%dma_wait3A_2720, %dma_wait3A_2721, %dma_wait3A_2722] : memref<4x80x128xf32, #tpu.memory_space<vmem>> -> memref<1x80x128xf32, #tpu.memory_space<vmem>>
    %dma_wait3A_2724 = tpu.memref_squeeze %dma_wait3A_2723 : memref<1x80x128xf32, #tpu.memory_space<vmem>> -> memref<80x128xf32, #tpu.memory_space<vmem>>
    %dma_wait3A_2725 = arith.constant 0 : i32
    %dma_wait3A_2726 = arith.constant 0 : i32
    %dma_wait3A_2727 = tpu.memref_slice %arg8[%dma_wait3A_2720, %dma_wait3A_2725, %dma_wait3A_2726] : memref<4x80x128xf32, #tpu.memory_space<vmem>> -> memref<1x80x128xf32, #tpu.memory_space<vmem>>
    %dma_wait3A_2728 = tpu.memref_squeeze %dma_wait3A_2727 : memref<1x80x128xf32, #tpu.memory_space<vmem>> -> memref<80x128xf32, #tpu.memory_space<vmem>>
    tpu.wait_dma2 semaphore(%arg13 : memref<!tpu.dma_semaphore, #tpu.memory_space<semaphore_mem>>) src(%arg4 : memref<80x128xf32, #tpu.memory_space<hbm>>) dst(%dma_wait3A_2728 : memref<80x128xf32, #tpu.memory_space<vmem>>)
    %add3A_2729 = arith.constant 3120 : i32
    %add3A_2730 = arith.addi %mul3A_6, %add3A_2729 : i32
    %multiple_of3A_2731 = tpu.assume_multiple %add3A_2730, 80 : i32
    %dma_start3A_2732 = arith.constant 3 : i32
    %dma_start3A_2733 = arith.constant 0 : i32
    %dma_start3A_2734 = arith.constant 0 : i32
    %dma_start3A_2735 = tpu.memref_slice %arg8[%dma_start3A_2732, %dma_start3A_2733, %dma_start3A_2734] : memref<4x80x128xf32, #tpu.memory_space<vmem>> -> memref<1x80x128xf32, #tpu.memory_space<vmem>>
    %dma_start3A_2736 = tpu.memref_squeeze %dma_start3A_2735 : memref<1x80x128xf32, #tpu.memory_space<vmem>> -> memref<80x128xf32, #tpu.memory_space<vmem>>
    %dma_start3A_2737 = arith.constant 0 : i32
    %dma_start3A_2738 = tpu.memref_slice %arg5[%multiple_of3A_2731, %dma_start3A_2737] : memref<102400x128xf32, #tpu.memory_space<hbm>> -> memref<80x128xf32, #tpu.memory_space<hbm>>
    %dma_start3A_2739 = arith.constant 0 : i32
    %dma_start3A_2740 = tpu.memref_slice %arg5[%multiple_of3A_2731, %dma_start3A_2739] : memref<102400x128xf32, #tpu.memory_space<hbm>> -> memref<80x128xf32, #tpu.memory_space<hbm>>
    %dma_start3A_2741 = arith.constant 0 : i32
    %dma_start3A_2742 = arith.constant 0 : i32
    %dma_start3A_2743 = tpu.memref_slice %arg8[%dma_start3A_2732, %dma_start3A_2741, %dma_start3A_2742] : memref<4x80x128xf32, #tpu.memory_space<vmem>> -> memref<1x80x128xf32, #tpu.memory_space<vmem>>
    %dma_start3A_2744 = tpu.memref_squeeze %dma_start3A_2743 : memref<1x80x128xf32, #tpu.memory_space<vmem>> -> memref<80x128xf32, #tpu.memory_space<vmem>>
    tpu.enqueue_dma source(%dma_start3A_2744 : memref<80x128xf32, #tpu.memory_space<vmem>>) target(%dma_start3A_2740 : memref<80x128xf32, #tpu.memory_space<hbm>>) target_semaphore(%arg17 : memref<!tpu.dma_semaphore, #tpu.memory_space<semaphore_mem>>)
    %dma_wait3A_2745 = arith.constant 0 : i32
    %dma_wait3A_2746 = arith.constant 0 : i32
    %dma_wait3A_2747 = arith.constant 0 : i32
    %dma_wait3A_2748 = tpu.memref_slice %arg8[%dma_wait3A_2745, %dma_wait3A_2746, %dma_wait3A_2747] : memref<4x80x128xf32, #tpu.memory_space<vmem>> -> memref<1x80x128xf32, #tpu.memory_space<vmem>>
    %dma_wait3A_2749 = tpu.memref_squeeze %dma_wait3A_2748 : memref<1x80x128xf32, #tpu.memory_space<vmem>> -> memref<80x128xf32, #tpu.memory_space<vmem>>
    %dma_wait3A_2750 = arith.constant 0 : i32
    %dma_wait3A_2751 = arith.constant 0 : i32
    %dma_wait3A_2752 = tpu.memref_slice %arg5[%dma_wait3A_2750, %dma_wait3A_2751] : memref<102400x128xf32, #tpu.memory_space<hbm>> -> memref<80x128xf32, #tpu.memory_space<hbm>>
    %dma_wait3A_2753 = arith.constant 0 : i32
    %dma_wait3A_2754 = arith.constant 0 : i32
    %dma_wait3A_2755 = tpu.memref_slice %arg5[%dma_wait3A_2753, %dma_wait3A_2754] : memref<102400x128xf32, #tpu.memory_space<hbm>> -> memref<80x128xf32, #tpu.memory_space<hbm>>
    %dma_wait3A_2756 = arith.constant 0 : i32
    %dma_wait3A_2757 = arith.constant 0 : i32
    %dma_wait3A_2758 = tpu.memref_slice %arg8[%dma_wait3A_2745, %dma_wait3A_2756, %dma_wait3A_2757] : memref<4x80x128xf32, #tpu.memory_space<vmem>> -> memref<1x80x128xf32, #tpu.memory_space<vmem>>
    %dma_wait3A_2759 = tpu.memref_squeeze %dma_wait3A_2758 : memref<1x80x128xf32, #tpu.memory_space<vmem>> -> memref<80x128xf32, #tpu.memory_space<vmem>>
    tpu.wait_dma2 semaphore(%arg14 : memref<!tpu.dma_semaphore, #tpu.memory_space<semaphore_mem>>) src(%dma_wait3A_2759 : memref<80x128xf32, #tpu.memory_space<vmem>>) dst(%dma_wait3A_2755 : memref<80x128xf32, #tpu.memory_space<hbm>>)
    %dma_wait3A_2760 = arith.constant 1 : i32
    %dma_wait3A_2761 = arith.constant 0 : i32
    %dma_wait3A_2762 = arith.constant 0 : i32
    %dma_wait3A_2763 = tpu.memref_slice %arg8[%dma_wait3A_2760, %dma_wait3A_2761, %dma_wait3A_2762] : memref<4x80x128xf32, #tpu.memory_space<vmem>> -> memref<1x80x128xf32, #tpu.memory_space<vmem>>
    %dma_wait3A_2764 = tpu.memref_squeeze %dma_wait3A_2763 : memref<1x80x128xf32, #tpu.memory_space<vmem>> -> memref<80x128xf32, #tpu.memory_space<vmem>>
    %dma_wait3A_2765 = arith.constant 0 : i32
    %dma_wait3A_2766 = arith.constant 0 : i32
    %dma_wait3A_2767 = tpu.memref_slice %arg5[%dma_wait3A_2765, %dma_wait3A_2766] : memref<102400x128xf32, #tpu.memory_space<hbm>> -> memref<80x128xf32, #tpu.memory_space<hbm>>
    %dma_wait3A_2768 = arith.constant 0 : i32
    %dma_wait3A_2769 = arith.constant 0 : i32
    %dma_wait3A_2770 = tpu.memref_slice %arg5[%dma_wait3A_2768, %dma_wait3A_2769] : memref<102400x128xf32, #tpu.memory_space<hbm>> -> memref<80x128xf32, #tpu.memory_space<hbm>>
    %dma_wait3A_2771 = arith.constant 0 : i32
    %dma_wait3A_2772 = arith.constant 0 : i32
    %dma_wait3A_2773 = tpu.memref_slice %arg8[%dma_wait3A_2760, %dma_wait3A_2771, %dma_wait3A_2772] : memref<4x80x128xf32, #tpu.memory_space<vmem>> -> memref<1x80x128xf32, #tpu.memory_space<vmem>>
    %dma_wait3A_2774 = tpu.memref_squeeze %dma_wait3A_2773 : memref<1x80x128xf32, #tpu.memory_space<vmem>> -> memref<80x128xf32, #tpu.memory_space<vmem>>
    tpu.wait_dma2 semaphore(%arg15 : memref<!tpu.dma_semaphore, #tpu.memory_space<semaphore_mem>>) src(%dma_wait3A_2774 : memref<80x128xf32, #tpu.memory_space<vmem>>) dst(%dma_wait3A_2770 : memref<80x128xf32, #tpu.memory_space<hbm>>)
    %dma_wait3A_2775 = arith.constant 2 : i32
    %dma_wait3A_2776 = arith.constant 0 : i32
    %dma_wait3A_2777 = arith.constant 0 : i32
    %dma_wait3A_2778 = tpu.memref_slice %arg8[%dma_wait3A_2775, %dma_wait3A_2776, %dma_wait3A_2777] : memref<4x80x128xf32, #tpu.memory_space<vmem>> -> memref<1x80x128xf32, #tpu.memory_space<vmem>>
    %dma_wait3A_2779 = tpu.memref_squeeze %dma_wait3A_2778 : memref<1x80x128xf32, #tpu.memory_space<vmem>> -> memref<80x128xf32, #tpu.memory_space<vmem>>
    %dma_wait3A_2780 = arith.constant 0 : i32
    %dma_wait3A_2781 = arith.constant 0 : i32
    %dma_wait3A_2782 = tpu.memref_slice %arg5[%dma_wait3A_2780, %dma_wait3A_2781] : memref<102400x128xf32, #tpu.memory_space<hbm>> -> memref<80x128xf32, #tpu.memory_space<hbm>>
    %dma_wait3A_2783 = arith.constant 0 : i32
    %dma_wait3A_2784 = arith.constant 0 : i32
    %dma_wait3A_2785 = tpu.memref_slice %arg5[%dma_wait3A_2783, %dma_wait3A_2784] : memref<102400x128xf32, #tpu.memory_space<hbm>> -> memref<80x128xf32, #tpu.memory_space<hbm>>
    %dma_wait3A_2786 = arith.constant 0 : i32
    %dma_wait3A_2787 = arith.constant 0 : i32
    %dma_wait3A_2788 = tpu.memref_slice %arg8[%dma_wait3A_2775, %dma_wait3A_2786, %dma_wait3A_2787] : memref<4x80x128xf32, #tpu.memory_space<vmem>> -> memref<1x80x128xf32, #tpu.memory_space<vmem>>
    %dma_wait3A_2789 = tpu.memref_squeeze %dma_wait3A_2788 : memref<1x80x128xf32, #tpu.memory_space<vmem>> -> memref<80x128xf32, #tpu.memory_space<vmem>>
    tpu.wait_dma2 semaphore(%arg16 : memref<!tpu.dma_semaphore, #tpu.memory_space<semaphore_mem>>) src(%dma_wait3A_2789 : memref<80x128xf32, #tpu.memory_space<vmem>>) dst(%dma_wait3A_2785 : memref<80x128xf32, #tpu.memory_space<hbm>>)
    %dma_wait3A_2790 = arith.constant 3 : i32
    %dma_wait3A_2791 = arith.constant 0 : i32
    %dma_wait3A_2792 = arith.constant 0 : i32
    %dma_wait3A_2793 = tpu.memref_slice %arg8[%dma_wait3A_2790, %dma_wait3A_2791, %dma_wait3A_2792] : memref<4x80x128xf32, #tpu.memory_space<vmem>> -> memref<1x80x128xf32, #tpu.memory_space<vmem>>
    %dma_wait3A_2794 = tpu.memref_squeeze %dma_wait3A_2793 : memref<1x80x128xf32, #tpu.memory_space<vmem>> -> memref<80x128xf32, #tpu.memory_space<vmem>>
    %dma_wait3A_2795 = arith.constant 0 : i32
    %dma_wait3A_2796 = arith.constant 0 : i32
    %dma_wait3A_2797 = tpu.memref_slice %arg5[%dma_wait3A_2795, %dma_wait3A_2796] : memref<102400x128xf32, #tpu.memory_space<hbm>> -> memref<80x128xf32, #tpu.memory_space<hbm>>
    %dma_wait3A_2798 = arith.constant 0 : i32
    %dma_wait3A_2799 = arith.constant 0 : i32
    %dma_wait3A_2800 = tpu.memref_slice %arg5[%dma_wait3A_2798, %dma_wait3A_2799] : memref<102400x128xf32, #tpu.memory_space<hbm>> -> memref<80x128xf32, #tpu.memory_space<hbm>>
    %dma_wait3A_2801 = arith.constant 0 : i32
    %dma_wait3A_2802 = arith.constant 0 : i32
    %dma_wait3A_2803 = tpu.memref_slice %arg8[%dma_wait3A_2790, %dma_wait3A_2801, %dma_wait3A_2802] : memref<4x80x128xf32, #tpu.memory_space<vmem>> -> memref<1x80x128xf32, #tpu.memory_space<vmem>>
    %dma_wait3A_2804 = tpu.memref_squeeze %dma_wait3A_2803 : memref<1x80x128xf32, #tpu.memory_space<vmem>> -> memref<80x128xf32, #tpu.memory_space<vmem>>
    tpu.wait_dma2 semaphore(%arg17 : memref<!tpu.dma_semaphore, #tpu.memory_space<semaphore_mem>>) src(%dma_wait3A_2804 : memref<80x128xf32, #tpu.memory_space<vmem>>) dst(%dma_wait3A_2800 : memref<80x128xf32, #tpu.memory_space<hbm>>)
    return
  }
}

</mosaic_0001>

<sc_bundles>
// kernel: _emb_lookup.3.cloned.1.call-start
scs
__scs_entry_jumppad:
0x0: {  	(pc) =	sbr.rel $0x88, $3  }
0x1: {  	(tag) =	ssettag $0x0;
	lr =	simm.s32 $0x1  }
0x2: {  	[smem:$0x3F9E] =	sst lr;
	_ =	strace $0xD0000000  }
0x3: {  	_ = 	snop  }
0x4: {  	_ = 	snop  }
0x5: {  	_ = 	snop  }
0x6: {  	_ = 	snop  }
0x7: {  	_ = 	snop  }
__scs_overlays_trampoline_lowered:
0x8: {  	[smem:$0x3FAD] =	sst s0  }
0x9: {  	[smem:$0x3FAE] =	sst s1  }
0xa: {  	[smem:$0x3FAF] =	sst s2  }
0xb: {  	[smem:$0x3FB0] =	sst s3  }
0xc: {  	[smem:$0x3FB1] =	sst s4  }
0xd: {  	[smem:$0x3FB2] =	sst s5  }
0xe: {  	[smem:$0x3FB3] =	sst s6  }
0xf: {  	[smem:$0x3FB4] =	sst s7  }
0x10: {  	[smem:$0x3FB5] =	sst s8  }
0x11: {  	[smem:$0x3FB6] =	sst s9;
	s0 =	simm.s32 @!p0 $0x0  }
0x12: {  	s1 =	sld [smem:$0x3F9C];
	s0 =	simm.s32 @p0 $0x1  }
0x13: {  	[smem:$0x3FB7] =	sst s0;
	s0 =	simm.s32 @!p1 $0x0  }
0x14: {  	s2 =	sld [smem:$0x3F9B];
	s0 =	simm.s32 @p1 $0x1  }
0x15: {  	[smem:$0x3FB8] =	sst s0;
	s0 =	simm.s32 @!p2 $0x0  }
0x16: {  	s3 =	sld [smem:$0x3FDB];
	s0 =	simm.s32 @p2 $0x1  }
0x17: {  	s4 =	simm.s32 $0x1BF5;
	[smem:$0x3FBA] =	sst s0  }
0x18: {  	s0 =	sld [smem:$0x3F9D];
	_ =	swait.ge [sflag:s4], $0x0  }
0x19: {  	s7 =	sld [smem:$0x3F9E]  }
0x1a: {  	s8 =	sadd.s32 $0xFFFFE003, lr  }
0x1b: {  	s9 =	sadd.s32 $0xFFFFFEF7, lr;
	s5 =	simm.s32 $0xFFFFFFFF;
	p2 =	slt.u32 s8, $0xFFFFF086  }
0x1c: {  	p1 =	slt.u32 s9, $0xF7A;
	s5 =	simm.s32 @!p2 $0x0  }
0x1d: {  	s5 =	simm.s32 @p1 $0x1;
	p0 =	seq.s32 s7, s2  }
0x1e: {  	s7 =	smul.u32 @!p0 $0xF7A, s2;
	p2 =	seq.s32 @!p0 s5, $0x0  }
0x1f: {  	s9 =	smul.u32 $0xF7A, s1;
	s8 =	simm.s32 @!p0 $0x1BF5;
	p2 =	por !p2, p0  }
0x20: {  	[sflag:s8] =	ssyncset.s32 @!p0 $0xFFFFF086;
	s6 =	sadd.s32 @!p0 s3, s7;
	s7 =	simm.s32 @!p0 $0x108  }
0x21: {  	s3 =	sadd.s32 s3, s9;
	s6 =	sadd.s32 @!p0 $0x88, s6;
	s7 =	simm.s32 @p2 $0x1082  }
0x22: {  	[simem:s7], [sflag:s8] =	dma.local @!p0 [hbm:s6], $0xF7A  }
0x23: {  	s9 =	sor.u32 $0xD0000000, s2;
	s6 =	simm.s32 $0x108;
	_ =	swait.ge @!p0 [sflag:s8], $0x0  }
0x24: {  	s3 =	sadd.s32 $0x88, s3;
	s6 =	simm.s32 @!p1 $0x1082;
	[sflag:s4] =	ssyncset.s32 $0xFFFFF086  }
0x25: {  	[simem:s6], [sflag:s4] =	dma.local [hbm:s3], $0xF7A  }
0x26: {  	[smem:$0x3F9E] =	sst s1;
	(tag) =	ssettag s2;
	_ =	strace s9  }
0x27: {  	s1 =	sld [smem:$0x3FAE]  }
0x28: {  	s2 =	sld [smem:$0x3FAF]  }
0x29: {  	s4 =	sld [smem:$0x3FB1]  }
0x2a: {  	p0 =	seq.s32 s5, $0x0;
	s5 =	sld [smem:$0x3FB2]  }
0x2b: {  	s6 =	sld [smem:$0x3FB3]  }
0x2c: {  	s7 =	sld [smem:$0x3FB4]  }
0x2d: {  	s3 =	simm.s32 $0x108;
	s8 =	sld [smem:$0x3FB5]  }
0x2e: {  	s3 =	simm.s32 @!p0 $0x1082;
	s9 =	sld [smem:$0x3FB6]  }
0x2f: {  	lr =	sadd.s32 s0, s3;
	s0 =	sld [smem:$0x3FAD]  }
0x30: {  	s3 =	sld [smem:$0x3FB0]  }
0x31: {  	[smem:$0x3FB9] =	sst s10  }
0x32: {  	s10 =	sld [smem:$0x3FB7];
	_ =	sdelay $0x3  }
0x33: {  	p0 =	seq.s32 s10, $0x1;
	s10 =	sld [smem:$0x3FB9];
	_ =	sdelay $0x3  }
0x34: {  	[smem:$0x3FB9] =	sst s10  }
0x35: {  	s10 =	sld [smem:$0x3FB8];
	_ =	sdelay $0x3  }
0x36: {  	p1 =	seq.s32 s10, $0x1;
	s10 =	sld [smem:$0x3FB9];
	_ =	sdelay $0x3  }
0x37: {  	[smem:$0x3FB9] =	sst s10  }
0x38: {  	s10 =	sld [smem:$0x3FBA]  }
0x39: {  	_ = 	snop;
	(pc) =	sbr.ind lr, $3  }
0x3a: {  	_ = 	snop  }
0x3b: {  	_ = 	snop  }
0x3c: {  	p2 =	seq.s32 s10, $0x1;
	s10 =	sld [smem:$0x3FB9]  }
0x3d: {  	_ =	shalt  }
0x3e: {  	_ =	shalt  }
0x3f: {  	_ =	shalt  }
0x40: {  	_ =	shalt  }
0x41: {  	_ =	shalt  }
0x42: {  	_ =	shalt  }
0x43: {  	_ =	shalt  }
0x44: {  	_ =	shalt  }
0x45: {  	_ =	shalt  }
0x46: {  	_ =	shalt  }
0x47: {  	_ =	shalt  }
0x48: {  	_ =	shalt  }
0x49: {  	_ =	shalt  }
0x4a: {  	_ =	shalt  }
0x4b: {  	_ =	shalt  }
0x4c: {  	_ =	shalt  }
0x4d: {  	_ =	shalt  }
0x4e: {  	_ =	shalt  }
0x4f: {  	_ =	shalt  }
0x50: {  	_ =	shalt  }
0x51: {  	_ =	shalt  }
0x52: {  	_ =	shalt  }
0x53: {  	_ =	shalt  }
0x54: {  	_ =	shalt  }
0x55: {  	_ =	shalt  }
0x56: {  	_ =	shalt  }
0x57: {  	_ =	shalt  }
0x58: {  	_ =	shalt  }
0x59: {  	_ =	shalt  }
0x5a: {  	_ =	shalt  }
0x5b: {  	_ =	shalt  }
0x5c: {  	_ =	shalt  }
0x5d: {  	_ =	shalt  }
0x5e: {  	_ =	shalt  }
0x5f: {  	_ =	shalt  }
0x60: {  	_ =	shalt  }
0x61: {  	_ =	shalt  }
0x62: {  	_ =	shalt  }
0x63: {  	_ =	shalt  }
0x64: {  	_ =	shalt  }
0x65: {  	_ =	shalt  }
0x66: {  	_ =	shalt  }
0x67: {  	_ =	shalt  }
0x68: {  	_ =	shalt  }
0x69: {  	_ =	shalt  }
0x6a: {  	_ =	shalt  }
0x6b: {  	_ =	shalt  }
0x6c: {  	_ =	shalt  }
0x6d: {  	_ =	shalt  }
0x6e: {  	_ =	shalt  }
0x6f: {  	_ =	shalt  }
0x70: {  	_ =	shalt  }
0x71: {  	_ =	shalt  }
0x72: {  	_ =	shalt  }
0x73: {  	_ =	shalt  }
0x74: {  	_ =	shalt  }
0x75: {  	_ =	shalt  }
0x76: {  	_ =	shalt  }
0x77: {  	_ =	shalt  }
0x78: {  	_ =	shalt  }
0x79: {  	_ =	shalt  }
0x7a: {  	_ =	shalt  }
0x7b: {  	_ =	shalt  }
0x7c: {  	_ =	shalt  }
0x7d: {  	_ =	shalt  }
0x7e: {  	_ =	shalt  }
0x7f: {  	_ =	shalt  }
0x80: {  	_ =	shalt  }
0x81: {  	_ =	shalt  }
0x82: {  	_ =	shalt  }
0x83: {  	_ =	shalt  }
0x84: {  	_ =	shalt  }
0x85: {  	_ =	shalt  }
0x86: {  	_ =	shalt  }
0x87: {  	_ =	shalt  }
.Lfunc_end0:
.L_simem_size_0:
called_computation_lowered:
.L_overlay_start_0:
0x88: {  	s2 =	sld [smem:$0x3FD9]  }
0x89: {  	s3 =	sld [smem:$0x3FFE];
	_ =	sdelay $0x1  }
0x8a: {  	s1 =	srdreg.scid  }
0x8b: {  	s0 =	sand.u32 $0x1, s1  }
0x8c: {  	s18 =	sshll.u32 s0, $0xA;
	s2 =	sadd.s32 s3, s2  }
0x8d: {  	s2 =	sadd.s32 s2, s18  }
0x8e: {  	[smem:$0x3FC5] =	sst s2  }
0x8f: {  	_ = 	snop  }
0x90: {  	s2 =	sld [smem:$0x3FC9]  }
0x91: {  	s19 =	sld [smem:$0x3FC8]  }
0x92: {  	s4 =	sld [smem:$0x3FD0];
	(tm) =	ssettm $0x1  }
0x93: {  	s5 =	sld [smem:$0x3FFB];
	_ =	sdelay $0x3  }
0x94: {  	_ =	strace s5  }
0x95: {  	s5 =	sld [smem:$0x3FFC];
	_ =	sdelay $0x3  }
0x96: {  	_ =	strace s5  }
0x97: {  	s5 =	sld [smem:$0x3FFD];
	_ =	sdelay $0x3  }
0x98: {  	_ =	strace s5  }
0x99: {  	_ =	strace $0x8FFFFFFF  }
0x9a: {  	s20 =	sld [smem:$0x3FDB];
	_ =	sdelay $0x1  }
0x9b: {  	s6 =	simm.s32 $_scs_section_size  }
0x9c: {  	s7 =	simm.s32 $_size__tile_overlayer_lowered;
	s8 =	simm.s32 $_tile_overlayer_lowered  }
0x9d: {  	s23 =	simm.s32 $0x1BFF;
	s22 =	sshll.u32 s8, $0x1;
	s5 =	sadd.s32 s6, s20  }
0x9e: {  	s9 =	simm.s32 $0x0;
	s21 =	sshll.u32 s7, $0x1;
	s7 =	sadd.s32 s22, s5  }
0x9f: {  	[timem:s9], [sflag:s23] =	dma.local [hbm:s7], s21  }
0xa0: {  	_ =	swait.ge [sflag:s23], s21  }
0xa1: {  	s6 =	ssub.s32 $0x0, s21;
	[sflag:s23] =	ssyncset.done $0x0  }
0xa2: {  	[sflag:s23] =	ssyncadd.s32 s6;
	_ =	sdelay $0x1  }
0xa3: {  	s24 =	simm.s32 $0x1B8B  }
0xa4: {  	_ =	swait.ge [sflag:s24], $0x1  }
0xa5: {  	[sflag:s24] =	ssyncset.done $0x0  }
0xa6: {  	s25 =	simm.s32 $0x1B8E;
	[sflag:s24] =	ssyncadd.s32 $0xFFFFFFFF  }
0xa7: {  	s26 =	simm.s32 $execute0_lowered;
	[smem:$0x3FD2] =	sst s25  }
0xa8: {  	s6 =	sshll.u32 s26, $0x1;
	_ =	strace $0x80000046;
	[dreg:$0x1] =	wrdreg $0xFFFFFFFF  }
0xa9: {  	s28 =	simm.s32 $_size_execute0_lowered;
	s5 =	sadd.s32 s5, s6;
	[dreg:$0x0] =	wrdreg $0x0  }
0xaa: {  	s6 =	sshll.u32 s28, $0x1;
	[dreg:$0x2] =	wrdreg s5  }
0xab: {  	[dreg:$0x3] =	wrdreg s6  }
0xac: {  	[dreg:$0x4] =	wrdreg $0xC0  }
0xad: {  	_ =	task [dreg:s9], $0x5FFFF  }
0xae: {  	[dreg:$0x1] =	wrdreg $0xFFFFFFFF  }
0xaf: {  	[dreg:$0x0] =	wrdreg $0x60  }
0xb0: {  	[dreg:$0x2] =	wrdreg s2  }
0xb1: {  	[dreg:$0x3] =	wrdreg s19  }
0xb2: {  	[dreg:$0x4] =	wrdreg s4  }
0xb3: {  	[dreg:$0x5] =	wrdreg $0xBB000  }
0xb4: {  	[dreg:$0x6] =	wrdreg $0x9  }
0xb5: {  	_ =	task.clear_ibuf [dreg:s9], $0x7FFFF;
	_ =	strace $0x90000046  }
0xb6: {  	s29 =	simm.s32 $0x9;
	_ =	strace $0x80000048  }
0xb7: {  	_ =	swait.ge [sflag:s29], $0x1  }
0xb8: {  	[sflag:s29] =	ssyncadd.s32 $0xFFFFFFFF  }
0xb9: {  	_ =	strace $0x90000048  }
0xba: {  	_ =	sfence  }
0xbb: {  	s30 =	sld [smem:$0x0];
	_ =	sdelay $0x2  }
0xbc: {  	s31 =	sshll.u32 s1, $0xD;
	s1 =	sshrl.u32 s1, $0x2  }
0xbd: {  	s3 =	sand.u32 $0x4000, s31;
	s1 =	sadd.s32 s1, s30  }
0xbe: {  	s0 =	sor.u32 s3, s0;
	s1 =	sshll.u32 s1, $0x11  }
0xbf: {  	s0 =	sor.u32 s1, s0  }
0xc0: {  	s0 =	sadd.s32 $0x8F2B, s0  }
0xc1: {  	[sflag:s0] =	ssyncadd.remote.s32 $0x1  }
0xc2: {  	_ =	sfence.sel $0xFFFF  }
0xc3: {  	[dreg:$0x0] =	wrdreg $0xFFFFFFFF;
	(pc) =	sbr.abs _section_cstart, $3  }
0xc4: {  	[dreg:$0x1] =	wrdreg $0xFFFFFFFF  }
0xc5: {  	_ =	task.clear_ibuf [dreg:s9], $0x2FFFF;
	_ =	strace $0x9FFFFFFF  }
0xc6: {  	(tm) =	ssettm $0x7FFFFFFF  }
0xc7: {  	_ =	shalt  }
tec
execute0_lowered:
.L_overlay_start_1:
0x0: {  	(tag) =	ssettag $0x1  }
0x1: {  	s0 =	rddreg [dreg:$0x0]  }
0x2: {  	s1 =	rddreg [dreg:$0x1]  }
0x3: {  	s4 =	rddreg [dreg:$0x2]  }
0x4: {  	s24 =	rddreg [dreg:$0x3];
	s3 =	srdreg.scid;
	s2 =	simm.s32 $0x0  }
0x5: {  	s7 =	stileid.u32;
	s31 =	simm.s32 $0x1C09;
	s5 =	sand.u32 $0x1, s3  }
0x6: {  	[smem:$0x7FF] =	sst s2;
	s22 =	sshll.u32 s7, $0x1;
	s10 =	sadd.s32 $0x4000, s24  }
0x7: {  	s11 =	sadd.s32 $0x6000, s24;
	s12 =	sadd.s32 $0x8000, s24;
	s13 =	sadd.s32 $0xA000, s24  }
0x8: {  	s14 =	sadd.s32 $0xC000, s24;
	s15 =	sadd.s32 $0xE000, s24;
	s16 =	sadd.s32 $0x10000, s24  }
0x9: {  	s17 =	sadd.s32 $0x12000, s24;
	s18 =	sadd.s32 $0x14000, s24;
	s19 =	sadd.s32 $0x16000, s24  }
0xa: {  	s20 =	sadd.s32 $0x18000, s24;
	s21 =	sadd.s32 $0x1A000, s24;
	s10 =	sshrl.u32 s10, $0x3  }
0xb: {  	_ =	strace $0x80000047;
	s11 =	sshrl.u32 s11, $0x3;
	[dreg:$0xc] =	wrdreg s10  }
0xc: {  	s28 =	sshll.u32 s7, $0xD;
	s12 =	sshrl.u32 s12, $0x3;
	[dreg:$0xd] =	wrdreg s11  }
0xd: {  	s29 =	sadd.s32 $0x1E000, s24;
	s13 =	sshrl.u32 s13, $0x3;
	[dreg:$0xe] =	wrdreg s12  }
0xe: {  	p0 =	sne.s32 s7, $0x0;
	s14 =	sshrl.u32 s14, $0x3;
	[dreg:$0xf] =	wrdreg s13  }
0xf: {  	s3 =	ssub.s32 $0x2, s5;
	s15 =	sshrl.u32 s15, $0x3;
	[dreg:$0x10] =	wrdreg s14  }
0x10: {  	s23 =	sshll.u32 s5, $0xA;
	s16 =	sshrl.u32 s16, $0x3;
	[dreg:$0x11] =	wrdreg s15  }
0x11: {  	s9 =	sor.u32 s5, s22;
	s17 =	sshrl.u32 s17, $0x3;
	[dreg:$0x12] =	wrdreg s16  }
0x12: {  	s22 =	smul.u32 $0x19000, s7;
	s18 =	sshrl.u32 s18, $0x3;
	[dreg:$0x13] =	wrdreg s17  }
0x13: {  	s26 =	smul.u32 $0xC800, s5;
	s19 =	sshrl.u32 s19, $0x3;
	[dreg:$0x14] =	wrdreg s18  }
0x14: {  	s20 =	sshrl.u32 s20, $0x3;
	s25 =	smul.u32 $0x320, s9;
	[dreg:$0x15] =	wrdreg s19  }
0x15: {  	s6 =	sshrl.u32 s3, $0x1;
	s9 =	smul.u32 $0xC800, s9;
	[dreg:$0x16] =	wrdreg s20  }
0x16: {  	s11 =	simm.s32 $0x50;
	s12 =	simm.s32 $0x1900;
	s13 =	simm.s32 $0x1B00  }
0x17: {  	s14 =	simm.s32 $0x1980;
	s15 =	simm.s32 $0x4300;
	s16 =	simm.s32 $0x1A00  }
0x18: {  	s17 =	simm.s32 $0x6B00;
	s18 =	simm.s32 $0x1;
	s8 =	ssub.s32 s3, s6  }
0x19: {  	s3 =	sadd.s32 s0, s23;
	s0 =	sadd.s32 $0x2000, s24;
	s1 =	sadd.s32 s1, s25  }
0x1a: {  	s23 =	sadd.s32 $0x1C000, s24;
	s8 =	smax.u32 s8, $0x1;
	[dreg:$0x6] =	wrdreg s1  }
0x1b: {  	s5 =	sadd.s32 s4, s9;
	s0 =	sshrl.u32 s0, $0x3;
	[dreg:$0xa] =	wrdreg s8  }
0x1c: {  	s4 =	sadd.s32 s22, s4;
	s22 =	sshrl.u32 s21, $0x3;
	[dreg:$0xb] =	wrdreg s0  }
0x1d: {  	s6 =	sadd.s32 s28, s24;
	s24 =	sshrl.u32 s23, $0x3;
	[dreg:$0x17] =	wrdreg s22  }
0x1e: {  	s19 =	simm.s32 $0x1A80;
	s25 =	sshrl.u32 s29, $0x3;
	[dreg:$0x18] =	wrdreg s24  }
0x1f: {  	s20 =	simm.s32 $0x9300;
	s30 =	sadd.s32 $0x500, s5;
	[dreg:$0x19] =	wrdreg s25  }
0x20: {  	s21 =	simm.s32 $0x2;
	s1 =	sadd.s32 s26, s4;
	[dreg:$0x7] =	wrdreg s30  }
0x21: {  	s23 =	simm.s32 $0x3;
	s4 =	sadd.s32 $0xA00, s5;
	[dreg:$0x5] =	wrdreg s1  }
0x22: {  	s7 =	sadd.s32 $0xF00, s5;
	s26 =	sadd.s32 $0xB400, s5;
	[dreg:$0x8] =	wrdreg s4  }
0x23: {  	v0 =	vlaneseq.u32;
	s28 =	sadd.s32 $0xB900, s5;
	s29 =	sadd.s32 $0xBE00, s5;
	[dreg:$0x9] =	wrdreg s7  }
0x24: {  	v0 =	vand.u32 $0x7, v0;
	s0 =	simm.s32 $0x9;
	s22 =	simm.s32 $0x5;
	[dreg:$0x1a] =	wrdreg s26  }
0x25: {  	v0 =	vmul.u32 $0x2, v0;
	s24 =	simm.s32 $0x6;
	s25 =	simm.s32 $0x4;
	[dreg:$0x1b] =	wrdreg s28  }
0x26: {  	[dreg:$0x1c] =	wrdreg s29;
	s30 =	sadd.s32 $0xC300, s5;
	s1 =	simm.s32 $0x7  }
0x27: {  	vm0 =	vmmov $0xff;
	v1 =	vor.u32 $0x1, v0;
	s4 =	simm.s32 $0x8;
	s7 =	simm.s32 $0x0;
	[dreg:$0x1d] =	wrdreg s30  }
.LBB2_1:
.Ltmp0:
0x28: {  	(pc) =	sbr.rel @p0 .LBB2_3-.Ltmp0, $1  }
0x29: {  	_ =	sdelay $0x3  }
0x2a: {  	s8 =	rddreg [dreg:$0x3]  }
0x2b: {  	s8 =	sshrl.u32 s8, $0x3  }
0x2c: {  	[spmem:s8], [sflag:s31] =	dma.local [hbm:s3], $0x400  }
0x2d: {  	_ =	swait.ge [sflag:s0], $0x400  }
0x2e: {  	[sflag:s0] =	ssyncset.done $0x0  }
0x2f: {  	s28 =	rddreg [dreg:$0xb];
	[sflag:s0] =	ssyncadd.s32 $0xFFFFFC00  }
0x30: {  	[spmem:s28], [sflag:s31] =	dma.local [hbm:s3], $0x400  }
0x31: {  	_ =	swait.ge [sflag:s0], $0x400  }
0x32: {  	[sflag:s0] =	ssyncset.done $0x0  }
0x33: {  	s29 =	rddreg [dreg:$0xc];
	[sflag:s0] =	ssyncadd.s32 $0xFFFFFC00  }
0x34: {  	[spmem:s29], [sflag:s31] =	dma.local [hbm:s3], $0x400  }
0x35: {  	_ =	swait.ge [sflag:s0], $0x400  }
0x36: {  	[sflag:s0] =	ssyncset.done $0x0  }
0x37: {  	s30 =	rddreg [dreg:$0xd];
	[sflag:s0] =	ssyncadd.s32 $0xFFFFFC00  }
0x38: {  	[spmem:s30], [sflag:s31] =	dma.local [hbm:s3], $0x400  }
0x39: {  	_ =	swait.ge [sflag:s0], $0x400  }
0x3a: {  	[sflag:s0] =	ssyncset.done $0x0  }
0x3b: {  	s9 =	rddreg [dreg:$0xe];
	[sflag:s0] =	ssyncadd.s32 $0xFFFFFC00  }
0x3c: {  	[spmem:s9], [sflag:s31] =	dma.local [hbm:s3], $0x400  }
0x3d: {  	_ =	swait.ge [sflag:s0], $0x400  }
0x3e: {  	[sflag:s0] =	ssyncset.done $0x0  }
0x3f: {  	s10 =	rddreg [dreg:$0xf];
	[sflag:s0] =	ssyncadd.s32 $0xFFFFFC00  }
0x40: {  	[spmem:s10], [sflag:s31] =	dma.local [hbm:s3], $0x400  }
0x41: {  	_ =	swait.ge [sflag:s0], $0x400  }
0x42: {  	[sflag:s0] =	ssyncset.done $0x0  }
0x43: {  	s26 =	rddreg [dreg:$0x10];
	[sflag:s0] =	ssyncadd.s32 $0xFFFFFC00  }
0x44: {  	[spmem:s26], [sflag:s31] =	dma.local [hbm:s3], $0x400  }
0x45: {  	_ =	swait.ge [sflag:s0], $0x400  }
0x46: {  	[sflag:s0] =	ssyncset.done $0x0  }
0x47: {  	s28 =	rddreg [dreg:$0x11];
	[sflag:s0] =	ssyncadd.s32 $0xFFFFFC00  }
0x48: {  	[spmem:s28], [sflag:s31] =	dma.local [hbm:s3], $0x400  }
0x49: {  	_ =	swait.ge [sflag:s0], $0x400  }
0x4a: {  	[sflag:s0] =	ssyncset.done $0x0  }
0x4b: {  	s29 =	rddreg [dreg:$0x12];
	[sflag:s0] =	ssyncadd.s32 $0xFFFFFC00  }
0x4c: {  	[spmem:s29], [sflag:s31] =	dma.local [hbm:s3], $0x400  }
0x4d: {  	_ =	swait.ge [sflag:s0], $0x400  }
0x4e: {  	[sflag:s0] =	ssyncset.done $0x0  }
0x4f: {  	s30 =	rddreg [dreg:$0x13];
	[sflag:s0] =	ssyncadd.s32 $0xFFFFFC00  }
0x50: {  	[spmem:s30], [sflag:s31] =	dma.local [hbm:s3], $0x400  }
0x51: {  	_ =	swait.ge [sflag:s0], $0x400  }
0x52: {  	[sflag:s0] =	ssyncset.done $0x0  }
0x53: {  	s9 =	rddreg [dreg:$0x14];
	[sflag:s0] =	ssyncadd.s32 $0xFFFFFC00  }
0x54: {  	[spmem:s9], [sflag:s31] =	dma.local [hbm:s3], $0x400  }
0x55: {  	_ =	swait.ge [sflag:s0], $0x400  }
0x56: {  	[sflag:s0] =	ssyncset.done $0x0  }
0x57: {  	s10 =	rddreg [dreg:$0x15];
	[sflag:s0] =	ssyncadd.s32 $0xFFFFFC00  }
0x58: {  	[spmem:s10], [sflag:s31] =	dma.local [hbm:s3], $0x400  }
0x59: {  	_ =	swait.ge [sflag:s0], $0x400  }
0x5a: {  	[sflag:s0] =	ssyncset.done $0x0  }
0x5b: {  	s26 =	rddreg [dreg:$0x16];
	[sflag:s0] =	ssyncadd.s32 $0xFFFFFC00  }
0x5c: {  	[spmem:s26], [sflag:s31] =	dma.local [hbm:s3], $0x400  }
0x5d: {  	_ =	swait.ge [sflag:s0], $0x400  }
0x5e: {  	[sflag:s0] =	ssyncset.done $0x0  }
0x5f: {  	s28 =	rddreg [dreg:$0x17];
	[sflag:s0] =	ssyncadd.s32 $0xFFFFFC00  }
0x60: {  	[spmem:s28], [sflag:s31] =	dma.local [hbm:s3], $0x400  }
0x61: {  	_ =	swait.ge [sflag:s0], $0x400  }
0x62: {  	[sflag:s0] =	ssyncset.done $0x0  }
0x63: {  	s29 =	rddreg [dreg:$0x18];
	[sflag:s0] =	ssyncadd.s32 $0xFFFFFC00  }
0x64: {  	[spmem:s29], [sflag:s31] =	dma.local [hbm:s3], $0x400  }
0x65: {  	_ =	swait.ge [sflag:s0], $0x400  }
0x66: {  	[sflag:s0] =	ssyncset.done $0x0  }
0x67: {  	s30 =	rddreg [dreg:$0x19];
	[sflag:s0] =	ssyncadd.s32 $0xFFFFFC00  }
0x68: {  	[spmem:s30], [sflag:s31] =	dma.local [hbm:s3], $0x400  }
0x69: {  	_ =	swait.ge [sflag:s0], $0x400  }
0x6a: {  	[sflag:s0] =	ssyncset.done $0x0  }
0x6b: {  	[sflag:s0] =	ssyncadd.s32 $0xFFFFFC00  }
.LBB2_3:
0x6c: {  	[bflag:$0x0] =	sbarrier.arrive $0xFFFF  }
0x6d: {  	s8 =	simm.s32 $0x0;
	s9 =	rddreg [dreg:$0x6]  }
0x6e: {  	[tilespmem:s8], [sflag:$0x9] =	stream.linear.gather [hbm4b:s9+s8], $0x1900, $0x38;
	[tilespmem:$0xDB00] =	vst v63  }
0x6f: {  	_ =	swait.ge [sflag:s0], $0x1900  }
0x70: {  	[sflag:s0] =	ssyncset.done $0x0  }
0x71: {  	[sflag:s0] =	ssyncadd.s32 $0xFFFFE700  }
0x72: {  	v2 =	vld [tilespmem:$0x0]  }
0x73: {  	v3 =	vld [tilespmem:$0x10]  }
0x74: {  	v4 =	vld [tilespmem:$0x20]  }
0x75: {  	v5 =	vld [tilespmem:$0x30]  }
0x76: {  	v9 =	vld [tilespmem:$0x50]  }
0x77: {  	v12 =	vld [tilespmem:$0x60];
	v7 =	vperm.xlane v2, v0  }
0x78: {  	v6 =	vld [tilespmem:$0x40];
	v8 =	vperm.xlane v3, v0;
	v2 =	vperm.xlane v2, v1  }
0x79: {  	v3 =	vperm.xlane v3, v1;
	v10 =	vperm.xlane v4, v0  }
0x7a: {  	v13 =	vld [tilespmem:$0x90];
	v11 =	vperm.xlane v5, v0;
	v4 =	vperm.xlane v4, v1  }
0x7b: {  	v5 =	vperm.xlane v5, v1;
	v54 =	vperm.xlane v9, v0  }
0x7c: {  	v52 =	vld [tilespmem:$0x70];
	v9 =	vperm.xlane v9, v1;
	v55 =	vperm.xlane v12, v1;
	v7 =	vsel vm0, v7, v8  }
0x7d: {  	v53 =	vld [tilespmem:$0x80];
	v2 =	vsel vm0, v2, v3;
	v4 =	vsel vm0, v4, v5;
	v5 =	vperm.xlane v6, v0  }
0x7e: {  	v6 =	vperm.xlane v6, v1;
	v3 =	vshll.u32 v7, $0x3;
	v7 =	vsel vm0, v10, v11  }
0x7f: {  	v56 =	vperm.xlane v13, v0;
	v7 =	vshll.u32 v7, $0x3;
	v2 =	vadd.s32 v3, v2  }
0x80: {  	v3 =	vadd.s32 v7, v4;
	v4 =	vsel vm0, v5, v54;
	v5 =	vsel vm0, v6, v9  }
0x81: {  	v6 =	vperm.xlane v12, v0;
	v7 =	vperm.xlane v52, v0;
	v4 =	vshll.u32 v4, $0x3  }
0x82: {  	v8 =	vperm.xlane v52, v1;
	v4 =	vadd.s32 v4, v5;
	v5 =	vperm.xlane v53, v0  }
0x83: {  	[tilespmem:$0x1900] =	vst v2;
	v2 =	vsel vm0, v6, v7;
	v6 =	vperm.xlane v53, v1;
	v7 =	vperm.xlane v13, v1  }
0x84: {  	[tilespmem:$0x1910] =	vst v3;
	v3 =	vsel vm0, v55, v8;
	v2 =	vshll.u32 v2, $0x3;
	v5 =	vsel vm0, v5, v56  }
0x85: {  	[tilespmem:$0x1920] =	vst v4;
	v2 =	vadd.s32 v2, v3;
	v3 =	vsel vm0, v6, v7;
	v4 =	vshll.u32 v5, $0x3  }
0x86: {  	[tilespmem:$0x1930] =	vst v2;
	v2 =	vadd.s32 v4, v3  }
0x87: {  	[tilespmem:$0x1940] =	vst v2  }
0x88: {  	[tilespmem:s13], [sflag:$0x1] =	stream.indirect.gather [spmem:s6], $0x80, s12, s11, $0xb8;
	[tilespmem:$0xDB00] =	vst v63  }
0x89: {  	v2 =	vld [tilespmem:$0xA0]  }
0x8a: {  	v3 =	vld [tilespmem:$0xB0]  }
0x8b: {  	v4 =	vld [tilespmem:$0xC0]  }
0x8c: {  	v5 =	vld [tilespmem:$0xD0]  }
0x8d: {  	v58 =	vld [tilespmem:$0xF0]  }
0x8e: {  	v61 =	vld [tilespmem:$0x100];
	v7 =	vperm.xlane v2, v0  }
0x8f: {  	v6 =	vld [tilespmem:$0xE0];
	v57 =	vperm.xlane v3, v0;
	v2 =	vperm.xlane v2, v1  }
0x90: {  	v3 =	vperm.xlane v3, v1;
	v59 =	vperm.xlane v4, v0  }
0x91: {  	v62 =	vld [tilespmem:$0x110];
	v60 =	vperm.xlane v5, v0;
	v4 =	vperm.xlane v4, v1  }
0x92: {  	v5 =	vperm.xlane v5, v1;
	v16 =	vperm.xlane v58, v0  }
0x93: {  	v63 =	vld [tilespmem:$0x120];
	v9 =	vperm.xlane v58, v1;
	v18 =	vperm.xlane v61, v1;
	v7 =	vsel vm0, v7, v57  }
0x94: {  	v17 =	vld [tilespmem:$0x130];
	v2 =	vsel vm0, v2, v3;
	v4 =	vsel vm0, v4, v5;
	v5 =	vperm.xlane v6, v0  }
0x95: {  	v6 =	vperm.xlane v6, v1;
	v3 =	vshll.u32 v7, $0x3;
	v7 =	vsel vm0, v59, v60  }
0x96: {  	v8 =	vperm.xlane v62, v1;
	v7 =	vshll.u32 v7, $0x3;
	v2 =	vadd.s32 v3, v2  }
0x97: {  	v3 =	vadd.s32 v7, v4;
	v4 =	vsel vm0, v5, v16;
	v5 =	vsel vm0, v6, v9  }
0x98: {  	v6 =	vperm.xlane v61, v0;
	v7 =	vperm.xlane v62, v0;
	v4 =	vshll.u32 v4, $0x3  }
0x99: {  	v19 =	vperm.xlane v17, v0;
	v4 =	vadd.s32 v4, v5;
	v5 =	vperm.xlane v63, v0  }
0x9a: {  	[tilespmem:$0x1980] =	vst v2;
	v2 =	vsel vm0, v6, v7;
	v6 =	vperm.xlane v63, v1;
	v7 =	vperm.xlane v17, v1  }
0x9b: {  	[tilespmem:$0x1990] =	vst v3;
	v3 =	vsel vm0, v18, v8;
	v2 =	vshll.u32 v2, $0x3;
	v5 =	vsel vm0, v5, v19  }
0x9c: {  	[tilespmem:$0x19A0] =	vst v4;
	v2 =	vadd.s32 v2, v3;
	v3 =	vsel vm0, v6, v7;
	v4 =	vshll.u32 v5, $0x3  }
0x9d: {  	[tilespmem:$0x19B0] =	vst v2;
	v2 =	vadd.s32 v4, v3  }
0x9e: {  	[tilespmem:$0x19C0] =	vst v2  }
0x9f: {  	[tilespmem:s15], [sflag:$0x2] =	stream.indirect.gather [spmem:s6], $0x80, s14, s11, $0xb8;
	[tilespmem:$0xDB00] =	vst v63  }
0xa0: {  	v2 =	vld [tilespmem:$0x140]  }
0xa1: {  	v3 =	vld [tilespmem:$0x150]  }
0xa2: {  	v4 =	vld [tilespmem:$0x160]  }
0xa3: {  	v5 =	vld [tilespmem:$0x170]  }
0xa4: {  	v21 =	vld [tilespmem:$0x190]  }
0xa5: {  	v24 =	vld [tilespmem:$0x1A0];
	v7 =	vperm.xlane v2, v0  }
0xa6: {  	v6 =	vld [tilespmem:$0x180];
	v20 =	vperm.xlane v3, v0;
	v2 =	vperm.xlane v2, v1  }
0xa7: {  	v3 =	vperm.xlane v3, v1;
	v22 =	vperm.xlane v4, v0  }
0xa8: {  	v25 =	vld [tilespmem:$0x1B0];
	v23 =	vperm.xlane v5, v0;
	v4 =	vperm.xlane v4, v1  }
0xa9: {  	v5 =	vperm.xlane v5, v1;
	v27 =	vperm.xlane v21, v0  }
0xaa: {  	v26 =	vld [tilespmem:$0x1C0];
	v9 =	vperm.xlane v21, v1;
	v29 =	vperm.xlane v24, v1;
	v7 =	vsel vm0, v7, v20  }
0xab: {  	v28 =	vld [tilespmem:$0x1D0];
	v2 =	vsel vm0, v2, v3;
	v4 =	vsel vm0, v4, v5;
	v5 =	vperm.xlane v6, v0  }
0xac: {  	v6 =	vperm.xlane v6, v1;
	v3 =	vshll.u32 v7, $0x3;
	v7 =	vsel vm0, v22, v23  }
0xad: {  	v8 =	vperm.xlane v25, v1;
	v7 =	vshll.u32 v7, $0x3;
	v2 =	vadd.s32 v3, v2  }
0xae: {  	v3 =	vadd.s32 v7, v4;
	v4 =	vsel vm0, v5, v27;
	v5 =	vsel vm0, v6, v9  }
0xaf: {  	v6 =	vperm.xlane v24, v0;
	v7 =	vperm.xlane v25, v0;
	v4 =	vshll.u32 v4, $0x3  }
0xb0: {  	v30 =	vperm.xlane v28, v0;
	v4 =	vadd.s32 v4, v5;
	v5 =	vperm.xlane v26, v0  }
0xb1: {  	[tilespmem:$0x1A00] =	vst v2;
	v2 =	vsel vm0, v6, v7;
	v6 =	vperm.xlane v26, v1;
	v7 =	vperm.xlane v28, v1  }
0xb2: {  	[tilespmem:$0x1A10] =	vst v3;
	v3 =	vsel vm0, v29, v8;
	v2 =	vshll.u32 v2, $0x3;
	v5 =	vsel vm0, v5, v30  }
0xb3: {  	[tilespmem:$0x1A20] =	vst v4;
	v2 =	vadd.s32 v2, v3;
	v3 =	vsel vm0, v6, v7;
	v4 =	vshll.u32 v5, $0x3  }
0xb4: {  	[tilespmem:$0x1A30] =	vst v2;
	v2 =	vadd.s32 v4, v3  }
0xb5: {  	[tilespmem:$0x1A40] =	vst v2  }
0xb6: {  	[tilespmem:s17], [sflag:$0x3] =	stream.indirect.gather [spmem:s6], $0x80, s16, s11, $0xb8;
	[tilespmem:$0xDB00] =	vst v63  }
0xb7: {  	_ =	swait.ge [sflag:s18], $0x2800  }
0xb8: {  	[sflag:s18] =	ssyncset.done $0x0  }
0xb9: {  	[sflag:s18] =	ssyncadd.s32 $0xFFFFD800  }
0xba: {  	[hbm4b:s5+s8] =	stream.linear.scatter [tilespmem:s13], [sflag:$0x5], $0x2800, $0x38;
	[tilespmem:$0xDB00] =	vst v63  }
0xbb: {  	v2 =	vld [tilespmem:$0x1E0]  }
0xbc: {  	v3 =	vld [tilespmem:$0x1F0]  }
0xbd: {  	v4 =	vld [tilespmem:$0x200]  }
0xbe: {  	v5 =	vld [tilespmem:$0x210]  }
0xbf: {  	v32 =	vld [tilespmem:$0x230]  }
0xc0: {  	v35 =	vld [tilespmem:$0x240];
	v7 =	vperm.xlane v2, v0  }
0xc1: {  	v6 =	vld [tilespmem:$0x220];
	v31 =	vperm.xlane v3, v0;
	v2 =	vperm.xlane v2, v1  }
0xc2: {  	v3 =	vperm.xlane v3, v1;
	v33 =	vperm.xlane v4, v0  }
0xc3: {  	v36 =	vld [tilespmem:$0x250];
	v34 =	vperm.xlane v5, v0;
	v4 =	vperm.xlane v4, v1  }
0xc4: {  	v5 =	vperm.xlane v5, v1;
	v38 =	vperm.xlane v32, v0  }
0xc5: {  	v37 =	vld [tilespmem:$0x260];
	v9 =	vperm.xlane v32, v1;
	v40 =	vperm.xlane v35, v1;
	v7 =	vsel vm0, v7, v31  }
0xc6: {  	v39 =	vld [tilespmem:$0x270];
	v2 =	vsel vm0, v2, v3;
	v4 =	vsel vm0, v4, v5;
	v5 =	vperm.xlane v6, v0  }
0xc7: {  	v6 =	vperm.xlane v6, v1;
	v3 =	vshll.u32 v7, $0x3;
	v7 =	vsel vm0, v33, v34  }
0xc8: {  	v8 =	vperm.xlane v36, v1;
	v7 =	vshll.u32 v7, $0x3;
	v2 =	vadd.s32 v3, v2  }
0xc9: {  	v3 =	vadd.s32 v7, v4;
	v4 =	vsel vm0, v5, v38;
	v5 =	vsel vm0, v6, v9  }
0xca: {  	v6 =	vperm.xlane v35, v0;
	v7 =	vperm.xlane v36, v0;
	v4 =	vshll.u32 v4, $0x3  }
0xcb: {  	v41 =	vperm.xlane v39, v0;
	v4 =	vadd.s32 v4, v5;
	v5 =	vperm.xlane v37, v0  }
0xcc: {  	[tilespmem:$0x1A80] =	vst v2;
	v2 =	vsel vm0, v6, v7;
	v6 =	vperm.xlane v37, v1;
	v7 =	vperm.xlane v39, v1  }
0xcd: {  	[tilespmem:$0x1A90] =	vst v3;
	v3 =	vsel vm0, v40, v8;
	v2 =	vshll.u32 v2, $0x3;
	v5 =	vsel vm0, v5, v41  }
0xce: {  	[tilespmem:$0x1AA0] =	vst v4;
	v2 =	vadd.s32 v2, v3;
	v3 =	vsel vm0, v6, v7;
	v4 =	vshll.u32 v5, $0x3  }
0xcf: {  	[tilespmem:$0x1AB0] =	vst v2;
	v2 =	vadd.s32 v4, v3  }
0xd0: {  	[tilespmem:$0x1AC0] =	vst v2  }
0xd1: {  	[tilespmem:s20], [sflag:$0x4] =	stream.indirect.gather [spmem:s6], $0x80, s19, s11, $0xb8;
	[tilespmem:$0xDB00] =	vst v63  }
0xd2: {  	_ =	swait.ge [sflag:s21], $0x2800  }
0xd3: {  	[sflag:s21] =	ssyncset.done $0x0  }
0xd4: {  	s30 =	rddreg [dreg:$0x7];
	[sflag:s21] =	ssyncadd.s32 $0xFFFFD800  }
0xd5: {  	[hbm4b:s30+s8] =	stream.linear.scatter [tilespmem:s15], [sflag:$0x6], $0x2800, $0x38;
	[tilespmem:$0xDB00] =	vst v63  }
0xd6: {  	_ =	swait.ge [sflag:s22], $0x2800  }
0xd7: {  	[sflag:s22] =	ssyncset.done $0x0  }
0xd8: {  	[sflag:s22] =	ssyncadd.s32 $0xFFFFD800  }
0xd9: {  	v2 =	vld [tilespmem:$0x280]  }
0xda: {  	v3 =	vld [tilespmem:$0x290]  }
0xdb: {  	v4 =	vld [tilespmem:$0x2A0]  }
0xdc: {  	v5 =	vld [tilespmem:$0x2B0]  }
0xdd: {  	v43 =	vld [tilespmem:$0x2D0]  }
0xde: {  	v46 =	vld [tilespmem:$0x2E0];
	v7 =	vperm.xlane v2, v0  }
0xdf: {  	v6 =	vld [tilespmem:$0x2C0];
	v42 =	vperm.xlane v3, v0;
	v2 =	vperm.xlane v2, v1  }
0xe0: {  	v3 =	vperm.xlane v3, v1;
	v44 =	vperm.xlane v4, v0  }
0xe1: {  	v47 =	vld [tilespmem:$0x2F0];
	v45 =	vperm.xlane v5, v0;
	v4 =	vperm.xlane v4, v1  }
0xe2: {  	v5 =	vperm.xlane v5, v1;
	v49 =	vperm.xlane v43, v0  }
0xe3: {  	v48 =	vld [tilespmem:$0x300];
	v9 =	vperm.xlane v43, v1;
	v51 =	vperm.xlane v46, v1;
	v7 =	vsel vm0, v7, v42  }
0xe4: {  	v50 =	vld [tilespmem:$0x310];
	v2 =	vsel vm0, v2, v3;
	v4 =	vsel vm0, v4, v5;
	v5 =	vperm.xlane v6, v0  }
0xe5: {  	v6 =	vperm.xlane v6, v1;
	v3 =	vshll.u32 v7, $0x3;
	v7 =	vsel vm0, v44, v45  }
0xe6: {  	v8 =	vperm.xlane v47, v1;
	v7 =	vshll.u32 v7, $0x3;
	v2 =	vadd.s32 v3, v2  }
0xe7: {  	v3 =	vadd.s32 v7, v4;
	v4 =	vsel vm0, v5, v49;
	v5 =	vsel vm0, v6, v9  }
0xe8: {  	v6 =	vperm.xlane v46, v0;
	v7 =	vperm.xlane v47, v0;
	v4 =	vshll.u32 v4, $0x3  }
0xe9: {  	v52 =	vperm.xlane v50, v0;
	v4 =	vadd.s32 v4, v5;
	v5 =	vperm.xlane v48, v0  }
0xea: {  	[tilespmem:$0x1900] =	vst v2;
	v2 =	vsel vm0, v6, v7;
	v6 =	vperm.xlane v48, v1;
	v7 =	vperm.xlane v50, v1  }
0xeb: {  	[tilespmem:$0x1910] =	vst v3;
	v3 =	vsel vm0, v51, v8;
	v2 =	vshll.u32 v2, $0x3;
	v5 =	vsel vm0, v5, v52  }
0xec: {  	[tilespmem:$0x1920] =	vst v4;
	v2 =	vadd.s32 v2, v3;
	v3 =	vsel vm0, v6, v7;
	v4 =	vshll.u32 v5, $0x3  }
0xed: {  	[tilespmem:$0x1930] =	vst v2;
	v2 =	vadd.s32 v4, v3  }
0xee: {  	[tilespmem:$0x1940] =	vst v2  }
0xef: {  	[tilespmem:s13], [sflag:$0x1] =	stream.indirect.gather [spmem:s6], $0x80, s12, s11, $0xb8;
	[tilespmem:$0xDB00] =	vst v63  }
0xf0: {  	_ =	swait.ge [sflag:s23], $0x2800  }
0xf1: {  	[sflag:s23] =	ssyncset.done $0x0  }
0xf2: {  	s10 =	rddreg [dreg:$0x8];
	[sflag:s23] =	ssyncadd.s32 $0xFFFFD800  }
0xf3: {  	[hbm4b:s10+s8] =	stream.linear.scatter [tilespmem:s17], [sflag:$0x7], $0x2800, $0x38;
	[tilespmem:$0xDB00] =	vst v63  }
0xf4: {  	_ =	swait.ge [sflag:s24], $0x2800  }
0xf5: {  	[sflag:s24] =	ssyncset.done $0x0  }
0xf6: {  	[sflag:s24] =	ssyncadd.s32 $0xFFFFD800  }
0xf7: {  	v2 =	vld [tilespmem:$0x320]  }
0xf8: {  	v3 =	vld [tilespmem:$0x330]  }
0xf9: {  	v4 =	vld [tilespmem:$0x340]  }
0xfa: {  	v5 =	vld [tilespmem:$0x350]  }
0xfb: {  	v54 =	vld [tilespmem:$0x370]  }
0xfc: {  	v57 =	vld [tilespmem:$0x380];
	v7 =	vperm.xlane v2, v0  }
0xfd: {  	v6 =	vld [tilespmem:$0x360];
	v53 =	vperm.xlane v3, v0;
	v2 =	vperm.xlane v2, v1  }
0xfe: {  	v3 =	vperm.xlane v3, v1;
	v55 =	vperm.xlane v4, v0  }
0xff: {  	v58 =	vld [tilespmem:$0x390];
	v56 =	vperm.xlane v5, v0;
	v4 =	vperm.xlane v4, v1  }
0x100: {  	v5 =	vperm.xlane v5, v1;
	v60 =	vperm.xlane v54, v0  }
0x101: {  	v59 =	vld [tilespmem:$0x3A0];
	v9 =	vperm.xlane v54, v1;
	v62 =	vperm.xlane v57, v1;
	v7 =	vsel vm0, v7, v53  }
0x102: {  	v61 =	vld [tilespmem:$0x3B0];
	v2 =	vsel vm0, v2, v3;
	v4 =	vsel vm0, v4, v5;
	v5 =	vperm.xlane v6, v0  }
0x103: {  	v6 =	vperm.xlane v6, v1;
	v3 =	vshll.u32 v7, $0x3;
	v7 =	vsel vm0, v55, v56  }
0x104: {  	v8 =	vperm.xlane v58, v1;
	v7 =	vshll.u32 v7, $0x3;
	v2 =	vadd.s32 v3, v2  }
0x105: {  	v3 =	vadd.s32 v7, v4;
	v4 =	vsel vm0, v5, v60;
	v5 =	vsel vm0, v6, v9  }
0x106: {  	v6 =	vperm.xlane v57, v0;
	v7 =	vperm.xlane v58, v0;
	v4 =	vshll.u32 v4, $0x3  }
0x107: {  	v63 =	vperm.xlane v61, v0;
	v4 =	vadd.s32 v4, v5;
	v5 =	vperm.xlane v59, v0  }
0x108: {  	[tilespmem:$0x1980] =	vst v2;
	v2 =	vsel vm0, v6, v7;
	v6 =	vperm.xlane v59, v1;
	v7 =	vperm.xlane v61, v1  }
0x109: {  	[tilespmem:$0x1990] =	vst v3;
	v3 =	vsel vm0, v62, v8;
	v2 =	vshll.u32 v2, $0x3;
	v5 =	vsel vm0, v5, v63  }
0x10a: {  	[tilespmem:$0x19A0] =	vst v4;
	v2 =	vadd.s32 v2, v3;
	v3 =	vsel vm0, v6, v7;
	v4 =	vshll.u32 v5, $0x3  }
0x10b: {  	[tilespmem:$0x19B0] =	vst v2;
	v2 =	vadd.s32 v4, v3  }
0x10c: {  	[tilespmem:$0x19C0] =	vst v2  }
0x10d: {  	[tilespmem:s15], [sflag:$0x2] =	stream.indirect.gather [spmem:s6], $0x80, s14, s11, $0xb8;
	[tilespmem:$0xDB00] =	vst v63  }
0x10e: {  	_ =	swait.ge [sflag:s25], $0x2800  }
0x10f: {  	[sflag:s25] =	ssyncset.done $0x0  }
0x110: {  	s26 =	rddreg [dreg:$0x9];
	[sflag:s25] =	ssyncadd.s32 $0xFFFFD800  }
0x111: {  	[hbm4b:s26+s8] =	stream.linear.scatter [tilespmem:s20], [sflag:$0x8], $0x2800, $0x38;
	[tilespmem:$0xDB00] =	vst v63  }
0x112: {  	_ =	swait.ge [sflag:s1], $0x2800  }
0x113: {  	[sflag:s1] =	ssyncset.done $0x0  }
0x114: {  	s28 =	simm.s32 $0x3C0;
	s8 =	simm.s32 $0x630;
	[sflag:s1] =	ssyncadd.s32 $0xFFFFD800  }
0x115: {  	s10 =	sor.u32 $0x50, s28;
	v2 =	vld [tilespmem:s8+$0xFFFFFD90]  }
0x116: {  	v3 =	vld [tilespmem:s10+$0x0];
	_ =	sdelay $0x4  }
0x117: {  	v4 =	vperm.xlane v2, v0;
	v5 =	vperm.xlane v3, v0  }
0x118: {  	v2 =	vperm.xlane v2, v1;
	v3 =	vperm.xlane v3, v1  }
0x119: {  	v4 =	vsel vm0, v4, v5  }
0x11a: {  	v2 =	vsel vm0, v2, v3;
	v3 =	vshll.u32 v4, $0x3  }
0x11b: {  	v2 =	vadd.s32 v3, v2  }
0x11c: {  	s30 =	sor.u32 $0x60, s28;
	[tilespmem:$0x1A00] =	vst v2  }
0x11d: {  	s9 =	sor.u32 $0x70, s28;
	v2 =	vld [tilespmem:s30+$0x0]  }
0x11e: {  	v3 =	vld [tilespmem:s9+$0x0];
	_ =	sdelay $0x4  }
0x11f: {  	v4 =	vperm.xlane v2, v0;
	v5 =	vperm.xlane v3, v0  }
0x120: {  	v2 =	vperm.xlane v2, v1;
	v3 =	vperm.xlane v3, v1  }
0x121: {  	v4 =	vsel vm0, v4, v5  }
0x122: {  	v2 =	vsel vm0, v2, v3;
	v3 =	vshll.u32 v4, $0x3  }
0x123: {  	v2 =	vadd.s32 v3, v2  }
0x124: {  	[tilespmem:$0x1A10] =	vst v2  }
0x125: {  	v2 =	vld [tilespmem:s8+$0xFFFFFDD0]  }
0x126: {  	v3 =	vld [tilespmem:s8+$0xFFFFFDE0];
	_ =	sdelay $0x4  }
0x127: {  	v4 =	vperm.xlane v2, v0;
	v5 =	vperm.xlane v3, v0  }
0x128: {  	v2 =	vperm.xlane v2, v1;
	v3 =	vperm.xlane v3, v1  }
0x129: {  	v4 =	vsel vm0, v4, v5  }
0x12a: {  	v2 =	vsel vm0, v2, v3;
	v3 =	vshll.u32 v4, $0x3  }
0x12b: {  	v2 =	vadd.s32 v3, v2  }
0x12c: {  	[tilespmem:$0x1A20] =	vst v2  }
0x12d: {  	v2 =	vld [tilespmem:s8+$0xFFFFFDF0]  }
0x12e: {  	v3 =	vld [tilespmem:s8+$0xFFFFFE00];
	_ =	sdelay $0x4  }
0x12f: {  	v4 =	vperm.xlane v2, v0;
	v5 =	vperm.xlane v3, v0  }
0x130: {  	v2 =	vperm.xlane v2, v1;
	v3 =	vperm.xlane v3, v1  }
0x131: {  	v4 =	vsel vm0, v4, v5  }
0x132: {  	v2 =	vsel vm0, v2, v3;
	v3 =	vshll.u32 v4, $0x3  }
0x133: {  	v2 =	vadd.s32 v3, v2  }
0x134: {  	[tilespmem:$0x1A30] =	vst v2  }
0x135: {  	v2 =	vld [tilespmem:s8+$0xFFFFFE10]  }
0x136: {  	v3 =	vld [tilespmem:s8+$0xFFFFFE20];
	_ =	sdelay $0x4  }
0x137: {  	v4 =	vperm.xlane v2, v0;
	v5 =	vperm.xlane v3, v0  }
0x138: {  	v2 =	vperm.xlane v2, v1;
	v3 =	vperm.xlane v3, v1  }
0x139: {  	v4 =	vsel vm0, v4, v5  }
0x13a: {  	v2 =	vsel vm0, v2, v3;
	v3 =	vshll.u32 v4, $0x3  }
0x13b: {  	v2 =	vadd.s32 v3, v2  }
0x13c: {  	[tilespmem:$0x1A40] =	vst v2  }
0x13d: {  	[tilespmem:s17], [sflag:$0x3] =	stream.indirect.gather [spmem:s6], $0x80, s16, s11, $0xb8;
	[tilespmem:$0xDB00] =	vst v63  }
0x13e: {  	_ =	swait.ge [sflag:s18], $0x2800  }
0x13f: {  	s26 =	rddreg [dreg:$0x5]  }
0x140: {  	[sflag:s18] =	ssyncset.done $0x0;
	s10 =	sadd.s32 $0x0, s26  }
0x141: {  	[sflag:s18] =	ssyncadd.s32 $0xFFFFD800;
	s9 =	sadd.s32 $0x1400, s10  }
0x142: {  	[hbm4b:s9+s2] =	stream.linear.scatter [tilespmem:s13], [sflag:$0x5], $0x2800, $0x38;
	[tilespmem:$0xDB00] =	vst v63  }
0x143: {  	_ =	swait.ge [sflag:s4], $0x2800  }
0x144: {  	[sflag:s4] =	ssyncset.done $0x0  }
0x145: {  	s28 =	simm.s32 $0x460;
	[sflag:s4] =	ssyncadd.s32 $0xFFFFD800  }
0x146: {  	s26 =	sor.u32 $0x70, s28;
	v2 =	vld [tilespmem:s8+$0xFFFFFE30]  }
0x147: {  	v3 =	vld [tilespmem:s26+$0x0];
	_ =	sdelay $0x4  }
0x148: {  	v4 =	vperm.xlane v2, v0;
	v5 =	vperm.xlane v3, v0  }
0x149: {  	v2 =	vperm.xlane v2, v1;
	v3 =	vperm.xlane v3, v1  }
0x14a: {  	v4 =	vsel vm0, v4, v5  }
0x14b: {  	v2 =	vsel vm0, v2, v3;
	v3 =	vshll.u32 v4, $0x3  }
0x14c: {  	v2 =	vadd.s32 v3, v2  }
0x14d: {  	[tilespmem:$0x1A80] =	vst v2  }
0x14e: {  	v2 =	vld [tilespmem:s8+$0xFFFFFE50]  }
0x14f: {  	v3 =	vld [tilespmem:s8+$0xFFFFFE60];
	_ =	sdelay $0x4  }
0x150: {  	v4 =	vperm.xlane v2, v0;
	v5 =	vperm.xlane v3, v0  }
0x151: {  	v2 =	vperm.xlane v2, v1;
	v3 =	vperm.xlane v3, v1  }
0x152: {  	v4 =	vsel vm0, v4, v5  }
0x153: {  	v2 =	vsel vm0, v2, v3;
	v3 =	vshll.u32 v4, $0x3  }
0x154: {  	v2 =	vadd.s32 v3, v2  }
0x155: {  	[tilespmem:$0x1A90] =	vst v2  }
0x156: {  	s9 =	sor.u32 $0x30, s28;
	v2 =	vld [tilespmem:s8+$0xFFFFFE70]  }
0x157: {  	v3 =	vld [tilespmem:s9+$0x40];
	_ =	sdelay $0x4  }
0x158: {  	v4 =	vperm.xlane v2, v0;
	v5 =	vperm.xlane v3, v0  }
0x159: {  	v2 =	vperm.xlane v2, v1;
	v3 =	vperm.xlane v3, v1  }
0x15a: {  	v4 =	vsel vm0, v4, v5  }
0x15b: {  	v2 =	vsel vm0, v2, v3;
	v3 =	vshll.u32 v4, $0x3  }
0x15c: {  	v2 =	vadd.s32 v3, v2  }
0x15d: {  	s9 =	simm.s32 $0x4C0;
	[tilespmem:$0x1AA0] =	vst v2  }
0x15e: {  	s30 =	sor.u32 $0x50, s9;
	v2 =	vld [tilespmem:s8+$0xFFFFFE90]  }
0x15f: {  	v3 =	vld [tilespmem:s30+$0x0];
	_ =	sdelay $0x4  }
0x160: {  	v4 =	vperm.xlane v2, v0;
	v5 =	vperm.xlane v3, v0  }
0x161: {  	v2 =	vperm.xlane v2, v1;
	v3 =	vperm.xlane v3, v1  }
0x162: {  	v4 =	vsel vm0, v4, v5  }
0x163: {  	v2 =	vsel vm0, v2, v3;
	v3 =	vshll.u32 v4, $0x3  }
0x164: {  	v2 =	vadd.s32 v3, v2  }
0x165: {  	[tilespmem:$0x1AB0] =	vst v2  }
0x166: {  	v2 =	vld [tilespmem:s8+$0xFFFFFEB0]  }
0x167: {  	v3 =	vld [tilespmem:s8+$0xFFFFFEC0];
	_ =	sdelay $0x4  }
0x168: {  	v4 =	vperm.xlane v2, v0;
	v5 =	vperm.xlane v3, v0  }
0x169: {  	v2 =	vperm.xlane v2, v1;
	v3 =	vperm.xlane v3, v1  }
0x16a: {  	v4 =	vsel vm0, v4, v5  }
0x16b: {  	v2 =	vsel vm0, v2, v3;
	v3 =	vshll.u32 v4, $0x3  }
0x16c: {  	v2 =	vadd.s32 v3, v2  }
0x16d: {  	[tilespmem:$0x1AC0] =	vst v2  }
0x16e: {  	[tilespmem:s20], [sflag:$0x4] =	stream.indirect.gather [spmem:s6], $0x80, s19, s11, $0xb8;
	[tilespmem:$0xDB00] =	vst v63  }
0x16f: {  	_ =	swait.ge [sflag:s21], $0x2800  }
0x170: {  	[sflag:s21] =	ssyncset.done $0x0  }
0x171: {  	s28 =	sadd.s32 $0x1900, s10;
	[sflag:s21] =	ssyncadd.s32 $0xFFFFD800  }
0x172: {  	[hbm4b:s28+s2] =	stream.linear.scatter [tilespmem:s15], [sflag:$0x6], $0x2800, $0x38;
	[tilespmem:$0xDB00] =	vst v63  }
0x173: {  	_ =	swait.ge [sflag:s22], $0x2800  }
0x174: {  	[sflag:s22] =	ssyncset.done $0x0  }
0x175: {  	[sflag:s22] =	ssyncadd.s32 $0xFFFFD800  }
0x176: {  	v2 =	vld [tilespmem:s8+$0xFFFFFED0]  }
0x177: {  	v3 =	vld [tilespmem:s8+$0xFFFFFEE0];
	_ =	sdelay $0x4  }
0x178: {  	v4 =	vperm.xlane v2, v0;
	v5 =	vperm.xlane v3, v0  }
0x179: {  	v2 =	vperm.xlane v2, v1;
	v3 =	vperm.xlane v3, v1  }
0x17a: {  	v4 =	vsel vm0, v4, v5  }
0x17b: {  	v2 =	vsel vm0, v2, v3;
	v3 =	vshll.u32 v4, $0x3  }
0x17c: {  	v2 =	vadd.s32 v3, v2  }
0x17d: {  	[tilespmem:$0x1900] =	vst v2  }
0x17e: {  	v2 =	vld [tilespmem:s8+$0xFFFFFEF0]  }
0x17f: {  	v3 =	vld [tilespmem:s8+$0xFFFFFF00];
	_ =	sdelay $0x4  }
0x180: {  	v4 =	vperm.xlane v2, v0;
	v5 =	vperm.xlane v3, v0  }
0x181: {  	v2 =	vperm.xlane v2, v1;
	v3 =	vperm.xlane v3, v1  }
0x182: {  	v4 =	vsel vm0, v4, v5  }
0x183: {  	v2 =	vsel vm0, v2, v3;
	v3 =	vshll.u32 v4, $0x3  }
0x184: {  	v2 =	vadd.s32 v3, v2  }
0x185: {  	[tilespmem:$0x1910] =	vst v2  }
0x186: {  	v2 =	vld [tilespmem:s8+$0xFFFFFF10]  }
0x187: {  	v3 =	vld [tilespmem:s8+$0xFFFFFF20];
	_ =	sdelay $0x4  }
0x188: {  	v4 =	vperm.xlane v2, v0;
	v5 =	vperm.xlane v3, v0  }
0x189: {  	v2 =	vperm.xlane v2, v1;
	v3 =	vperm.xlane v3, v1  }
0x18a: {  	v4 =	vsel vm0, v4, v5  }
0x18b: {  	v2 =	vsel vm0, v2, v3;
	v3 =	vshll.u32 v4, $0x3  }
0x18c: {  	v2 =	vadd.s32 v3, v2  }
0x18d: {  	[tilespmem:$0x1920] =	vst v2  }
0x18e: {  	v2 =	vld [tilespmem:s8+$0xFFFFFF30]  }
0x18f: {  	v3 =	vld [tilespmem:s8+$0xFFFFFF40];
	_ =	sdelay $0x4  }
0x190: {  	v4 =	vperm.xlane v2, v0;
	v5 =	vperm.xlane v3, v0  }
0x191: {  	v2 =	vperm.xlane v2, v1;
	v3 =	vperm.xlane v3, v1  }
0x192: {  	v4 =	vsel vm0, v4, v5  }
0x193: {  	v2 =	vsel vm0, v2, v3;
	v3 =	vshll.u32 v4, $0x3  }
0x194: {  	v2 =	vadd.s32 v3, v2  }
0x195: {  	[tilespmem:$0x1930] =	vst v2  }
0x196: {  	v2 =	vld [tilespmem:s8+$0xFFFFFF50]  }
0x197: {  	v3 =	vld [tilespmem:s8+$0xFFFFFF60];
	_ =	sdelay $0x4  }
0x198: {  	v4 =	vperm.xlane v2, v0;
	v5 =	vperm.xlane v3, v0  }
0x199: {  	v2 =	vperm.xlane v2, v1;
	v3 =	vperm.xlane v3, v1  }
0x19a: {  	v4 =	vsel vm0, v4, v5  }
0x19b: {  	v2 =	vsel vm0, v2, v3;
	v3 =	vshll.u32 v4, $0x3  }
0x19c: {  	v2 =	vadd.s32 v3, v2  }
0x19d: {  	[tilespmem:$0x1940] =	vst v2  }
0x19e: {  	[tilespmem:s13], [sflag:$0x1] =	stream.indirect.gather [spmem:s6], $0x80, s12, s11, $0xb8;
	[tilespmem:$0xDB00] =	vst v63  }
0x19f: {  	_ =	swait.ge [sflag:s23], $0x2800  }
0x1a0: {  	[sflag:s23] =	ssyncset.done $0x0  }
0x1a1: {  	s30 =	sadd.s32 $0x1E00, s10;
	[sflag:s23] =	ssyncadd.s32 $0xFFFFD800  }
0x1a2: {  	[hbm4b:s30+s2] =	stream.linear.scatter [tilespmem:s17], [sflag:$0x7], $0x2800, $0x38;
	[tilespmem:$0xDB00] =	vst v63  }
0x1a3: {  	_ =	swait.ge [sflag:s24], $0x2800  }
0x1a4: {  	[sflag:s24] =	ssyncset.done $0x0  }
0x1a5: {  	[sflag:s24] =	ssyncadd.s32 $0xFFFFD800  }
0x1a6: {  	v2 =	vld [tilespmem:s8+$0xFFFFFF70]  }
0x1a7: {  	v3 =	vld [tilespmem:s8+$0xFFFFFF80];
	_ =	sdelay $0x4  }
0x1a8: {  	v4 =	vperm.xlane v2, v0;
	v5 =	vperm.xlane v3, v0  }
0x1a9: {  	v2 =	vperm.xlane v2, v1;
	v3 =	vperm.xlane v3, v1  }
0x1aa: {  	v4 =	vsel vm0, v4, v5  }
0x1ab: {  	v2 =	vsel vm0, v2, v3;
	v3 =	vshll.u32 v4, $0x3  }
0x1ac: {  	v2 =	vadd.s32 v3, v2  }
0x1ad: {  	[tilespmem:$0x1980] =	vst v2  }
0x1ae: {  	v2 =	vld [tilespmem:s8+$0xFFFFFF90]  }
0x1af: {  	v3 =	vld [tilespmem:s8+$0xFFFFFFA0];
	_ =	sdelay $0x4  }
0x1b0: {  	v4 =	vperm.xlane v2, v0;
	v5 =	vperm.xlane v3, v0  }
0x1b1: {  	v2 =	vperm.xlane v2, v1;
	v3 =	vperm.xlane v3, v1  }
0x1b2: {  	v4 =	vsel vm0, v4, v5  }
0x1b3: {  	v2 =	vsel vm0, v2, v3;
	v3 =	vshll.u32 v4, $0x3  }
0x1b4: {  	v2 =	vadd.s32 v3, v2  }
0x1b5: {  	[tilespmem:$0x1990] =	vst v2  }
0x1b6: {  	v2 =	vld [tilespmem:s8+$0xFFFFFFB0]  }
0x1b7: {  	v3 =	vld [tilespmem:s8+$0xFFFFFFC0];
	_ =	sdelay $0x4  }
0x1b8: {  	v4 =	vperm.xlane v2, v0;
	v5 =	vperm.xlane v3, v0  }
0x1b9: {  	v2 =	vperm.xlane v2, v1;
	v3 =	vperm.xlane v3, v1  }
0x1ba: {  	v4 =	vsel vm0, v4, v5  }
0x1bb: {  	v2 =	vsel vm0, v2, v3;
	v3 =	vshll.u32 v4, $0x3  }
0x1bc: {  	v2 =	vadd.s32 v3, v2  }
0x1bd: {  	[tilespmem:$0x19A0] =	vst v2  }
0x1be: {  	v3 =	vld [tilespmem:s8+$0xFFFFFFD0]  }
0x1bf: {  	v5 =	vld [tilespmem:s8+$0xFFFFFFE0];
	_ =	sdelay $0x3  }
0x1c0: {  	v2 =	vperm.xlane v3, v0;
	v3 =	vperm.xlane v3, v1  }
0x1c1: {  	s29 =	sadd.s32 $0x2300, s10;
	s26 =	simm.s32 $0x1400;
	s10 =	simm.s32 $0x630;
	v4 =	vperm.xlane v5, v0;
	v5 =	vperm.xlane v5, v1  }
.LBB2_4:
0x1c2: {  	_ = 	snop  }
0x1c3: {  	v2 =	vsel vm0, v2, v4  }
0x1c4: {  	v3 =	vsel vm0, v3, v5;
	v2 =	vshll.u32 v2, $0x3  }
0x1c5: {  	v2 =	vadd.s32 v2, v3  }
0x1c6: {  	[tilespmem:$0x19B0] =	vst v2  }
0x1c7: {  	v2 =	vld [tilespmem:s10+$0xFFFFFFF0]  }
0x1c8: {  	v3 =	vld [tilespmem:s10+$0x0];
	_ =	sdelay $0x4  }
0x1c9: {  	v4 =	vperm.xlane v2, v0;
	v5 =	vperm.xlane v3, v0  }
0x1ca: {  	v2 =	vperm.xlane v2, v1;
	v3 =	vperm.xlane v3, v1  }
0x1cb: {  	v4 =	vsel vm0, v4, v5  }
0x1cc: {  	v2 =	vsel vm0, v2, v3;
	v3 =	vshll.u32 v4, $0x3  }
0x1cd: {  	v2 =	vadd.s32 v3, v2  }
0x1ce: {  	[tilespmem:$0x19C0] =	vst v2  }
0x1cf: {  	[tilespmem:s15], [sflag:$0x2] =	stream.indirect.gather [spmem:s6], $0x80, s14, s11, $0xb8;
	[tilespmem:$0xDB00] =	vst v63  }
0x1d0: {  	_ =	swait.ge [sflag:s25], $0x2800  }
0x1d1: {  	[sflag:s25] =	ssyncset.done $0x0  }
0x1d2: {  	[sflag:s25] =	ssyncadd.s32 $0xFFFFD800  }
0x1d3: {  	[hbm4b:s29+s2] =	stream.linear.scatter [tilespmem:s20], [sflag:$0x8], $0x2800, $0x38;
	[tilespmem:$0xDB00] =	vst v63  }
0x1d4: {  	_ =	swait.ge [sflag:s1], $0x2800  }
0x1d5: {  	s9 =	sadd.s32 $0x280, s9;
	[sflag:s1] =	ssyncset.done $0x0  }
0x1d6: {  	s8 =	sadd.s32 $0x280, s8;
	s29 =	sadd.s32 $0xFFFFFF00, s9;
	[sflag:s1] =	ssyncadd.s32 $0xFFFFD800  }
0x1d7: {  	s30 =	sor.u32 $0x50, s29;
	v2 =	vld [tilespmem:s8+$0xFFFFFD90]  }
0x1d8: {  	v3 =	vld [tilespmem:s30+$0x0];
	_ =	sdelay $0x4  }
0x1d9: {  	v4 =	vperm.xlane v2, v0;
	v5 =	vperm.xlane v3, v0  }
0x1da: {  	v2 =	vperm.xlane v2, v1;
	v3 =	vperm.xlane v3, v1  }
0x1db: {  	v4 =	vsel vm0, v4, v5  }
0x1dc: {  	v2 =	vsel vm0, v2, v3;
	v3 =	vshll.u32 v4, $0x3  }
0x1dd: {  	v2 =	vadd.s32 v3, v2  }
0x1de: {  	s30 =	sor.u32 $0x60, s29;
	[tilespmem:$0x1A00] =	vst v2  }
0x1df: {  	s29 =	sor.u32 $0x70, s29;
	v2 =	vld [tilespmem:s30+$0x0]  }
0x1e0: {  	v3 =	vld [tilespmem:s29+$0x0];
	_ =	sdelay $0x4  }
0x1e1: {  	v4 =	vperm.xlane v2, v0;
	v5 =	vperm.xlane v3, v0  }
0x1e2: {  	v2 =	vperm.xlane v2, v1;
	v3 =	vperm.xlane v3, v1  }
0x1e3: {  	v4 =	vsel vm0, v4, v5  }
0x1e4: {  	v2 =	vsel vm0, v2, v3;
	v3 =	vshll.u32 v4, $0x3  }
0x1e5: {  	v2 =	vadd.s32 v3, v2  }
0x1e6: {  	[tilespmem:$0x1A10] =	vst v2  }
0x1e7: {  	v2 =	vld [tilespmem:s8+$0xFFFFFDD0]  }
0x1e8: {  	v3 =	vld [tilespmem:s8+$0xFFFFFDE0];
	_ =	sdelay $0x4  }
0x1e9: {  	v4 =	vperm.xlane v2, v0;
	v5 =	vperm.xlane v3, v0  }
0x1ea: {  	v2 =	vperm.xlane v2, v1;
	v3 =	vperm.xlane v3, v1  }
0x1eb: {  	v4 =	vsel vm0, v4, v5  }
0x1ec: {  	v2 =	vsel vm0, v2, v3;
	v3 =	vshll.u32 v4, $0x3  }
0x1ed: {  	v2 =	vadd.s32 v3, v2  }
0x1ee: {  	[tilespmem:$0x1A20] =	vst v2  }
0x1ef: {  	v2 =	vld [tilespmem:s8+$0xFFFFFDF0]  }
0x1f0: {  	v3 =	vld [tilespmem:s8+$0xFFFFFE00];
	_ =	sdelay $0x4  }
0x1f1: {  	v4 =	vperm.xlane v2, v0;
	v5 =	vperm.xlane v3, v0  }
0x1f2: {  	v2 =	vperm.xlane v2, v1;
	v3 =	vperm.xlane v3, v1  }
0x1f3: {  	v4 =	vsel vm0, v4, v5  }
0x1f4: {  	v2 =	vsel vm0, v2, v3;
	v3 =	vshll.u32 v4, $0x3  }
0x1f5: {  	v2 =	vadd.s32 v3, v2  }
0x1f6: {  	[tilespmem:$0x1A30] =	vst v2  }
0x1f7: {  	v2 =	vld [tilespmem:s8+$0xFFFFFE10]  }
0x1f8: {  	v3 =	vld [tilespmem:s8+$0xFFFFFE20];
	_ =	sdelay $0x4  }
0x1f9: {  	v4 =	vperm.xlane v2, v0;
	v5 =	vperm.xlane v3, v0  }
0x1fa: {  	v2 =	vperm.xlane v2, v1;
	v3 =	vperm.xlane v3, v1  }
0x1fb: {  	v4 =	vsel vm0, v4, v5  }
0x1fc: {  	v2 =	vsel vm0, v2, v3;
	v3 =	vshll.u32 v4, $0x3  }
0x1fd: {  	v2 =	vadd.s32 v3, v2  }
0x1fe: {  	[tilespmem:$0x1A40] =	vst v2  }
0x1ff: {  	[tilespmem:s17], [sflag:$0x3] =	stream.indirect.gather [spmem:s6], $0x80, s16, s11, $0xb8;
	[tilespmem:$0xDB00] =	vst v63  }
0x200: {  	_ =	swait.ge [sflag:s18], $0x2800  }
0x201: {  	s28 =	smov.u32 s26;
	s29 =	rddreg [dreg:$0x5]  }
0x202: {  	[sflag:s18] =	ssyncset.done $0x0;
	s28 =	sadd.s32 s28, s29  }
0x203: {  	[sflag:s18] =	ssyncadd.s32 $0xFFFFD800;
	s29 =	sadd.s32 $0x1400, s28  }
0x204: {  	[hbm4b:s29+s2] =	stream.linear.scatter [tilespmem:s13], [sflag:$0x5], $0x2800, $0x38;
	[tilespmem:$0xDB00] =	vst v63  }
0x205: {  	_ =	swait.ge [sflag:s4], $0x2800  }
0x206: {  	[sflag:s4] =	ssyncset.done $0x0  }
0x207: {  	s29 =	sadd.s32 $0xFFFFFFA0, s9;
	[sflag:s4] =	ssyncadd.s32 $0xFFFFD800  }
0x208: {  	s30 =	sor.u32 $0x70, s29;
	v2 =	vld [tilespmem:s8+$0xFFFFFE30]  }
0x209: {  	v3 =	vld [tilespmem:s30+$0x0];
	_ =	sdelay $0x4  }
0x20a: {  	v4 =	vperm.xlane v2, v0;
	v5 =	vperm.xlane v3, v0  }
0x20b: {  	v2 =	vperm.xlane v2, v1;
	v3 =	vperm.xlane v3, v1  }
0x20c: {  	v4 =	vsel vm0, v4, v5  }
0x20d: {  	v2 =	vsel vm0, v2, v3;
	v3 =	vshll.u32 v4, $0x3  }
0x20e: {  	v2 =	vadd.s32 v3, v2  }
0x20f: {  	[tilespmem:$0x1A80] =	vst v2  }
0x210: {  	v2 =	vld [tilespmem:s8+$0xFFFFFE50]  }
0x211: {  	v3 =	vld [tilespmem:s8+$0xFFFFFE60];
	_ =	sdelay $0x4  }
0x212: {  	v4 =	vperm.xlane v2, v0;
	v5 =	vperm.xlane v3, v0  }
0x213: {  	v2 =	vperm.xlane v2, v1;
	v3 =	vperm.xlane v3, v1  }
0x214: {  	v4 =	vsel vm0, v4, v5  }
0x215: {  	v2 =	vsel vm0, v2, v3;
	v3 =	vshll.u32 v4, $0x3  }
0x216: {  	v2 =	vadd.s32 v3, v2  }
0x217: {  	[tilespmem:$0x1A90] =	vst v2  }
0x218: {  	s29 =	sor.u32 $0x30, s29;
	v2 =	vld [tilespmem:s8+$0xFFFFFE70]  }
0x219: {  	v3 =	vld [tilespmem:s29+$0x40];
	_ =	sdelay $0x4  }
0x21a: {  	v4 =	vperm.xlane v2, v0;
	v5 =	vperm.xlane v3, v0  }
0x21b: {  	v2 =	vperm.xlane v2, v1;
	v3 =	vperm.xlane v3, v1  }
0x21c: {  	v4 =	vsel vm0, v4, v5  }
0x21d: {  	v2 =	vsel vm0, v2, v3;
	v3 =	vshll.u32 v4, $0x3  }
0x21e: {  	v2 =	vadd.s32 v3, v2  }
0x21f: {  	[tilespmem:$0x1AA0] =	vst v2  }
0x220: {  	s29 =	sor.u32 $0x50, s9;
	v2 =	vld [tilespmem:s8+$0xFFFFFE90]  }
0x221: {  	v3 =	vld [tilespmem:s29+$0x0];
	_ =	sdelay $0x4  }
0x222: {  	v4 =	vperm.xlane v2, v0;
	v5 =	vperm.xlane v3, v0  }
0x223: {  	v2 =	vperm.xlane v2, v1;
	v3 =	vperm.xlane v3, v1  }
0x224: {  	v4 =	vsel vm0, v4, v5  }
0x225: {  	v2 =	vsel vm0, v2, v3;
	v3 =	vshll.u32 v4, $0x3  }
0x226: {  	v2 =	vadd.s32 v3, v2  }
0x227: {  	[tilespmem:$0x1AB0] =	vst v2  }
0x228: {  	v2 =	vld [tilespmem:s8+$0xFFFFFEB0]  }
0x229: {  	v3 =	vld [tilespmem:s8+$0xFFFFFEC0];
	_ =	sdelay $0x4  }
0x22a: {  	v4 =	vperm.xlane v2, v0;
	v5 =	vperm.xlane v3, v0  }
0x22b: {  	v2 =	vperm.xlane v2, v1;
	v3 =	vperm.xlane v3, v1  }
0x22c: {  	v4 =	vsel vm0, v4, v5  }
0x22d: {  	v2 =	vsel vm0, v2, v3;
	v3 =	vshll.u32 v4, $0x3  }
0x22e: {  	v2 =	vadd.s32 v3, v2  }
0x22f: {  	[tilespmem:$0x1AC0] =	vst v2  }
0x230: {  	[tilespmem:s20], [sflag:$0x4] =	stream.indirect.gather [spmem:s6], $0x80, s19, s11, $0xb8;
	[tilespmem:$0xDB00] =	vst v63  }
0x231: {  	_ =	swait.ge [sflag:s21], $0x2800  }
0x232: {  	[sflag:s21] =	ssyncset.done $0x0  }
0x233: {  	s29 =	sadd.s32 $0x1900, s28;
	[sflag:s21] =	ssyncadd.s32 $0xFFFFD800  }
0x234: {  	[hbm4b:s29+s2] =	stream.linear.scatter [tilespmem:s15], [sflag:$0x6], $0x2800, $0x38;
	[tilespmem:$0xDB00] =	vst v63  }
0x235: {  	_ =	swait.ge [sflag:s22], $0x2800  }
0x236: {  	[sflag:s22] =	ssyncset.done $0x0  }
0x237: {  	[sflag:s22] =	ssyncadd.s32 $0xFFFFD800  }
0x238: {  	v2 =	vld [tilespmem:s8+$0xFFFFFED0]  }
0x239: {  	v3 =	vld [tilespmem:s8+$0xFFFFFEE0];
	_ =	sdelay $0x4  }
0x23a: {  	v4 =	vperm.xlane v2, v0;
	v5 =	vperm.xlane v3, v0  }
0x23b: {  	v2 =	vperm.xlane v2, v1;
	v3 =	vperm.xlane v3, v1  }
0x23c: {  	v4 =	vsel vm0, v4, v5  }
0x23d: {  	v2 =	vsel vm0, v2, v3;
	v3 =	vshll.u32 v4, $0x3  }
0x23e: {  	v2 =	vadd.s32 v3, v2  }
0x23f: {  	[tilespmem:$0x1900] =	vst v2  }
0x240: {  	v2 =	vld [tilespmem:s8+$0xFFFFFEF0]  }
0x241: {  	v3 =	vld [tilespmem:s8+$0xFFFFFF00];
	_ =	sdelay $0x4  }
0x242: {  	v4 =	vperm.xlane v2, v0;
	v5 =	vperm.xlane v3, v0  }
0x243: {  	v2 =	vperm.xlane v2, v1;
	v3 =	vperm.xlane v3, v1  }
0x244: {  	v4 =	vsel vm0, v4, v5  }
0x245: {  	v2 =	vsel vm0, v2, v3;
	v3 =	vshll.u32 v4, $0x3  }
0x246: {  	v2 =	vadd.s32 v3, v2  }
0x247: {  	[tilespmem:$0x1910] =	vst v2  }
0x248: {  	v2 =	vld [tilespmem:s8+$0xFFFFFF10]  }
0x249: {  	v3 =	vld [tilespmem:s8+$0xFFFFFF20];
	_ =	sdelay $0x4  }
0x24a: {  	v4 =	vperm.xlane v2, v0;
	v5 =	vperm.xlane v3, v0  }
0x24b: {  	v2 =	vperm.xlane v2, v1;
	v3 =	vperm.xlane v3, v1  }
0x24c: {  	v4 =	vsel vm0, v4, v5  }
0x24d: {  	v2 =	vsel vm0, v2, v3;
	v3 =	vshll.u32 v4, $0x3  }
0x24e: {  	v2 =	vadd.s32 v3, v2  }
0x24f: {  	[tilespmem:$0x1920] =	vst v2  }
0x250: {  	v2 =	vld [tilespmem:s8+$0xFFFFFF30]  }
0x251: {  	v3 =	vld [tilespmem:s8+$0xFFFFFF40];
	_ =	sdelay $0x4  }
0x252: {  	v4 =	vperm.xlane v2, v0;
	v5 =	vperm.xlane v3, v0  }
0x253: {  	v2 =	vperm.xlane v2, v1;
	v3 =	vperm.xlane v3, v1  }
0x254: {  	v4 =	vsel vm0, v4, v5  }
0x255: {  	v2 =	vsel vm0, v2, v3;
	v3 =	vshll.u32 v4, $0x3  }
0x256: {  	v2 =	vadd.s32 v3, v2  }
0x257: {  	[tilespmem:$0x1930] =	vst v2  }
0x258: {  	v2 =	vld [tilespmem:s8+$0xFFFFFF50]  }
0x259: {  	v3 =	vld [tilespmem:s8+$0xFFFFFF60];
	_ =	sdelay $0x4  }
0x25a: {  	v4 =	vperm.xlane v2, v0;
	v5 =	vperm.xlane v3, v0  }
0x25b: {  	v2 =	vperm.xlane v2, v1;
	v3 =	vperm.xlane v3, v1  }
0x25c: {  	v4 =	vsel vm0, v4, v5  }
0x25d: {  	v2 =	vsel vm0, v2, v3;
	v3 =	vshll.u32 v4, $0x3  }
0x25e: {  	v2 =	vadd.s32 v3, v2  }
0x25f: {  	[tilespmem:$0x1940] =	vst v2  }
0x260: {  	[tilespmem:s13], [sflag:$0x1] =	stream.indirect.gather [spmem:s6], $0x80, s12, s11, $0xb8;
	[tilespmem:$0xDB00] =	vst v63  }
0x261: {  	_ =	swait.ge [sflag:s23], $0x2800  }
0x262: {  	[sflag:s23] =	ssyncset.done $0x0  }
0x263: {  	s29 =	sadd.s32 $0x1E00, s28;
	[sflag:s23] =	ssyncadd.s32 $0xFFFFD800  }
0x264: {  	[hbm4b:s29+s2] =	stream.linear.scatter [tilespmem:s17], [sflag:$0x7], $0x2800, $0x38;
	[tilespmem:$0xDB00] =	vst v63  }
0x265: {  	_ =	swait.ge [sflag:s24], $0x2800  }
0x266: {  	[sflag:s24] =	ssyncset.done $0x0  }
0x267: {  	[sflag:s24] =	ssyncadd.s32 $0xFFFFD800  }
0x268: {  	v2 =	vld [tilespmem:s8+$0xFFFFFF70]  }
0x269: {  	v3 =	vld [tilespmem:s8+$0xFFFFFF80];
	_ =	sdelay $0x4  }
0x26a: {  	v4 =	vperm.xlane v2, v0;
	v5 =	vperm.xlane v3, v0  }
0x26b: {  	v2 =	vperm.xlane v2, v1;
	v3 =	vperm.xlane v3, v1  }
0x26c: {  	v4 =	vsel vm0, v4, v5  }
0x26d: {  	v2 =	vsel vm0, v2, v3;
	v3 =	vshll.u32 v4, $0x3  }
0x26e: {  	v2 =	vadd.s32 v3, v2  }
0x26f: {  	[tilespmem:$0x1980] =	vst v2  }
0x270: {  	v2 =	vld [tilespmem:s8+$0xFFFFFF90]  }
0x271: {  	v3 =	vld [tilespmem:s8+$0xFFFFFFA0];
	_ =	sdelay $0x4  }
0x272: {  	v4 =	vperm.xlane v2, v0;
	v5 =	vperm.xlane v3, v0  }
0x273: {  	v2 =	vperm.xlane v2, v1;
	v3 =	vperm.xlane v3, v1  }
0x274: {  	v4 =	vsel vm0, v4, v5  }
0x275: {  	v2 =	vsel vm0, v2, v3;
	v3 =	vshll.u32 v4, $0x3  }
0x276: {  	v2 =	vadd.s32 v3, v2  }
0x277: {  	[tilespmem:$0x1990] =	vst v2  }
0x278: {  	v2 =	vld [tilespmem:s8+$0xFFFFFFB0]  }
0x279: {  	v3 =	vld [tilespmem:s8+$0xFFFFFFC0];
	_ =	sdelay $0x4  }
0x27a: {  	v4 =	vperm.xlane v2, v0;
	v5 =	vperm.xlane v3, v0  }
0x27b: {  	v2 =	vperm.xlane v2, v1;
	v3 =	vperm.xlane v3, v1  }
0x27c: {  	v4 =	vsel vm0, v4, v5  }
0x27d: {  	v2 =	vsel vm0, v2, v3;
	v3 =	vshll.u32 v4, $0x3  }
0x27e: {  	v2 =	vadd.s32 v3, v2  }
0x27f: {  	[tilespmem:$0x19A0] =	vst v2  }
0x280: {  	v3 =	vld [tilespmem:s8+$0xFFFFFFD0]  }
0x281: {  	p1 =	sne.s32 s26, $0x8C00;
	v5 =	vld [tilespmem:s8+$0xFFFFFFE0]  }
.Ltmp1:
0x282: {  	_ = 	snop;
	(pc) =	sbr.rel @p1 .LBB2_4-.Ltmp1, $3  }
0x283: {  	_ =	sdelay $0x1  }
0x284: {  	v2 =	vperm.xlane v3, v0;
	v3 =	vperm.xlane v3, v1  }
0x285: {  	s26 =	sadd.s32 $0x1400, s26;
	s10 =	smov.u32 s8;
	s29 =	sadd.s32 $0x2300, s28;
	v4 =	vperm.xlane v5, v0;
	v5 =	vperm.xlane v5, v1  }
0x286: {  	_ = 	snop  }
0x287: {  	v2 =	vsel vm0, v2, v4  }
0x288: {  	v3 =	vsel vm0, v3, v5;
	v2 =	vshll.u32 v2, $0x3  }
0x289: {  	v2 =	vadd.s32 v2, v3  }
0x28a: {  	[tilespmem:$0x19B0] =	vst v2  }
0x28b: {  	v2 =	vld [tilespmem:s10+$0xFFFFFFF0]  }
0x28c: {  	v3 =	vld [tilespmem:s10+$0x0];
	_ =	sdelay $0x4  }
0x28d: {  	v20 =	vperm.xlane v2, v0;
	v21 =	vperm.xlane v3, v0  }
0x28e: {  	v2 =	vperm.xlane v2, v1;
	v3 =	vperm.xlane v3, v1  }
0x28f: {  	v4 =	vsel vm0, v20, v21  }
0x290: {  	v2 =	vsel vm0, v2, v3;
	v3 =	vshll.u32 v4, $0x3  }
0x291: {  	v2 =	vadd.s32 v3, v2  }
0x292: {  	[tilespmem:$0x19C0] =	vst v2  }
0x293: {  	[tilespmem:s15], [sflag:$0x2] =	stream.indirect.gather [spmem:s6], $0x80, s14, s11, $0xb8;
	[tilespmem:$0xDB00] =	vst v63  }
0x294: {  	_ =	swait.ge [sflag:s25], $0x2800  }
0x295: {  	[sflag:s25] =	ssyncset.done $0x0  }
0x296: {  	[sflag:s25] =	ssyncadd.s32 $0xFFFFD800  }
0x297: {  	[hbm4b:s29+s2] =	stream.linear.scatter [tilespmem:s20], [sflag:$0x8], $0x2800, $0x38;
	[tilespmem:$0xDB00] =	vst v63  }
0x298: {  	_ =	swait.ge [sflag:s1], $0x2800  }
0x299: {  	[sflag:s1] =	ssyncset.done $0x0  }
0x29a: {  	[sflag:s1] =	ssyncadd.s32 $0xFFFFD800  }
0x29b: {  	v2 =	vld [tilespmem:$0x17C0]  }
0x29c: {  	v3 =	vld [tilespmem:$0x17D0]  }
0x29d: {  	v22 =	vld [tilespmem:$0x17E0]  }
0x29e: {  	v23 =	vld [tilespmem:$0x17F0]  }
0x29f: {  	v6 =	vld [tilespmem:$0x1800]  }
0x2a0: {  	v9 =	vld [tilespmem:$0x1810]  }
0x2a1: {  	v12 =	vld [tilespmem:$0x1820];
	v7 =	vperm.xlane v2, v0;
	v8 =	vperm.xlane v3, v0  }
0x2a2: {  	v24 =	vld [tilespmem:$0x1830];
	v2 =	vperm.xlane v2, v1;
	v3 =	vperm.xlane v3, v1  }
0x2a3: {  	v26 =	vld [tilespmem:$0x1840];
	v10 =	vperm.xlane v22, v0;
	v11 =	vperm.xlane v23, v0  }
0x2a4: {  	v13 =	vld [tilespmem:$0x1850];
	v4 =	vperm.xlane v22, v1;
	v5 =	vperm.xlane v23, v1  }
0x2a5: {  	v27 =	vperm.xlane v6, v0;
	v28 =	vperm.xlane v9, v0  }
0x2a6: {  	v6 =	vperm.xlane v6, v1;
	v9 =	vperm.xlane v9, v1  }
0x2a7: {  	v31 =	vperm.xlane v12, v0;
	v32 =	vperm.xlane v24, v0  }
0x2a8: {  	v33 =	vperm.xlane v12, v1;
	v34 =	vperm.xlane v26, v0  }
0x2a9: {  	v35 =	vperm.xlane v13, v0;
	v36 =	vperm.xlane v26, v1  }
0x2aa: {  	v37 =	vperm.xlane v13, v1;
	v7 =	vsel vm0, v7, v8;
	v2 =	vsel vm0, v2, v3  }
0x2ab: {  	v25 =	vsel vm0, v10, v11;
	v4 =	vsel vm0, v4, v5;
	v29 =	vsel vm0, v27, v28  }
0x2ac: {  	v30 =	vsel vm0, v6, v9;
	v8 =	vperm.xlane v24, v1;
	v3 =	vshll.u32 v7, $0x3  }
0x2ad: {  	v5 =	vsel vm0, v34, v35;
	v7 =	vshll.u32 v25, $0x3;
	v2 =	vadd.s32 v3, v2  }
0x2ae: {  	v3 =	vadd.s32 v7, v4;
	v4 =	vshll.u32 v29, $0x3;
	[tilespmem:$0x1A00] =	vst v2;
	v2 =	vsel vm0, v31, v32  }
0x2af: {  	v4 =	vadd.s32 v4, v30;
	[tilespmem:$0x1A10] =	vst v3;
	v3 =	vsel vm0, v33, v8;
	v2 =	vshll.u32 v2, $0x3  }
0x2b0: {  	v38 =	vshll.u32 v5, $0x3;
	[tilespmem:$0x1A20] =	vst v4;
	v2 =	vadd.s32 v2, v3;
	v3 =	vsel vm0, v36, v37  }
0x2b1: {  	[tilespmem:$0x1A30] =	vst v2;
	v2 =	vadd.s32 v38, v3  }
0x2b2: {  	[tilespmem:$0x1A40] =	vst v2  }
0x2b3: {  	[tilespmem:s17], [sflag:$0x3] =	stream.indirect.gather [spmem:s6], $0x80, s16, s11, $0xb8;
	[tilespmem:$0xDB00] =	vst v63  }
0x2b4: {  	_ =	swait.ge [sflag:s18], $0x2800  }
0x2b5: {  	[sflag:s18] =	ssyncset.done $0x0  }
0x2b6: {  	s8 =	rddreg [dreg:$0x1a];
	[sflag:s18] =	ssyncadd.s32 $0xFFFFD800  }
0x2b7: {  	[hbm4b:s8+s2] =	stream.linear.scatter [tilespmem:s13], [sflag:$0x5], $0x2800, $0x38;
	[tilespmem:$0xDB00] =	vst v63  }
0x2b8: {  	_ =	swait.ge [sflag:s4], $0x2800  }
0x2b9: {  	[sflag:s4] =	ssyncset.done $0x0  }
0x2ba: {  	[sflag:s4] =	ssyncadd.s32 $0xFFFFD800  }
0x2bb: {  	v2 =	vld [tilespmem:$0x1860]  }
0x2bc: {  	v3 =	vld [tilespmem:$0x1870]  }
0x2bd: {  	v39 =	vld [tilespmem:$0x1880]  }
0x2be: {  	v40 =	vld [tilespmem:$0x1890]  }
0x2bf: {  	v41 =	vld [tilespmem:$0x18A0]  }
0x2c0: {  	v44 =	vld [tilespmem:$0x18B0]  }
0x2c1: {  	v47 =	vld [tilespmem:$0x18C0];
	v42 =	vperm.xlane v2, v0;
	v43 =	vperm.xlane v3, v0  }
0x2c2: {  	v48 =	vld [tilespmem:$0x18D0];
	v2 =	vperm.xlane v2, v1;
	v3 =	vperm.xlane v3, v1  }
0x2c3: {  	v50 =	vld [tilespmem:$0x18E0];
	v45 =	vperm.xlane v39, v0;
	v46 =	vperm.xlane v40, v0  }
0x2c4: {  	v53 =	vld [tilespmem:$0x18F0];
	v4 =	vperm.xlane v39, v1;
	v5 =	vperm.xlane v40, v1  }
0x2c5: {  	v51 =	vperm.xlane v41, v0;
	v52 =	vperm.xlane v44, v0  }
0x2c6: {  	v6 =	vperm.xlane v41, v1;
	v9 =	vperm.xlane v44, v1  }
0x2c7: {  	v56 =	vperm.xlane v47, v0;
	v57 =	vperm.xlane v48, v0  }
0x2c8: {  	v58 =	vperm.xlane v47, v1;
	v8 =	vperm.xlane v48, v1  }
0x2c9: {  	v59 =	vperm.xlane v50, v0;
	v60 =	vperm.xlane v53, v0  }
0x2ca: {  	v61 =	vperm.xlane v50, v1;
	v62 =	vperm.xlane v53, v1;
	v7 =	vsel vm0, v42, v43  }
0x2cb: {  	v2 =	vsel vm0, v2, v3;
	v49 =	vsel vm0, v45, v46;
	v4 =	vsel vm0, v4, v5  }
0x2cc: {  	v54 =	vsel vm0, v51, v52;
	v55 =	vsel vm0, v6, v9;
	v3 =	vshll.u32 v7, $0x3  }
0x2cd: {  	v5 =	vsel vm0, v59, v60;
	v7 =	vshll.u32 v49, $0x3;
	v2 =	vadd.s32 v3, v2  }
0x2ce: {  	v3 =	vadd.s32 v7, v4;
	v4 =	vshll.u32 v54, $0x3;
	[tilespmem:$0x1A80] =	vst v2;
	v2 =	vsel vm0, v56, v57  }
0x2cf: {  	v4 =	vadd.s32 v4, v55;
	[tilespmem:$0x1A90] =	vst v3;
	v3 =	vsel vm0, v58, v8;
	v2 =	vshll.u32 v2, $0x3  }
0x2d0: {  	v63 =	vshll.u32 v5, $0x3;
	[tilespmem:$0x1AA0] =	vst v4;
	v2 =	vadd.s32 v2, v3;
	v3 =	vsel vm0, v61, v62  }
0x2d1: {  	[tilespmem:$0x1AB0] =	vst v2;
	v2 =	vadd.s32 v63, v3  }
0x2d2: {  	[tilespmem:$0x1AC0] =	vst v2  }
0x2d3: {  	[tilespmem:s20], [sflag:$0x4] =	stream.indirect.gather [spmem:s6], $0x80, s19, s11, $0xb8;
	[tilespmem:$0xDB00] =	vst v63  }
0x2d4: {  	_ =	swait.ge [sflag:s21], $0x2800  }
0x2d5: {  	[sflag:s21] =	ssyncset.done $0x0  }
0x2d6: {  	s26 =	rddreg [dreg:$0x1b];
	[sflag:s21] =	ssyncadd.s32 $0xFFFFD800  }
0x2d7: {  	[hbm4b:s26+s2] =	stream.linear.scatter [tilespmem:s15], [sflag:$0x6], $0x2800, $0x38;
	[tilespmem:$0xDB00] =	vst v63  }
0x2d8: {  	_ =	swait.ge [sflag:s23], $0x2800  }
0x2d9: {  	[sflag:s23] =	ssyncset.done $0x0  }
0x2da: {  	s28 =	rddreg [dreg:$0x1c];
	[sflag:s23] =	ssyncadd.s32 $0xFFFFD800  }
0x2db: {  	[hbm4b:s28+s2] =	stream.linear.scatter [tilespmem:s17], [sflag:$0x7], $0x2800, $0x38;
	[tilespmem:$0xDB00] =	vst v63  }
0x2dc: {  	_ =	swait.ge [sflag:s25], $0x2800  }
0x2dd: {  	[sflag:s25] =	ssyncset.done $0x0  }
0x2de: {  	s29 =	rddreg [dreg:$0x1d];
	[sflag:s25] =	ssyncadd.s32 $0xFFFFD800  }
0x2df: {  	[hbm4b:s29+s2] =	stream.linear.scatter [tilespmem:s20], [sflag:$0x8], $0x2800, $0x38;
	[tilespmem:$0xDB00] =	vst v63  }
0x2e0: {  	_ =	swait.ge [sflag:s22], $0x2800  }
0x2e1: {  	[sflag:s22] =	ssyncset.done $0x0  }
0x2e2: {  	[sflag:s22] =	ssyncadd.s32 $0xFFFFD800  }
0x2e3: {  	_ =	swait.ge [sflag:s24], $0x2800  }
0x2e4: {  	[sflag:s24] =	ssyncset.done $0x0  }
0x2e5: {  	[sflag:s24] =	ssyncadd.s32 $0xFFFFD800  }
0x2e6: {  	_ =	swait.ge [sflag:s1], $0x2800  }
0x2e7: {  	[sflag:s1] =	ssyncset.done $0x0  }
0x2e8: {  	[sflag:s1] =	ssyncadd.s32 $0xFFFFD800  }
0x2e9: {  	_ =	swait.ge [sflag:s4], $0x2800  }
0x2ea: {  	s7 =	sadd.s32 $0x1, s7;
	s30 =	rddreg [dreg:$0xa]  }
0x2eb: {  	p1 =	sne.s32 s7, s30  }
.Ltmp2:
0x2ec: {  	_ = 	snop;
	(pc) =	sbr.rel @p1 .LBB2_1-.Ltmp2, $3  }
0x2ed: {  	_ =	sdelay $0x1  }
0x2ee: {  	[sflag:s4] =	ssyncset.done $0x0  }
0x2ef: {  	[sflag:s4] =	ssyncadd.s32 $0xFFFFD800  }
0x2f0: {  	_ =	sfence.sel $0x180000  }
0x2f1: {  	[bflag:$0x0] =	sbarrier.arrive $0xFFFF  }
0x2f2: {  	_ =	strace $0x90000047  }
0x2f3: {  	[bflag:$0x2] =	sbarrier.arrive $0xFFFF  }
0x2f4: {  	s0 =	rddreg [dreg:$0x4]  }
0x2f5: {  	s0 =	sadd.s32 @!p0 $0x100000, s0  }
0x2f6: {  	[sflag:s0] =	ssyncadd.tile.s32 @!p0 $0x1;
	_ =	shalt  }
.Lfunc_end2:
_tile_overlayer_lowered:
.L_overlay_start_2:
0x2f7: {  	(tag) =	ssettag $0x2  }
0x2f8: {  	s0 =	rddreg [dreg:$0x0];
	s2 =	stileid.u32  }
0x2f9: {  	s1 =	rddreg [dreg:$0x1];
	p0 =	sne.s32 s2, $0x0  }
0x2fa: {  	s3 =	rddreg [dreg:$0x2];
	[bflag:$0x3] =	sbarrier.arrive $0xFFFF;
	s2 =	simm.s32 @!p0 $0x1C09  }
0x2fb: {  	[timem:s3], [sflag:s2] =	dma.local @!p0 [hbm:s0], s1  }
0x2fc: {  	s0 =	simm.s32 @!p0 $0x9  }
0x2fd: {  	_ =	swait.ge @!p0 [sflag:s0], s1  }
0x2fe: {  	s1 =	ssub.s32 @!p0 $0x0, s1;
	[sflag:s0] =	ssyncset.done @!p0 $0x0  }
0x2ff: {  	[sflag:s0] =	ssyncadd.s32 @!p0 s1  }
0x300: {  	[bflag:$0x3] =	sbarrier.arrive $0xFFFF  }
0x301: {  	_ =	shalt  }

</sc_bundles>
